<compile_context>
chip_gen: v7x
topology: tpu7x:2x2x1
jax: 0.10.2.dev20260603
libtpu: 0.0.44.dev20260713+nightly
codegen_flags: <defaults>
</compile_context>

<pallas_src>
import functools

import jax
import jax.numpy as jnp
from jax import lax
from jax.experimental import pallas as pl
from jax.experimental.pallas import tpu as pltpu
from jax.experimental.pallas import tpu_sc as plsc

HIDDEN = 768
NEXP = 64
NGRP = 8
GSZ = 8
TKG = 4
TOPK = 8
ROUTE_SCALE = 2.5
NCORE = 2
NSUB = 16
NWORK = NCORE * NSUB
LANES = 16
BLOCK_T = 4096


def _score_body(x_ref, w_ref, out_ref):
    logits = lax.dot_general(
        w_ref[...], x_ref[...],
        (((1,), (1,)), ((), ())),
        preferred_element_type=jnp.float32,
    )
    out_ref[...] = jax.nn.sigmoid(logits)


def _scores_tc(x, w):
    t = x.shape[0]
    return pl.pallas_call(
        _score_body,
        grid=(t // BLOCK_T,),
        in_specs=[
            pl.BlockSpec((BLOCK_T, HIDDEN), lambda i: (i, 0)),
            pl.BlockSpec((NEXP, HIDDEN), lambda i: (0, 0)),
        ],
        out_specs=pl.BlockSpec((NEXP, BLOCK_T), lambda i: (0, i)),
        out_shape=jax.ShapeDtypeStruct((NEXP, t), jnp.float32),
    )(x, w)


def _router_sc(scores_t):
    t = scores_t.shape[1]
    tpw = t // NWORK
    mesh = plsc.VectorSubcoreMesh(core_axis_name="c", subcore_axis_name="s")

    @functools.partial(
        pl.kernel,
        out_type=(
            jax.ShapeDtypeStruct((TOPK, t), jnp.int32),
            jax.ShapeDtypeStruct((TOPK, t), jnp.float32),
        ),
        mesh=mesh,
        scratch_types=[
            pltpu.VMEM((NEXP, tpw), jnp.float32),
            pltpu.VMEM((TOPK, tpw), jnp.int32),
            pltpu.VMEM((TOPK, tpw), jnp.float32),
        ],
    )
    def launch(scores_hbm, idx_hbm, w_hbm, sv, idxv, wv):
        wid = lax.axis_index("c") * NSUB + lax.axis_index("s")
        base = wid * tpw
        pltpu.sync_copy(scores_hbm.at[:, pl.ds(base, tpw)], sv)

        neg = jnp.full((LANES,), -jnp.inf, jnp.float32)

        zero = jnp.zeros((LANES,), jnp.float32)

        def do_chunk(t0):
            def choice(e):
                return sv[e, pl.ds(t0, LANES)]

            def merge2(h1, l1, h2, l2):
                hi = jnp.maximum(h1, h2)
                lo = jnp.maximum(jnp.minimum(h1, h2), jnp.maximum(l1, l2))
                return hi, lo

            gsum = []
            for g in range(NGRP):
                x = [choice(GSZ * g + i) for i in range(GSZ)]
                his = [jnp.maximum(x[2 * i], x[2 * i + 1]) for i in range(4)]
                los = [jnp.minimum(x[2 * i], x[2 * i + 1]) for i in range(4)]
                h1, l1 = merge2(his[0], los[0], his[1], los[1])
                h2, l2 = merge2(his[2], los[2], his[3], los[3])
                hi, lo = merge2(h1, l1, h2, l2)
                gsum.append(hi + lo)

            one = jnp.full((LANES,), 1, jnp.int32)
            zeroi = jnp.zeros((LANES,), jnp.int32)
            rank = [jnp.full((LANES,), g, jnp.int32) for g in range(NGRP)]
            for g in range(NGRP):
                for h in range(g + 1, NGRP):
                    inc = jnp.where(gsum[h] > gsum[g], one, zeroi)
                    rank[g] = rank[g] + inc
                    rank[h] = rank[h] - inc
            four = jnp.full((LANES,), TKG, jnp.int32)
            sel = [rank[g] < four for g in range(NGRP)]

            vals = [neg for _ in range(TOPK)]
            idxs = [jnp.zeros((LANES,), jnp.int32) for _ in range(TOPK)]
            for e in range(NEXP - 1, -1, -1):
                cv = jnp.where(sel[e // GSZ], choice(e), zero)
                cx = jnp.full((LANES,), e, jnp.int32)
                for k in range(TOPK):
                    take = cv >= vals[k]
                    nv = jnp.maximum(cv, vals[k])
                    nx = jnp.where(take, cx, idxs[k])
                    if k + 1 < TOPK:
                        cv = jnp.minimum(cv, vals[k])
                        cx = jnp.where(take, idxs[k], cx)
                    vals[k], idxs[k] = nv, nx

            denom = vals[0]
            for k in range(1, TOPK):
                denom = denom + vals[k]
            denom = denom + jnp.float32(1e-20)
            r = jnp.float32(ROUTE_SCALE) / denom
            for k in range(TOPK):
                idxv[k, pl.ds(t0, LANES)] = idxs[k]
                wv[k, pl.ds(t0, LANES)] = vals[k] * r

        @plsc.parallel_loop(0, tpw // LANES, 1)
        def body(j):
            do_chunk(j * LANES)
        pltpu.sync_copy(idxv, idx_hbm.at[:, pl.ds(base, tpw)])
        pltpu.sync_copy(wv, w_hbm.at[:, pl.ds(base, tpw)])

    return launch(scores_t)


def kernel(hidden_states, weight, e_score_correction_bias):
    b, s, h = hidden_states.shape
    x = hidden_states.reshape(b * s, h).astype(jnp.float32)
    scores_t = _scores_tc(x, weight.astype(jnp.float32))
    del e_score_correction_bias
    idx_t, w_t = _router_sc(scores_t)
    return idx_t.T, w_t.T

# --- scband reference (transcript-rebuilt; emitter-appended) ---
"""Pipeline reference for scband-nemotron-htopk-router-13580686590240 (READ-ONLY COPY).

The authoritative reference and input builder live on the scoring server;
editing this copy changes nothing except your own understanding.
"""

import jax, jax.numpy as jnp
import numpy as np

HIDDEN = 768
E = 64
N_GROUP = 8
TOPK_GROUP = 4
TOP_K = 8
SCALE = 2.5
BATCH = 4
SEQ = 8192


def setup_inputs(seed: int = 0) -> dict:
    key = jax.random.key(seed)
    k1, k2 = jax.random.split(key, 2)
    hidden_states = jax.random.normal(k1, (BATCH, SEQ, HIDDEN), dtype=jnp.float32)
    weight = jax.random.normal(k2, (E, HIDDEN), dtype=jnp.float32) * 0.02
    e_score_correction_bias = jnp.zeros((E,), dtype=jnp.float32)
    return {
        "hidden_states": hidden_states,
        "weight": weight,
        "e_score_correction_bias": e_score_correction_bias,
    }


def reference(hidden_states, weight, e_score_correction_bias):
    hs = hidden_states.reshape(-1, HIDDEN).astype(jnp.float32)
    router_logits = hs @ weight.astype(jnp.float32).T
    scores = jax.nn.sigmoid(router_logits)
    # get_topk_indices (no-grad in torch; indices are int so non-diff anyway)
    scores_for_choice = scores.reshape(-1, E) + e_score_correction_bias[None, :]
    grouped = scores_for_choice.reshape(-1, N_GROUP, E // N_GROUP)
    group_scores = jax.lax.top_k(grouped, 2)[0].sum(axis=-1)  # [T, N_GROUP]
    group_idx = jax.lax.top_k(group_scores, TOPK_GROUP)[1]    # [T, TOPK_GROUP]
    T = group_scores.shape[0]
    group_mask = jnp.zeros_like(group_scores).at[
        jnp.arange(T)[:, None], group_idx
    ].set(1.0)
    # unsqueeze(-1).expand(-1, N_GROUP, E//N_GROUP).reshape(-1, E)
    score_mask = jnp.repeat(group_mask, E // N_GROUP, axis=1)
    masked_scores = jnp.where(score_mask > 0, scores_for_choice, 0.0)
    topk_indices = jax.lax.top_k(masked_scores, TOP_K)[1]  # [T, TOP_K]
    # gather original (un-biased) scores at selected experts
    topk_weights = jnp.take_along_axis(scores, topk_indices, axis=1)
    # norm_topk_prob = True
    denominator = topk_weights.sum(axis=-1, keepdims=True) + 1e-20
    topk_weights = topk_weights / denominator
    topk_weights = topk_weights * SCALE
    topk_weights = topk_weights.astype(jnp.float32)
    return (topk_indices, topk_weights)

if __name__ == "__main__":
    import jax
    _d = setup_inputs()
    print(jax.jit(kernel)(*tuple(_d.values())))

</pallas_src>

<mosaic_0001>
#map = affine_map<(d0, d1) -> (0, 0)>
module attributes {stable_mosaic.version = 14 : i64} {
  func.func @launch(%arg0: i32, %arg1: i32, %arg2: memref<64x32768xf32, #tpu.memory_space<hbm>>, %arg3: memref<8x32768xi32, #tpu.memory_space<hbm>>, %arg4: memref<8x32768xf32, #tpu.memory_space<hbm>>, %arg5: memref<64x1024xf32, #tpu.memory_space<vmem>>, %arg6: memref<8x1024xi32, #tpu.memory_space<vmem>>, %arg7: memref<8x1024xf32, #tpu.memory_space<vmem>>) attributes {dimension_semantics = [#tpu.dimension_semantics<core_parallel>, #tpu.dimension_semantics<subcore_parallel>], iteration_bounds = array<i64: 2, 16>, scalar_prefetch = 0 : i64, scratch_operands = 3 : i64, tpu.core_type = #tpu.core_type<sc_vector_subcore>, window_params = [{transform_indices = #map}, {transform_indices = #map}, {transform_indices = #map}]} {
    %mul3A = arith.constant 16 : i32
    %mul3A_0 = arith.muli %arg0, %mul3A : i32
    %add3A = arith.addi %mul3A_0, %arg1 : i32
    %mul3A_1 = arith.constant 1024 : i32
    %mul3A_2 = arith.muli %add3A, %mul3A_1 : i32
    "tpu.region"() ({
      %run_scoped3A = tpu.sem_alloc : memref<!tpu.dma_semaphore, #tpu.memory_space<semaphore_mem>>
      %dma_start3A = arith.constant 0 : i32
      %dma_start3A_8 = tpu.memref_slice %arg2[%dma_start3A, %mul3A_2] : memref<64x32768xf32, #tpu.memory_space<hbm>> -> memref<64x1024xf32, #tpu.memory_space<hbm>>
      %dma_start3A_9 = arith.constant 0 : i32
      %dma_start3A_10 = tpu.memref_slice %arg2[%dma_start3A_9, %mul3A_2] : memref<64x32768xf32, #tpu.memory_space<hbm>> -> memref<64x1024xf32, #tpu.memory_space<hbm>>
      tpu.enqueue_dma source(%dma_start3A_10 : memref<64x1024xf32, #tpu.memory_space<hbm>>) target(%arg5 : memref<64x1024xf32, #tpu.memory_space<vmem>>) target_semaphore(%run_scoped3A : memref<!tpu.dma_semaphore, #tpu.memory_space<semaphore_mem>>)
      %dma_wait3A = arith.constant 0 : i32
      %dma_wait3A_11 = tpu.memref_slice %arg2[%dma_wait3A, %mul3A_2] : memref<64x32768xf32, #tpu.memory_space<hbm>> -> memref<64x1024xf32, #tpu.memory_space<hbm>>
      %dma_wait3A_12 = arith.constant 0 : i32
      %dma_wait3A_13 = tpu.memref_slice %arg2[%dma_wait3A_12, %mul3A_2] : memref<64x32768xf32, #tpu.memory_space<hbm>> -> memref<64x1024xf32, #tpu.memory_space<hbm>>
      tpu.wait_dma2 semaphore(%run_scoped3A : memref<!tpu.dma_semaphore, #tpu.memory_space<semaphore_mem>>) src(%dma_wait3A_13 : memref<64x1024xf32, #tpu.memory_space<hbm>>) dst(%arg5 : memref<64x1024xf32, #tpu.memory_space<vmem>>)
      tpu.yield
    }) : () -> ()
    %broadcast_in_dim3A = arith.constant 0xFF800000 : f32
    %broadcast_in_dim3A_3 = vector.broadcast %broadcast_in_dim3A : f32 to vector<16xf32>
    %broadcast_in_dim3A_4 = arith.constant 0.000000e+00 : f32
    %broadcast_in_dim3A_5 = vector.broadcast %broadcast_in_dim3A_4 : f32 to vector<16xf32>
    %parallel_loop3A = arith.constant 0 : i32
    %parallel_loop3A_6 = arith.constant 64 : i32
    %parallel_loop3A_7 = arith.constant 1 : i32
    scf.for %parallel_loop3A_8 = %parallel_loop3A to %parallel_loop3A_6 step %parallel_loop3A_7  : i32 {
      %parallel_loop3A_9 = arith.constant 16 : i32
      %parallel_loop3A_10 = arith.muli %parallel_loop3A_8, %parallel_loop3A_9 : i32
      %parallel_loop3A_11 = arith.constant 0 : i32
      %parallel_loop3A_12 = arith.index_cast %parallel_loop3A_11 : i32 to index
      %parallel_loop3A_13 = arith.index_cast %parallel_loop3A_10 : i32 to index
      %parallel_loop3A_14 = tpu.vector_load %arg5[%parallel_loop3A_12, %parallel_loop3A_13] {strides = array<i32>} : memref<64x1024xf32, #tpu.memory_space<vmem>>, vector<1x16xf32>,
      %parallel_loop3A_15 = vector.shape_cast %parallel_loop3A_14 : vector<1x16xf32> to vector<16xf32>
      %parallel_loop3A_16 = arith.constant 1 : i32
      %parallel_loop3A_17 = arith.index_cast %parallel_loop3A_16 : i32 to index
      %parallel_loop3A_18 = arith.index_cast %parallel_loop3A_10 : i32 to index
      %parallel_loop3A_19 = tpu.vector_load %arg5[%parallel_loop3A_17, %parallel_loop3A_18] {strides = array<i32>} : memref<64x1024xf32, #tpu.memory_space<vmem>>, vector<1x16xf32>,
      %parallel_loop3A_20 = vector.shape_cast %parallel_loop3A_19 : vector<1x16xf32> to vector<16xf32>
      %parallel_loop3A_21 = arith.constant 2 : i32
      %parallel_loop3A_22 = arith.index_cast %parallel_loop3A_21 : i32 to index
      %parallel_loop3A_23 = arith.index_cast %parallel_loop3A_10 : i32 to index
      %parallel_loop3A_24 = tpu.vector_load %arg5[%parallel_loop3A_22, %parallel_loop3A_23] {strides = array<i32>} : memref<64x1024xf32, #tpu.memory_space<vmem>>, vector<1x16xf32>,
      %parallel_loop3A_25 = vector.shape_cast %parallel_loop3A_24 : vector<1x16xf32> to vector<16xf32>
      %parallel_loop3A_26 = arith.constant 3 : i32
      %parallel_loop3A_27 = arith.index_cast %parallel_loop3A_26 : i32 to index
      %parallel_loop3A_28 = arith.index_cast %parallel_loop3A_10 : i32 to index
      %parallel_loop3A_29 = tpu.vector_load %arg5[%parallel_loop3A_27, %parallel_loop3A_28] {strides = array<i32>} : memref<64x1024xf32, #tpu.memory_space<vmem>>, vector<1x16xf32>,
      %parallel_loop3A_30 = vector.shape_cast %parallel_loop3A_29 : vector<1x16xf32> to vector<16xf32>
      %parallel_loop3A_31 = arith.constant 4 : i32
      %parallel_loop3A_32 = arith.index_cast %parallel_loop3A_31 : i32 to index
      %parallel_loop3A_33 = arith.index_cast %parallel_loop3A_10 : i32 to index
      %parallel_loop3A_34 = tpu.vector_load %arg5[%parallel_loop3A_32, %parallel_loop3A_33] {strides = array<i32>} : memref<64x1024xf32, #tpu.memory_space<vmem>>, vector<1x16xf32>,
      %parallel_loop3A_35 = vector.shape_cast %parallel_loop3A_34 : vector<1x16xf32> to vector<16xf32>
      %parallel_loop3A_36 = arith.constant 5 : i32
      %parallel_loop3A_37 = arith.index_cast %parallel_loop3A_36 : i32 to index
      %parallel_loop3A_38 = arith.index_cast %parallel_loop3A_10 : i32 to index
      %parallel_loop3A_39 = tpu.vector_load %arg5[%parallel_loop3A_37, %parallel_loop3A_38] {strides = array<i32>} : memref<64x1024xf32, #tpu.memory_space<vmem>>, vector<1x16xf32>,
      %parallel_loop3A_40 = vector.shape_cast %parallel_loop3A_39 : vector<1x16xf32> to vector<16xf32>
      %parallel_loop3A_41 = arith.constant 6 : i32
      %parallel_loop3A_42 = arith.index_cast %parallel_loop3A_41 : i32 to index
      %parallel_loop3A_43 = arith.index_cast %parallel_loop3A_10 : i32 to index
      %parallel_loop3A_44 = tpu.vector_load %arg5[%parallel_loop3A_42, %parallel_loop3A_43] {strides = array<i32>} : memref<64x1024xf32, #tpu.memory_space<vmem>>, vector<1x16xf32>,
      %parallel_loop3A_45 = vector.shape_cast %parallel_loop3A_44 : vector<1x16xf32> to vector<16xf32>
      %parallel_loop3A_46 = arith.constant 7 : i32
      %parallel_loop3A_47 = arith.index_cast %parallel_loop3A_46 : i32 to index
      %parallel_loop3A_48 = arith.index_cast %parallel_loop3A_10 : i32 to index
      %parallel_loop3A_49 = tpu.vector_load %arg5[%parallel_loop3A_47, %parallel_loop3A_48] {strides = array<i32>} : memref<64x1024xf32, #tpu.memory_space<vmem>>, vector<1x16xf32>,
      %parallel_loop3A_50 = vector.shape_cast %parallel_loop3A_49 : vector<1x16xf32> to vector<16xf32>
      %parallel_loop3A_51 = arith.maximumf %parallel_loop3A_15, %parallel_loop3A_20 : vector<16xf32>
      %parallel_loop3A_52 = arith.maximumf %parallel_loop3A_25, %parallel_loop3A_30 : vector<16xf32>
      %parallel_loop3A_53 = arith.maximumf %parallel_loop3A_35, %parallel_loop3A_40 : vector<16xf32>
      %parallel_loop3A_54 = arith.maximumf %parallel_loop3A_45, %parallel_loop3A_50 : vector<16xf32>
      %parallel_loop3A_55 = arith.minimumf %parallel_loop3A_15, %parallel_loop3A_20 : vector<16xf32>
      %parallel_loop3A_56 = arith.minimumf %parallel_loop3A_25, %parallel_loop3A_30 : vector<16xf32>
      %parallel_loop3A_57 = arith.minimumf %parallel_loop3A_35, %parallel_loop3A_40 : vector<16xf32>
      %parallel_loop3A_58 = arith.minimumf %parallel_loop3A_45, %parallel_loop3A_50 : vector<16xf32>
      %parallel_loop3A_59 = arith.maximumf %parallel_loop3A_51, %parallel_loop3A_52 : vector<16xf32>
      %parallel_loop3A_60 = arith.minimumf %parallel_loop3A_51, %parallel_loop3A_52 : vector<16xf32>
      %parallel_loop3A_61 = arith.maximumf %parallel_loop3A_55, %parallel_loop3A_56 : vector<16xf32>
      %parallel_loop3A_62 = arith.maximumf %parallel_loop3A_60, %parallel_loop3A_61 : vector<16xf32>
      %parallel_loop3A_63 = arith.maximumf %parallel_loop3A_53, %parallel_loop3A_54 : vector<16xf32>
      %parallel_loop3A_64 = arith.minimumf %parallel_loop3A_53, %parallel_loop3A_54 : vector<16xf32>
      %parallel_loop3A_65 = arith.maximumf %parallel_loop3A_57, %parallel_loop3A_58 : vector<16xf32>
      %parallel_loop3A_66 = arith.maximumf %parallel_loop3A_64, %parallel_loop3A_65 : vector<16xf32>
      %parallel_loop3A_67 = arith.maximumf %parallel_loop3A_59, %parallel_loop3A_63 : vector<16xf32>
      %parallel_loop3A_68 = arith.minimumf %parallel_loop3A_59, %parallel_loop3A_63 : vector<16xf32>
      %parallel_loop3A_69 = arith.maximumf %parallel_loop3A_62, %parallel_loop3A_66 : vector<16xf32>
      %parallel_loop3A_70 = arith.maximumf %parallel_loop3A_68, %parallel_loop3A_69 : vector<16xf32>
      %parallel_loop3A_71 = arith.addf %parallel_loop3A_67, %parallel_loop3A_70 : vector<16xf32>
      %parallel_loop3A_72 = arith.constant 8 : i32
      %parallel_loop3A_73 = arith.index_cast %parallel_loop3A_72 : i32 to index
      %parallel_loop3A_74 = arith.index_cast %parallel_loop3A_10 : i32 to index
      %parallel_loop3A_75 = tpu.vector_load %arg5[%parallel_loop3A_73, %parallel_loop3A_74] {strides = array<i32>} : memref<64x1024xf32, #tpu.memory_space<vmem>>, vector<1x16xf32>,
      %parallel_loop3A_76 = vector.shape_cast %parallel_loop3A_75 : vector<1x16xf32> to vector<16xf32>
      %parallel_loop3A_77 = arith.constant 9 : i32
      %parallel_loop3A_78 = arith.index_cast %parallel_loop3A_77 : i32 to index
      %parallel_loop3A_79 = arith.index_cast %parallel_loop3A_10 : i32 to index
      %parallel_loop3A_80 = tpu.vector_load %arg5[%parallel_loop3A_78, %parallel_loop3A_79] {strides = array<i32>} : memref<64x1024xf32, #tpu.memory_space<vmem>>, vector<1x16xf32>,
      %parallel_loop3A_81 = vector.shape_cast %parallel_loop3A_80 : vector<1x16xf32> to vector<16xf32>
      %parallel_loop3A_82 = arith.constant 10 : i32
      %parallel_loop3A_83 = arith.index_cast %parallel_loop3A_82 : i32 to index
      %parallel_loop3A_84 = arith.index_cast %parallel_loop3A_10 : i32 to index
      %parallel_loop3A_85 = tpu.vector_load %arg5[%parallel_loop3A_83, %parallel_loop3A_84] {strides = array<i32>} : memref<64x1024xf32, #tpu.memory_space<vmem>>, vector<1x16xf32>,
      %parallel_loop3A_86 = vector.shape_cast %parallel_loop3A_85 : vector<1x16xf32> to vector<16xf32>
      %parallel_loop3A_87 = arith.constant 11 : i32
      %parallel_loop3A_88 = arith.index_cast %parallel_loop3A_87 : i32 to index
      %parallel_loop3A_89 = arith.index_cast %parallel_loop3A_10 : i32 to index
      %parallel_loop3A_90 = tpu.vector_load %arg5[%parallel_loop3A_88, %parallel_loop3A_89] {strides = array<i32>} : memref<64x1024xf32, #tpu.memory_space<vmem>>, vector<1x16xf32>,
      %parallel_loop3A_91 = vector.shape_cast %parallel_loop3A_90 : vector<1x16xf32> to vector<16xf32>
      %parallel_loop3A_92 = arith.constant 12 : i32
      %parallel_loop3A_93 = arith.index_cast %parallel_loop3A_92 : i32 to index
      %parallel_loop3A_94 = arith.index_cast %parallel_loop3A_10 : i32 to index
      %parallel_loop3A_95 = tpu.vector_load %arg5[%parallel_loop3A_93, %parallel_loop3A_94] {strides = array<i32>} : memref<64x1024xf32, #tpu.memory_space<vmem>>, vector<1x16xf32>,
      %parallel_loop3A_96 = vector.shape_cast %parallel_loop3A_95 : vector<1x16xf32> to vector<16xf32>
      %parallel_loop3A_97 = arith.constant 13 : i32
      %parallel_loop3A_98 = arith.index_cast %parallel_loop3A_97 : i32 to index
      %parallel_loop3A_99 = arith.index_cast %parallel_loop3A_10 : i32 to index
      %parallel_loop3A_100 = tpu.vector_load %arg5[%parallel_loop3A_98, %parallel_loop3A_99] {strides = array<i32>} : memref<64x1024xf32, #tpu.memory_space<vmem>>, vector<1x16xf32>,
      %parallel_loop3A_101 = vector.shape_cast %parallel_loop3A_100 : vector<1x16xf32> to vector<16xf32>
      %parallel_loop3A_102 = arith.constant 14 : i32
      %parallel_loop3A_103 = arith.index_cast %parallel_loop3A_102 : i32 to index
      %parallel_loop3A_104 = arith.index_cast %parallel_loop3A_10 : i32 to index
      %parallel_loop3A_105 = tpu.vector_load %arg5[%parallel_loop3A_103, %parallel_loop3A_104] {strides = array<i32>} : memref<64x1024xf32, #tpu.memory_space<vmem>>, vector<1x16xf32>,
      %parallel_loop3A_106 = vector.shape_cast %parallel_loop3A_105 : vector<1x16xf32> to vector<16xf32>
      %parallel_loop3A_107 = arith.constant 15 : i32
      %parallel_loop3A_108 = arith.index_cast %parallel_loop3A_107 : i32 to index
      %parallel_loop3A_109 = arith.index_cast %parallel_loop3A_10 : i32 to index
      %parallel_loop3A_110 = tpu.vector_load %arg5[%parallel_loop3A_108, %parallel_loop3A_109] {strides = array<i32>} : memref<64x1024xf32, #tpu.memory_space<vmem>>, vector<1x16xf32>,
      %parallel_loop3A_111 = vector.shape_cast %parallel_loop3A_110 : vector<1x16xf32> to vector<16xf32>
      %parallel_loop3A_112 = arith.maximumf %parallel_loop3A_76, %parallel_loop3A_81 : vector<16xf32>
      %parallel_loop3A_113 = arith.maximumf %parallel_loop3A_86, %parallel_loop3A_91 : vector<16xf32>
      %parallel_loop3A_114 = arith.maximumf %parallel_loop3A_96, %parallel_loop3A_101 : vector<16xf32>
      %parallel_loop3A_115 = arith.maximumf %parallel_loop3A_106, %parallel_loop3A_111 : vector<16xf32>
      %parallel_loop3A_116 = arith.minimumf %parallel_loop3A_76, %parallel_loop3A_81 : vector<16xf32>
      %parallel_loop3A_117 = arith.minimumf %parallel_loop3A_86, %parallel_loop3A_91 : vector<16xf32>
      %parallel_loop3A_118 = arith.minimumf %parallel_loop3A_96, %parallel_loop3A_101 : vector<16xf32>
      %parallel_loop3A_119 = arith.minimumf %parallel_loop3A_106, %parallel_loop3A_111 : vector<16xf32>
      %parallel_loop3A_120 = arith.maximumf %parallel_loop3A_112, %parallel_loop3A_113 : vector<16xf32>
      %parallel_loop3A_121 = arith.minimumf %parallel_loop3A_112, %parallel_loop3A_113 : vector<16xf32>
      %parallel_loop3A_122 = arith.maximumf %parallel_loop3A_116, %parallel_loop3A_117 : vector<16xf32>
      %parallel_loop3A_123 = arith.maximumf %parallel_loop3A_121, %parallel_loop3A_122 : vector<16xf32>
      %parallel_loop3A_124 = arith.maximumf %parallel_loop3A_114, %parallel_loop3A_115 : vector<16xf32>
      %parallel_loop3A_125 = arith.minimumf %parallel_loop3A_114, %parallel_loop3A_115 : vector<16xf32>
      %parallel_loop3A_126 = arith.maximumf %parallel_loop3A_118, %parallel_loop3A_119 : vector<16xf32>
      %parallel_loop3A_127 = arith.maximumf %parallel_loop3A_125, %parallel_loop3A_126 : vector<16xf32>
      %parallel_loop3A_128 = arith.maximumf %parallel_loop3A_120, %parallel_loop3A_124 : vector<16xf32>
      %parallel_loop3A_129 = arith.minimumf %parallel_loop3A_120, %parallel_loop3A_124 : vector<16xf32>
      %parallel_loop3A_130 = arith.maximumf %parallel_loop3A_123, %parallel_loop3A_127 : vector<16xf32>
      %parallel_loop3A_131 = arith.maximumf %parallel_loop3A_129, %parallel_loop3A_130 : vector<16xf32>
      %parallel_loop3A_132 = arith.addf %parallel_loop3A_128, %parallel_loop3A_131 : vector<16xf32>
      %parallel_loop3A_133 = arith.constant 16 : i32
      %parallel_loop3A_134 = arith.index_cast %parallel_loop3A_133 : i32 to index
      %parallel_loop3A_135 = arith.index_cast %parallel_loop3A_10 : i32 to index
      %parallel_loop3A_136 = tpu.vector_load %arg5[%parallel_loop3A_134, %parallel_loop3A_135] {strides = array<i32>} : memref<64x1024xf32, #tpu.memory_space<vmem>>, vector<1x16xf32>,
      %parallel_loop3A_137 = vector.shape_cast %parallel_loop3A_136 : vector<1x16xf32> to vector<16xf32>
      %parallel_loop3A_138 = arith.constant 17 : i32
      %parallel_loop3A_139 = arith.index_cast %parallel_loop3A_138 : i32 to index
      %parallel_loop3A_140 = arith.index_cast %parallel_loop3A_10 : i32 to index
      %parallel_loop3A_141 = tpu.vector_load %arg5[%parallel_loop3A_139, %parallel_loop3A_140] {strides = array<i32>} : memref<64x1024xf32, #tpu.memory_space<vmem>>, vector<1x16xf32>,
      %parallel_loop3A_142 = vector.shape_cast %parallel_loop3A_141 : vector<1x16xf32> to vector<16xf32>
      %parallel_loop3A_143 = arith.constant 18 : i32
      %parallel_loop3A_144 = arith.index_cast %parallel_loop3A_143 : i32 to index
      %parallel_loop3A_145 = arith.index_cast %parallel_loop3A_10 : i32 to index
      %parallel_loop3A_146 = tpu.vector_load %arg5[%parallel_loop3A_144, %parallel_loop3A_145] {strides = array<i32>} : memref<64x1024xf32, #tpu.memory_space<vmem>>, vector<1x16xf32>,
      %parallel_loop3A_147 = vector.shape_cast %parallel_loop3A_146 : vector<1x16xf32> to vector<16xf32>
      %parallel_loop3A_148 = arith.constant 19 : i32
      %parallel_loop3A_149 = arith.index_cast %parallel_loop3A_148 : i32 to index
      %parallel_loop3A_150 = arith.index_cast %parallel_loop3A_10 : i32 to index
      %parallel_loop3A_151 = tpu.vector_load %arg5[%parallel_loop3A_149, %parallel_loop3A_150] {strides = array<i32>} : memref<64x1024xf32, #tpu.memory_space<vmem>>, vector<1x16xf32>,
      %parallel_loop3A_152 = vector.shape_cast %parallel_loop3A_151 : vector<1x16xf32> to vector<16xf32>
      %parallel_loop3A_153 = arith.constant 20 : i32
      %parallel_loop3A_154 = arith.index_cast %parallel_loop3A_153 : i32 to index
      %parallel_loop3A_155 = arith.index_cast %parallel_loop3A_10 : i32 to index
      %parallel_loop3A_156 = tpu.vector_load %arg5[%parallel_loop3A_154, %parallel_loop3A_155] {strides = array<i32>} : memref<64x1024xf32, #tpu.memory_space<vmem>>, vector<1x16xf32>,
      %parallel_loop3A_157 = vector.shape_cast %parallel_loop3A_156 : vector<1x16xf32> to vector<16xf32>
      %parallel_loop3A_158 = arith.constant 21 : i32
      %parallel_loop3A_159 = arith.index_cast %parallel_loop3A_158 : i32 to index
      %parallel_loop3A_160 = arith.index_cast %parallel_loop3A_10 : i32 to index
      %parallel_loop3A_161 = tpu.vector_load %arg5[%parallel_loop3A_159, %parallel_loop3A_160] {strides = array<i32>} : memref<64x1024xf32, #tpu.memory_space<vmem>>, vector<1x16xf32>,
      %parallel_loop3A_162 = vector.shape_cast %parallel_loop3A_161 : vector<1x16xf32> to vector<16xf32>
      %parallel_loop3A_163 = arith.constant 22 : i32
      %parallel_loop3A_164 = arith.index_cast %parallel_loop3A_163 : i32 to index
      %parallel_loop3A_165 = arith.index_cast %parallel_loop3A_10 : i32 to index
      %parallel_loop3A_166 = tpu.vector_load %arg5[%parallel_loop3A_164, %parallel_loop3A_165] {strides = array<i32>} : memref<64x1024xf32, #tpu.memory_space<vmem>>, vector<1x16xf32>,
      %parallel_loop3A_167 = vector.shape_cast %parallel_loop3A_166 : vector<1x16xf32> to vector<16xf32>
      %parallel_loop3A_168 = arith.constant 23 : i32
      %parallel_loop3A_169 = arith.index_cast %parallel_loop3A_168 : i32 to index
      %parallel_loop3A_170 = arith.index_cast %parallel_loop3A_10 : i32 to index
      %parallel_loop3A_171 = tpu.vector_load %arg5[%parallel_loop3A_169, %parallel_loop3A_170] {strides = array<i32>} : memref<64x1024xf32, #tpu.memory_space<vmem>>, vector<1x16xf32>,
      %parallel_loop3A_172 = vector.shape_cast %parallel_loop3A_171 : vector<1x16xf32> to vector<16xf32>
      %parallel_loop3A_173 = arith.maximumf %parallel_loop3A_137, %parallel_loop3A_142 : vector<16xf32>
      %parallel_loop3A_174 = arith.maximumf %parallel_loop3A_147, %parallel_loop3A_152 : vector<16xf32>
      %parallel_loop3A_175 = arith.maximumf %parallel_loop3A_157, %parallel_loop3A_162 : vector<16xf32>
      %parallel_loop3A_176 = arith.maximumf %parallel_loop3A_167, %parallel_loop3A_172 : vector<16xf32>
      %parallel_loop3A_177 = arith.minimumf %parallel_loop3A_137, %parallel_loop3A_142 : vector<16xf32>
      %parallel_loop3A_178 = arith.minimumf %parallel_loop3A_147, %parallel_loop3A_152 : vector<16xf32>
      %parallel_loop3A_179 = arith.minimumf %parallel_loop3A_157, %parallel_loop3A_162 : vector<16xf32>
      %parallel_loop3A_180 = arith.minimumf %parallel_loop3A_167, %parallel_loop3A_172 : vector<16xf32>
      %parallel_loop3A_181 = arith.maximumf %parallel_loop3A_173, %parallel_loop3A_174 : vector<16xf32>
      %parallel_loop3A_182 = arith.minimumf %parallel_loop3A_173, %parallel_loop3A_174 : vector<16xf32>
      %parallel_loop3A_183 = arith.maximumf %parallel_loop3A_177, %parallel_loop3A_178 : vector<16xf32>
      %parallel_loop3A_184 = arith.maximumf %parallel_loop3A_182, %parallel_loop3A_183 : vector<16xf32>
      %parallel_loop3A_185 = arith.maximumf %parallel_loop3A_175, %parallel_loop3A_176 : vector<16xf32>
      %parallel_loop3A_186 = arith.minimumf %parallel_loop3A_175, %parallel_loop3A_176 : vector<16xf32>
      %parallel_loop3A_187 = arith.maximumf %parallel_loop3A_179, %parallel_loop3A_180 : vector<16xf32>
      %parallel_loop3A_188 = arith.maximumf %parallel_loop3A_186, %parallel_loop3A_187 : vector<16xf32>
      %parallel_loop3A_189 = arith.maximumf %parallel_loop3A_181, %parallel_loop3A_185 : vector<16xf32>
      %parallel_loop3A_190 = arith.minimumf %parallel_loop3A_181, %parallel_loop3A_185 : vector<16xf32>
      %parallel_loop3A_191 = arith.maximumf %parallel_loop3A_184, %parallel_loop3A_188 : vector<16xf32>
      %parallel_loop3A_192 = arith.maximumf %parallel_loop3A_190, %parallel_loop3A_191 : vector<16xf32>
      %parallel_loop3A_193 = arith.addf %parallel_loop3A_189, %parallel_loop3A_192 : vector<16xf32>
      %parallel_loop3A_194 = arith.constant 24 : i32
      %parallel_loop3A_195 = arith.index_cast %parallel_loop3A_194 : i32 to index
      %parallel_loop3A_196 = arith.index_cast %parallel_loop3A_10 : i32 to index
      %parallel_loop3A_197 = tpu.vector_load %arg5[%parallel_loop3A_195, %parallel_loop3A_196] {strides = array<i32>} : memref<64x1024xf32, #tpu.memory_space<vmem>>, vector<1x16xf32>,
      %parallel_loop3A_198 = vector.shape_cast %parallel_loop3A_197 : vector<1x16xf32> to vector<16xf32>
      %parallel_loop3A_199 = arith.constant 25 : i32
      %parallel_loop3A_200 = arith.index_cast %parallel_loop3A_199 : i32 to index
      %parallel_loop3A_201 = arith.index_cast %parallel_loop3A_10 : i32 to index
      %parallel_loop3A_202 = tpu.vector_load %arg5[%parallel_loop3A_200, %parallel_loop3A_201] {strides = array<i32>} : memref<64x1024xf32, #tpu.memory_space<vmem>>, vector<1x16xf32>,
      %parallel_loop3A_203 = vector.shape_cast %parallel_loop3A_202 : vector<1x16xf32> to vector<16xf32>
      %parallel_loop3A_204 = arith.constant 26 : i32
      %parallel_loop3A_205 = arith.index_cast %parallel_loop3A_204 : i32 to index
      %parallel_loop3A_206 = arith.index_cast %parallel_loop3A_10 : i32 to index
      %parallel_loop3A_207 = tpu.vector_load %arg5[%parallel_loop3A_205, %parallel_loop3A_206] {strides = array<i32>} : memref<64x1024xf32, #tpu.memory_space<vmem>>, vector<1x16xf32>,
      %parallel_loop3A_208 = vector.shape_cast %parallel_loop3A_207 : vector<1x16xf32> to vector<16xf32>
      %parallel_loop3A_209 = arith.constant 27 : i32
      %parallel_loop3A_210 = arith.index_cast %parallel_loop3A_209 : i32 to index
      %parallel_loop3A_211 = arith.index_cast %parallel_loop3A_10 : i32 to index
      %parallel_loop3A_212 = tpu.vector_load %arg5[%parallel_loop3A_210, %parallel_loop3A_211] {strides = array<i32>} : memref<64x1024xf32, #tpu.memory_space<vmem>>, vector<1x16xf32>,
      %parallel_loop3A_213 = vector.shape_cast %parallel_loop3A_212 : vector<1x16xf32> to vector<16xf32>
      %parallel_loop3A_214 = arith.constant 28 : i32
      %parallel_loop3A_215 = arith.index_cast %parallel_loop3A_214 : i32 to index
      %parallel_loop3A_216 = arith.index_cast %parallel_loop3A_10 : i32 to index
      %parallel_loop3A_217 = tpu.vector_load %arg5[%parallel_loop3A_215, %parallel_loop3A_216] {strides = array<i32>} : memref<64x1024xf32, #tpu.memory_space<vmem>>, vector<1x16xf32>,
      %parallel_loop3A_218 = vector.shape_cast %parallel_loop3A_217 : vector<1x16xf32> to vector<16xf32>
      %parallel_loop3A_219 = arith.constant 29 : i32
      %parallel_loop3A_220 = arith.index_cast %parallel_loop3A_219 : i32 to index
      %parallel_loop3A_221 = arith.index_cast %parallel_loop3A_10 : i32 to index
      %parallel_loop3A_222 = tpu.vector_load %arg5[%parallel_loop3A_220, %parallel_loop3A_221] {strides = array<i32>} : memref<64x1024xf32, #tpu.memory_space<vmem>>, vector<1x16xf32>,
      %parallel_loop3A_223 = vector.shape_cast %parallel_loop3A_222 : vector<1x16xf32> to vector<16xf32>
      %parallel_loop3A_224 = arith.constant 30 : i32
      %parallel_loop3A_225 = arith.index_cast %parallel_loop3A_224 : i32 to index
      %parallel_loop3A_226 = arith.index_cast %parallel_loop3A_10 : i32 to index
      %parallel_loop3A_227 = tpu.vector_load %arg5[%parallel_loop3A_225, %parallel_loop3A_226] {strides = array<i32>} : memref<64x1024xf32, #tpu.memory_space<vmem>>, vector<1x16xf32>,
      %parallel_loop3A_228 = vector.shape_cast %parallel_loop3A_227 : vector<1x16xf32> to vector<16xf32>
      %parallel_loop3A_229 = arith.constant 31 : i32
      %parallel_loop3A_230 = arith.index_cast %parallel_loop3A_229 : i32 to index
      %parallel_loop3A_231 = arith.index_cast %parallel_loop3A_10 : i32 to index
      %parallel_loop3A_232 = tpu.vector_load %arg5[%parallel_loop3A_230, %parallel_loop3A_231] {strides = array<i32>} : memref<64x1024xf32, #tpu.memory_space<vmem>>, vector<1x16xf32>,
      %parallel_loop3A_233 = vector.shape_cast %parallel_loop3A_232 : vector<1x16xf32> to vector<16xf32>
      %parallel_loop3A_234 = arith.maximumf %parallel_loop3A_198, %parallel_loop3A_203 : vector<16xf32>
      %parallel_loop3A_235 = arith.maximumf %parallel_loop3A_208, %parallel_loop3A_213 : vector<16xf32>
      %parallel_loop3A_236 = arith.maximumf %parallel_loop3A_218, %parallel_loop3A_223 : vector<16xf32>
      %parallel_loop3A_237 = arith.maximumf %parallel_loop3A_228, %parallel_loop3A_233 : vector<16xf32>
      %parallel_loop3A_238 = arith.minimumf %parallel_loop3A_198, %parallel_loop3A_203 : vector<16xf32>
      %parallel_loop3A_239 = arith.minimumf %parallel_loop3A_208, %parallel_loop3A_213 : vector<16xf32>
      %parallel_loop3A_240 = arith.minimumf %parallel_loop3A_218, %parallel_loop3A_223 : vector<16xf32>
      %parallel_loop3A_241 = arith.minimumf %parallel_loop3A_228, %parallel_loop3A_233 : vector<16xf32>
      %parallel_loop3A_242 = arith.maximumf %parallel_loop3A_234, %parallel_loop3A_235 : vector<16xf32>
      %parallel_loop3A_243 = arith.minimumf %parallel_loop3A_234, %parallel_loop3A_235 : vector<16xf32>
      %parallel_loop3A_244 = arith.maximumf %parallel_loop3A_238, %parallel_loop3A_239 : vector<16xf32>
      %parallel_loop3A_245 = arith.maximumf %parallel_loop3A_243, %parallel_loop3A_244 : vector<16xf32>
      %parallel_loop3A_246 = arith.maximumf %parallel_loop3A_236, %parallel_loop3A_237 : vector<16xf32>
      %parallel_loop3A_247 = arith.minimumf %parallel_loop3A_236, %parallel_loop3A_237 : vector<16xf32>
      %parallel_loop3A_248 = arith.maximumf %parallel_loop3A_240, %parallel_loop3A_241 : vector<16xf32>
      %parallel_loop3A_249 = arith.maximumf %parallel_loop3A_247, %parallel_loop3A_248 : vector<16xf32>
      %parallel_loop3A_250 = arith.maximumf %parallel_loop3A_242, %parallel_loop3A_246 : vector<16xf32>
      %parallel_loop3A_251 = arith.minimumf %parallel_loop3A_242, %parallel_loop3A_246 : vector<16xf32>
      %parallel_loop3A_252 = arith.maximumf %parallel_loop3A_245, %parallel_loop3A_249 : vector<16xf32>
      %parallel_loop3A_253 = arith.maximumf %parallel_loop3A_251, %parallel_loop3A_252 : vector<16xf32>
      %parallel_loop3A_254 = arith.addf %parallel_loop3A_250, %parallel_loop3A_253 : vector<16xf32>
      %parallel_loop3A_255 = arith.constant 32 : i32
      %parallel_loop3A_256 = arith.index_cast %parallel_loop3A_255 : i32 to index
      %parallel_loop3A_257 = arith.index_cast %parallel_loop3A_10 : i32 to index
      %parallel_loop3A_258 = tpu.vector_load %arg5[%parallel_loop3A_256, %parallel_loop3A_257] {strides = array<i32>} : memref<64x1024xf32, #tpu.memory_space<vmem>>, vector<1x16xf32>,
      %parallel_loop3A_259 = vector.shape_cast %parallel_loop3A_258 : vector<1x16xf32> to vector<16xf32>
      %parallel_loop3A_260 = arith.constant 33 : i32
      %parallel_loop3A_261 = arith.index_cast %parallel_loop3A_260 : i32 to index
      %parallel_loop3A_262 = arith.index_cast %parallel_loop3A_10 : i32 to index
      %parallel_loop3A_263 = tpu.vector_load %arg5[%parallel_loop3A_261, %parallel_loop3A_262] {strides = array<i32>} : memref<64x1024xf32, #tpu.memory_space<vmem>>, vector<1x16xf32>,
      %parallel_loop3A_264 = vector.shape_cast %parallel_loop3A_263 : vector<1x16xf32> to vector<16xf32>
      %parallel_loop3A_265 = arith.constant 34 : i32
      %parallel_loop3A_266 = arith.index_cast %parallel_loop3A_265 : i32 to index
      %parallel_loop3A_267 = arith.index_cast %parallel_loop3A_10 : i32 to index
      %parallel_loop3A_268 = tpu.vector_load %arg5[%parallel_loop3A_266, %parallel_loop3A_267] {strides = array<i32>} : memref<64x1024xf32, #tpu.memory_space<vmem>>, vector<1x16xf32>,
      %parallel_loop3A_269 = vector.shape_cast %parallel_loop3A_268 : vector<1x16xf32> to vector<16xf32>
      %parallel_loop3A_270 = arith.constant 35 : i32
      %parallel_loop3A_271 = arith.index_cast %parallel_loop3A_270 : i32 to index
      %parallel_loop3A_272 = arith.index_cast %parallel_loop3A_10 : i32 to index
      %parallel_loop3A_273 = tpu.vector_load %arg5[%parallel_loop3A_271, %parallel_loop3A_272] {strides = array<i32>} : memref<64x1024xf32, #tpu.memory_space<vmem>>, vector<1x16xf32>,
      %parallel_loop3A_274 = vector.shape_cast %parallel_loop3A_273 : vector<1x16xf32> to vector<16xf32>
      %parallel_loop3A_275 = arith.constant 36 : i32
      %parallel_loop3A_276 = arith.index_cast %parallel_loop3A_275 : i32 to index
      %parallel_loop3A_277 = arith.index_cast %parallel_loop3A_10 : i32 to index
      %parallel_loop3A_278 = tpu.vector_load %arg5[%parallel_loop3A_276, %parallel_loop3A_277] {strides = array<i32>} : memref<64x1024xf32, #tpu.memory_space<vmem>>, vector<1x16xf32>,
      %parallel_loop3A_279 = vector.shape_cast %parallel_loop3A_278 : vector<1x16xf32> to vector<16xf32>
      %parallel_loop3A_280 = arith.constant 37 : i32
      %parallel_loop3A_281 = arith.index_cast %parallel_loop3A_280 : i32 to index
      %parallel_loop3A_282 = arith.index_cast %parallel_loop3A_10 : i32 to index
      %parallel_loop3A_283 = tpu.vector_load %arg5[%parallel_loop3A_281, %parallel_loop3A_282] {strides = array<i32>} : memref<64x1024xf32, #tpu.memory_space<vmem>>, vector<1x16xf32>,
      %parallel_loop3A_284 = vector.shape_cast %parallel_loop3A_283 : vector<1x16xf32> to vector<16xf32>
      %parallel_loop3A_285 = arith.constant 38 : i32
      %parallel_loop3A_286 = arith.index_cast %parallel_loop3A_285 : i32 to index
      %parallel_loop3A_287 = arith.index_cast %parallel_loop3A_10 : i32 to index
      %parallel_loop3A_288 = tpu.vector_load %arg5[%parallel_loop3A_286, %parallel_loop3A_287] {strides = array<i32>} : memref<64x1024xf32, #tpu.memory_space<vmem>>, vector<1x16xf32>,
      %parallel_loop3A_289 = vector.shape_cast %parallel_loop3A_288 : vector<1x16xf32> to vector<16xf32>
      %parallel_loop3A_290 = arith.constant 39 : i32
      %parallel_loop3A_291 = arith.index_cast %parallel_loop3A_290 : i32 to index
      %parallel_loop3A_292 = arith.index_cast %parallel_loop3A_10 : i32 to index
      %parallel_loop3A_293 = tpu.vector_load %arg5[%parallel_loop3A_291, %parallel_loop3A_292] {strides = array<i32>} : memref<64x1024xf32, #tpu.memory_space<vmem>>, vector<1x16xf32>,
      %parallel_loop3A_294 = vector.shape_cast %parallel_loop3A_293 : vector<1x16xf32> to vector<16xf32>
      %parallel_loop3A_295 = arith.maximumf %parallel_loop3A_259, %parallel_loop3A_264 : vector<16xf32>
      %parallel_loop3A_296 = arith.maximumf %parallel_loop3A_269, %parallel_loop3A_274 : vector<16xf32>
      %parallel_loop3A_297 = arith.maximumf %parallel_loop3A_279, %parallel_loop3A_284 : vector<16xf32>
      %parallel_loop3A_298 = arith.maximumf %parallel_loop3A_289, %parallel_loop3A_294 : vector<16xf32>
      %parallel_loop3A_299 = arith.minimumf %parallel_loop3A_259, %parallel_loop3A_264 : vector<16xf32>
      %parallel_loop3A_300 = arith.minimumf %parallel_loop3A_269, %parallel_loop3A_274 : vector<16xf32>
      %parallel_loop3A_301 = arith.minimumf %parallel_loop3A_279, %parallel_loop3A_284 : vector<16xf32>
      %parallel_loop3A_302 = arith.minimumf %parallel_loop3A_289, %parallel_loop3A_294 : vector<16xf32>
      %parallel_loop3A_303 = arith.maximumf %parallel_loop3A_295, %parallel_loop3A_296 : vector<16xf32>
      %parallel_loop3A_304 = arith.minimumf %parallel_loop3A_295, %parallel_loop3A_296 : vector<16xf32>
      %parallel_loop3A_305 = arith.maximumf %parallel_loop3A_299, %parallel_loop3A_300 : vector<16xf32>
      %parallel_loop3A_306 = arith.maximumf %parallel_loop3A_304, %parallel_loop3A_305 : vector<16xf32>
      %parallel_loop3A_307 = arith.maximumf %parallel_loop3A_297, %parallel_loop3A_298 : vector<16xf32>
      %parallel_loop3A_308 = arith.minimumf %parallel_loop3A_297, %parallel_loop3A_298 : vector<16xf32>
      %parallel_loop3A_309 = arith.maximumf %parallel_loop3A_301, %parallel_loop3A_302 : vector<16xf32>
      %parallel_loop3A_310 = arith.maximumf %parallel_loop3A_308, %parallel_loop3A_309 : vector<16xf32>
      %parallel_loop3A_311 = arith.maximumf %parallel_loop3A_303, %parallel_loop3A_307 : vector<16xf32>
      %parallel_loop3A_312 = arith.minimumf %parallel_loop3A_303, %parallel_loop3A_307 : vector<16xf32>
      %parallel_loop3A_313 = arith.maximumf %parallel_loop3A_306, %parallel_loop3A_310 : vector<16xf32>
      %parallel_loop3A_314 = arith.maximumf %parallel_loop3A_312, %parallel_loop3A_313 : vector<16xf32>
      %parallel_loop3A_315 = arith.addf %parallel_loop3A_311, %parallel_loop3A_314 : vector<16xf32>
      %parallel_loop3A_316 = arith.constant 40 : i32
      %parallel_loop3A_317 = arith.index_cast %parallel_loop3A_316 : i32 to index
      %parallel_loop3A_318 = arith.index_cast %parallel_loop3A_10 : i32 to index
      %parallel_loop3A_319 = tpu.vector_load %arg5[%parallel_loop3A_317, %parallel_loop3A_318] {strides = array<i32>} : memref<64x1024xf32, #tpu.memory_space<vmem>>, vector<1x16xf32>,
      %parallel_loop3A_320 = vector.shape_cast %parallel_loop3A_319 : vector<1x16xf32> to vector<16xf32>
      %parallel_loop3A_321 = arith.constant 41 : i32
      %parallel_loop3A_322 = arith.index_cast %parallel_loop3A_321 : i32 to index
      %parallel_loop3A_323 = arith.index_cast %parallel_loop3A_10 : i32 to index
      %parallel_loop3A_324 = tpu.vector_load %arg5[%parallel_loop3A_322, %parallel_loop3A_323] {strides = array<i32>} : memref<64x1024xf32, #tpu.memory_space<vmem>>, vector<1x16xf32>,
      %parallel_loop3A_325 = vector.shape_cast %parallel_loop3A_324 : vector<1x16xf32> to vector<16xf32>
      %parallel_loop3A_326 = arith.constant 42 : i32
      %parallel_loop3A_327 = arith.index_cast %parallel_loop3A_326 : i32 to index
      %parallel_loop3A_328 = arith.index_cast %parallel_loop3A_10 : i32 to index
      %parallel_loop3A_329 = tpu.vector_load %arg5[%parallel_loop3A_327, %parallel_loop3A_328] {strides = array<i32>} : memref<64x1024xf32, #tpu.memory_space<vmem>>, vector<1x16xf32>,
      %parallel_loop3A_330 = vector.shape_cast %parallel_loop3A_329 : vector<1x16xf32> to vector<16xf32>
      %parallel_loop3A_331 = arith.constant 43 : i32
      %parallel_loop3A_332 = arith.index_cast %parallel_loop3A_331 : i32 to index
      %parallel_loop3A_333 = arith.index_cast %parallel_loop3A_10 : i32 to index
      %parallel_loop3A_334 = tpu.vector_load %arg5[%parallel_loop3A_332, %parallel_loop3A_333] {strides = array<i32>} : memref<64x1024xf32, #tpu.memory_space<vmem>>, vector<1x16xf32>,
      %parallel_loop3A_335 = vector.shape_cast %parallel_loop3A_334 : vector<1x16xf32> to vector<16xf32>
      %parallel_loop3A_336 = arith.constant 44 : i32
      %parallel_loop3A_337 = arith.index_cast %parallel_loop3A_336 : i32 to index
      %parallel_loop3A_338 = arith.index_cast %parallel_loop3A_10 : i32 to index
      %parallel_loop3A_339 = tpu.vector_load %arg5[%parallel_loop3A_337, %parallel_loop3A_338] {strides = array<i32>} : memref<64x1024xf32, #tpu.memory_space<vmem>>, vector<1x16xf32>,
      %parallel_loop3A_340 = vector.shape_cast %parallel_loop3A_339 : vector<1x16xf32> to vector<16xf32>
      %parallel_loop3A_341 = arith.constant 45 : i32
      %parallel_loop3A_342 = arith.index_cast %parallel_loop3A_341 : i32 to index
      %parallel_loop3A_343 = arith.index_cast %parallel_loop3A_10 : i32 to index
      %parallel_loop3A_344 = tpu.vector_load %arg5[%parallel_loop3A_342, %parallel_loop3A_343] {strides = array<i32>} : memref<64x1024xf32, #tpu.memory_space<vmem>>, vector<1x16xf32>,
      %parallel_loop3A_345 = vector.shape_cast %parallel_loop3A_344 : vector<1x16xf32> to vector<16xf32>
      %parallel_loop3A_346 = arith.constant 46 : i32
      %parallel_loop3A_347 = arith.index_cast %parallel_loop3A_346 : i32 to index
      %parallel_loop3A_348 = arith.index_cast %parallel_loop3A_10 : i32 to index
      %parallel_loop3A_349 = tpu.vector_load %arg5[%parallel_loop3A_347, %parallel_loop3A_348] {strides = array<i32>} : memref<64x1024xf32, #tpu.memory_space<vmem>>, vector<1x16xf32>,
      %parallel_loop3A_350 = vector.shape_cast %parallel_loop3A_349 : vector<1x16xf32> to vector<16xf32>
      %parallel_loop3A_351 = arith.constant 47 : i32
      %parallel_loop3A_352 = arith.index_cast %parallel_loop3A_351 : i32 to index
      %parallel_loop3A_353 = arith.index_cast %parallel_loop3A_10 : i32 to index
      %parallel_loop3A_354 = tpu.vector_load %arg5[%parallel_loop3A_352, %parallel_loop3A_353] {strides = array<i32>} : memref<64x1024xf32, #tpu.memory_space<vmem>>, vector<1x16xf32>,
      %parallel_loop3A_355 = vector.shape_cast %parallel_loop3A_354 : vector<1x16xf32> to vector<16xf32>
      %parallel_loop3A_356 = arith.maximumf %parallel_loop3A_320, %parallel_loop3A_325 : vector<16xf32>
      %parallel_loop3A_357 = arith.maximumf %parallel_loop3A_330, %parallel_loop3A_335 : vector<16xf32>
      %parallel_loop3A_358 = arith.maximumf %parallel_loop3A_340, %parallel_loop3A_345 : vector<16xf32>
      %parallel_loop3A_359 = arith.maximumf %parallel_loop3A_350, %parallel_loop3A_355 : vector<16xf32>
      %parallel_loop3A_360 = arith.minimumf %parallel_loop3A_320, %parallel_loop3A_325 : vector<16xf32>
      %parallel_loop3A_361 = arith.minimumf %parallel_loop3A_330, %parallel_loop3A_335 : vector<16xf32>
      %parallel_loop3A_362 = arith.minimumf %parallel_loop3A_340, %parallel_loop3A_345 : vector<16xf32>
      %parallel_loop3A_363 = arith.minimumf %parallel_loop3A_350, %parallel_loop3A_355 : vector<16xf32>
      %parallel_loop3A_364 = arith.maximumf %parallel_loop3A_356, %parallel_loop3A_357 : vector<16xf32>
      %parallel_loop3A_365 = arith.minimumf %parallel_loop3A_356, %parallel_loop3A_357 : vector<16xf32>
      %parallel_loop3A_366 = arith.maximumf %parallel_loop3A_360, %parallel_loop3A_361 : vector<16xf32>
      %parallel_loop3A_367 = arith.maximumf %parallel_loop3A_365, %parallel_loop3A_366 : vector<16xf32>
      %parallel_loop3A_368 = arith.maximumf %parallel_loop3A_358, %parallel_loop3A_359 : vector<16xf32>
      %parallel_loop3A_369 = arith.minimumf %parallel_loop3A_358, %parallel_loop3A_359 : vector<16xf32>
      %parallel_loop3A_370 = arith.maximumf %parallel_loop3A_362, %parallel_loop3A_363 : vector<16xf32>
      %parallel_loop3A_371 = arith.maximumf %parallel_loop3A_369, %parallel_loop3A_370 : vector<16xf32>
      %parallel_loop3A_372 = arith.maximumf %parallel_loop3A_364, %parallel_loop3A_368 : vector<16xf32>
      %parallel_loop3A_373 = arith.minimumf %parallel_loop3A_364, %parallel_loop3A_368 : vector<16xf32>
      %parallel_loop3A_374 = arith.maximumf %parallel_loop3A_367, %parallel_loop3A_371 : vector<16xf32>
      %parallel_loop3A_375 = arith.maximumf %parallel_loop3A_373, %parallel_loop3A_374 : vector<16xf32>
      %parallel_loop3A_376 = arith.addf %parallel_loop3A_372, %parallel_loop3A_375 : vector<16xf32>
      %parallel_loop3A_377 = arith.constant 48 : i32
      %parallel_loop3A_378 = arith.index_cast %parallel_loop3A_377 : i32 to index
      %parallel_loop3A_379 = arith.index_cast %parallel_loop3A_10 : i32 to index
      %parallel_loop3A_380 = tpu.vector_load %arg5[%parallel_loop3A_378, %parallel_loop3A_379] {strides = array<i32>} : memref<64x1024xf32, #tpu.memory_space<vmem>>, vector<1x16xf32>,
      %parallel_loop3A_381 = vector.shape_cast %parallel_loop3A_380 : vector<1x16xf32> to vector<16xf32>
      %parallel_loop3A_382 = arith.constant 49 : i32
      %parallel_loop3A_383 = arith.index_cast %parallel_loop3A_382 : i32 to index
      %parallel_loop3A_384 = arith.index_cast %parallel_loop3A_10 : i32 to index
      %parallel_loop3A_385 = tpu.vector_load %arg5[%parallel_loop3A_383, %parallel_loop3A_384] {strides = array<i32>} : memref<64x1024xf32, #tpu.memory_space<vmem>>, vector<1x16xf32>,
      %parallel_loop3A_386 = vector.shape_cast %parallel_loop3A_385 : vector<1x16xf32> to vector<16xf32>
      %parallel_loop3A_387 = arith.constant 50 : i32
      %parallel_loop3A_388 = arith.index_cast %parallel_loop3A_387 : i32 to index
      %parallel_loop3A_389 = arith.index_cast %parallel_loop3A_10 : i32 to index
      %parallel_loop3A_390 = tpu.vector_load %arg5[%parallel_loop3A_388, %parallel_loop3A_389] {strides = array<i32>} : memref<64x1024xf32, #tpu.memory_space<vmem>>, vector<1x16xf32>,
      %parallel_loop3A_391 = vector.shape_cast %parallel_loop3A_390 : vector<1x16xf32> to vector<16xf32>
      %parallel_loop3A_392 = arith.constant 51 : i32
      %parallel_loop3A_393 = arith.index_cast %parallel_loop3A_392 : i32 to index
      %parallel_loop3A_394 = arith.index_cast %parallel_loop3A_10 : i32 to index
      %parallel_loop3A_395 = tpu.vector_load %arg5[%parallel_loop3A_393, %parallel_loop3A_394] {strides = array<i32>} : memref<64x1024xf32, #tpu.memory_space<vmem>>, vector<1x16xf32>,
      %parallel_loop3A_396 = vector.shape_cast %parallel_loop3A_395 : vector<1x16xf32> to vector<16xf32>
      %parallel_loop3A_397 = arith.constant 52 : i32
      %parallel_loop3A_398 = arith.index_cast %parallel_loop3A_397 : i32 to index
      %parallel_loop3A_399 = arith.index_cast %parallel_loop3A_10 : i32 to index
      %parallel_loop3A_400 = tpu.vector_load %arg5[%parallel_loop3A_398, %parallel_loop3A_399] {strides = array<i32>} : memref<64x1024xf32, #tpu.memory_space<vmem>>, vector<1x16xf32>,
      %parallel_loop3A_401 = vector.shape_cast %parallel_loop3A_400 : vector<1x16xf32> to vector<16xf32>
      %parallel_loop3A_402 = arith.constant 53 : i32
      %parallel_loop3A_403 = arith.index_cast %parallel_loop3A_402 : i32 to index
      %parallel_loop3A_404 = arith.index_cast %parallel_loop3A_10 : i32 to index
      %parallel_loop3A_405 = tpu.vector_load %arg5[%parallel_loop3A_403, %parallel_loop3A_404] {strides = array<i32>} : memref<64x1024xf32, #tpu.memory_space<vmem>>, vector<1x16xf32>,
      %parallel_loop3A_406 = vector.shape_cast %parallel_loop3A_405 : vector<1x16xf32> to vector<16xf32>
      %parallel_loop3A_407 = arith.constant 54 : i32
      %parallel_loop3A_408 = arith.index_cast %parallel_loop3A_407 : i32 to index
      %parallel_loop3A_409 = arith.index_cast %parallel_loop3A_10 : i32 to index
      %parallel_loop3A_410 = tpu.vector_load %arg5[%parallel_loop3A_408, %parallel_loop3A_409] {strides = array<i32>} : memref<64x1024xf32, #tpu.memory_space<vmem>>, vector<1x16xf32>,
      %parallel_loop3A_411 = vector.shape_cast %parallel_loop3A_410 : vector<1x16xf32> to vector<16xf32>
      %parallel_loop3A_412 = arith.constant 55 : i32
      %parallel_loop3A_413 = arith.index_cast %parallel_loop3A_412 : i32 to index
      %parallel_loop3A_414 = arith.index_cast %parallel_loop3A_10 : i32 to index
      %parallel_loop3A_415 = tpu.vector_load %arg5[%parallel_loop3A_413, %parallel_loop3A_414] {strides = array<i32>} : memref<64x1024xf32, #tpu.memory_space<vmem>>, vector<1x16xf32>,
      %parallel_loop3A_416 = vector.shape_cast %parallel_loop3A_415 : vector<1x16xf32> to vector<16xf32>
      %parallel_loop3A_417 = arith.maximumf %parallel_loop3A_381, %parallel_loop3A_386 : vector<16xf32>
      %parallel_loop3A_418 = arith.maximumf %parallel_loop3A_391, %parallel_loop3A_396 : vector<16xf32>
      %parallel_loop3A_419 = arith.maximumf %parallel_loop3A_401, %parallel_loop3A_406 : vector<16xf32>
      %parallel_loop3A_420 = arith.maximumf %parallel_loop3A_411, %parallel_loop3A_416 : vector<16xf32>
      %parallel_loop3A_421 = arith.minimumf %parallel_loop3A_381, %parallel_loop3A_386 : vector<16xf32>
      %parallel_loop3A_422 = arith.minimumf %parallel_loop3A_391, %parallel_loop3A_396 : vector<16xf32>
      %parallel_loop3A_423 = arith.minimumf %parallel_loop3A_401, %parallel_loop3A_406 : vector<16xf32>
      %parallel_loop3A_424 = arith.minimumf %parallel_loop3A_411, %parallel_loop3A_416 : vector<16xf32>
      %parallel_loop3A_425 = arith.maximumf %parallel_loop3A_417, %parallel_loop3A_418 : vector<16xf32>
      %parallel_loop3A_426 = arith.minimumf %parallel_loop3A_417, %parallel_loop3A_418 : vector<16xf32>
      %parallel_loop3A_427 = arith.maximumf %parallel_loop3A_421, %parallel_loop3A_422 : vector<16xf32>
      %parallel_loop3A_428 = arith.maximumf %parallel_loop3A_426, %parallel_loop3A_427 : vector<16xf32>
      %parallel_loop3A_429 = arith.maximumf %parallel_loop3A_419, %parallel_loop3A_420 : vector<16xf32>
      %parallel_loop3A_430 = arith.minimumf %parallel_loop3A_419, %parallel_loop3A_420 : vector<16xf32>
      %parallel_loop3A_431 = arith.maximumf %parallel_loop3A_423, %parallel_loop3A_424 : vector<16xf32>
      %parallel_loop3A_432 = arith.maximumf %parallel_loop3A_430, %parallel_loop3A_431 : vector<16xf32>
      %parallel_loop3A_433 = arith.maximumf %parallel_loop3A_425, %parallel_loop3A_429 : vector<16xf32>
      %parallel_loop3A_434 = arith.minimumf %parallel_loop3A_425, %parallel_loop3A_429 : vector<16xf32>
      %parallel_loop3A_435 = arith.maximumf %parallel_loop3A_428, %parallel_loop3A_432 : vector<16xf32>
      %parallel_loop3A_436 = arith.maximumf %parallel_loop3A_434, %parallel_loop3A_435 : vector<16xf32>
      %parallel_loop3A_437 = arith.addf %parallel_loop3A_433, %parallel_loop3A_436 : vector<16xf32>
      %parallel_loop3A_438 = arith.constant 56 : i32
      %parallel_loop3A_439 = arith.index_cast %parallel_loop3A_438 : i32 to index
      %parallel_loop3A_440 = arith.index_cast %parallel_loop3A_10 : i32 to index
      %parallel_loop3A_441 = tpu.vector_load %arg5[%parallel_loop3A_439, %parallel_loop3A_440] {strides = array<i32>} : memref<64x1024xf32, #tpu.memory_space<vmem>>, vector<1x16xf32>,
      %parallel_loop3A_442 = vector.shape_cast %parallel_loop3A_441 : vector<1x16xf32> to vector<16xf32>
      %parallel_loop3A_443 = arith.constant 57 : i32
      %parallel_loop3A_444 = arith.index_cast %parallel_loop3A_443 : i32 to index
      %parallel_loop3A_445 = arith.index_cast %parallel_loop3A_10 : i32 to index
      %parallel_loop3A_446 = tpu.vector_load %arg5[%parallel_loop3A_444, %parallel_loop3A_445] {strides = array<i32>} : memref<64x1024xf32, #tpu.memory_space<vmem>>, vector<1x16xf32>,
      %parallel_loop3A_447 = vector.shape_cast %parallel_loop3A_446 : vector<1x16xf32> to vector<16xf32>
      %parallel_loop3A_448 = arith.constant 58 : i32
      %parallel_loop3A_449 = arith.index_cast %parallel_loop3A_448 : i32 to index
      %parallel_loop3A_450 = arith.index_cast %parallel_loop3A_10 : i32 to index
      %parallel_loop3A_451 = tpu.vector_load %arg5[%parallel_loop3A_449, %parallel_loop3A_450] {strides = array<i32>} : memref<64x1024xf32, #tpu.memory_space<vmem>>, vector<1x16xf32>,
      %parallel_loop3A_452 = vector.shape_cast %parallel_loop3A_451 : vector<1x16xf32> to vector<16xf32>
      %parallel_loop3A_453 = arith.constant 59 : i32
      %parallel_loop3A_454 = arith.index_cast %parallel_loop3A_453 : i32 to index
      %parallel_loop3A_455 = arith.index_cast %parallel_loop3A_10 : i32 to index
      %parallel_loop3A_456 = tpu.vector_load %arg5[%parallel_loop3A_454, %parallel_loop3A_455] {strides = array<i32>} : memref<64x1024xf32, #tpu.memory_space<vmem>>, vector<1x16xf32>,
      %parallel_loop3A_457 = vector.shape_cast %parallel_loop3A_456 : vector<1x16xf32> to vector<16xf32>
      %parallel_loop3A_458 = arith.constant 60 : i32
      %parallel_loop3A_459 = arith.index_cast %parallel_loop3A_458 : i32 to index
      %parallel_loop3A_460 = arith.index_cast %parallel_loop3A_10 : i32 to index
      %parallel_loop3A_461 = tpu.vector_load %arg5[%parallel_loop3A_459, %parallel_loop3A_460] {strides = array<i32>} : memref<64x1024xf32, #tpu.memory_space<vmem>>, vector<1x16xf32>,
      %parallel_loop3A_462 = vector.shape_cast %parallel_loop3A_461 : vector<1x16xf32> to vector<16xf32>
      %parallel_loop3A_463 = arith.constant 61 : i32
      %parallel_loop3A_464 = arith.index_cast %parallel_loop3A_463 : i32 to index
      %parallel_loop3A_465 = arith.index_cast %parallel_loop3A_10 : i32 to index
      %parallel_loop3A_466 = tpu.vector_load %arg5[%parallel_loop3A_464, %parallel_loop3A_465] {strides = array<i32>} : memref<64x1024xf32, #tpu.memory_space<vmem>>, vector<1x16xf32>,
      %parallel_loop3A_467 = vector.shape_cast %parallel_loop3A_466 : vector<1x16xf32> to vector<16xf32>
      %parallel_loop3A_468 = arith.constant 62 : i32
      %parallel_loop3A_469 = arith.index_cast %parallel_loop3A_468 : i32 to index
      %parallel_loop3A_470 = arith.index_cast %parallel_loop3A_10 : i32 to index
      %parallel_loop3A_471 = tpu.vector_load %arg5[%parallel_loop3A_469, %parallel_loop3A_470] {strides = array<i32>} : memref<64x1024xf32, #tpu.memory_space<vmem>>, vector<1x16xf32>,
      %parallel_loop3A_472 = vector.shape_cast %parallel_loop3A_471 : vector<1x16xf32> to vector<16xf32>
      %parallel_loop3A_473 = arith.constant 63 : i32
      %parallel_loop3A_474 = arith.index_cast %parallel_loop3A_473 : i32 to index
      %parallel_loop3A_475 = arith.index_cast %parallel_loop3A_10 : i32 to index
      %parallel_loop3A_476 = tpu.vector_load %arg5[%parallel_loop3A_474, %parallel_loop3A_475] {strides = array<i32>} : memref<64x1024xf32, #tpu.memory_space<vmem>>, vector<1x16xf32>,
      %parallel_loop3A_477 = vector.shape_cast %parallel_loop3A_476 : vector<1x16xf32> to vector<16xf32>
      %parallel_loop3A_478 = arith.maximumf %parallel_loop3A_442, %parallel_loop3A_447 : vector<16xf32>
      %parallel_loop3A_479 = arith.maximumf %parallel_loop3A_452, %parallel_loop3A_457 : vector<16xf32>
      %parallel_loop3A_480 = arith.maximumf %parallel_loop3A_462, %parallel_loop3A_467 : vector<16xf32>
      %parallel_loop3A_481 = arith.maximumf %parallel_loop3A_472, %parallel_loop3A_477 : vector<16xf32>
      %parallel_loop3A_482 = arith.minimumf %parallel_loop3A_442, %parallel_loop3A_447 : vector<16xf32>
      %parallel_loop3A_483 = arith.minimumf %parallel_loop3A_452, %parallel_loop3A_457 : vector<16xf32>
      %parallel_loop3A_484 = arith.minimumf %parallel_loop3A_462, %parallel_loop3A_467 : vector<16xf32>
      %parallel_loop3A_485 = arith.minimumf %parallel_loop3A_472, %parallel_loop3A_477 : vector<16xf32>
      %parallel_loop3A_486 = arith.maximumf %parallel_loop3A_478, %parallel_loop3A_479 : vector<16xf32>
      %parallel_loop3A_487 = arith.minimumf %parallel_loop3A_478, %parallel_loop3A_479 : vector<16xf32>
      %parallel_loop3A_488 = arith.maximumf %parallel_loop3A_482, %parallel_loop3A_483 : vector<16xf32>
      %parallel_loop3A_489 = arith.maximumf %parallel_loop3A_487, %parallel_loop3A_488 : vector<16xf32>
      %parallel_loop3A_490 = arith.maximumf %parallel_loop3A_480, %parallel_loop3A_481 : vector<16xf32>
      %parallel_loop3A_491 = arith.minimumf %parallel_loop3A_480, %parallel_loop3A_481 : vector<16xf32>
      %parallel_loop3A_492 = arith.maximumf %parallel_loop3A_484, %parallel_loop3A_485 : vector<16xf32>
      %parallel_loop3A_493 = arith.maximumf %parallel_loop3A_491, %parallel_loop3A_492 : vector<16xf32>
      %parallel_loop3A_494 = arith.maximumf %parallel_loop3A_486, %parallel_loop3A_490 : vector<16xf32>
      %parallel_loop3A_495 = arith.minimumf %parallel_loop3A_486, %parallel_loop3A_490 : vector<16xf32>
      %parallel_loop3A_496 = arith.maximumf %parallel_loop3A_489, %parallel_loop3A_493 : vector<16xf32>
      %parallel_loop3A_497 = arith.maximumf %parallel_loop3A_495, %parallel_loop3A_496 : vector<16xf32>
      %parallel_loop3A_498 = arith.addf %parallel_loop3A_494, %parallel_loop3A_497 : vector<16xf32>
      %parallel_loop3A_499 = arith.constant 1 : i32
      %parallel_loop3A_500 = vector.broadcast %parallel_loop3A_499 : i32 to vector<16xi32>
      %parallel_loop3A_501 = arith.constant 0 : i32
      %parallel_loop3A_502 = vector.broadcast %parallel_loop3A_501 : i32 to vector<16xi32>
      %parallel_loop3A_503 = arith.constant 0 : i32
      %parallel_loop3A_504 = vector.broadcast %parallel_loop3A_503 : i32 to vector<16xi32>
      %parallel_loop3A_505 = arith.constant 1 : i32
      %parallel_loop3A_506 = vector.broadcast %parallel_loop3A_505 : i32 to vector<16xi32>
      %parallel_loop3A_507 = arith.constant 2 : i32
      %parallel_loop3A_508 = vector.broadcast %parallel_loop3A_507 : i32 to vector<16xi32>
      %parallel_loop3A_509 = arith.constant 3 : i32
      %parallel_loop3A_510 = vector.broadcast %parallel_loop3A_509 : i32 to vector<16xi32>
      %parallel_loop3A_511 = arith.constant 4 : i32
      %parallel_loop3A_512 = vector.broadcast %parallel_loop3A_511 : i32 to vector<16xi32>
      %parallel_loop3A_513 = arith.constant 5 : i32
      %parallel_loop3A_514 = vector.broadcast %parallel_loop3A_513 : i32 to vector<16xi32>
      %parallel_loop3A_515 = arith.constant 6 : i32
      %parallel_loop3A_516 = vector.broadcast %parallel_loop3A_515 : i32 to vector<16xi32>
      %parallel_loop3A_517 = arith.constant 7 : i32
      %parallel_loop3A_518 = vector.broadcast %parallel_loop3A_517 : i32 to vector<16xi32>
      %parallel_loop3A_519 = arith.cmpf ogt, %parallel_loop3A_132, %parallel_loop3A_71 : vector<16xf32>
      %parallel_loop3A_520 = arith.select %parallel_loop3A_519, %parallel_loop3A_500, %parallel_loop3A_502 : vector<16xi1>, vector<16xi32>
      %parallel_loop3A_521 = arith.addi %parallel_loop3A_504, %parallel_loop3A_520 : vector<16xi32>
      %parallel_loop3A_522 = arith.subi %parallel_loop3A_506, %parallel_loop3A_520 : vector<16xi32>
      %parallel_loop3A_523 = arith.cmpf ogt, %parallel_loop3A_193, %parallel_loop3A_71 : vector<16xf32>
      %parallel_loop3A_524 = arith.select %parallel_loop3A_523, %parallel_loop3A_500, %parallel_loop3A_502 : vector<16xi1>, vector<16xi32>
      %parallel_loop3A_525 = arith.addi %parallel_loop3A_521, %parallel_loop3A_524 : vector<16xi32>
      %parallel_loop3A_526 = arith.subi %parallel_loop3A_508, %parallel_loop3A_524 : vector<16xi32>
      %parallel_loop3A_527 = arith.cmpf ogt, %parallel_loop3A_254, %parallel_loop3A_71 : vector<16xf32>
      %parallel_loop3A_528 = arith.select %parallel_loop3A_527, %parallel_loop3A_500, %parallel_loop3A_502 : vector<16xi1>, vector<16xi32>
      %parallel_loop3A_529 = arith.addi %parallel_loop3A_525, %parallel_loop3A_528 : vector<16xi32>
      %parallel_loop3A_530 = arith.subi %parallel_loop3A_510, %parallel_loop3A_528 : vector<16xi32>
      %parallel_loop3A_531 = arith.cmpf ogt, %parallel_loop3A_315, %parallel_loop3A_71 : vector<16xf32>
      %parallel_loop3A_532 = arith.select %parallel_loop3A_531, %parallel_loop3A_500, %parallel_loop3A_502 : vector<16xi1>, vector<16xi32>
      %parallel_loop3A_533 = arith.addi %parallel_loop3A_529, %parallel_loop3A_532 : vector<16xi32>
      %parallel_loop3A_534 = arith.subi %parallel_loop3A_512, %parallel_loop3A_532 : vector<16xi32>
      %parallel_loop3A_535 = arith.cmpf ogt, %parallel_loop3A_376, %parallel_loop3A_71 : vector<16xf32>
      %parallel_loop3A_536 = arith.select %parallel_loop3A_535, %parallel_loop3A_500, %parallel_loop3A_502 : vector<16xi1>, vector<16xi32>
      %parallel_loop3A_537 = arith.addi %parallel_loop3A_533, %parallel_loop3A_536 : vector<16xi32>
      %parallel_loop3A_538 = arith.subi %parallel_loop3A_514, %parallel_loop3A_536 : vector<16xi32>
      %parallel_loop3A_539 = arith.cmpf ogt, %parallel_loop3A_437, %parallel_loop3A_71 : vector<16xf32>
      %parallel_loop3A_540 = arith.select %parallel_loop3A_539, %parallel_loop3A_500, %parallel_loop3A_502 : vector<16xi1>, vector<16xi32>
      %parallel_loop3A_541 = arith.addi %parallel_loop3A_537, %parallel_loop3A_540 : vector<16xi32>
      %parallel_loop3A_542 = arith.subi %parallel_loop3A_516, %parallel_loop3A_540 : vector<16xi32>
      %parallel_loop3A_543 = arith.cmpf ogt, %parallel_loop3A_498, %parallel_loop3A_71 : vector<16xf32>
      %parallel_loop3A_544 = arith.select %parallel_loop3A_543, %parallel_loop3A_500, %parallel_loop3A_502 : vector<16xi1>, vector<16xi32>
      %parallel_loop3A_545 = arith.addi %parallel_loop3A_541, %parallel_loop3A_544 : vector<16xi32>
      %parallel_loop3A_546 = arith.subi %parallel_loop3A_518, %parallel_loop3A_544 : vector<16xi32>
      %parallel_loop3A_547 = arith.cmpf ogt, %parallel_loop3A_193, %parallel_loop3A_132 : vector<16xf32>
      %parallel_loop3A_548 = arith.select %parallel_loop3A_547, %parallel_loop3A_500, %parallel_loop3A_502 : vector<16xi1>, vector<16xi32>
      %parallel_loop3A_549 = arith.addi %parallel_loop3A_522, %parallel_loop3A_548 : vector<16xi32>
      %parallel_loop3A_550 = arith.subi %parallel_loop3A_526, %parallel_loop3A_548 : vector<16xi32>
      %parallel_loop3A_551 = arith.cmpf ogt, %parallel_loop3A_254, %parallel_loop3A_132 : vector<16xf32>
      %parallel_loop3A_552 = arith.select %parallel_loop3A_551, %parallel_loop3A_500, %parallel_loop3A_502 : vector<16xi1>, vector<16xi32>
      %parallel_loop3A_553 = arith.addi %parallel_loop3A_549, %parallel_loop3A_552 : vector<16xi32>
      %parallel_loop3A_554 = arith.subi %parallel_loop3A_530, %parallel_loop3A_552 : vector<16xi32>
      %parallel_loop3A_555 = arith.cmpf ogt, %parallel_loop3A_315, %parallel_loop3A_132 : vector<16xf32>
      %parallel_loop3A_556 = arith.select %parallel_loop3A_555, %parallel_loop3A_500, %parallel_loop3A_502 : vector<16xi1>, vector<16xi32>
      %parallel_loop3A_557 = arith.addi %parallel_loop3A_553, %parallel_loop3A_556 : vector<16xi32>
      %parallel_loop3A_558 = arith.subi %parallel_loop3A_534, %parallel_loop3A_556 : vector<16xi32>
      %parallel_loop3A_559 = arith.cmpf ogt, %parallel_loop3A_376, %parallel_loop3A_132 : vector<16xf32>
      %parallel_loop3A_560 = arith.select %parallel_loop3A_559, %parallel_loop3A_500, %parallel_loop3A_502 : vector<16xi1>, vector<16xi32>
      %parallel_loop3A_561 = arith.addi %parallel_loop3A_557, %parallel_loop3A_560 : vector<16xi32>
      %parallel_loop3A_562 = arith.subi %parallel_loop3A_538, %parallel_loop3A_560 : vector<16xi32>
      %parallel_loop3A_563 = arith.cmpf ogt, %parallel_loop3A_437, %parallel_loop3A_132 : vector<16xf32>
      %parallel_loop3A_564 = arith.select %parallel_loop3A_563, %parallel_loop3A_500, %parallel_loop3A_502 : vector<16xi1>, vector<16xi32>
      %parallel_loop3A_565 = arith.addi %parallel_loop3A_561, %parallel_loop3A_564 : vector<16xi32>
      %parallel_loop3A_566 = arith.subi %parallel_loop3A_542, %parallel_loop3A_564 : vector<16xi32>
      %parallel_loop3A_567 = arith.cmpf ogt, %parallel_loop3A_498, %parallel_loop3A_132 : vector<16xf32>
      %parallel_loop3A_568 = arith.select %parallel_loop3A_567, %parallel_loop3A_500, %parallel_loop3A_502 : vector<16xi1>, vector<16xi32>
      %parallel_loop3A_569 = arith.addi %parallel_loop3A_565, %parallel_loop3A_568 : vector<16xi32>
      %parallel_loop3A_570 = arith.subi %parallel_loop3A_546, %parallel_loop3A_568 : vector<16xi32>
      %parallel_loop3A_571 = arith.cmpf ogt, %parallel_loop3A_254, %parallel_loop3A_193 : vector<16xf32>
      %parallel_loop3A_572 = arith.select %parallel_loop3A_571, %parallel_loop3A_500, %parallel_loop3A_502 : vector<16xi1>, vector<16xi32>
      %parallel_loop3A_573 = arith.addi %parallel_loop3A_550, %parallel_loop3A_572 : vector<16xi32>
      %parallel_loop3A_574 = arith.subi %parallel_loop3A_554, %parallel_loop3A_572 : vector<16xi32>
      %parallel_loop3A_575 = arith.cmpf ogt, %parallel_loop3A_315, %parallel_loop3A_193 : vector<16xf32>
      %parallel_loop3A_576 = arith.select %parallel_loop3A_575, %parallel_loop3A_500, %parallel_loop3A_502 : vector<16xi1>, vector<16xi32>
      %parallel_loop3A_577 = arith.addi %parallel_loop3A_573, %parallel_loop3A_576 : vector<16xi32>
      %parallel_loop3A_578 = arith.subi %parallel_loop3A_558, %parallel_loop3A_576 : vector<16xi32>
      %parallel_loop3A_579 = arith.cmpf ogt, %parallel_loop3A_376, %parallel_loop3A_193 : vector<16xf32>
      %parallel_loop3A_580 = arith.select %parallel_loop3A_579, %parallel_loop3A_500, %parallel_loop3A_502 : vector<16xi1>, vector<16xi32>
      %parallel_loop3A_581 = arith.addi %parallel_loop3A_577, %parallel_loop3A_580 : vector<16xi32>
      %parallel_loop3A_582 = arith.subi %parallel_loop3A_562, %parallel_loop3A_580 : vector<16xi32>
      %parallel_loop3A_583 = arith.cmpf ogt, %parallel_loop3A_437, %parallel_loop3A_193 : vector<16xf32>
      %parallel_loop3A_584 = arith.select %parallel_loop3A_583, %parallel_loop3A_500, %parallel_loop3A_502 : vector<16xi1>, vector<16xi32>
      %parallel_loop3A_585 = arith.addi %parallel_loop3A_581, %parallel_loop3A_584 : vector<16xi32>
      %parallel_loop3A_586 = arith.subi %parallel_loop3A_566, %parallel_loop3A_584 : vector<16xi32>
      %parallel_loop3A_587 = arith.cmpf ogt, %parallel_loop3A_498, %parallel_loop3A_193 : vector<16xf32>
      %parallel_loop3A_588 = arith.select %parallel_loop3A_587, %parallel_loop3A_500, %parallel_loop3A_502 : vector<16xi1>, vector<16xi32>
      %parallel_loop3A_589 = arith.addi %parallel_loop3A_585, %parallel_loop3A_588 : vector<16xi32>
      %parallel_loop3A_590 = arith.subi %parallel_loop3A_570, %parallel_loop3A_588 : vector<16xi32>
      %parallel_loop3A_591 = arith.cmpf ogt, %parallel_loop3A_315, %parallel_loop3A_254 : vector<16xf32>
      %parallel_loop3A_592 = arith.select %parallel_loop3A_591, %parallel_loop3A_500, %parallel_loop3A_502 : vector<16xi1>, vector<16xi32>
      %parallel_loop3A_593 = arith.addi %parallel_loop3A_574, %parallel_loop3A_592 : vector<16xi32>
      %parallel_loop3A_594 = arith.subi %parallel_loop3A_578, %parallel_loop3A_592 : vector<16xi32>
      %parallel_loop3A_595 = arith.cmpf ogt, %parallel_loop3A_376, %parallel_loop3A_254 : vector<16xf32>
      %parallel_loop3A_596 = arith.select %parallel_loop3A_595, %parallel_loop3A_500, %parallel_loop3A_502 : vector<16xi1>, vector<16xi32>
      %parallel_loop3A_597 = arith.addi %parallel_loop3A_593, %parallel_loop3A_596 : vector<16xi32>
      %parallel_loop3A_598 = arith.subi %parallel_loop3A_582, %parallel_loop3A_596 : vector<16xi32>
      %parallel_loop3A_599 = arith.cmpf ogt, %parallel_loop3A_437, %parallel_loop3A_254 : vector<16xf32>
      %parallel_loop3A_600 = arith.select %parallel_loop3A_599, %parallel_loop3A_500, %parallel_loop3A_502 : vector<16xi1>, vector<16xi32>
      %parallel_loop3A_601 = arith.addi %parallel_loop3A_597, %parallel_loop3A_600 : vector<16xi32>
      %parallel_loop3A_602 = arith.subi %parallel_loop3A_586, %parallel_loop3A_600 : vector<16xi32>
      %parallel_loop3A_603 = arith.cmpf ogt, %parallel_loop3A_498, %parallel_loop3A_254 : vector<16xf32>
      %parallel_loop3A_604 = arith.select %parallel_loop3A_603, %parallel_loop3A_500, %parallel_loop3A_502 : vector<16xi1>, vector<16xi32>
      %parallel_loop3A_605 = arith.addi %parallel_loop3A_601, %parallel_loop3A_604 : vector<16xi32>
      %parallel_loop3A_606 = arith.subi %parallel_loop3A_590, %parallel_loop3A_604 : vector<16xi32>
      %parallel_loop3A_607 = arith.cmpf ogt, %parallel_loop3A_376, %parallel_loop3A_315 : vector<16xf32>
      %parallel_loop3A_608 = arith.select %parallel_loop3A_607, %parallel_loop3A_500, %parallel_loop3A_502 : vector<16xi1>, vector<16xi32>
      %parallel_loop3A_609 = arith.addi %parallel_loop3A_594, %parallel_loop3A_608 : vector<16xi32>
      %parallel_loop3A_610 = arith.subi %parallel_loop3A_598, %parallel_loop3A_608 : vector<16xi32>
      %parallel_loop3A_611 = arith.cmpf ogt, %parallel_loop3A_437, %parallel_loop3A_315 : vector<16xf32>
      %parallel_loop3A_612 = arith.select %parallel_loop3A_611, %parallel_loop3A_500, %parallel_loop3A_502 : vector<16xi1>, vector<16xi32>
      %parallel_loop3A_613 = arith.addi %parallel_loop3A_609, %parallel_loop3A_612 : vector<16xi32>
      %parallel_loop3A_614 = arith.subi %parallel_loop3A_602, %parallel_loop3A_612 : vector<16xi32>
      %parallel_loop3A_615 = arith.cmpf ogt, %parallel_loop3A_498, %parallel_loop3A_315 : vector<16xf32>
      %parallel_loop3A_616 = arith.select %parallel_loop3A_615, %parallel_loop3A_500, %parallel_loop3A_502 : vector<16xi1>, vector<16xi32>
      %parallel_loop3A_617 = arith.addi %parallel_loop3A_613, %parallel_loop3A_616 : vector<16xi32>
      %parallel_loop3A_618 = arith.subi %parallel_loop3A_606, %parallel_loop3A_616 : vector<16xi32>
      %parallel_loop3A_619 = arith.cmpf ogt, %parallel_loop3A_437, %parallel_loop3A_376 : vector<16xf32>
      %parallel_loop3A_620 = arith.select %parallel_loop3A_619, %parallel_loop3A_500, %parallel_loop3A_502 : vector<16xi1>, vector<16xi32>
      %parallel_loop3A_621 = arith.addi %parallel_loop3A_610, %parallel_loop3A_620 : vector<16xi32>
      %parallel_loop3A_622 = arith.subi %parallel_loop3A_614, %parallel_loop3A_620 : vector<16xi32>
      %parallel_loop3A_623 = arith.cmpf ogt, %parallel_loop3A_498, %parallel_loop3A_376 : vector<16xf32>
      %parallel_loop3A_624 = arith.select %parallel_loop3A_623, %parallel_loop3A_500, %parallel_loop3A_502 : vector<16xi1>, vector<16xi32>
      %parallel_loop3A_625 = arith.addi %parallel_loop3A_621, %parallel_loop3A_624 : vector<16xi32>
      %parallel_loop3A_626 = arith.subi %parallel_loop3A_618, %parallel_loop3A_624 : vector<16xi32>
      %parallel_loop3A_627 = arith.cmpf ogt, %parallel_loop3A_498, %parallel_loop3A_437 : vector<16xf32>
      %parallel_loop3A_628 = arith.select %parallel_loop3A_627, %parallel_loop3A_500, %parallel_loop3A_502 : vector<16xi1>, vector<16xi32>
      %parallel_loop3A_629 = arith.addi %parallel_loop3A_622, %parallel_loop3A_628 : vector<16xi32>
      %parallel_loop3A_630 = arith.subi %parallel_loop3A_626, %parallel_loop3A_628 : vector<16xi32>
      %parallel_loop3A_631 = arith.constant 4 : i32
      %parallel_loop3A_632 = vector.broadcast %parallel_loop3A_631 : i32 to vector<16xi32>
      %parallel_loop3A_633 = arith.cmpi slt, %parallel_loop3A_545, %parallel_loop3A_632 : vector<16xi32>
      %parallel_loop3A_634 = arith.cmpi slt, %parallel_loop3A_569, %parallel_loop3A_632 : vector<16xi32>
      %parallel_loop3A_635 = arith.cmpi slt, %parallel_loop3A_589, %parallel_loop3A_632 : vector<16xi32>
      %parallel_loop3A_636 = arith.cmpi slt, %parallel_loop3A_605, %parallel_loop3A_632 : vector<16xi32>
      %parallel_loop3A_637 = arith.cmpi slt, %parallel_loop3A_617, %parallel_loop3A_632 : vector<16xi32>
      %parallel_loop3A_638 = arith.cmpi slt, %parallel_loop3A_625, %parallel_loop3A_632 : vector<16xi32>
      %parallel_loop3A_639 = arith.cmpi slt, %parallel_loop3A_629, %parallel_loop3A_632 : vector<16xi32>
      %parallel_loop3A_640 = arith.cmpi slt, %parallel_loop3A_630, %parallel_loop3A_632 : vector<16xi32>
      %parallel_loop3A_641 = arith.constant 0 : i32
      %parallel_loop3A_642 = vector.broadcast %parallel_loop3A_641 : i32 to vector<16xi32>
      %parallel_loop3A_643 = arith.constant 0 : i32
      %parallel_loop3A_644 = vector.broadcast %parallel_loop3A_643 : i32 to vector<16xi32>
      %parallel_loop3A_645 = arith.constant 0 : i32
      %parallel_loop3A_646 = vector.broadcast %parallel_loop3A_645 : i32 to vector<16xi32>
      %parallel_loop3A_647 = arith.constant 0 : i32
      %parallel_loop3A_648 = vector.broadcast %parallel_loop3A_647 : i32 to vector<16xi32>
      %parallel_loop3A_649 = arith.constant 0 : i32
      %parallel_loop3A_650 = vector.broadcast %parallel_loop3A_649 : i32 to vector<16xi32>
      %parallel_loop3A_651 = arith.constant 0 : i32
      %parallel_loop3A_652 = vector.broadcast %parallel_loop3A_651 : i32 to vector<16xi32>
      %parallel_loop3A_653 = arith.constant 0 : i32
      %parallel_loop3A_654 = vector.broadcast %parallel_loop3A_653 : i32 to vector<16xi32>
      %parallel_loop3A_655 = arith.constant 0 : i32
      %parallel_loop3A_656 = vector.broadcast %parallel_loop3A_655 : i32 to vector<16xi32>
      %parallel_loop3A_657 = arith.constant 63 : i32
      %parallel_loop3A_658 = arith.index_cast %parallel_loop3A_657 : i32 to index
      %parallel_loop3A_659 = arith.index_cast %parallel_loop3A_10 : i32 to index
      %parallel_loop3A_660 = tpu.vector_load %arg5[%parallel_loop3A_658, %parallel_loop3A_659] {strides = array<i32>} : memref<64x1024xf32, #tpu.memory_space<vmem>>, vector<1x16xf32>,
      %parallel_loop3A_661 = vector.shape_cast %parallel_loop3A_660 : vector<1x16xf32> to vector<16xf32>
      %parallel_loop3A_662 = arith.select %parallel_loop3A_640, %parallel_loop3A_661, %broadcast_in_dim3A_5 : vector<16xi1>, vector<16xf32>
      %parallel_loop3A_663 = arith.constant 63 : i32
      %parallel_loop3A_664 = vector.broadcast %parallel_loop3A_663 : i32 to vector<16xi32>
      %parallel_loop3A_665 = arith.cmpf oge, %parallel_loop3A_662, %broadcast_in_dim3A_3 : vector<16xf32>
      %parallel_loop3A_666 = arith.maximumf %parallel_loop3A_662, %broadcast_in_dim3A_3 : vector<16xf32>
      %parallel_loop3A_667 = arith.select %parallel_loop3A_665, %parallel_loop3A_664, %parallel_loop3A_642 : vector<16xi1>, vector<16xi32>
      %parallel_loop3A_668 = arith.minimumf %parallel_loop3A_662, %broadcast_in_dim3A_3 : vector<16xf32>
      %parallel_loop3A_669 = arith.select %parallel_loop3A_665, %parallel_loop3A_642, %parallel_loop3A_664 : vector<16xi1>, vector<16xi32>
      %parallel_loop3A_670 = arith.cmpf oge, %parallel_loop3A_668, %broadcast_in_dim3A_3 : vector<16xf32>
      %parallel_loop3A_671 = arith.maximumf %parallel_loop3A_668, %broadcast_in_dim3A_3 : vector<16xf32>
      %parallel_loop3A_672 = arith.select %parallel_loop3A_670, %parallel_loop3A_669, %parallel_loop3A_644 : vector<16xi1>, vector<16xi32>
      %parallel_loop3A_673 = arith.minimumf %parallel_loop3A_668, %broadcast_in_dim3A_3 : vector<16xf32>
      %parallel_loop3A_674 = arith.select %parallel_loop3A_670, %parallel_loop3A_644, %parallel_loop3A_669 : vector<16xi1>, vector<16xi32>
      %parallel_loop3A_675 = arith.cmpf oge, %parallel_loop3A_673, %broadcast_in_dim3A_3 : vector<16xf32>
      %parallel_loop3A_676 = arith.maximumf %parallel_loop3A_673, %broadcast_in_dim3A_3 : vector<16xf32>
      %parallel_loop3A_677 = arith.select %parallel_loop3A_675, %parallel_loop3A_674, %parallel_loop3A_646 : vector<16xi1>, vector<16xi32>
      %parallel_loop3A_678 = arith.minimumf %parallel_loop3A_673, %broadcast_in_dim3A_3 : vector<16xf32>
      %parallel_loop3A_679 = arith.select %parallel_loop3A_675, %parallel_loop3A_646, %parallel_loop3A_674 : vector<16xi1>, vector<16xi32>
      %parallel_loop3A_680 = arith.cmpf oge, %parallel_loop3A_678, %broadcast_in_dim3A_3 : vector<16xf32>
      %parallel_loop3A_681 = arith.maximumf %parallel_loop3A_678, %broadcast_in_dim3A_3 : vector<16xf32>
      %parallel_loop3A_682 = arith.select %parallel_loop3A_680, %parallel_loop3A_679, %parallel_loop3A_648 : vector<16xi1>, vector<16xi32>
      %parallel_loop3A_683 = arith.minimumf %parallel_loop3A_678, %broadcast_in_dim3A_3 : vector<16xf32>
      %parallel_loop3A_684 = arith.select %parallel_loop3A_680, %parallel_loop3A_648, %parallel_loop3A_679 : vector<16xi1>, vector<16xi32>
      %parallel_loop3A_685 = arith.cmpf oge, %parallel_loop3A_683, %broadcast_in_dim3A_3 : vector<16xf32>
      %parallel_loop3A_686 = arith.maximumf %parallel_loop3A_683, %broadcast_in_dim3A_3 : vector<16xf32>
      %parallel_loop3A_687 = arith.select %parallel_loop3A_685, %parallel_loop3A_684, %parallel_loop3A_650 : vector<16xi1>, vector<16xi32>
      %parallel_loop3A_688 = arith.minimumf %parallel_loop3A_683, %broadcast_in_dim3A_3 : vector<16xf32>
      %parallel_loop3A_689 = arith.select %parallel_loop3A_685, %parallel_loop3A_650, %parallel_loop3A_684 : vector<16xi1>, vector<16xi32>
      %parallel_loop3A_690 = arith.cmpf oge, %parallel_loop3A_688, %broadcast_in_dim3A_3 : vector<16xf32>
      %parallel_loop3A_691 = arith.maximumf %parallel_loop3A_688, %broadcast_in_dim3A_3 : vector<16xf32>
      %parallel_loop3A_692 = arith.select %parallel_loop3A_690, %parallel_loop3A_689, %parallel_loop3A_652 : vector<16xi1>, vector<16xi32>
      %parallel_loop3A_693 = arith.minimumf %parallel_loop3A_688, %broadcast_in_dim3A_3 : vector<16xf32>
      %parallel_loop3A_694 = arith.select %parallel_loop3A_690, %parallel_loop3A_652, %parallel_loop3A_689 : vector<16xi1>, vector<16xi32>
      %parallel_loop3A_695 = arith.cmpf oge, %parallel_loop3A_693, %broadcast_in_dim3A_3 : vector<16xf32>
      %parallel_loop3A_696 = arith.maximumf %parallel_loop3A_693, %broadcast_in_dim3A_3 : vector<16xf32>
      %parallel_loop3A_697 = arith.select %parallel_loop3A_695, %parallel_loop3A_694, %parallel_loop3A_654 : vector<16xi1>, vector<16xi32>
      %parallel_loop3A_698 = arith.minimumf %parallel_loop3A_693, %broadcast_in_dim3A_3 : vector<16xf32>
      %parallel_loop3A_699 = arith.select %parallel_loop3A_695, %parallel_loop3A_654, %parallel_loop3A_694 : vector<16xi1>, vector<16xi32>
      %parallel_loop3A_700 = arith.cmpf oge, %parallel_loop3A_698, %broadcast_in_dim3A_3 : vector<16xf32>
      %parallel_loop3A_701 = arith.maximumf %parallel_loop3A_698, %broadcast_in_dim3A_3 : vector<16xf32>
      %parallel_loop3A_702 = arith.select %parallel_loop3A_700, %parallel_loop3A_699, %parallel_loop3A_656 : vector<16xi1>, vector<16xi32>
      %parallel_loop3A_703 = arith.constant 62 : i32
      %parallel_loop3A_704 = arith.index_cast %parallel_loop3A_703 : i32 to index
      %parallel_loop3A_705 = arith.index_cast %parallel_loop3A_10 : i32 to index
      %parallel_loop3A_706 = tpu.vector_load %arg5[%parallel_loop3A_704, %parallel_loop3A_705] {strides = array<i32>} : memref<64x1024xf32, #tpu.memory_space<vmem>>, vector<1x16xf32>,
      %parallel_loop3A_707 = vector.shape_cast %parallel_loop3A_706 : vector<1x16xf32> to vector<16xf32>
      %parallel_loop3A_708 = arith.select %parallel_loop3A_640, %parallel_loop3A_707, %broadcast_in_dim3A_5 : vector<16xi1>, vector<16xf32>
      %parallel_loop3A_709 = arith.constant 62 : i32
      %parallel_loop3A_710 = vector.broadcast %parallel_loop3A_709 : i32 to vector<16xi32>
      %parallel_loop3A_711 = arith.cmpf oge, %parallel_loop3A_708, %parallel_loop3A_666 : vector<16xf32>
      %parallel_loop3A_712 = arith.maximumf %parallel_loop3A_708, %parallel_loop3A_666 : vector<16xf32>
      %parallel_loop3A_713 = arith.select %parallel_loop3A_711, %parallel_loop3A_710, %parallel_loop3A_667 : vector<16xi1>, vector<16xi32>
      %parallel_loop3A_714 = arith.minimumf %parallel_loop3A_708, %parallel_loop3A_666 : vector<16xf32>
      %parallel_loop3A_715 = arith.select %parallel_loop3A_711, %parallel_loop3A_667, %parallel_loop3A_710 : vector<16xi1>, vector<16xi32>
      %parallel_loop3A_716 = arith.cmpf oge, %parallel_loop3A_714, %parallel_loop3A_671 : vector<16xf32>
      %parallel_loop3A_717 = arith.maximumf %parallel_loop3A_714, %parallel_loop3A_671 : vector<16xf32>
      %parallel_loop3A_718 = arith.select %parallel_loop3A_716, %parallel_loop3A_715, %parallel_loop3A_672 : vector<16xi1>, vector<16xi32>
      %parallel_loop3A_719 = arith.minimumf %parallel_loop3A_714, %parallel_loop3A_671 : vector<16xf32>
      %parallel_loop3A_720 = arith.select %parallel_loop3A_716, %parallel_loop3A_672, %parallel_loop3A_715 : vector<16xi1>, vector<16xi32>
      %parallel_loop3A_721 = arith.cmpf oge, %parallel_loop3A_719, %parallel_loop3A_676 : vector<16xf32>
      %parallel_loop3A_722 = arith.maximumf %parallel_loop3A_719, %parallel_loop3A_676 : vector<16xf32>
      %parallel_loop3A_723 = arith.select %parallel_loop3A_721, %parallel_loop3A_720, %parallel_loop3A_677 : vector<16xi1>, vector<16xi32>
      %parallel_loop3A_724 = arith.minimumf %parallel_loop3A_719, %parallel_loop3A_676 : vector<16xf32>
      %parallel_loop3A_725 = arith.select %parallel_loop3A_721, %parallel_loop3A_677, %parallel_loop3A_720 : vector<16xi1>, vector<16xi32>
      %parallel_loop3A_726 = arith.cmpf oge, %parallel_loop3A_724, %parallel_loop3A_681 : vector<16xf32>
      %parallel_loop3A_727 = arith.maximumf %parallel_loop3A_724, %parallel_loop3A_681 : vector<16xf32>
      %parallel_loop3A_728 = arith.select %parallel_loop3A_726, %parallel_loop3A_725, %parallel_loop3A_682 : vector<16xi1>, vector<16xi32>
      %parallel_loop3A_729 = arith.minimumf %parallel_loop3A_724, %parallel_loop3A_681 : vector<16xf32>
      %parallel_loop3A_730 = arith.select %parallel_loop3A_726, %parallel_loop3A_682, %parallel_loop3A_725 : vector<16xi1>, vector<16xi32>
      %parallel_loop3A_731 = arith.cmpf oge, %parallel_loop3A_729, %parallel_loop3A_686 : vector<16xf32>
      %parallel_loop3A_732 = arith.maximumf %parallel_loop3A_729, %parallel_loop3A_686 : vector<16xf32>
      %parallel_loop3A_733 = arith.select %parallel_loop3A_731, %parallel_loop3A_730, %parallel_loop3A_687 : vector<16xi1>, vector<16xi32>
      %parallel_loop3A_734 = arith.minimumf %parallel_loop3A_729, %parallel_loop3A_686 : vector<16xf32>
      %parallel_loop3A_735 = arith.select %parallel_loop3A_731, %parallel_loop3A_687, %parallel_loop3A_730 : vector<16xi1>, vector<16xi32>
      %parallel_loop3A_736 = arith.cmpf oge, %parallel_loop3A_734, %parallel_loop3A_691 : vector<16xf32>
      %parallel_loop3A_737 = arith.maximumf %parallel_loop3A_734, %parallel_loop3A_691 : vector<16xf32>
      %parallel_loop3A_738 = arith.select %parallel_loop3A_736, %parallel_loop3A_735, %parallel_loop3A_692 : vector<16xi1>, vector<16xi32>
      %parallel_loop3A_739 = arith.minimumf %parallel_loop3A_734, %parallel_loop3A_691 : vector<16xf32>
      %parallel_loop3A_740 = arith.select %parallel_loop3A_736, %parallel_loop3A_692, %parallel_loop3A_735 : vector<16xi1>, vector<16xi32>
      %parallel_loop3A_741 = arith.cmpf oge, %parallel_loop3A_739, %parallel_loop3A_696 : vector<16xf32>
      %parallel_loop3A_742 = arith.maximumf %parallel_loop3A_739, %parallel_loop3A_696 : vector<16xf32>
      %parallel_loop3A_743 = arith.select %parallel_loop3A_741, %parallel_loop3A_740, %parallel_loop3A_697 : vector<16xi1>, vector<16xi32>
      %parallel_loop3A_744 = arith.minimumf %parallel_loop3A_739, %parallel_loop3A_696 : vector<16xf32>
      %parallel_loop3A_745 = arith.select %parallel_loop3A_741, %parallel_loop3A_697, %parallel_loop3A_740 : vector<16xi1>, vector<16xi32>
      %parallel_loop3A_746 = arith.cmpf oge, %parallel_loop3A_744, %parallel_loop3A_701 : vector<16xf32>
      %parallel_loop3A_747 = arith.maximumf %parallel_loop3A_744, %parallel_loop3A_701 : vector<16xf32>
      %parallel_loop3A_748 = arith.select %parallel_loop3A_746, %parallel_loop3A_745, %parallel_loop3A_702 : vector<16xi1>, vector<16xi32>
      %parallel_loop3A_749 = arith.constant 61 : i32
      %parallel_loop3A_750 = arith.index_cast %parallel_loop3A_749 : i32 to index
      %parallel_loop3A_751 = arith.index_cast %parallel_loop3A_10 : i32 to index
      %parallel_loop3A_752 = tpu.vector_load %arg5[%parallel_loop3A_750, %parallel_loop3A_751] {strides = array<i32>} : memref<64x1024xf32, #tpu.memory_space<vmem>>, vector<1x16xf32>,
      %parallel_loop3A_753 = vector.shape_cast %parallel_loop3A_752 : vector<1x16xf32> to vector<16xf32>
      %parallel_loop3A_754 = arith.select %parallel_loop3A_640, %parallel_loop3A_753, %broadcast_in_dim3A_5 : vector<16xi1>, vector<16xf32>
      %parallel_loop3A_755 = arith.constant 61 : i32
      %parallel_loop3A_756 = vector.broadcast %parallel_loop3A_755 : i32 to vector<16xi32>
      %parallel_loop3A_757 = arith.cmpf oge, %parallel_loop3A_754, %parallel_loop3A_712 : vector<16xf32>
      %parallel_loop3A_758 = arith.maximumf %parallel_loop3A_754, %parallel_loop3A_712 : vector<16xf32>
      %parallel_loop3A_759 = arith.select %parallel_loop3A_757, %parallel_loop3A_756, %parallel_loop3A_713 : vector<16xi1>, vector<16xi32>
      %parallel_loop3A_760 = arith.minimumf %parallel_loop3A_754, %parallel_loop3A_712 : vector<16xf32>
      %parallel_loop3A_761 = arith.select %parallel_loop3A_757, %parallel_loop3A_713, %parallel_loop3A_756 : vector<16xi1>, vector<16xi32>
      %parallel_loop3A_762 = arith.cmpf oge, %parallel_loop3A_760, %parallel_loop3A_717 : vector<16xf32>
      %parallel_loop3A_763 = arith.maximumf %parallel_loop3A_760, %parallel_loop3A_717 : vector<16xf32>
      %parallel_loop3A_764 = arith.select %parallel_loop3A_762, %parallel_loop3A_761, %parallel_loop3A_718 : vector<16xi1>, vector<16xi32>
      %parallel_loop3A_765 = arith.minimumf %parallel_loop3A_760, %parallel_loop3A_717 : vector<16xf32>
      %parallel_loop3A_766 = arith.select %parallel_loop3A_762, %parallel_loop3A_718, %parallel_loop3A_761 : vector<16xi1>, vector<16xi32>
      %parallel_loop3A_767 = arith.cmpf oge, %parallel_loop3A_765, %parallel_loop3A_722 : vector<16xf32>
      %parallel_loop3A_768 = arith.maximumf %parallel_loop3A_765, %parallel_loop3A_722 : vector<16xf32>
      %parallel_loop3A_769 = arith.select %parallel_loop3A_767, %parallel_loop3A_766, %parallel_loop3A_723 : vector<16xi1>, vector<16xi32>
      %parallel_loop3A_770 = arith.minimumf %parallel_loop3A_765, %parallel_loop3A_722 : vector<16xf32>
      %parallel_loop3A_771 = arith.select %parallel_loop3A_767, %parallel_loop3A_723, %parallel_loop3A_766 : vector<16xi1>, vector<16xi32>
      %parallel_loop3A_772 = arith.cmpf oge, %parallel_loop3A_770, %parallel_loop3A_727 : vector<16xf32>
      %parallel_loop3A_773 = arith.maximumf %parallel_loop3A_770, %parallel_loop3A_727 : vector<16xf32>
      %parallel_loop3A_774 = arith.select %parallel_loop3A_772, %parallel_loop3A_771, %parallel_loop3A_728 : vector<16xi1>, vector<16xi32>
      %parallel_loop3A_775 = arith.minimumf %parallel_loop3A_770, %parallel_loop3A_727 : vector<16xf32>
      %parallel_loop3A_776 = arith.select %parallel_loop3A_772, %parallel_loop3A_728, %parallel_loop3A_771 : vector<16xi1>, vector<16xi32>
      %parallel_loop3A_777 = arith.cmpf oge, %parallel_loop3A_775, %parallel_loop3A_732 : vector<16xf32>
      %parallel_loop3A_778 = arith.maximumf %parallel_loop3A_775, %parallel_loop3A_732 : vector<16xf32>
      %parallel_loop3A_779 = arith.select %parallel_loop3A_777, %parallel_loop3A_776, %parallel_loop3A_733 : vector<16xi1>, vector<16xi32>
      %parallel_loop3A_780 = arith.minimumf %parallel_loop3A_775, %parallel_loop3A_732 : vector<16xf32>
      %parallel_loop3A_781 = arith.select %parallel_loop3A_777, %parallel_loop3A_733, %parallel_loop3A_776 : vector<16xi1>, vector<16xi32>
      %parallel_loop3A_782 = arith.cmpf oge, %parallel_loop3A_780, %parallel_loop3A_737 : vector<16xf32>
      %parallel_loop3A_783 = arith.maximumf %parallel_loop3A_780, %parallel_loop3A_737 : vector<16xf32>
      %parallel_loop3A_784 = arith.select %parallel_loop3A_782, %parallel_loop3A_781, %parallel_loop3A_738 : vector<16xi1>, vector<16xi32>
      %parallel_loop3A_785 = arith.minimumf %parallel_loop3A_780, %parallel_loop3A_737 : vector<16xf32>
      %parallel_loop3A_786 = arith.select %parallel_loop3A_782, %parallel_loop3A_738, %parallel_loop3A_781 : vector<16xi1>, vector<16xi32>
      %parallel_loop3A_787 = arith.cmpf oge, %parallel_loop3A_785, %parallel_loop3A_742 : vector<16xf32>
      %parallel_loop3A_788 = arith.maximumf %parallel_loop3A_785, %parallel_loop3A_742 : vector<16xf32>
      %parallel_loop3A_789 = arith.select %parallel_loop3A_787, %parallel_loop3A_786, %parallel_loop3A_743 : vector<16xi1>, vector<16xi32>
      %parallel_loop3A_790 = arith.minimumf %parallel_loop3A_785, %parallel_loop3A_742 : vector<16xf32>
      %parallel_loop3A_791 = arith.select %parallel_loop3A_787, %parallel_loop3A_743, %parallel_loop3A_786 : vector<16xi1>, vector<16xi32>
      %parallel_loop3A_792 = arith.cmpf oge, %parallel_loop3A_790, %parallel_loop3A_747 : vector<16xf32>
      %parallel_loop3A_793 = arith.maximumf %parallel_loop3A_790, %parallel_loop3A_747 : vector<16xf32>
      %parallel_loop3A_794 = arith.select %parallel_loop3A_792, %parallel_loop3A_791, %parallel_loop3A_748 : vector<16xi1>, vector<16xi32>
      %parallel_loop3A_795 = arith.constant 60 : i32
      %parallel_loop3A_796 = arith.index_cast %parallel_loop3A_795 : i32 to index
      %parallel_loop3A_797 = arith.index_cast %parallel_loop3A_10 : i32 to index
      %parallel_loop3A_798 = tpu.vector_load %arg5[%parallel_loop3A_796, %parallel_loop3A_797] {strides = array<i32>} : memref<64x1024xf32, #tpu.memory_space<vmem>>, vector<1x16xf32>,
      %parallel_loop3A_799 = vector.shape_cast %parallel_loop3A_798 : vector<1x16xf32> to vector<16xf32>
      %parallel_loop3A_800 = arith.select %parallel_loop3A_640, %parallel_loop3A_799, %broadcast_in_dim3A_5 : vector<16xi1>, vector<16xf32>
      %parallel_loop3A_801 = arith.constant 60 : i32
      %parallel_loop3A_802 = vector.broadcast %parallel_loop3A_801 : i32 to vector<16xi32>
      %parallel_loop3A_803 = arith.cmpf oge, %parallel_loop3A_800, %parallel_loop3A_758 : vector<16xf32>
      %parallel_loop3A_804 = arith.maximumf %parallel_loop3A_800, %parallel_loop3A_758 : vector<16xf32>
      %parallel_loop3A_805 = arith.select %parallel_loop3A_803, %parallel_loop3A_802, %parallel_loop3A_759 : vector<16xi1>, vector<16xi32>
      %parallel_loop3A_806 = arith.minimumf %parallel_loop3A_800, %parallel_loop3A_758 : vector<16xf32>
      %parallel_loop3A_807 = arith.select %parallel_loop3A_803, %parallel_loop3A_759, %parallel_loop3A_802 : vector<16xi1>, vector<16xi32>
      %parallel_loop3A_808 = arith.cmpf oge, %parallel_loop3A_806, %parallel_loop3A_763 : vector<16xf32>
      %parallel_loop3A_809 = arith.maximumf %parallel_loop3A_806, %parallel_loop3A_763 : vector<16xf32>
      %parallel_loop3A_810 = arith.select %parallel_loop3A_808, %parallel_loop3A_807, %parallel_loop3A_764 : vector<16xi1>, vector<16xi32>
      %parallel_loop3A_811 = arith.minimumf %parallel_loop3A_806, %parallel_loop3A_763 : vector<16xf32>
      %parallel_loop3A_812 = arith.select %parallel_loop3A_808, %parallel_loop3A_764, %parallel_loop3A_807 : vector<16xi1>, vector<16xi32>
      %parallel_loop3A_813 = arith.cmpf oge, %parallel_loop3A_811, %parallel_loop3A_768 : vector<16xf32>
      %parallel_loop3A_814 = arith.maximumf %parallel_loop3A_811, %parallel_loop3A_768 : vector<16xf32>
      %parallel_loop3A_815 = arith.select %parallel_loop3A_813, %parallel_loop3A_812, %parallel_loop3A_769 : vector<16xi1>, vector<16xi32>
      %parallel_loop3A_816 = arith.minimumf %parallel_loop3A_811, %parallel_loop3A_768 : vector<16xf32>
      %parallel_loop3A_817 = arith.select %parallel_loop3A_813, %parallel_loop3A_769, %parallel_loop3A_812 : vector<16xi1>, vector<16xi32>
      %parallel_loop3A_818 = arith.cmpf oge, %parallel_loop3A_816, %parallel_loop3A_773 : vector<16xf32>
      %parallel_loop3A_819 = arith.maximumf %parallel_loop3A_816, %parallel_loop3A_773 : vector<16xf32>
      %parallel_loop3A_820 = arith.select %parallel_loop3A_818, %parallel_loop3A_817, %parallel_loop3A_774 : vector<16xi1>, vector<16xi32>
      %parallel_loop3A_821 = arith.minimumf %parallel_loop3A_816, %parallel_loop3A_773 : vector<16xf32>
      %parallel_loop3A_822 = arith.select %parallel_loop3A_818, %parallel_loop3A_774, %parallel_loop3A_817 : vector<16xi1>, vector<16xi32>
      %parallel_loop3A_823 = arith.cmpf oge, %parallel_loop3A_821, %parallel_loop3A_778 : vector<16xf32>
      %parallel_loop3A_824 = arith.maximumf %parallel_loop3A_821, %parallel_loop3A_778 : vector<16xf32>
      %parallel_loop3A_825 = arith.select %parallel_loop3A_823, %parallel_loop3A_822, %parallel_loop3A_779 : vector<16xi1>, vector<16xi32>
      %parallel_loop3A_826 = arith.minimumf %parallel_loop3A_821, %parallel_loop3A_778 : vector<16xf32>
      %parallel_loop3A_827 = arith.select %parallel_loop3A_823, %parallel_loop3A_779, %parallel_loop3A_822 : vector<16xi1>, vector<16xi32>
      %parallel_loop3A_828 = arith.cmpf oge, %parallel_loop3A_826, %parallel_loop3A_783 : vector<16xf32>
      %parallel_loop3A_829 = arith.maximumf %parallel_loop3A_826, %parallel_loop3A_783 : vector<16xf32>
      %parallel_loop3A_830 = arith.select %parallel_loop3A_828, %parallel_loop3A_827, %parallel_loop3A_784 : vector<16xi1>, vector<16xi32>
      %parallel_loop3A_831 = arith.minimumf %parallel_loop3A_826, %parallel_loop3A_783 : vector<16xf32>
      %parallel_loop3A_832 = arith.select %parallel_loop3A_828, %parallel_loop3A_784, %parallel_loop3A_827 : vector<16xi1>, vector<16xi32>
      %parallel_loop3A_833 = arith.cmpf oge, %parallel_loop3A_831, %parallel_loop3A_788 : vector<16xf32>
      %parallel_loop3A_834 = arith.maximumf %parallel_loop3A_831, %parallel_loop3A_788 : vector<16xf32>
      %parallel_loop3A_835 = arith.select %parallel_loop3A_833, %parallel_loop3A_832, %parallel_loop3A_789 : vector<16xi1>, vector<16xi32>
      %parallel_loop3A_836 = arith.minimumf %parallel_loop3A_831, %parallel_loop3A_788 : vector<16xf32>
      %parallel_loop3A_837 = arith.select %parallel_loop3A_833, %parallel_loop3A_789, %parallel_loop3A_832 : vector<16xi1>, vector<16xi32>
      %parallel_loop3A_838 = arith.cmpf oge, %parallel_loop3A_836, %parallel_loop3A_793 : vector<16xf32>
      %parallel_loop3A_839 = arith.maximumf %parallel_loop3A_836, %parallel_loop3A_793 : vector<16xf32>
      %parallel_loop3A_840 = arith.select %parallel_loop3A_838, %parallel_loop3A_837, %parallel_loop3A_794 : vector<16xi1>, vector<16xi32>
      %parallel_loop3A_841 = arith.constant 59 : i32
      %parallel_loop3A_842 = arith.index_cast %parallel_loop3A_841 : i32 to index
      %parallel_loop3A_843 = arith.index_cast %parallel_loop3A_10 : i32 to index
      %parallel_loop3A_844 = tpu.vector_load %arg5[%parallel_loop3A_842, %parallel_loop3A_843] {strides = array<i32>} : memref<64x1024xf32, #tpu.memory_space<vmem>>, vector<1x16xf32>,
      %parallel_loop3A_845 = vector.shape_cast %parallel_loop3A_844 : vector<1x16xf32> to vector<16xf32>
      %parallel_loop3A_846 = arith.select %parallel_loop3A_640, %parallel_loop3A_845, %broadcast_in_dim3A_5 : vector<16xi1>, vector<16xf32>
      %parallel_loop3A_847 = arith.constant 59 : i32
      %parallel_loop3A_848 = vector.broadcast %parallel_loop3A_847 : i32 to vector<16xi32>
      %parallel_loop3A_849 = arith.cmpf oge, %parallel_loop3A_846, %parallel_loop3A_804 : vector<16xf32>
      %parallel_loop3A_850 = arith.maximumf %parallel_loop3A_846, %parallel_loop3A_804 : vector<16xf32>
      %parallel_loop3A_851 = arith.select %parallel_loop3A_849, %parallel_loop3A_848, %parallel_loop3A_805 : vector<16xi1>, vector<16xi32>
      %parallel_loop3A_852 = arith.minimumf %parallel_loop3A_846, %parallel_loop3A_804 : vector<16xf32>
      %parallel_loop3A_853 = arith.select %parallel_loop3A_849, %parallel_loop3A_805, %parallel_loop3A_848 : vector<16xi1>, vector<16xi32>
      %parallel_loop3A_854 = arith.cmpf oge, %parallel_loop3A_852, %parallel_loop3A_809 : vector<16xf32>
      %parallel_loop3A_855 = arith.maximumf %parallel_loop3A_852, %parallel_loop3A_809 : vector<16xf32>
      %parallel_loop3A_856 = arith.select %parallel_loop3A_854, %parallel_loop3A_853, %parallel_loop3A_810 : vector<16xi1>, vector<16xi32>
      %parallel_loop3A_857 = arith.minimumf %parallel_loop3A_852, %parallel_loop3A_809 : vector<16xf32>
      %parallel_loop3A_858 = arith.select %parallel_loop3A_854, %parallel_loop3A_810, %parallel_loop3A_853 : vector<16xi1>, vector<16xi32>
      %parallel_loop3A_859 = arith.cmpf oge, %parallel_loop3A_857, %parallel_loop3A_814 : vector<16xf32>
      %parallel_loop3A_860 = arith.maximumf %parallel_loop3A_857, %parallel_loop3A_814 : vector<16xf32>
      %parallel_loop3A_861 = arith.select %parallel_loop3A_859, %parallel_loop3A_858, %parallel_loop3A_815 : vector<16xi1>, vector<16xi32>
      %parallel_loop3A_862 = arith.minimumf %parallel_loop3A_857, %parallel_loop3A_814 : vector<16xf32>
      %parallel_loop3A_863 = arith.select %parallel_loop3A_859, %parallel_loop3A_815, %parallel_loop3A_858 : vector<16xi1>, vector<16xi32>
      %parallel_loop3A_864 = arith.cmpf oge, %parallel_loop3A_862, %parallel_loop3A_819 : vector<16xf32>
      %parallel_loop3A_865 = arith.maximumf %parallel_loop3A_862, %parallel_loop3A_819 : vector<16xf32>
      %parallel_loop3A_866 = arith.select %parallel_loop3A_864, %parallel_loop3A_863, %parallel_loop3A_820 : vector<16xi1>, vector<16xi32>
      %parallel_loop3A_867 = arith.minimumf %parallel_loop3A_862, %parallel_loop3A_819 : vector<16xf32>
      %parallel_loop3A_868 = arith.select %parallel_loop3A_864, %parallel_loop3A_820, %parallel_loop3A_863 : vector<16xi1>, vector<16xi32>
      %parallel_loop3A_869 = arith.cmpf oge, %parallel_loop3A_867, %parallel_loop3A_824 : vector<16xf32>
      %parallel_loop3A_870 = arith.maximumf %parallel_loop3A_867, %parallel_loop3A_824 : vector<16xf32>
      %parallel_loop3A_871 = arith.select %parallel_loop3A_869, %parallel_loop3A_868, %parallel_loop3A_825 : vector<16xi1>, vector<16xi32>
      %parallel_loop3A_872 = arith.minimumf %parallel_loop3A_867, %parallel_loop3A_824 : vector<16xf32>
      %parallel_loop3A_873 = arith.select %parallel_loop3A_869, %parallel_loop3A_825, %parallel_loop3A_868 : vector<16xi1>, vector<16xi32>
      %parallel_loop3A_874 = arith.cmpf oge, %parallel_loop3A_872, %parallel_loop3A_829 : vector<16xf32>
      %parallel_loop3A_875 = arith.maximumf %parallel_loop3A_872, %parallel_loop3A_829 : vector<16xf32>
      %parallel_loop3A_876 = arith.select %parallel_loop3A_874, %parallel_loop3A_873, %parallel_loop3A_830 : vector<16xi1>, vector<16xi32>
      %parallel_loop3A_877 = arith.minimumf %parallel_loop3A_872, %parallel_loop3A_829 : vector<16xf32>
      %parallel_loop3A_878 = arith.select %parallel_loop3A_874, %parallel_loop3A_830, %parallel_loop3A_873 : vector<16xi1>, vector<16xi32>
      %parallel_loop3A_879 = arith.cmpf oge, %parallel_loop3A_877, %parallel_loop3A_834 : vector<16xf32>
      %parallel_loop3A_880 = arith.maximumf %parallel_loop3A_877, %parallel_loop3A_834 : vector<16xf32>
      %parallel_loop3A_881 = arith.select %parallel_loop3A_879, %parallel_loop3A_878, %parallel_loop3A_835 : vector<16xi1>, vector<16xi32>
      %parallel_loop3A_882 = arith.minimumf %parallel_loop3A_877, %parallel_loop3A_834 : vector<16xf32>
      %parallel_loop3A_883 = arith.select %parallel_loop3A_879, %parallel_loop3A_835, %parallel_loop3A_878 : vector<16xi1>, vector<16xi32>
      %parallel_loop3A_884 = arith.cmpf oge, %parallel_loop3A_882, %parallel_loop3A_839 : vector<16xf32>
      %parallel_loop3A_885 = arith.maximumf %parallel_loop3A_882, %parallel_loop3A_839 : vector<16xf32>
      %parallel_loop3A_886 = arith.select %parallel_loop3A_884, %parallel_loop3A_883, %parallel_loop3A_840 : vector<16xi1>, vector<16xi32>
      %parallel_loop3A_887 = arith.constant 58 : i32
      %parallel_loop3A_888 = arith.index_cast %parallel_loop3A_887 : i32 to index
      %parallel_loop3A_889 = arith.index_cast %parallel_loop3A_10 : i32 to index
      %parallel_loop3A_890 = tpu.vector_load %arg5[%parallel_loop3A_888, %parallel_loop3A_889] {strides = array<i32>} : memref<64x1024xf32, #tpu.memory_space<vmem>>, vector<1x16xf32>,
      %parallel_loop3A_891 = vector.shape_cast %parallel_loop3A_890 : vector<1x16xf32> to vector<16xf32>
      %parallel_loop3A_892 = arith.select %parallel_loop3A_640, %parallel_loop3A_891, %broadcast_in_dim3A_5 : vector<16xi1>, vector<16xf32>
      %parallel_loop3A_893 = arith.constant 58 : i32
      %parallel_loop3A_894 = vector.broadcast %parallel_loop3A_893 : i32 to vector<16xi32>
      %parallel_loop3A_895 = arith.cmpf oge, %parallel_loop3A_892, %parallel_loop3A_850 : vector<16xf32>
      %parallel_loop3A_896 = arith.maximumf %parallel_loop3A_892, %parallel_loop3A_850 : vector<16xf32>
      %parallel_loop3A_897 = arith.select %parallel_loop3A_895, %parallel_loop3A_894, %parallel_loop3A_851 : vector<16xi1>, vector<16xi32>
      %parallel_loop3A_898 = arith.minimumf %parallel_loop3A_892, %parallel_loop3A_850 : vector<16xf32>
      %parallel_loop3A_899 = arith.select %parallel_loop3A_895, %parallel_loop3A_851, %parallel_loop3A_894 : vector<16xi1>, vector<16xi32>
      %parallel_loop3A_900 = arith.cmpf oge, %parallel_loop3A_898, %parallel_loop3A_855 : vector<16xf32>
      %parallel_loop3A_901 = arith.maximumf %parallel_loop3A_898, %parallel_loop3A_855 : vector<16xf32>
      %parallel_loop3A_902 = arith.select %parallel_loop3A_900, %parallel_loop3A_899, %parallel_loop3A_856 : vector<16xi1>, vector<16xi32>
      %parallel_loop3A_903 = arith.minimumf %parallel_loop3A_898, %parallel_loop3A_855 : vector<16xf32>
      %parallel_loop3A_904 = arith.select %parallel_loop3A_900, %parallel_loop3A_856, %parallel_loop3A_899 : vector<16xi1>, vector<16xi32>
      %parallel_loop3A_905 = arith.cmpf oge, %parallel_loop3A_903, %parallel_loop3A_860 : vector<16xf32>
      %parallel_loop3A_906 = arith.maximumf %parallel_loop3A_903, %parallel_loop3A_860 : vector<16xf32>
      %parallel_loop3A_907 = arith.select %parallel_loop3A_905, %parallel_loop3A_904, %parallel_loop3A_861 : vector<16xi1>, vector<16xi32>
      %parallel_loop3A_908 = arith.minimumf %parallel_loop3A_903, %parallel_loop3A_860 : vector<16xf32>
      %parallel_loop3A_909 = arith.select %parallel_loop3A_905, %parallel_loop3A_861, %parallel_loop3A_904 : vector<16xi1>, vector<16xi32>
      %parallel_loop3A_910 = arith.cmpf oge, %parallel_loop3A_908, %parallel_loop3A_865 : vector<16xf32>
      %parallel_loop3A_911 = arith.maximumf %parallel_loop3A_908, %parallel_loop3A_865 : vector<16xf32>
      %parallel_loop3A_912 = arith.select %parallel_loop3A_910, %parallel_loop3A_909, %parallel_loop3A_866 : vector<16xi1>, vector<16xi32>
      %parallel_loop3A_913 = arith.minimumf %parallel_loop3A_908, %parallel_loop3A_865 : vector<16xf32>
      %parallel_loop3A_914 = arith.select %parallel_loop3A_910, %parallel_loop3A_866, %parallel_loop3A_909 : vector<16xi1>, vector<16xi32>
      %parallel_loop3A_915 = arith.cmpf oge, %parallel_loop3A_913, %parallel_loop3A_870 : vector<16xf32>
      %parallel_loop3A_916 = arith.maximumf %parallel_loop3A_913, %parallel_loop3A_870 : vector<16xf32>
      %parallel_loop3A_917 = arith.select %parallel_loop3A_915, %parallel_loop3A_914, %parallel_loop3A_871 : vector<16xi1>, vector<16xi32>
      %parallel_loop3A_918 = arith.minimumf %parallel_loop3A_913, %parallel_loop3A_870 : vector<16xf32>
      %parallel_loop3A_919 = arith.select %parallel_loop3A_915, %parallel_loop3A_871, %parallel_loop3A_914 : vector<16xi1>, vector<16xi32>
      %parallel_loop3A_920 = arith.cmpf oge, %parallel_loop3A_918, %parallel_loop3A_875 : vector<16xf32>
      %parallel_loop3A_921 = arith.maximumf %parallel_loop3A_918, %parallel_loop3A_875 : vector<16xf32>
      %parallel_loop3A_922 = arith.select %parallel_loop3A_920, %parallel_loop3A_919, %parallel_loop3A_876 : vector<16xi1>, vector<16xi32>
      %parallel_loop3A_923 = arith.minimumf %parallel_loop3A_918, %parallel_loop3A_875 : vector<16xf32>
      %parallel_loop3A_924 = arith.select %parallel_loop3A_920, %parallel_loop3A_876, %parallel_loop3A_919 : vector<16xi1>, vector<16xi32>
      %parallel_loop3A_925 = arith.cmpf oge, %parallel_loop3A_923, %parallel_loop3A_880 : vector<16xf32>
      %parallel_loop3A_926 = arith.maximumf %parallel_loop3A_923, %parallel_loop3A_880 : vector<16xf32>
      %parallel_loop3A_927 = arith.select %parallel_loop3A_925, %parallel_loop3A_924, %parallel_loop3A_881 : vector<16xi1>, vector<16xi32>
      %parallel_loop3A_928 = arith.minimumf %parallel_loop3A_923, %parallel_loop3A_880 : vector<16xf32>
      %parallel_loop3A_929 = arith.select %parallel_loop3A_925, %parallel_loop3A_881, %parallel_loop3A_924 : vector<16xi1>, vector<16xi32>
      %parallel_loop3A_930 = arith.cmpf oge, %parallel_loop3A_928, %parallel_loop3A_885 : vector<16xf32>
      %parallel_loop3A_931 = arith.maximumf %parallel_loop3A_928, %parallel_loop3A_885 : vector<16xf32>
      %parallel_loop3A_932 = arith.select %parallel_loop3A_930, %parallel_loop3A_929, %parallel_loop3A_886 : vector<16xi1>, vector<16xi32>
      %parallel_loop3A_933 = arith.constant 57 : i32
      %parallel_loop3A_934 = arith.index_cast %parallel_loop3A_933 : i32 to index
      %parallel_loop3A_935 = arith.index_cast %parallel_loop3A_10 : i32 to index
      %parallel_loop3A_936 = tpu.vector_load %arg5[%parallel_loop3A_934, %parallel_loop3A_935] {strides = array<i32>} : memref<64x1024xf32, #tpu.memory_space<vmem>>, vector<1x16xf32>,
      %parallel_loop3A_937 = vector.shape_cast %parallel_loop3A_936 : vector<1x16xf32> to vector<16xf32>
      %parallel_loop3A_938 = arith.select %parallel_loop3A_640, %parallel_loop3A_937, %broadcast_in_dim3A_5 : vector<16xi1>, vector<16xf32>
      %parallel_loop3A_939 = arith.constant 57 : i32
      %parallel_loop3A_940 = vector.broadcast %parallel_loop3A_939 : i32 to vector<16xi32>
      %parallel_loop3A_941 = arith.cmpf oge, %parallel_loop3A_938, %parallel_loop3A_896 : vector<16xf32>
      %parallel_loop3A_942 = arith.maximumf %parallel_loop3A_938, %parallel_loop3A_896 : vector<16xf32>
      %parallel_loop3A_943 = arith.select %parallel_loop3A_941, %parallel_loop3A_940, %parallel_loop3A_897 : vector<16xi1>, vector<16xi32>
      %parallel_loop3A_944 = arith.minimumf %parallel_loop3A_938, %parallel_loop3A_896 : vector<16xf32>
      %parallel_loop3A_945 = arith.select %parallel_loop3A_941, %parallel_loop3A_897, %parallel_loop3A_940 : vector<16xi1>, vector<16xi32>
      %parallel_loop3A_946 = arith.cmpf oge, %parallel_loop3A_944, %parallel_loop3A_901 : vector<16xf32>
      %parallel_loop3A_947 = arith.maximumf %parallel_loop3A_944, %parallel_loop3A_901 : vector<16xf32>
      %parallel_loop3A_948 = arith.select %parallel_loop3A_946, %parallel_loop3A_945, %parallel_loop3A_902 : vector<16xi1>, vector<16xi32>
      %parallel_loop3A_949 = arith.minimumf %parallel_loop3A_944, %parallel_loop3A_901 : vector<16xf32>
      %parallel_loop3A_950 = arith.select %parallel_loop3A_946, %parallel_loop3A_902, %parallel_loop3A_945 : vector<16xi1>, vector<16xi32>
      %parallel_loop3A_951 = arith.cmpf oge, %parallel_loop3A_949, %parallel_loop3A_906 : vector<16xf32>
      %parallel_loop3A_952 = arith.maximumf %parallel_loop3A_949, %parallel_loop3A_906 : vector<16xf32>
      %parallel_loop3A_953 = arith.select %parallel_loop3A_951, %parallel_loop3A_950, %parallel_loop3A_907 : vector<16xi1>, vector<16xi32>
      %parallel_loop3A_954 = arith.minimumf %parallel_loop3A_949, %parallel_loop3A_906 : vector<16xf32>
      %parallel_loop3A_955 = arith.select %parallel_loop3A_951, %parallel_loop3A_907, %parallel_loop3A_950 : vector<16xi1>, vector<16xi32>
      %parallel_loop3A_956 = arith.cmpf oge, %parallel_loop3A_954, %parallel_loop3A_911 : vector<16xf32>
      %parallel_loop3A_957 = arith.maximumf %parallel_loop3A_954, %parallel_loop3A_911 : vector<16xf32>
      %parallel_loop3A_958 = arith.select %parallel_loop3A_956, %parallel_loop3A_955, %parallel_loop3A_912 : vector<16xi1>, vector<16xi32>
      %parallel_loop3A_959 = arith.minimumf %parallel_loop3A_954, %parallel_loop3A_911 : vector<16xf32>
      %parallel_loop3A_960 = arith.select %parallel_loop3A_956, %parallel_loop3A_912, %parallel_loop3A_955 : vector<16xi1>, vector<16xi32>
      %parallel_loop3A_961 = arith.cmpf oge, %parallel_loop3A_959, %parallel_loop3A_916 : vector<16xf32>
      %parallel_loop3A_962 = arith.maximumf %parallel_loop3A_959, %parallel_loop3A_916 : vector<16xf32>
      %parallel_loop3A_963 = arith.select %parallel_loop3A_961, %parallel_loop3A_960, %parallel_loop3A_917 : vector<16xi1>, vector<16xi32>
      %parallel_loop3A_964 = arith.minimumf %parallel_loop3A_959, %parallel_loop3A_916 : vector<16xf32>
      %parallel_loop3A_965 = arith.select %parallel_loop3A_961, %parallel_loop3A_917, %parallel_loop3A_960 : vector<16xi1>, vector<16xi32>
      %parallel_loop3A_966 = arith.cmpf oge, %parallel_loop3A_964, %parallel_loop3A_921 : vector<16xf32>
      %parallel_loop3A_967 = arith.maximumf %parallel_loop3A_964, %parallel_loop3A_921 : vector<16xf32>
      %parallel_loop3A_968 = arith.select %parallel_loop3A_966, %parallel_loop3A_965, %parallel_loop3A_922 : vector<16xi1>, vector<16xi32>
      %parallel_loop3A_969 = arith.minimumf %parallel_loop3A_964, %parallel_loop3A_921 : vector<16xf32>
      %parallel_loop3A_970 = arith.select %parallel_loop3A_966, %parallel_loop3A_922, %parallel_loop3A_965 : vector<16xi1>, vector<16xi32>
      %parallel_loop3A_971 = arith.cmpf oge, %parallel_loop3A_969, %parallel_loop3A_926 : vector<16xf32>
      %parallel_loop3A_972 = arith.maximumf %parallel_loop3A_969, %parallel_loop3A_926 : vector<16xf32>
      %parallel_loop3A_973 = arith.select %parallel_loop3A_971, %parallel_loop3A_970, %parallel_loop3A_927 : vector<16xi1>, vector<16xi32>
      %parallel_loop3A_974 = arith.minimumf %parallel_loop3A_969, %parallel_loop3A_926 : vector<16xf32>
      %parallel_loop3A_975 = arith.select %parallel_loop3A_971, %parallel_loop3A_927, %parallel_loop3A_970 : vector<16xi1>, vector<16xi32>
      %parallel_loop3A_976 = arith.cmpf oge, %parallel_loop3A_974, %parallel_loop3A_931 : vector<16xf32>
      %parallel_loop3A_977 = arith.maximumf %parallel_loop3A_974, %parallel_loop3A_931 : vector<16xf32>
      %parallel_loop3A_978 = arith.select %parallel_loop3A_976, %parallel_loop3A_975, %parallel_loop3A_932 : vector<16xi1>, vector<16xi32>
      %parallel_loop3A_979 = arith.constant 56 : i32
      %parallel_loop3A_980 = arith.index_cast %parallel_loop3A_979 : i32 to index
      %parallel_loop3A_981 = arith.index_cast %parallel_loop3A_10 : i32 to index
      %parallel_loop3A_982 = tpu.vector_load %arg5[%parallel_loop3A_980, %parallel_loop3A_981] {strides = array<i32>} : memref<64x1024xf32, #tpu.memory_space<vmem>>, vector<1x16xf32>,
      %parallel_loop3A_983 = vector.shape_cast %parallel_loop3A_982 : vector<1x16xf32> to vector<16xf32>
      %parallel_loop3A_984 = arith.select %parallel_loop3A_640, %parallel_loop3A_983, %broadcast_in_dim3A_5 : vector<16xi1>, vector<16xf32>
      %parallel_loop3A_985 = arith.constant 56 : i32
      %parallel_loop3A_986 = vector.broadcast %parallel_loop3A_985 : i32 to vector<16xi32>
      %parallel_loop3A_987 = arith.cmpf oge, %parallel_loop3A_984, %parallel_loop3A_942 : vector<16xf32>
      %parallel_loop3A_988 = arith.maximumf %parallel_loop3A_984, %parallel_loop3A_942 : vector<16xf32>
      %parallel_loop3A_989 = arith.select %parallel_loop3A_987, %parallel_loop3A_986, %parallel_loop3A_943 : vector<16xi1>, vector<16xi32>
      %parallel_loop3A_990 = arith.minimumf %parallel_loop3A_984, %parallel_loop3A_942 : vector<16xf32>
      %parallel_loop3A_991 = arith.select %parallel_loop3A_987, %parallel_loop3A_943, %parallel_loop3A_986 : vector<16xi1>, vector<16xi32>
      %parallel_loop3A_992 = arith.cmpf oge, %parallel_loop3A_990, %parallel_loop3A_947 : vector<16xf32>
      %parallel_loop3A_993 = arith.maximumf %parallel_loop3A_990, %parallel_loop3A_947 : vector<16xf32>
      %parallel_loop3A_994 = arith.select %parallel_loop3A_992, %parallel_loop3A_991, %parallel_loop3A_948 : vector<16xi1>, vector<16xi32>
      %parallel_loop3A_995 = arith.minimumf %parallel_loop3A_990, %parallel_loop3A_947 : vector<16xf32>
      %parallel_loop3A_996 = arith.select %parallel_loop3A_992, %parallel_loop3A_948, %parallel_loop3A_991 : vector<16xi1>, vector<16xi32>
      %parallel_loop3A_997 = arith.cmpf oge, %parallel_loop3A_995, %parallel_loop3A_952 : vector<16xf32>
      %parallel_loop3A_998 = arith.maximumf %parallel_loop3A_995, %parallel_loop3A_952 : vector<16xf32>
      %parallel_loop3A_999 = arith.select %parallel_loop3A_997, %parallel_loop3A_996, %parallel_loop3A_953 : vector<16xi1>, vector<16xi32>
      %parallel_loop3A_1000 = arith.minimumf %parallel_loop3A_995, %parallel_loop3A_952 : vector<16xf32>
      %parallel_loop3A_1001 = arith.select %parallel_loop3A_997, %parallel_loop3A_953, %parallel_loop3A_996 : vector<16xi1>, vector<16xi32>
      %parallel_loop3A_1002 = arith.cmpf oge, %parallel_loop3A_1000, %parallel_loop3A_957 : vector<16xf32>
      %parallel_loop3A_1003 = arith.maximumf %parallel_loop3A_1000, %parallel_loop3A_957 : vector<16xf32>
      %parallel_loop3A_1004 = arith.select %parallel_loop3A_1002, %parallel_loop3A_1001, %parallel_loop3A_958 : vector<16xi1>, vector<16xi32>
      %parallel_loop3A_1005 = arith.minimumf %parallel_loop3A_1000, %parallel_loop3A_957 : vector<16xf32>
      %parallel_loop3A_1006 = arith.select %parallel_loop3A_1002, %parallel_loop3A_958, %parallel_loop3A_1001 : vector<16xi1>, vector<16xi32>
      %parallel_loop3A_1007 = arith.cmpf oge, %parallel_loop3A_1005, %parallel_loop3A_962 : vector<16xf32>
      %parallel_loop3A_1008 = arith.maximumf %parallel_loop3A_1005, %parallel_loop3A_962 : vector<16xf32>
      %parallel_loop3A_1009 = arith.select %parallel_loop3A_1007, %parallel_loop3A_1006, %parallel_loop3A_963 : vector<16xi1>, vector<16xi32>
      %parallel_loop3A_1010 = arith.minimumf %parallel_loop3A_1005, %parallel_loop3A_962 : vector<16xf32>
      %parallel_loop3A_1011 = arith.select %parallel_loop3A_1007, %parallel_loop3A_963, %parallel_loop3A_1006 : vector<16xi1>, vector<16xi32>
      %parallel_loop3A_1012 = arith.cmpf oge, %parallel_loop3A_1010, %parallel_loop3A_967 : vector<16xf32>
      %parallel_loop3A_1013 = arith.maximumf %parallel_loop3A_1010, %parallel_loop3A_967 : vector<16xf32>
      %parallel_loop3A_1014 = arith.select %parallel_loop3A_1012, %parallel_loop3A_1011, %parallel_loop3A_968 : vector<16xi1>, vector<16xi32>
      %parallel_loop3A_1015 = arith.minimumf %parallel_loop3A_1010, %parallel_loop3A_967 : vector<16xf32>
      %parallel_loop3A_1016 = arith.select %parallel_loop3A_1012, %parallel_loop3A_968, %parallel_loop3A_1011 : vector<16xi1>, vector<16xi32>
      %parallel_loop3A_1017 = arith.cmpf oge, %parallel_loop3A_1015, %parallel_loop3A_972 : vector<16xf32>
      %parallel_loop3A_1018 = arith.maximumf %parallel_loop3A_1015, %parallel_loop3A_972 : vector<16xf32>
      %parallel_loop3A_1019 = arith.select %parallel_loop3A_1017, %parallel_loop3A_1016, %parallel_loop3A_973 : vector<16xi1>, vector<16xi32>
      %parallel_loop3A_1020 = arith.minimumf %parallel_loop3A_1015, %parallel_loop3A_972 : vector<16xf32>
      %parallel_loop3A_1021 = arith.select %parallel_loop3A_1017, %parallel_loop3A_973, %parallel_loop3A_1016 : vector<16xi1>, vector<16xi32>
      %parallel_loop3A_1022 = arith.cmpf oge, %parallel_loop3A_1020, %parallel_loop3A_977 : vector<16xf32>
      %parallel_loop3A_1023 = arith.maximumf %parallel_loop3A_1020, %parallel_loop3A_977 : vector<16xf32>
      %parallel_loop3A_1024 = arith.select %parallel_loop3A_1022, %parallel_loop3A_1021, %parallel_loop3A_978 : vector<16xi1>, vector<16xi32>
      %parallel_loop3A_1025 = arith.constant 55 : i32
      %parallel_loop3A_1026 = arith.index_cast %parallel_loop3A_1025 : i32 to index
      %parallel_loop3A_1027 = arith.index_cast %parallel_loop3A_10 : i32 to index
      %parallel_loop3A_1028 = tpu.vector_load %arg5[%parallel_loop3A_1026, %parallel_loop3A_1027] {strides = array<i32>} : memref<64x1024xf32, #tpu.memory_space<vmem>>, vector<1x16xf32>,
      %parallel_loop3A_1029 = vector.shape_cast %parallel_loop3A_1028 : vector<1x16xf32> to vector<16xf32>
      %parallel_loop3A_1030 = arith.select %parallel_loop3A_639, %parallel_loop3A_1029, %broadcast_in_dim3A_5 : vector<16xi1>, vector<16xf32>
      %parallel_loop3A_1031 = arith.constant 55 : i32
      %parallel_loop3A_1032 = vector.broadcast %parallel_loop3A_1031 : i32 to vector<16xi32>
      %parallel_loop3A_1033 = arith.cmpf oge, %parallel_loop3A_1030, %parallel_loop3A_988 : vector<16xf32>
      %parallel_loop3A_1034 = arith.maximumf %parallel_loop3A_1030, %parallel_loop3A_988 : vector<16xf32>
      %parallel_loop3A_1035 = arith.select %parallel_loop3A_1033, %parallel_loop3A_1032, %parallel_loop3A_989 : vector<16xi1>, vector<16xi32>
      %parallel_loop3A_1036 = arith.minimumf %parallel_loop3A_1030, %parallel_loop3A_988 : vector<16xf32>
      %parallel_loop3A_1037 = arith.select %parallel_loop3A_1033, %parallel_loop3A_989, %parallel_loop3A_1032 : vector<16xi1>, vector<16xi32>
      %parallel_loop3A_1038 = arith.cmpf oge, %parallel_loop3A_1036, %parallel_loop3A_993 : vector<16xf32>
      %parallel_loop3A_1039 = arith.maximumf %parallel_loop3A_1036, %parallel_loop3A_993 : vector<16xf32>
      %parallel_loop3A_1040 = arith.select %parallel_loop3A_1038, %parallel_loop3A_1037, %parallel_loop3A_994 : vector<16xi1>, vector<16xi32>
      %parallel_loop3A_1041 = arith.minimumf %parallel_loop3A_1036, %parallel_loop3A_993 : vector<16xf32>
      %parallel_loop3A_1042 = arith.select %parallel_loop3A_1038, %parallel_loop3A_994, %parallel_loop3A_1037 : vector<16xi1>, vector<16xi32>
      %parallel_loop3A_1043 = arith.cmpf oge, %parallel_loop3A_1041, %parallel_loop3A_998 : vector<16xf32>
      %parallel_loop3A_1044 = arith.maximumf %parallel_loop3A_1041, %parallel_loop3A_998 : vector<16xf32>
      %parallel_loop3A_1045 = arith.select %parallel_loop3A_1043, %parallel_loop3A_1042, %parallel_loop3A_999 : vector<16xi1>, vector<16xi32>
      %parallel_loop3A_1046 = arith.minimumf %parallel_loop3A_1041, %parallel_loop3A_998 : vector<16xf32>
      %parallel_loop3A_1047 = arith.select %parallel_loop3A_1043, %parallel_loop3A_999, %parallel_loop3A_1042 : vector<16xi1>, vector<16xi32>
      %parallel_loop3A_1048 = arith.cmpf oge, %parallel_loop3A_1046, %parallel_loop3A_1003 : vector<16xf32>
      %parallel_loop3A_1049 = arith.maximumf %parallel_loop3A_1046, %parallel_loop3A_1003 : vector<16xf32>
      %parallel_loop3A_1050 = arith.select %parallel_loop3A_1048, %parallel_loop3A_1047, %parallel_loop3A_1004 : vector<16xi1>, vector<16xi32>
      %parallel_loop3A_1051 = arith.minimumf %parallel_loop3A_1046, %parallel_loop3A_1003 : vector<16xf32>
      %parallel_loop3A_1052 = arith.select %parallel_loop3A_1048, %parallel_loop3A_1004, %parallel_loop3A_1047 : vector<16xi1>, vector<16xi32>
      %parallel_loop3A_1053 = arith.cmpf oge, %parallel_loop3A_1051, %parallel_loop3A_1008 : vector<16xf32>
      %parallel_loop3A_1054 = arith.maximumf %parallel_loop3A_1051, %parallel_loop3A_1008 : vector<16xf32>
      %parallel_loop3A_1055 = arith.select %parallel_loop3A_1053, %parallel_loop3A_1052, %parallel_loop3A_1009 : vector<16xi1>, vector<16xi32>
      %parallel_loop3A_1056 = arith.minimumf %parallel_loop3A_1051, %parallel_loop3A_1008 : vector<16xf32>
      %parallel_loop3A_1057 = arith.select %parallel_loop3A_1053, %parallel_loop3A_1009, %parallel_loop3A_1052 : vector<16xi1>, vector<16xi32>
      %parallel_loop3A_1058 = arith.cmpf oge, %parallel_loop3A_1056, %parallel_loop3A_1013 : vector<16xf32>
      %parallel_loop3A_1059 = arith.maximumf %parallel_loop3A_1056, %parallel_loop3A_1013 : vector<16xf32>
      %parallel_loop3A_1060 = arith.select %parallel_loop3A_1058, %parallel_loop3A_1057, %parallel_loop3A_1014 : vector<16xi1>, vector<16xi32>
      %parallel_loop3A_1061 = arith.minimumf %parallel_loop3A_1056, %parallel_loop3A_1013 : vector<16xf32>
      %parallel_loop3A_1062 = arith.select %parallel_loop3A_1058, %parallel_loop3A_1014, %parallel_loop3A_1057 : vector<16xi1>, vector<16xi32>
      %parallel_loop3A_1063 = arith.cmpf oge, %parallel_loop3A_1061, %parallel_loop3A_1018 : vector<16xf32>
      %parallel_loop3A_1064 = arith.maximumf %parallel_loop3A_1061, %parallel_loop3A_1018 : vector<16xf32>
      %parallel_loop3A_1065 = arith.select %parallel_loop3A_1063, %parallel_loop3A_1062, %parallel_loop3A_1019 : vector<16xi1>, vector<16xi32>
      %parallel_loop3A_1066 = arith.minimumf %parallel_loop3A_1061, %parallel_loop3A_1018 : vector<16xf32>
      %parallel_loop3A_1067 = arith.select %parallel_loop3A_1063, %parallel_loop3A_1019, %parallel_loop3A_1062 : vector<16xi1>, vector<16xi32>
      %parallel_loop3A_1068 = arith.cmpf oge, %parallel_loop3A_1066, %parallel_loop3A_1023 : vector<16xf32>
      %parallel_loop3A_1069 = arith.maximumf %parallel_loop3A_1066, %parallel_loop3A_1023 : vector<16xf32>
      %parallel_loop3A_1070 = arith.select %parallel_loop3A_1068, %parallel_loop3A_1067, %parallel_loop3A_1024 : vector<16xi1>, vector<16xi32>
      %parallel_loop3A_1071 = arith.constant 54 : i32
      %parallel_loop3A_1072 = arith.index_cast %parallel_loop3A_1071 : i32 to index
      %parallel_loop3A_1073 = arith.index_cast %parallel_loop3A_10 : i32 to index
      %parallel_loop3A_1074 = tpu.vector_load %arg5[%parallel_loop3A_1072, %parallel_loop3A_1073] {strides = array<i32>} : memref<64x1024xf32, #tpu.memory_space<vmem>>, vector<1x16xf32>,
      %parallel_loop3A_1075 = vector.shape_cast %parallel_loop3A_1074 : vector<1x16xf32> to vector<16xf32>
      %parallel_loop3A_1076 = arith.select %parallel_loop3A_639, %parallel_loop3A_1075, %broadcast_in_dim3A_5 : vector<16xi1>, vector<16xf32>
      %parallel_loop3A_1077 = arith.constant 54 : i32
      %parallel_loop3A_1078 = vector.broadcast %parallel_loop3A_1077 : i32 to vector<16xi32>
      %parallel_loop3A_1079 = arith.cmpf oge, %parallel_loop3A_1076, %parallel_loop3A_1034 : vector<16xf32>
      %parallel_loop3A_1080 = arith.maximumf %parallel_loop3A_1076, %parallel_loop3A_1034 : vector<16xf32>
      %parallel_loop3A_1081 = arith.select %parallel_loop3A_1079, %parallel_loop3A_1078, %parallel_loop3A_1035 : vector<16xi1>, vector<16xi32>
      %parallel_loop3A_1082 = arith.minimumf %parallel_loop3A_1076, %parallel_loop3A_1034 : vector<16xf32>
      %parallel_loop3A_1083 = arith.select %parallel_loop3A_1079, %parallel_loop3A_1035, %parallel_loop3A_1078 : vector<16xi1>, vector<16xi32>
      %parallel_loop3A_1084 = arith.cmpf oge, %parallel_loop3A_1082, %parallel_loop3A_1039 : vector<16xf32>
      %parallel_loop3A_1085 = arith.maximumf %parallel_loop3A_1082, %parallel_loop3A_1039 : vector<16xf32>
      %parallel_loop3A_1086 = arith.select %parallel_loop3A_1084, %parallel_loop3A_1083, %parallel_loop3A_1040 : vector<16xi1>, vector<16xi32>
      %parallel_loop3A_1087 = arith.minimumf %parallel_loop3A_1082, %parallel_loop3A_1039 : vector<16xf32>
      %parallel_loop3A_1088 = arith.select %parallel_loop3A_1084, %parallel_loop3A_1040, %parallel_loop3A_1083 : vector<16xi1>, vector<16xi32>
      %parallel_loop3A_1089 = arith.cmpf oge, %parallel_loop3A_1087, %parallel_loop3A_1044 : vector<16xf32>
      %parallel_loop3A_1090 = arith.maximumf %parallel_loop3A_1087, %parallel_loop3A_1044 : vector<16xf32>
      %parallel_loop3A_1091 = arith.select %parallel_loop3A_1089, %parallel_loop3A_1088, %parallel_loop3A_1045 : vector<16xi1>, vector<16xi32>
      %parallel_loop3A_1092 = arith.minimumf %parallel_loop3A_1087, %parallel_loop3A_1044 : vector<16xf32>
      %parallel_loop3A_1093 = arith.select %parallel_loop3A_1089, %parallel_loop3A_1045, %parallel_loop3A_1088 : vector<16xi1>, vector<16xi32>
      %parallel_loop3A_1094 = arith.cmpf oge, %parallel_loop3A_1092, %parallel_loop3A_1049 : vector<16xf32>
      %parallel_loop3A_1095 = arith.maximumf %parallel_loop3A_1092, %parallel_loop3A_1049 : vector<16xf32>
      %parallel_loop3A_1096 = arith.select %parallel_loop3A_1094, %parallel_loop3A_1093, %parallel_loop3A_1050 : vector<16xi1>, vector<16xi32>
      %parallel_loop3A_1097 = arith.minimumf %parallel_loop3A_1092, %parallel_loop3A_1049 : vector<16xf32>
      %parallel_loop3A_1098 = arith.select %parallel_loop3A_1094, %parallel_loop3A_1050, %parallel_loop3A_1093 : vector<16xi1>, vector<16xi32>
      %parallel_loop3A_1099 = arith.cmpf oge, %parallel_loop3A_1097, %parallel_loop3A_1054 : vector<16xf32>
      %parallel_loop3A_1100 = arith.maximumf %parallel_loop3A_1097, %parallel_loop3A_1054 : vector<16xf32>
      %parallel_loop3A_1101 = arith.select %parallel_loop3A_1099, %parallel_loop3A_1098, %parallel_loop3A_1055 : vector<16xi1>, vector<16xi32>
      %parallel_loop3A_1102 = arith.minimumf %parallel_loop3A_1097, %parallel_loop3A_1054 : vector<16xf32>
      %parallel_loop3A_1103 = arith.select %parallel_loop3A_1099, %parallel_loop3A_1055, %parallel_loop3A_1098 : vector<16xi1>, vector<16xi32>
      %parallel_loop3A_1104 = arith.cmpf oge, %parallel_loop3A_1102, %parallel_loop3A_1059 : vector<16xf32>
      %parallel_loop3A_1105 = arith.maximumf %parallel_loop3A_1102, %parallel_loop3A_1059 : vector<16xf32>
      %parallel_loop3A_1106 = arith.select %parallel_loop3A_1104, %parallel_loop3A_1103, %parallel_loop3A_1060 : vector<16xi1>, vector<16xi32>
      %parallel_loop3A_1107 = arith.minimumf %parallel_loop3A_1102, %parallel_loop3A_1059 : vector<16xf32>
      %parallel_loop3A_1108 = arith.select %parallel_loop3A_1104, %parallel_loop3A_1060, %parallel_loop3A_1103 : vector<16xi1>, vector<16xi32>
      %parallel_loop3A_1109 = arith.cmpf oge, %parallel_loop3A_1107, %parallel_loop3A_1064 : vector<16xf32>
      %parallel_loop3A_1110 = arith.maximumf %parallel_loop3A_1107, %parallel_loop3A_1064 : vector<16xf32>
      %parallel_loop3A_1111 = arith.select %parallel_loop3A_1109, %parallel_loop3A_1108, %parallel_loop3A_1065 : vector<16xi1>, vector<16xi32>
      %parallel_loop3A_1112 = arith.minimumf %parallel_loop3A_1107, %parallel_loop3A_1064 : vector<16xf32>
      %parallel_loop3A_1113 = arith.select %parallel_loop3A_1109, %parallel_loop3A_1065, %parallel_loop3A_1108 : vector<16xi1>, vector<16xi32>
      %parallel_loop3A_1114 = arith.cmpf oge, %parallel_loop3A_1112, %parallel_loop3A_1069 : vector<16xf32>
      %parallel_loop3A_1115 = arith.maximumf %parallel_loop3A_1112, %parallel_loop3A_1069 : vector<16xf32>
      %parallel_loop3A_1116 = arith.select %parallel_loop3A_1114, %parallel_loop3A_1113, %parallel_loop3A_1070 : vector<16xi1>, vector<16xi32>
      %parallel_loop3A_1117 = arith.constant 53 : i32
      %parallel_loop3A_1118 = arith.index_cast %parallel_loop3A_1117 : i32 to index
      %parallel_loop3A_1119 = arith.index_cast %parallel_loop3A_10 : i32 to index
      %parallel_loop3A_1120 = tpu.vector_load %arg5[%parallel_loop3A_1118, %parallel_loop3A_1119] {strides = array<i32>} : memref<64x1024xf32, #tpu.memory_space<vmem>>, vector<1x16xf32>,
      %parallel_loop3A_1121 = vector.shape_cast %parallel_loop3A_1120 : vector<1x16xf32> to vector<16xf32>
      %parallel_loop3A_1122 = arith.select %parallel_loop3A_639, %parallel_loop3A_1121, %broadcast_in_dim3A_5 : vector<16xi1>, vector<16xf32>
      %parallel_loop3A_1123 = arith.constant 53 : i32
      %parallel_loop3A_1124 = vector.broadcast %parallel_loop3A_1123 : i32 to vector<16xi32>
      %parallel_loop3A_1125 = arith.cmpf oge, %parallel_loop3A_1122, %parallel_loop3A_1080 : vector<16xf32>
      %parallel_loop3A_1126 = arith.maximumf %parallel_loop3A_1122, %parallel_loop3A_1080 : vector<16xf32>
      %parallel_loop3A_1127 = arith.select %parallel_loop3A_1125, %parallel_loop3A_1124, %parallel_loop3A_1081 : vector<16xi1>, vector<16xi32>
      %parallel_loop3A_1128 = arith.minimumf %parallel_loop3A_1122, %parallel_loop3A_1080 : vector<16xf32>
      %parallel_loop3A_1129 = arith.select %parallel_loop3A_1125, %parallel_loop3A_1081, %parallel_loop3A_1124 : vector<16xi1>, vector<16xi32>
      %parallel_loop3A_1130 = arith.cmpf oge, %parallel_loop3A_1128, %parallel_loop3A_1085 : vector<16xf32>
      %parallel_loop3A_1131 = arith.maximumf %parallel_loop3A_1128, %parallel_loop3A_1085 : vector<16xf32>
      %parallel_loop3A_1132 = arith.select %parallel_loop3A_1130, %parallel_loop3A_1129, %parallel_loop3A_1086 : vector<16xi1>, vector<16xi32>
      %parallel_loop3A_1133 = arith.minimumf %parallel_loop3A_1128, %parallel_loop3A_1085 : vector<16xf32>
      %parallel_loop3A_1134 = arith.select %parallel_loop3A_1130, %parallel_loop3A_1086, %parallel_loop3A_1129 : vector<16xi1>, vector<16xi32>
      %parallel_loop3A_1135 = arith.cmpf oge, %parallel_loop3A_1133, %parallel_loop3A_1090 : vector<16xf32>
      %parallel_loop3A_1136 = arith.maximumf %parallel_loop3A_1133, %parallel_loop3A_1090 : vector<16xf32>
      %parallel_loop3A_1137 = arith.select %parallel_loop3A_1135, %parallel_loop3A_1134, %parallel_loop3A_1091 : vector<16xi1>, vector<16xi32>
      %parallel_loop3A_1138 = arith.minimumf %parallel_loop3A_1133, %parallel_loop3A_1090 : vector<16xf32>
      %parallel_loop3A_1139 = arith.select %parallel_loop3A_1135, %parallel_loop3A_1091, %parallel_loop3A_1134 : vector<16xi1>, vector<16xi32>
      %parallel_loop3A_1140 = arith.cmpf oge, %parallel_loop3A_1138, %parallel_loop3A_1095 : vector<16xf32>
      %parallel_loop3A_1141 = arith.maximumf %parallel_loop3A_1138, %parallel_loop3A_1095 : vector<16xf32>
      %parallel_loop3A_1142 = arith.select %parallel_loop3A_1140, %parallel_loop3A_1139, %parallel_loop3A_1096 : vector<16xi1>, vector<16xi32>
      %parallel_loop3A_1143 = arith.minimumf %parallel_loop3A_1138, %parallel_loop3A_1095 : vector<16xf32>
      %parallel_loop3A_1144 = arith.select %parallel_loop3A_1140, %parallel_loop3A_1096, %parallel_loop3A_1139 : vector<16xi1>, vector<16xi32>
      %parallel_loop3A_1145 = arith.cmpf oge, %parallel_loop3A_1143, %parallel_loop3A_1100 : vector<16xf32>
      %parallel_loop3A_1146 = arith.maximumf %parallel_loop3A_1143, %parallel_loop3A_1100 : vector<16xf32>
      %parallel_loop3A_1147 = arith.select %parallel_loop3A_1145, %parallel_loop3A_1144, %parallel_loop3A_1101 : vector<16xi1>, vector<16xi32>
      %parallel_loop3A_1148 = arith.minimumf %parallel_loop3A_1143, %parallel_loop3A_1100 : vector<16xf32>
      %parallel_loop3A_1149 = arith.select %parallel_loop3A_1145, %parallel_loop3A_1101, %parallel_loop3A_1144 : vector<16xi1>, vector<16xi32>
      %parallel_loop3A_1150 = arith.cmpf oge, %parallel_loop3A_1148, %parallel_loop3A_1105 : vector<16xf32>
      %parallel_loop3A_1151 = arith.maximumf %parallel_loop3A_1148, %parallel_loop3A_1105 : vector<16xf32>
      %parallel_loop3A_1152 = arith.select %parallel_loop3A_1150, %parallel_loop3A_1149, %parallel_loop3A_1106 : vector<16xi1>, vector<16xi32>
      %parallel_loop3A_1153 = arith.minimumf %parallel_loop3A_1148, %parallel_loop3A_1105 : vector<16xf32>
      %parallel_loop3A_1154 = arith.select %parallel_loop3A_1150, %parallel_loop3A_1106, %parallel_loop3A_1149 : vector<16xi1>, vector<16xi32>
      %parallel_loop3A_1155 = arith.cmpf oge, %parallel_loop3A_1153, %parallel_loop3A_1110 : vector<16xf32>
      %parallel_loop3A_1156 = arith.maximumf %parallel_loop3A_1153, %parallel_loop3A_1110 : vector<16xf32>
      %parallel_loop3A_1157 = arith.select %parallel_loop3A_1155, %parallel_loop3A_1154, %parallel_loop3A_1111 : vector<16xi1>, vector<16xi32>
      %parallel_loop3A_1158 = arith.minimumf %parallel_loop3A_1153, %parallel_loop3A_1110 : vector<16xf32>
      %parallel_loop3A_1159 = arith.select %parallel_loop3A_1155, %parallel_loop3A_1111, %parallel_loop3A_1154 : vector<16xi1>, vector<16xi32>
      %parallel_loop3A_1160 = arith.cmpf oge, %parallel_loop3A_1158, %parallel_loop3A_1115 : vector<16xf32>
      %parallel_loop3A_1161 = arith.maximumf %parallel_loop3A_1158, %parallel_loop3A_1115 : vector<16xf32>
      %parallel_loop3A_1162 = arith.select %parallel_loop3A_1160, %parallel_loop3A_1159, %parallel_loop3A_1116 : vector<16xi1>, vector<16xi32>
      %parallel_loop3A_1163 = arith.constant 52 : i32
      %parallel_loop3A_1164 = arith.index_cast %parallel_loop3A_1163 : i32 to index
      %parallel_loop3A_1165 = arith.index_cast %parallel_loop3A_10 : i32 to index
      %parallel_loop3A_1166 = tpu.vector_load %arg5[%parallel_loop3A_1164, %parallel_loop3A_1165] {strides = array<i32>} : memref<64x1024xf32, #tpu.memory_space<vmem>>, vector<1x16xf32>,
      %parallel_loop3A_1167 = vector.shape_cast %parallel_loop3A_1166 : vector<1x16xf32> to vector<16xf32>
      %parallel_loop3A_1168 = arith.select %parallel_loop3A_639, %parallel_loop3A_1167, %broadcast_in_dim3A_5 : vector<16xi1>, vector<16xf32>
      %parallel_loop3A_1169 = arith.constant 52 : i32
      %parallel_loop3A_1170 = vector.broadcast %parallel_loop3A_1169 : i32 to vector<16xi32>
      %parallel_loop3A_1171 = arith.cmpf oge, %parallel_loop3A_1168, %parallel_loop3A_1126 : vector<16xf32>
      %parallel_loop3A_1172 = arith.maximumf %parallel_loop3A_1168, %parallel_loop3A_1126 : vector<16xf32>
      %parallel_loop3A_1173 = arith.select %parallel_loop3A_1171, %parallel_loop3A_1170, %parallel_loop3A_1127 : vector<16xi1>, vector<16xi32>
      %parallel_loop3A_1174 = arith.minimumf %parallel_loop3A_1168, %parallel_loop3A_1126 : vector<16xf32>
      %parallel_loop3A_1175 = arith.select %parallel_loop3A_1171, %parallel_loop3A_1127, %parallel_loop3A_1170 : vector<16xi1>, vector<16xi32>
      %parallel_loop3A_1176 = arith.cmpf oge, %parallel_loop3A_1174, %parallel_loop3A_1131 : vector<16xf32>
      %parallel_loop3A_1177 = arith.maximumf %parallel_loop3A_1174, %parallel_loop3A_1131 : vector<16xf32>
      %parallel_loop3A_1178 = arith.select %parallel_loop3A_1176, %parallel_loop3A_1175, %parallel_loop3A_1132 : vector<16xi1>, vector<16xi32>
      %parallel_loop3A_1179 = arith.minimumf %parallel_loop3A_1174, %parallel_loop3A_1131 : vector<16xf32>
      %parallel_loop3A_1180 = arith.select %parallel_loop3A_1176, %parallel_loop3A_1132, %parallel_loop3A_1175 : vector<16xi1>, vector<16xi32>
      %parallel_loop3A_1181 = arith.cmpf oge, %parallel_loop3A_1179, %parallel_loop3A_1136 : vector<16xf32>
      %parallel_loop3A_1182 = arith.maximumf %parallel_loop3A_1179, %parallel_loop3A_1136 : vector<16xf32>
      %parallel_loop3A_1183 = arith.select %parallel_loop3A_1181, %parallel_loop3A_1180, %parallel_loop3A_1137 : vector<16xi1>, vector<16xi32>
      %parallel_loop3A_1184 = arith.minimumf %parallel_loop3A_1179, %parallel_loop3A_1136 : vector<16xf32>
      %parallel_loop3A_1185 = arith.select %parallel_loop3A_1181, %parallel_loop3A_1137, %parallel_loop3A_1180 : vector<16xi1>, vector<16xi32>
      %parallel_loop3A_1186 = arith.cmpf oge, %parallel_loop3A_1184, %parallel_loop3A_1141 : vector<16xf32>
      %parallel_loop3A_1187 = arith.maximumf %parallel_loop3A_1184, %parallel_loop3A_1141 : vector<16xf32>
      %parallel_loop3A_1188 = arith.select %parallel_loop3A_1186, %parallel_loop3A_1185, %parallel_loop3A_1142 : vector<16xi1>, vector<16xi32>
      %parallel_loop3A_1189 = arith.minimumf %parallel_loop3A_1184, %parallel_loop3A_1141 : vector<16xf32>
      %parallel_loop3A_1190 = arith.select %parallel_loop3A_1186, %parallel_loop3A_1142, %parallel_loop3A_1185 : vector<16xi1>, vector<16xi32>
      %parallel_loop3A_1191 = arith.cmpf oge, %parallel_loop3A_1189, %parallel_loop3A_1146 : vector<16xf32>
      %parallel_loop3A_1192 = arith.maximumf %parallel_loop3A_1189, %parallel_loop3A_1146 : vector<16xf32>
      %parallel_loop3A_1193 = arith.select %parallel_loop3A_1191, %parallel_loop3A_1190, %parallel_loop3A_1147 : vector<16xi1>, vector<16xi32>
      %parallel_loop3A_1194 = arith.minimumf %parallel_loop3A_1189, %parallel_loop3A_1146 : vector<16xf32>
      %parallel_loop3A_1195 = arith.select %parallel_loop3A_1191, %parallel_loop3A_1147, %parallel_loop3A_1190 : vector<16xi1>, vector<16xi32>
      %parallel_loop3A_1196 = arith.cmpf oge, %parallel_loop3A_1194, %parallel_loop3A_1151 : vector<16xf32>
      %parallel_loop3A_1197 = arith.maximumf %parallel_loop3A_1194, %parallel_loop3A_1151 : vector<16xf32>
      %parallel_loop3A_1198 = arith.select %parallel_loop3A_1196, %parallel_loop3A_1195, %parallel_loop3A_1152 : vector<16xi1>, vector<16xi32>
      %parallel_loop3A_1199 = arith.minimumf %parallel_loop3A_1194, %parallel_loop3A_1151 : vector<16xf32>
      %parallel_loop3A_1200 = arith.select %parallel_loop3A_1196, %parallel_loop3A_1152, %parallel_loop3A_1195 : vector<16xi1>, vector<16xi32>
      %parallel_loop3A_1201 = arith.cmpf oge, %parallel_loop3A_1199, %parallel_loop3A_1156 : vector<16xf32>
      %parallel_loop3A_1202 = arith.maximumf %parallel_loop3A_1199, %parallel_loop3A_1156 : vector<16xf32>
      %parallel_loop3A_1203 = arith.select %parallel_loop3A_1201, %parallel_loop3A_1200, %parallel_loop3A_1157 : vector<16xi1>, vector<16xi32>
      %parallel_loop3A_1204 = arith.minimumf %parallel_loop3A_1199, %parallel_loop3A_1156 : vector<16xf32>
      %parallel_loop3A_1205 = arith.select %parallel_loop3A_1201, %parallel_loop3A_1157, %parallel_loop3A_1200 : vector<16xi1>, vector<16xi32>
      %parallel_loop3A_1206 = arith.cmpf oge, %parallel_loop3A_1204, %parallel_loop3A_1161 : vector<16xf32>
      %parallel_loop3A_1207 = arith.maximumf %parallel_loop3A_1204, %parallel_loop3A_1161 : vector<16xf32>
      %parallel_loop3A_1208 = arith.select %parallel_loop3A_1206, %parallel_loop3A_1205, %parallel_loop3A_1162 : vector<16xi1>, vector<16xi32>
      %parallel_loop3A_1209 = arith.constant 51 : i32
      %parallel_loop3A_1210 = arith.index_cast %parallel_loop3A_1209 : i32 to index
      %parallel_loop3A_1211 = arith.index_cast %parallel_loop3A_10 : i32 to index
      %parallel_loop3A_1212 = tpu.vector_load %arg5[%parallel_loop3A_1210, %parallel_loop3A_1211] {strides = array<i32>} : memref<64x1024xf32, #tpu.memory_space<vmem>>, vector<1x16xf32>,
      %parallel_loop3A_1213 = vector.shape_cast %parallel_loop3A_1212 : vector<1x16xf32> to vector<16xf32>
      %parallel_loop3A_1214 = arith.select %parallel_loop3A_639, %parallel_loop3A_1213, %broadcast_in_dim3A_5 : vector<16xi1>, vector<16xf32>
      %parallel_loop3A_1215 = arith.constant 51 : i32
      %parallel_loop3A_1216 = vector.broadcast %parallel_loop3A_1215 : i32 to vector<16xi32>
      %parallel_loop3A_1217 = arith.cmpf oge, %parallel_loop3A_1214, %parallel_loop3A_1172 : vector<16xf32>
      %parallel_loop3A_1218 = arith.maximumf %parallel_loop3A_1214, %parallel_loop3A_1172 : vector<16xf32>
      %parallel_loop3A_1219 = arith.select %parallel_loop3A_1217, %parallel_loop3A_1216, %parallel_loop3A_1173 : vector<16xi1>, vector<16xi32>
      %parallel_loop3A_1220 = arith.minimumf %parallel_loop3A_1214, %parallel_loop3A_1172 : vector<16xf32>
      %parallel_loop3A_1221 = arith.select %parallel_loop3A_1217, %parallel_loop3A_1173, %parallel_loop3A_1216 : vector<16xi1>, vector<16xi32>
      %parallel_loop3A_1222 = arith.cmpf oge, %parallel_loop3A_1220, %parallel_loop3A_1177 : vector<16xf32>
      %parallel_loop3A_1223 = arith.maximumf %parallel_loop3A_1220, %parallel_loop3A_1177 : vector<16xf32>
      %parallel_loop3A_1224 = arith.select %parallel_loop3A_1222, %parallel_loop3A_1221, %parallel_loop3A_1178 : vector<16xi1>, vector<16xi32>
      %parallel_loop3A_1225 = arith.minimumf %parallel_loop3A_1220, %parallel_loop3A_1177 : vector<16xf32>
      %parallel_loop3A_1226 = arith.select %parallel_loop3A_1222, %parallel_loop3A_1178, %parallel_loop3A_1221 : vector<16xi1>, vector<16xi32>
      %parallel_loop3A_1227 = arith.cmpf oge, %parallel_loop3A_1225, %parallel_loop3A_1182 : vector<16xf32>
      %parallel_loop3A_1228 = arith.maximumf %parallel_loop3A_1225, %parallel_loop3A_1182 : vector<16xf32>
      %parallel_loop3A_1229 = arith.select %parallel_loop3A_1227, %parallel_loop3A_1226, %parallel_loop3A_1183 : vector<16xi1>, vector<16xi32>
      %parallel_loop3A_1230 = arith.minimumf %parallel_loop3A_1225, %parallel_loop3A_1182 : vector<16xf32>
      %parallel_loop3A_1231 = arith.select %parallel_loop3A_1227, %parallel_loop3A_1183, %parallel_loop3A_1226 : vector<16xi1>, vector<16xi32>
      %parallel_loop3A_1232 = arith.cmpf oge, %parallel_loop3A_1230, %parallel_loop3A_1187 : vector<16xf32>
      %parallel_loop3A_1233 = arith.maximumf %parallel_loop3A_1230, %parallel_loop3A_1187 : vector<16xf32>
      %parallel_loop3A_1234 = arith.select %parallel_loop3A_1232, %parallel_loop3A_1231, %parallel_loop3A_1188 : vector<16xi1>, vector<16xi32>
      %parallel_loop3A_1235 = arith.minimumf %parallel_loop3A_1230, %parallel_loop3A_1187 : vector<16xf32>
      %parallel_loop3A_1236 = arith.select %parallel_loop3A_1232, %parallel_loop3A_1188, %parallel_loop3A_1231 : vector<16xi1>, vector<16xi32>
      %parallel_loop3A_1237 = arith.cmpf oge, %parallel_loop3A_1235, %parallel_loop3A_1192 : vector<16xf32>
      %parallel_loop3A_1238 = arith.maximumf %parallel_loop3A_1235, %parallel_loop3A_1192 : vector<16xf32>
      %parallel_loop3A_1239 = arith.select %parallel_loop3A_1237, %parallel_loop3A_1236, %parallel_loop3A_1193 : vector<16xi1>, vector<16xi32>
      %parallel_loop3A_1240 = arith.minimumf %parallel_loop3A_1235, %parallel_loop3A_1192 : vector<16xf32>
      %parallel_loop3A_1241 = arith.select %parallel_loop3A_1237, %parallel_loop3A_1193, %parallel_loop3A_1236 : vector<16xi1>, vector<16xi32>
      %parallel_loop3A_1242 = arith.cmpf oge, %parallel_loop3A_1240, %parallel_loop3A_1197 : vector<16xf32>
      %parallel_loop3A_1243 = arith.maximumf %parallel_loop3A_1240, %parallel_loop3A_1197 : vector<16xf32>
      %parallel_loop3A_1244 = arith.select %parallel_loop3A_1242, %parallel_loop3A_1241, %parallel_loop3A_1198 : vector<16xi1>, vector<16xi32>
      %parallel_loop3A_1245 = arith.minimumf %parallel_loop3A_1240, %parallel_loop3A_1197 : vector<16xf32>
      %parallel_loop3A_1246 = arith.select %parallel_loop3A_1242, %parallel_loop3A_1198, %parallel_loop3A_1241 : vector<16xi1>, vector<16xi32>
      %parallel_loop3A_1247 = arith.cmpf oge, %parallel_loop3A_1245, %parallel_loop3A_1202 : vector<16xf32>
      %parallel_loop3A_1248 = arith.maximumf %parallel_loop3A_1245, %parallel_loop3A_1202 : vector<16xf32>
      %parallel_loop3A_1249 = arith.select %parallel_loop3A_1247, %parallel_loop3A_1246, %parallel_loop3A_1203 : vector<16xi1>, vector<16xi32>
      %parallel_loop3A_1250 = arith.minimumf %parallel_loop3A_1245, %parallel_loop3A_1202 : vector<16xf32>
      %parallel_loop3A_1251 = arith.select %parallel_loop3A_1247, %parallel_loop3A_1203, %parallel_loop3A_1246 : vector<16xi1>, vector<16xi32>
      %parallel_loop3A_1252 = arith.cmpf oge, %parallel_loop3A_1250, %parallel_loop3A_1207 : vector<16xf32>
      %parallel_loop3A_1253 = arith.maximumf %parallel_loop3A_1250, %parallel_loop3A_1207 : vector<16xf32>
      %parallel_loop3A_1254 = arith.select %parallel_loop3A_1252, %parallel_loop3A_1251, %parallel_loop3A_1208 : vector<16xi1>, vector<16xi32>
      %parallel_loop3A_1255 = arith.constant 50 : i32
      %parallel_loop3A_1256 = arith.index_cast %parallel_loop3A_1255 : i32 to index
      %parallel_loop3A_1257 = arith.index_cast %parallel_loop3A_10 : i32 to index
      %parallel_loop3A_1258 = tpu.vector_load %arg5[%parallel_loop3A_1256, %parallel_loop3A_1257] {strides = array<i32>} : memref<64x1024xf32, #tpu.memory_space<vmem>>, vector<1x16xf32>,
      %parallel_loop3A_1259 = vector.shape_cast %parallel_loop3A_1258 : vector<1x16xf32> to vector<16xf32>
      %parallel_loop3A_1260 = arith.select %parallel_loop3A_639, %parallel_loop3A_1259, %broadcast_in_dim3A_5 : vector<16xi1>, vector<16xf32>
      %parallel_loop3A_1261 = arith.constant 50 : i32
      %parallel_loop3A_1262 = vector.broadcast %parallel_loop3A_1261 : i32 to vector<16xi32>
      %parallel_loop3A_1263 = arith.cmpf oge, %parallel_loop3A_1260, %parallel_loop3A_1218 : vector<16xf32>
      %parallel_loop3A_1264 = arith.maximumf %parallel_loop3A_1260, %parallel_loop3A_1218 : vector<16xf32>
      %parallel_loop3A_1265 = arith.select %parallel_loop3A_1263, %parallel_loop3A_1262, %parallel_loop3A_1219 : vector<16xi1>, vector<16xi32>
      %parallel_loop3A_1266 = arith.minimumf %parallel_loop3A_1260, %parallel_loop3A_1218 : vector<16xf32>
      %parallel_loop3A_1267 = arith.select %parallel_loop3A_1263, %parallel_loop3A_1219, %parallel_loop3A_1262 : vector<16xi1>, vector<16xi32>
      %parallel_loop3A_1268 = arith.cmpf oge, %parallel_loop3A_1266, %parallel_loop3A_1223 : vector<16xf32>
      %parallel_loop3A_1269 = arith.maximumf %parallel_loop3A_1266, %parallel_loop3A_1223 : vector<16xf32>
      %parallel_loop3A_1270 = arith.select %parallel_loop3A_1268, %parallel_loop3A_1267, %parallel_loop3A_1224 : vector<16xi1>, vector<16xi32>
      %parallel_loop3A_1271 = arith.minimumf %parallel_loop3A_1266, %parallel_loop3A_1223 : vector<16xf32>
      %parallel_loop3A_1272 = arith.select %parallel_loop3A_1268, %parallel_loop3A_1224, %parallel_loop3A_1267 : vector<16xi1>, vector<16xi32>
      %parallel_loop3A_1273 = arith.cmpf oge, %parallel_loop3A_1271, %parallel_loop3A_1228 : vector<16xf32>
      %parallel_loop3A_1274 = arith.maximumf %parallel_loop3A_1271, %parallel_loop3A_1228 : vector<16xf32>
      %parallel_loop3A_1275 = arith.select %parallel_loop3A_1273, %parallel_loop3A_1272, %parallel_loop3A_1229 : vector<16xi1>, vector<16xi32>
      %parallel_loop3A_1276 = arith.minimumf %parallel_loop3A_1271, %parallel_loop3A_1228 : vector<16xf32>
      %parallel_loop3A_1277 = arith.select %parallel_loop3A_1273, %parallel_loop3A_1229, %parallel_loop3A_1272 : vector<16xi1>, vector<16xi32>
      %parallel_loop3A_1278 = arith.cmpf oge, %parallel_loop3A_1276, %parallel_loop3A_1233 : vector<16xf32>
      %parallel_loop3A_1279 = arith.maximumf %parallel_loop3A_1276, %parallel_loop3A_1233 : vector<16xf32>
      %parallel_loop3A_1280 = arith.select %parallel_loop3A_1278, %parallel_loop3A_1277, %parallel_loop3A_1234 : vector<16xi1>, vector<16xi32>
      %parallel_loop3A_1281 = arith.minimumf %parallel_loop3A_1276, %parallel_loop3A_1233 : vector<16xf32>
      %parallel_loop3A_1282 = arith.select %parallel_loop3A_1278, %parallel_loop3A_1234, %parallel_loop3A_1277 : vector<16xi1>, vector<16xi32>
      %parallel_loop3A_1283 = arith.cmpf oge, %parallel_loop3A_1281, %parallel_loop3A_1238 : vector<16xf32>
      %parallel_loop3A_1284 = arith.maximumf %parallel_loop3A_1281, %parallel_loop3A_1238 : vector<16xf32>
      %parallel_loop3A_1285 = arith.select %parallel_loop3A_1283, %parallel_loop3A_1282, %parallel_loop3A_1239 : vector<16xi1>, vector<16xi32>
      %parallel_loop3A_1286 = arith.minimumf %parallel_loop3A_1281, %parallel_loop3A_1238 : vector<16xf32>
      %parallel_loop3A_1287 = arith.select %parallel_loop3A_1283, %parallel_loop3A_1239, %parallel_loop3A_1282 : vector<16xi1>, vector<16xi32>
      %parallel_loop3A_1288 = arith.cmpf oge, %parallel_loop3A_1286, %parallel_loop3A_1243 : vector<16xf32>
      %parallel_loop3A_1289 = arith.maximumf %parallel_loop3A_1286, %parallel_loop3A_1243 : vector<16xf32>
      %parallel_loop3A_1290 = arith.select %parallel_loop3A_1288, %parallel_loop3A_1287, %parallel_loop3A_1244 : vector<16xi1>, vector<16xi32>
      %parallel_loop3A_1291 = arith.minimumf %parallel_loop3A_1286, %parallel_loop3A_1243 : vector<16xf32>
      %parallel_loop3A_1292 = arith.select %parallel_loop3A_1288, %parallel_loop3A_1244, %parallel_loop3A_1287 : vector<16xi1>, vector<16xi32>
      %parallel_loop3A_1293 = arith.cmpf oge, %parallel_loop3A_1291, %parallel_loop3A_1248 : vector<16xf32>
      %parallel_loop3A_1294 = arith.maximumf %parallel_loop3A_1291, %parallel_loop3A_1248 : vector<16xf32>
      %parallel_loop3A_1295 = arith.select %parallel_loop3A_1293, %parallel_loop3A_1292, %parallel_loop3A_1249 : vector<16xi1>, vector<16xi32>
      %parallel_loop3A_1296 = arith.minimumf %parallel_loop3A_1291, %parallel_loop3A_1248 : vector<16xf32>
      %parallel_loop3A_1297 = arith.select %parallel_loop3A_1293, %parallel_loop3A_1249, %parallel_loop3A_1292 : vector<16xi1>, vector<16xi32>
      %parallel_loop3A_1298 = arith.cmpf oge, %parallel_loop3A_1296, %parallel_loop3A_1253 : vector<16xf32>
      %parallel_loop3A_1299 = arith.maximumf %parallel_loop3A_1296, %parallel_loop3A_1253 : vector<16xf32>
      %parallel_loop3A_1300 = arith.select %parallel_loop3A_1298, %parallel_loop3A_1297, %parallel_loop3A_1254 : vector<16xi1>, vector<16xi32>
      %parallel_loop3A_1301 = arith.constant 49 : i32
      %parallel_loop3A_1302 = arith.index_cast %parallel_loop3A_1301 : i32 to index
      %parallel_loop3A_1303 = arith.index_cast %parallel_loop3A_10 : i32 to index
      %parallel_loop3A_1304 = tpu.vector_load %arg5[%parallel_loop3A_1302, %parallel_loop3A_1303] {strides = array<i32>} : memref<64x1024xf32, #tpu.memory_space<vmem>>, vector<1x16xf32>,
      %parallel_loop3A_1305 = vector.shape_cast %parallel_loop3A_1304 : vector<1x16xf32> to vector<16xf32>
      %parallel_loop3A_1306 = arith.select %parallel_loop3A_639, %parallel_loop3A_1305, %broadcast_in_dim3A_5 : vector<16xi1>, vector<16xf32>
      %parallel_loop3A_1307 = arith.constant 49 : i32
      %parallel_loop3A_1308 = vector.broadcast %parallel_loop3A_1307 : i32 to vector<16xi32>
      %parallel_loop3A_1309 = arith.cmpf oge, %parallel_loop3A_1306, %parallel_loop3A_1264 : vector<16xf32>
      %parallel_loop3A_1310 = arith.maximumf %parallel_loop3A_1306, %parallel_loop3A_1264 : vector<16xf32>
      %parallel_loop3A_1311 = arith.select %parallel_loop3A_1309, %parallel_loop3A_1308, %parallel_loop3A_1265 : vector<16xi1>, vector<16xi32>
      %parallel_loop3A_1312 = arith.minimumf %parallel_loop3A_1306, %parallel_loop3A_1264 : vector<16xf32>
      %parallel_loop3A_1313 = arith.select %parallel_loop3A_1309, %parallel_loop3A_1265, %parallel_loop3A_1308 : vector<16xi1>, vector<16xi32>
      %parallel_loop3A_1314 = arith.cmpf oge, %parallel_loop3A_1312, %parallel_loop3A_1269 : vector<16xf32>
      %parallel_loop3A_1315 = arith.maximumf %parallel_loop3A_1312, %parallel_loop3A_1269 : vector<16xf32>
      %parallel_loop3A_1316 = arith.select %parallel_loop3A_1314, %parallel_loop3A_1313, %parallel_loop3A_1270 : vector<16xi1>, vector<16xi32>
      %parallel_loop3A_1317 = arith.minimumf %parallel_loop3A_1312, %parallel_loop3A_1269 : vector<16xf32>
      %parallel_loop3A_1318 = arith.select %parallel_loop3A_1314, %parallel_loop3A_1270, %parallel_loop3A_1313 : vector<16xi1>, vector<16xi32>
      %parallel_loop3A_1319 = arith.cmpf oge, %parallel_loop3A_1317, %parallel_loop3A_1274 : vector<16xf32>
      %parallel_loop3A_1320 = arith.maximumf %parallel_loop3A_1317, %parallel_loop3A_1274 : vector<16xf32>
      %parallel_loop3A_1321 = arith.select %parallel_loop3A_1319, %parallel_loop3A_1318, %parallel_loop3A_1275 : vector<16xi1>, vector<16xi32>
      %parallel_loop3A_1322 = arith.minimumf %parallel_loop3A_1317, %parallel_loop3A_1274 : vector<16xf32>
      %parallel_loop3A_1323 = arith.select %parallel_loop3A_1319, %parallel_loop3A_1275, %parallel_loop3A_1318 : vector<16xi1>, vector<16xi32>
      %parallel_loop3A_1324 = arith.cmpf oge, %parallel_loop3A_1322, %parallel_loop3A_1279 : vector<16xf32>
      %parallel_loop3A_1325 = arith.maximumf %parallel_loop3A_1322, %parallel_loop3A_1279 : vector<16xf32>
      %parallel_loop3A_1326 = arith.select %parallel_loop3A_1324, %parallel_loop3A_1323, %parallel_loop3A_1280 : vector<16xi1>, vector<16xi32>
      %parallel_loop3A_1327 = arith.minimumf %parallel_loop3A_1322, %parallel_loop3A_1279 : vector<16xf32>
      %parallel_loop3A_1328 = arith.select %parallel_loop3A_1324, %parallel_loop3A_1280, %parallel_loop3A_1323 : vector<16xi1>, vector<16xi32>
      %parallel_loop3A_1329 = arith.cmpf oge, %parallel_loop3A_1327, %parallel_loop3A_1284 : vector<16xf32>
      %parallel_loop3A_1330 = arith.maximumf %parallel_loop3A_1327, %parallel_loop3A_1284 : vector<16xf32>
      %parallel_loop3A_1331 = arith.select %parallel_loop3A_1329, %parallel_loop3A_1328, %parallel_loop3A_1285 : vector<16xi1>, vector<16xi32>
      %parallel_loop3A_1332 = arith.minimumf %parallel_loop3A_1327, %parallel_loop3A_1284 : vector<16xf32>
      %parallel_loop3A_1333 = arith.select %parallel_loop3A_1329, %parallel_loop3A_1285, %parallel_loop3A_1328 : vector<16xi1>, vector<16xi32>
      %parallel_loop3A_1334 = arith.cmpf oge, %parallel_loop3A_1332, %parallel_loop3A_1289 : vector<16xf32>
      %parallel_loop3A_1335 = arith.maximumf %parallel_loop3A_1332, %parallel_loop3A_1289 : vector<16xf32>
      %parallel_loop3A_1336 = arith.select %parallel_loop3A_1334, %parallel_loop3A_1333, %parallel_loop3A_1290 : vector<16xi1>, vector<16xi32>
      %parallel_loop3A_1337 = arith.minimumf %parallel_loop3A_1332, %parallel_loop3A_1289 : vector<16xf32>
      %parallel_loop3A_1338 = arith.select %parallel_loop3A_1334, %parallel_loop3A_1290, %parallel_loop3A_1333 : vector<16xi1>, vector<16xi32>
      %parallel_loop3A_1339 = arith.cmpf oge, %parallel_loop3A_1337, %parallel_loop3A_1294 : vector<16xf32>
      %parallel_loop3A_1340 = arith.maximumf %parallel_loop3A_1337, %parallel_loop3A_1294 : vector<16xf32>
      %parallel_loop3A_1341 = arith.select %parallel_loop3A_1339, %parallel_loop3A_1338, %parallel_loop3A_1295 : vector<16xi1>, vector<16xi32>
      %parallel_loop3A_1342 = arith.minimumf %parallel_loop3A_1337, %parallel_loop3A_1294 : vector<16xf32>
      %parallel_loop3A_1343 = arith.select %parallel_loop3A_1339, %parallel_loop3A_1295, %parallel_loop3A_1338 : vector<16xi1>, vector<16xi32>
      %parallel_loop3A_1344 = arith.cmpf oge, %parallel_loop3A_1342, %parallel_loop3A_1299 : vector<16xf32>
      %parallel_loop3A_1345 = arith.maximumf %parallel_loop3A_1342, %parallel_loop3A_1299 : vector<16xf32>
      %parallel_loop3A_1346 = arith.select %parallel_loop3A_1344, %parallel_loop3A_1343, %parallel_loop3A_1300 : vector<16xi1>, vector<16xi32>
      %parallel_loop3A_1347 = arith.constant 48 : i32
      %parallel_loop3A_1348 = arith.index_cast %parallel_loop3A_1347 : i32 to index
      %parallel_loop3A_1349 = arith.index_cast %parallel_loop3A_10 : i32 to index
      %parallel_loop3A_1350 = tpu.vector_load %arg5[%parallel_loop3A_1348, %parallel_loop3A_1349] {strides = array<i32>} : memref<64x1024xf32, #tpu.memory_space<vmem>>, vector<1x16xf32>,
      %parallel_loop3A_1351 = vector.shape_cast %parallel_loop3A_1350 : vector<1x16xf32> to vector<16xf32>
      %parallel_loop3A_1352 = arith.select %parallel_loop3A_639, %parallel_loop3A_1351, %broadcast_in_dim3A_5 : vector<16xi1>, vector<16xf32>
      %parallel_loop3A_1353 = arith.constant 48 : i32
      %parallel_loop3A_1354 = vector.broadcast %parallel_loop3A_1353 : i32 to vector<16xi32>
      %parallel_loop3A_1355 = arith.cmpf oge, %parallel_loop3A_1352, %parallel_loop3A_1310 : vector<16xf32>
      %parallel_loop3A_1356 = arith.maximumf %parallel_loop3A_1352, %parallel_loop3A_1310 : vector<16xf32>
      %parallel_loop3A_1357 = arith.select %parallel_loop3A_1355, %parallel_loop3A_1354, %parallel_loop3A_1311 : vector<16xi1>, vector<16xi32>
      %parallel_loop3A_1358 = arith.minimumf %parallel_loop3A_1352, %parallel_loop3A_1310 : vector<16xf32>
      %parallel_loop3A_1359 = arith.select %parallel_loop3A_1355, %parallel_loop3A_1311, %parallel_loop3A_1354 : vector<16xi1>, vector<16xi32>
      %parallel_loop3A_1360 = arith.cmpf oge, %parallel_loop3A_1358, %parallel_loop3A_1315 : vector<16xf32>
      %parallel_loop3A_1361 = arith.maximumf %parallel_loop3A_1358, %parallel_loop3A_1315 : vector<16xf32>
      %parallel_loop3A_1362 = arith.select %parallel_loop3A_1360, %parallel_loop3A_1359, %parallel_loop3A_1316 : vector<16xi1>, vector<16xi32>
      %parallel_loop3A_1363 = arith.minimumf %parallel_loop3A_1358, %parallel_loop3A_1315 : vector<16xf32>
      %parallel_loop3A_1364 = arith.select %parallel_loop3A_1360, %parallel_loop3A_1316, %parallel_loop3A_1359 : vector<16xi1>, vector<16xi32>
      %parallel_loop3A_1365 = arith.cmpf oge, %parallel_loop3A_1363, %parallel_loop3A_1320 : vector<16xf32>
      %parallel_loop3A_1366 = arith.maximumf %parallel_loop3A_1363, %parallel_loop3A_1320 : vector<16xf32>
      %parallel_loop3A_1367 = arith.select %parallel_loop3A_1365, %parallel_loop3A_1364, %parallel_loop3A_1321 : vector<16xi1>, vector<16xi32>
      %parallel_loop3A_1368 = arith.minimumf %parallel_loop3A_1363, %parallel_loop3A_1320 : vector<16xf32>
      %parallel_loop3A_1369 = arith.select %parallel_loop3A_1365, %parallel_loop3A_1321, %parallel_loop3A_1364 : vector<16xi1>, vector<16xi32>
      %parallel_loop3A_1370 = arith.cmpf oge, %parallel_loop3A_1368, %parallel_loop3A_1325 : vector<16xf32>
      %parallel_loop3A_1371 = arith.maximumf %parallel_loop3A_1368, %parallel_loop3A_1325 : vector<16xf32>
      %parallel_loop3A_1372 = arith.select %parallel_loop3A_1370, %parallel_loop3A_1369, %parallel_loop3A_1326 : vector<16xi1>, vector<16xi32>
      %parallel_loop3A_1373 = arith.minimumf %parallel_loop3A_1368, %parallel_loop3A_1325 : vector<16xf32>
      %parallel_loop3A_1374 = arith.select %parallel_loop3A_1370, %parallel_loop3A_1326, %parallel_loop3A_1369 : vector<16xi1>, vector<16xi32>
      %parallel_loop3A_1375 = arith.cmpf oge, %parallel_loop3A_1373, %parallel_loop3A_1330 : vector<16xf32>
      %parallel_loop3A_1376 = arith.maximumf %parallel_loop3A_1373, %parallel_loop3A_1330 : vector<16xf32>
      %parallel_loop3A_1377 = arith.select %parallel_loop3A_1375, %parallel_loop3A_1374, %parallel_loop3A_1331 : vector<16xi1>, vector<16xi32>
      %parallel_loop3A_1378 = arith.minimumf %parallel_loop3A_1373, %parallel_loop3A_1330 : vector<16xf32>
      %parallel_loop3A_1379 = arith.select %parallel_loop3A_1375, %parallel_loop3A_1331, %parallel_loop3A_1374 : vector<16xi1>, vector<16xi32>
      %parallel_loop3A_1380 = arith.cmpf oge, %parallel_loop3A_1378, %parallel_loop3A_1335 : vector<16xf32>
      %parallel_loop3A_1381 = arith.maximumf %parallel_loop3A_1378, %parallel_loop3A_1335 : vector<16xf32>
      %parallel_loop3A_1382 = arith.select %parallel_loop3A_1380, %parallel_loop3A_1379, %parallel_loop3A_1336 : vector<16xi1>, vector<16xi32>
      %parallel_loop3A_1383 = arith.minimumf %parallel_loop3A_1378, %parallel_loop3A_1335 : vector<16xf32>
      %parallel_loop3A_1384 = arith.select %parallel_loop3A_1380, %parallel_loop3A_1336, %parallel_loop3A_1379 : vector<16xi1>, vector<16xi32>
      %parallel_loop3A_1385 = arith.cmpf oge, %parallel_loop3A_1383, %parallel_loop3A_1340 : vector<16xf32>
      %parallel_loop3A_1386 = arith.maximumf %parallel_loop3A_1383, %parallel_loop3A_1340 : vector<16xf32>
      %parallel_loop3A_1387 = arith.select %parallel_loop3A_1385, %parallel_loop3A_1384, %parallel_loop3A_1341 : vector<16xi1>, vector<16xi32>
      %parallel_loop3A_1388 = arith.minimumf %parallel_loop3A_1383, %parallel_loop3A_1340 : vector<16xf32>
      %parallel_loop3A_1389 = arith.select %parallel_loop3A_1385, %parallel_loop3A_1341, %parallel_loop3A_1384 : vector<16xi1>, vector<16xi32>
      %parallel_loop3A_1390 = arith.cmpf oge, %parallel_loop3A_1388, %parallel_loop3A_1345 : vector<16xf32>
      %parallel_loop3A_1391 = arith.maximumf %parallel_loop3A_1388, %parallel_loop3A_1345 : vector<16xf32>
      %parallel_loop3A_1392 = arith.select %parallel_loop3A_1390, %parallel_loop3A_1389, %parallel_loop3A_1346 : vector<16xi1>, vector<16xi32>
      %parallel_loop3A_1393 = arith.constant 47 : i32
      %parallel_loop3A_1394 = arith.index_cast %parallel_loop3A_1393 : i32 to index
      %parallel_loop3A_1395 = arith.index_cast %parallel_loop3A_10 : i32 to index
      %parallel_loop3A_1396 = tpu.vector_load %arg5[%parallel_loop3A_1394, %parallel_loop3A_1395] {strides = array<i32>} : memref<64x1024xf32, #tpu.memory_space<vmem>>, vector<1x16xf32>,
      %parallel_loop3A_1397 = vector.shape_cast %parallel_loop3A_1396 : vector<1x16xf32> to vector<16xf32>
      %parallel_loop3A_1398 = arith.select %parallel_loop3A_638, %parallel_loop3A_1397, %broadcast_in_dim3A_5 : vector<16xi1>, vector<16xf32>
      %parallel_loop3A_1399 = arith.constant 47 : i32
      %parallel_loop3A_1400 = vector.broadcast %parallel_loop3A_1399 : i32 to vector<16xi32>
      %parallel_loop3A_1401 = arith.cmpf oge, %parallel_loop3A_1398, %parallel_loop3A_1356 : vector<16xf32>
      %parallel_loop3A_1402 = arith.maximumf %parallel_loop3A_1398, %parallel_loop3A_1356 : vector<16xf32>
      %parallel_loop3A_1403 = arith.select %parallel_loop3A_1401, %parallel_loop3A_1400, %parallel_loop3A_1357 : vector<16xi1>, vector<16xi32>
      %parallel_loop3A_1404 = arith.minimumf %parallel_loop3A_1398, %parallel_loop3A_1356 : vector<16xf32>
      %parallel_loop3A_1405 = arith.select %parallel_loop3A_1401, %parallel_loop3A_1357, %parallel_loop3A_1400 : vector<16xi1>, vector<16xi32>
      %parallel_loop3A_1406 = arith.cmpf oge, %parallel_loop3A_1404, %parallel_loop3A_1361 : vector<16xf32>
      %parallel_loop3A_1407 = arith.maximumf %parallel_loop3A_1404, %parallel_loop3A_1361 : vector<16xf32>
      %parallel_loop3A_1408 = arith.select %parallel_loop3A_1406, %parallel_loop3A_1405, %parallel_loop3A_1362 : vector<16xi1>, vector<16xi32>
      %parallel_loop3A_1409 = arith.minimumf %parallel_loop3A_1404, %parallel_loop3A_1361 : vector<16xf32>
      %parallel_loop3A_1410 = arith.select %parallel_loop3A_1406, %parallel_loop3A_1362, %parallel_loop3A_1405 : vector<16xi1>, vector<16xi32>
      %parallel_loop3A_1411 = arith.cmpf oge, %parallel_loop3A_1409, %parallel_loop3A_1366 : vector<16xf32>
      %parallel_loop3A_1412 = arith.maximumf %parallel_loop3A_1409, %parallel_loop3A_1366 : vector<16xf32>
      %parallel_loop3A_1413 = arith.select %parallel_loop3A_1411, %parallel_loop3A_1410, %parallel_loop3A_1367 : vector<16xi1>, vector<16xi32>
      %parallel_loop3A_1414 = arith.minimumf %parallel_loop3A_1409, %parallel_loop3A_1366 : vector<16xf32>
      %parallel_loop3A_1415 = arith.select %parallel_loop3A_1411, %parallel_loop3A_1367, %parallel_loop3A_1410 : vector<16xi1>, vector<16xi32>
      %parallel_loop3A_1416 = arith.cmpf oge, %parallel_loop3A_1414, %parallel_loop3A_1371 : vector<16xf32>
      %parallel_loop3A_1417 = arith.maximumf %parallel_loop3A_1414, %parallel_loop3A_1371 : vector<16xf32>
      %parallel_loop3A_1418 = arith.select %parallel_loop3A_1416, %parallel_loop3A_1415, %parallel_loop3A_1372 : vector<16xi1>, vector<16xi32>
      %parallel_loop3A_1419 = arith.minimumf %parallel_loop3A_1414, %parallel_loop3A_1371 : vector<16xf32>
      %parallel_loop3A_1420 = arith.select %parallel_loop3A_1416, %parallel_loop3A_1372, %parallel_loop3A_1415 : vector<16xi1>, vector<16xi32>
      %parallel_loop3A_1421 = arith.cmpf oge, %parallel_loop3A_1419, %parallel_loop3A_1376 : vector<16xf32>
      %parallel_loop3A_1422 = arith.maximumf %parallel_loop3A_1419, %parallel_loop3A_1376 : vector<16xf32>
      %parallel_loop3A_1423 = arith.select %parallel_loop3A_1421, %parallel_loop3A_1420, %parallel_loop3A_1377 : vector<16xi1>, vector<16xi32>
      %parallel_loop3A_1424 = arith.minimumf %parallel_loop3A_1419, %parallel_loop3A_1376 : vector<16xf32>
      %parallel_loop3A_1425 = arith.select %parallel_loop3A_1421, %parallel_loop3A_1377, %parallel_loop3A_1420 : vector<16xi1>, vector<16xi32>
      %parallel_loop3A_1426 = arith.cmpf oge, %parallel_loop3A_1424, %parallel_loop3A_1381 : vector<16xf32>
      %parallel_loop3A_1427 = arith.maximumf %parallel_loop3A_1424, %parallel_loop3A_1381 : vector<16xf32>
      %parallel_loop3A_1428 = arith.select %parallel_loop3A_1426, %parallel_loop3A_1425, %parallel_loop3A_1382 : vector<16xi1>, vector<16xi32>
      %parallel_loop3A_1429 = arith.minimumf %parallel_loop3A_1424, %parallel_loop3A_1381 : vector<16xf32>
      %parallel_loop3A_1430 = arith.select %parallel_loop3A_1426, %parallel_loop3A_1382, %parallel_loop3A_1425 : vector<16xi1>, vector<16xi32>
      %parallel_loop3A_1431 = arith.cmpf oge, %parallel_loop3A_1429, %parallel_loop3A_1386 : vector<16xf32>
      %parallel_loop3A_1432 = arith.maximumf %parallel_loop3A_1429, %parallel_loop3A_1386 : vector<16xf32>
      %parallel_loop3A_1433 = arith.select %parallel_loop3A_1431, %parallel_loop3A_1430, %parallel_loop3A_1387 : vector<16xi1>, vector<16xi32>
      %parallel_loop3A_1434 = arith.minimumf %parallel_loop3A_1429, %parallel_loop3A_1386 : vector<16xf32>
      %parallel_loop3A_1435 = arith.select %parallel_loop3A_1431, %parallel_loop3A_1387, %parallel_loop3A_1430 : vector<16xi1>, vector<16xi32>
      %parallel_loop3A_1436 = arith.cmpf oge, %parallel_loop3A_1434, %parallel_loop3A_1391 : vector<16xf32>
      %parallel_loop3A_1437 = arith.maximumf %parallel_loop3A_1434, %parallel_loop3A_1391 : vector<16xf32>
      %parallel_loop3A_1438 = arith.select %parallel_loop3A_1436, %parallel_loop3A_1435, %parallel_loop3A_1392 : vector<16xi1>, vector<16xi32>
      %parallel_loop3A_1439 = arith.constant 46 : i32
      %parallel_loop3A_1440 = arith.index_cast %parallel_loop3A_1439 : i32 to index
      %parallel_loop3A_1441 = arith.index_cast %parallel_loop3A_10 : i32 to index
      %parallel_loop3A_1442 = tpu.vector_load %arg5[%parallel_loop3A_1440, %parallel_loop3A_1441] {strides = array<i32>} : memref<64x1024xf32, #tpu.memory_space<vmem>>, vector<1x16xf32>,
      %parallel_loop3A_1443 = vector.shape_cast %parallel_loop3A_1442 : vector<1x16xf32> to vector<16xf32>
      %parallel_loop3A_1444 = arith.select %parallel_loop3A_638, %parallel_loop3A_1443, %broadcast_in_dim3A_5 : vector<16xi1>, vector<16xf32>
      %parallel_loop3A_1445 = arith.constant 46 : i32
      %parallel_loop3A_1446 = vector.broadcast %parallel_loop3A_1445 : i32 to vector<16xi32>
      %parallel_loop3A_1447 = arith.cmpf oge, %parallel_loop3A_1444, %parallel_loop3A_1402 : vector<16xf32>
      %parallel_loop3A_1448 = arith.maximumf %parallel_loop3A_1444, %parallel_loop3A_1402 : vector<16xf32>
      %parallel_loop3A_1449 = arith.select %parallel_loop3A_1447, %parallel_loop3A_1446, %parallel_loop3A_1403 : vector<16xi1>, vector<16xi32>
      %parallel_loop3A_1450 = arith.minimumf %parallel_loop3A_1444, %parallel_loop3A_1402 : vector<16xf32>
      %parallel_loop3A_1451 = arith.select %parallel_loop3A_1447, %parallel_loop3A_1403, %parallel_loop3A_1446 : vector<16xi1>, vector<16xi32>
      %parallel_loop3A_1452 = arith.cmpf oge, %parallel_loop3A_1450, %parallel_loop3A_1407 : vector<16xf32>
      %parallel_loop3A_1453 = arith.maximumf %parallel_loop3A_1450, %parallel_loop3A_1407 : vector<16xf32>
      %parallel_loop3A_1454 = arith.select %parallel_loop3A_1452, %parallel_loop3A_1451, %parallel_loop3A_1408 : vector<16xi1>, vector<16xi32>
      %parallel_loop3A_1455 = arith.minimumf %parallel_loop3A_1450, %parallel_loop3A_1407 : vector<16xf32>
      %parallel_loop3A_1456 = arith.select %parallel_loop3A_1452, %parallel_loop3A_1408, %parallel_loop3A_1451 : vector<16xi1>, vector<16xi32>
      %parallel_loop3A_1457 = arith.cmpf oge, %parallel_loop3A_1455, %parallel_loop3A_1412 : vector<16xf32>
      %parallel_loop3A_1458 = arith.maximumf %parallel_loop3A_1455, %parallel_loop3A_1412 : vector<16xf32>
      %parallel_loop3A_1459 = arith.select %parallel_loop3A_1457, %parallel_loop3A_1456, %parallel_loop3A_1413 : vector<16xi1>, vector<16xi32>
      %parallel_loop3A_1460 = arith.minimumf %parallel_loop3A_1455, %parallel_loop3A_1412 : vector<16xf32>
      %parallel_loop3A_1461 = arith.select %parallel_loop3A_1457, %parallel_loop3A_1413, %parallel_loop3A_1456 : vector<16xi1>, vector<16xi32>
      %parallel_loop3A_1462 = arith.cmpf oge, %parallel_loop3A_1460, %parallel_loop3A_1417 : vector<16xf32>
      %parallel_loop3A_1463 = arith.maximumf %parallel_loop3A_1460, %parallel_loop3A_1417 : vector<16xf32>
      %parallel_loop3A_1464 = arith.select %parallel_loop3A_1462, %parallel_loop3A_1461, %parallel_loop3A_1418 : vector<16xi1>, vector<16xi32>
      %parallel_loop3A_1465 = arith.minimumf %parallel_loop3A_1460, %parallel_loop3A_1417 : vector<16xf32>
      %parallel_loop3A_1466 = arith.select %parallel_loop3A_1462, %parallel_loop3A_1418, %parallel_loop3A_1461 : vector<16xi1>, vector<16xi32>
      %parallel_loop3A_1467 = arith.cmpf oge, %parallel_loop3A_1465, %parallel_loop3A_1422 : vector<16xf32>
      %parallel_loop3A_1468 = arith.maximumf %parallel_loop3A_1465, %parallel_loop3A_1422 : vector<16xf32>
      %parallel_loop3A_1469 = arith.select %parallel_loop3A_1467, %parallel_loop3A_1466, %parallel_loop3A_1423 : vector<16xi1>, vector<16xi32>
      %parallel_loop3A_1470 = arith.minimumf %parallel_loop3A_1465, %parallel_loop3A_1422 : vector<16xf32>
      %parallel_loop3A_1471 = arith.select %parallel_loop3A_1467, %parallel_loop3A_1423, %parallel_loop3A_1466 : vector<16xi1>, vector<16xi32>
      %parallel_loop3A_1472 = arith.cmpf oge, %parallel_loop3A_1470, %parallel_loop3A_1427 : vector<16xf32>
      %parallel_loop3A_1473 = arith.maximumf %parallel_loop3A_1470, %parallel_loop3A_1427 : vector<16xf32>
      %parallel_loop3A_1474 = arith.select %parallel_loop3A_1472, %parallel_loop3A_1471, %parallel_loop3A_1428 : vector<16xi1>, vector<16xi32>
      %parallel_loop3A_1475 = arith.minimumf %parallel_loop3A_1470, %parallel_loop3A_1427 : vector<16xf32>
      %parallel_loop3A_1476 = arith.select %parallel_loop3A_1472, %parallel_loop3A_1428, %parallel_loop3A_1471 : vector<16xi1>, vector<16xi32>
      %parallel_loop3A_1477 = arith.cmpf oge, %parallel_loop3A_1475, %parallel_loop3A_1432 : vector<16xf32>
      %parallel_loop3A_1478 = arith.maximumf %parallel_loop3A_1475, %parallel_loop3A_1432 : vector<16xf32>
      %parallel_loop3A_1479 = arith.select %parallel_loop3A_1477, %parallel_loop3A_1476, %parallel_loop3A_1433 : vector<16xi1>, vector<16xi32>
      %parallel_loop3A_1480 = arith.minimumf %parallel_loop3A_1475, %parallel_loop3A_1432 : vector<16xf32>
      %parallel_loop3A_1481 = arith.select %parallel_loop3A_1477, %parallel_loop3A_1433, %parallel_loop3A_1476 : vector<16xi1>, vector<16xi32>
      %parallel_loop3A_1482 = arith.cmpf oge, %parallel_loop3A_1480, %parallel_loop3A_1437 : vector<16xf32>
      %parallel_loop3A_1483 = arith.maximumf %parallel_loop3A_1480, %parallel_loop3A_1437 : vector<16xf32>
      %parallel_loop3A_1484 = arith.select %parallel_loop3A_1482, %parallel_loop3A_1481, %parallel_loop3A_1438 : vector<16xi1>, vector<16xi32>
      %parallel_loop3A_1485 = arith.constant 45 : i32
      %parallel_loop3A_1486 = arith.index_cast %parallel_loop3A_1485 : i32 to index
      %parallel_loop3A_1487 = arith.index_cast %parallel_loop3A_10 : i32 to index
      %parallel_loop3A_1488 = tpu.vector_load %arg5[%parallel_loop3A_1486, %parallel_loop3A_1487] {strides = array<i32>} : memref<64x1024xf32, #tpu.memory_space<vmem>>, vector<1x16xf32>,
      %parallel_loop3A_1489 = vector.shape_cast %parallel_loop3A_1488 : vector<1x16xf32> to vector<16xf32>
      %parallel_loop3A_1490 = arith.select %parallel_loop3A_638, %parallel_loop3A_1489, %broadcast_in_dim3A_5 : vector<16xi1>, vector<16xf32>
      %parallel_loop3A_1491 = arith.constant 45 : i32
      %parallel_loop3A_1492 = vector.broadcast %parallel_loop3A_1491 : i32 to vector<16xi32>
      %parallel_loop3A_1493 = arith.cmpf oge, %parallel_loop3A_1490, %parallel_loop3A_1448 : vector<16xf32>
      %parallel_loop3A_1494 = arith.maximumf %parallel_loop3A_1490, %parallel_loop3A_1448 : vector<16xf32>
      %parallel_loop3A_1495 = arith.select %parallel_loop3A_1493, %parallel_loop3A_1492, %parallel_loop3A_1449 : vector<16xi1>, vector<16xi32>
      %parallel_loop3A_1496 = arith.minimumf %parallel_loop3A_1490, %parallel_loop3A_1448 : vector<16xf32>
      %parallel_loop3A_1497 = arith.select %parallel_loop3A_1493, %parallel_loop3A_1449, %parallel_loop3A_1492 : vector<16xi1>, vector<16xi32>
      %parallel_loop3A_1498 = arith.cmpf oge, %parallel_loop3A_1496, %parallel_loop3A_1453 : vector<16xf32>
      %parallel_loop3A_1499 = arith.maximumf %parallel_loop3A_1496, %parallel_loop3A_1453 : vector<16xf32>
      %parallel_loop3A_1500 = arith.select %parallel_loop3A_1498, %parallel_loop3A_1497, %parallel_loop3A_1454 : vector<16xi1>, vector<16xi32>
      %parallel_loop3A_1501 = arith.minimumf %parallel_loop3A_1496, %parallel_loop3A_1453 : vector<16xf32>
      %parallel_loop3A_1502 = arith.select %parallel_loop3A_1498, %parallel_loop3A_1454, %parallel_loop3A_1497 : vector<16xi1>, vector<16xi32>
      %parallel_loop3A_1503 = arith.cmpf oge, %parallel_loop3A_1501, %parallel_loop3A_1458 : vector<16xf32>
      %parallel_loop3A_1504 = arith.maximumf %parallel_loop3A_1501, %parallel_loop3A_1458 : vector<16xf32>
      %parallel_loop3A_1505 = arith.select %parallel_loop3A_1503, %parallel_loop3A_1502, %parallel_loop3A_1459 : vector<16xi1>, vector<16xi32>
      %parallel_loop3A_1506 = arith.minimumf %parallel_loop3A_1501, %parallel_loop3A_1458 : vector<16xf32>
      %parallel_loop3A_1507 = arith.select %parallel_loop3A_1503, %parallel_loop3A_1459, %parallel_loop3A_1502 : vector<16xi1>, vector<16xi32>
      %parallel_loop3A_1508 = arith.cmpf oge, %parallel_loop3A_1506, %parallel_loop3A_1463 : vector<16xf32>
      %parallel_loop3A_1509 = arith.maximumf %parallel_loop3A_1506, %parallel_loop3A_1463 : vector<16xf32>
      %parallel_loop3A_1510 = arith.select %parallel_loop3A_1508, %parallel_loop3A_1507, %parallel_loop3A_1464 : vector<16xi1>, vector<16xi32>
      %parallel_loop3A_1511 = arith.minimumf %parallel_loop3A_1506, %parallel_loop3A_1463 : vector<16xf32>
      %parallel_loop3A_1512 = arith.select %parallel_loop3A_1508, %parallel_loop3A_1464, %parallel_loop3A_1507 : vector<16xi1>, vector<16xi32>
      %parallel_loop3A_1513 = arith.cmpf oge, %parallel_loop3A_1511, %parallel_loop3A_1468 : vector<16xf32>
      %parallel_loop3A_1514 = arith.maximumf %parallel_loop3A_1511, %parallel_loop3A_1468 : vector<16xf32>
      %parallel_loop3A_1515 = arith.select %parallel_loop3A_1513, %parallel_loop3A_1512, %parallel_loop3A_1469 : vector<16xi1>, vector<16xi32>
      %parallel_loop3A_1516 = arith.minimumf %parallel_loop3A_1511, %parallel_loop3A_1468 : vector<16xf32>
      %parallel_loop3A_1517 = arith.select %parallel_loop3A_1513, %parallel_loop3A_1469, %parallel_loop3A_1512 : vector<16xi1>, vector<16xi32>
      %parallel_loop3A_1518 = arith.cmpf oge, %parallel_loop3A_1516, %parallel_loop3A_1473 : vector<16xf32>
      %parallel_loop3A_1519 = arith.maximumf %parallel_loop3A_1516, %parallel_loop3A_1473 : vector<16xf32>
      %parallel_loop3A_1520 = arith.select %parallel_loop3A_1518, %parallel_loop3A_1517, %parallel_loop3A_1474 : vector<16xi1>, vector<16xi32>
      %parallel_loop3A_1521 = arith.minimumf %parallel_loop3A_1516, %parallel_loop3A_1473 : vector<16xf32>
      %parallel_loop3A_1522 = arith.select %parallel_loop3A_1518, %parallel_loop3A_1474, %parallel_loop3A_1517 : vector<16xi1>, vector<16xi32>
      %parallel_loop3A_1523 = arith.cmpf oge, %parallel_loop3A_1521, %parallel_loop3A_1478 : vector<16xf32>
      %parallel_loop3A_1524 = arith.maximumf %parallel_loop3A_1521, %parallel_loop3A_1478 : vector<16xf32>
      %parallel_loop3A_1525 = arith.select %parallel_loop3A_1523, %parallel_loop3A_1522, %parallel_loop3A_1479 : vector<16xi1>, vector<16xi32>
      %parallel_loop3A_1526 = arith.minimumf %parallel_loop3A_1521, %parallel_loop3A_1478 : vector<16xf32>
      %parallel_loop3A_1527 = arith.select %parallel_loop3A_1523, %parallel_loop3A_1479, %parallel_loop3A_1522 : vector<16xi1>, vector<16xi32>
      %parallel_loop3A_1528 = arith.cmpf oge, %parallel_loop3A_1526, %parallel_loop3A_1483 : vector<16xf32>
      %parallel_loop3A_1529 = arith.maximumf %parallel_loop3A_1526, %parallel_loop3A_1483 : vector<16xf32>
      %parallel_loop3A_1530 = arith.select %parallel_loop3A_1528, %parallel_loop3A_1527, %parallel_loop3A_1484 : vector<16xi1>, vector<16xi32>
      %parallel_loop3A_1531 = arith.constant 44 : i32
      %parallel_loop3A_1532 = arith.index_cast %parallel_loop3A_1531 : i32 to index
      %parallel_loop3A_1533 = arith.index_cast %parallel_loop3A_10 : i32 to index
      %parallel_loop3A_1534 = tpu.vector_load %arg5[%parallel_loop3A_1532, %parallel_loop3A_1533] {strides = array<i32>} : memref<64x1024xf32, #tpu.memory_space<vmem>>, vector<1x16xf32>,
      %parallel_loop3A_1535 = vector.shape_cast %parallel_loop3A_1534 : vector<1x16xf32> to vector<16xf32>
      %parallel_loop3A_1536 = arith.select %parallel_loop3A_638, %parallel_loop3A_1535, %broadcast_in_dim3A_5 : vector<16xi1>, vector<16xf32>
      %parallel_loop3A_1537 = arith.constant 44 : i32
      %parallel_loop3A_1538 = vector.broadcast %parallel_loop3A_1537 : i32 to vector<16xi32>
      %parallel_loop3A_1539 = arith.cmpf oge, %parallel_loop3A_1536, %parallel_loop3A_1494 : vector<16xf32>
      %parallel_loop3A_1540 = arith.maximumf %parallel_loop3A_1536, %parallel_loop3A_1494 : vector<16xf32>
      %parallel_loop3A_1541 = arith.select %parallel_loop3A_1539, %parallel_loop3A_1538, %parallel_loop3A_1495 : vector<16xi1>, vector<16xi32>
      %parallel_loop3A_1542 = arith.minimumf %parallel_loop3A_1536, %parallel_loop3A_1494 : vector<16xf32>
      %parallel_loop3A_1543 = arith.select %parallel_loop3A_1539, %parallel_loop3A_1495, %parallel_loop3A_1538 : vector<16xi1>, vector<16xi32>
      %parallel_loop3A_1544 = arith.cmpf oge, %parallel_loop3A_1542, %parallel_loop3A_1499 : vector<16xf32>
      %parallel_loop3A_1545 = arith.maximumf %parallel_loop3A_1542, %parallel_loop3A_1499 : vector<16xf32>
      %parallel_loop3A_1546 = arith.select %parallel_loop3A_1544, %parallel_loop3A_1543, %parallel_loop3A_1500 : vector<16xi1>, vector<16xi32>
      %parallel_loop3A_1547 = arith.minimumf %parallel_loop3A_1542, %parallel_loop3A_1499 : vector<16xf32>
      %parallel_loop3A_1548 = arith.select %parallel_loop3A_1544, %parallel_loop3A_1500, %parallel_loop3A_1543 : vector<16xi1>, vector<16xi32>
      %parallel_loop3A_1549 = arith.cmpf oge, %parallel_loop3A_1547, %parallel_loop3A_1504 : vector<16xf32>
      %parallel_loop3A_1550 = arith.maximumf %parallel_loop3A_1547, %parallel_loop3A_1504 : vector<16xf32>
      %parallel_loop3A_1551 = arith.select %parallel_loop3A_1549, %parallel_loop3A_1548, %parallel_loop3A_1505 : vector<16xi1>, vector<16xi32>
      %parallel_loop3A_1552 = arith.minimumf %parallel_loop3A_1547, %parallel_loop3A_1504 : vector<16xf32>
      %parallel_loop3A_1553 = arith.select %parallel_loop3A_1549, %parallel_loop3A_1505, %parallel_loop3A_1548 : vector<16xi1>, vector<16xi32>
      %parallel_loop3A_1554 = arith.cmpf oge, %parallel_loop3A_1552, %parallel_loop3A_1509 : vector<16xf32>
      %parallel_loop3A_1555 = arith.maximumf %parallel_loop3A_1552, %parallel_loop3A_1509 : vector<16xf32>
      %parallel_loop3A_1556 = arith.select %parallel_loop3A_1554, %parallel_loop3A_1553, %parallel_loop3A_1510 : vector<16xi1>, vector<16xi32>
      %parallel_loop3A_1557 = arith.minimumf %parallel_loop3A_1552, %parallel_loop3A_1509 : vector<16xf32>
      %parallel_loop3A_1558 = arith.select %parallel_loop3A_1554, %parallel_loop3A_1510, %parallel_loop3A_1553 : vector<16xi1>, vector<16xi32>
      %parallel_loop3A_1559 = arith.cmpf oge, %parallel_loop3A_1557, %parallel_loop3A_1514 : vector<16xf32>
      %parallel_loop3A_1560 = arith.maximumf %parallel_loop3A_1557, %parallel_loop3A_1514 : vector<16xf32>
      %parallel_loop3A_1561 = arith.select %parallel_loop3A_1559, %parallel_loop3A_1558, %parallel_loop3A_1515 : vector<16xi1>, vector<16xi32>
      %parallel_loop3A_1562 = arith.minimumf %parallel_loop3A_1557, %parallel_loop3A_1514 : vector<16xf32>
      %parallel_loop3A_1563 = arith.select %parallel_loop3A_1559, %parallel_loop3A_1515, %parallel_loop3A_1558 : vector<16xi1>, vector<16xi32>
      %parallel_loop3A_1564 = arith.cmpf oge, %parallel_loop3A_1562, %parallel_loop3A_1519 : vector<16xf32>
      %parallel_loop3A_1565 = arith.maximumf %parallel_loop3A_1562, %parallel_loop3A_1519 : vector<16xf32>
      %parallel_loop3A_1566 = arith.select %parallel_loop3A_1564, %parallel_loop3A_1563, %parallel_loop3A_1520 : vector<16xi1>, vector<16xi32>
      %parallel_loop3A_1567 = arith.minimumf %parallel_loop3A_1562, %parallel_loop3A_1519 : vector<16xf32>
      %parallel_loop3A_1568 = arith.select %parallel_loop3A_1564, %parallel_loop3A_1520, %parallel_loop3A_1563 : vector<16xi1>, vector<16xi32>
      %parallel_loop3A_1569 = arith.cmpf oge, %parallel_loop3A_1567, %parallel_loop3A_1524 : vector<16xf32>
      %parallel_loop3A_1570 = arith.maximumf %parallel_loop3A_1567, %parallel_loop3A_1524 : vector<16xf32>
      %parallel_loop3A_1571 = arith.select %parallel_loop3A_1569, %parallel_loop3A_1568, %parallel_loop3A_1525 : vector<16xi1>, vector<16xi32>
      %parallel_loop3A_1572 = arith.minimumf %parallel_loop3A_1567, %parallel_loop3A_1524 : vector<16xf32>
      %parallel_loop3A_1573 = arith.select %parallel_loop3A_1569, %parallel_loop3A_1525, %parallel_loop3A_1568 : vector<16xi1>, vector<16xi32>
      %parallel_loop3A_1574 = arith.cmpf oge, %parallel_loop3A_1572, %parallel_loop3A_1529 : vector<16xf32>
      %parallel_loop3A_1575 = arith.maximumf %parallel_loop3A_1572, %parallel_loop3A_1529 : vector<16xf32>
      %parallel_loop3A_1576 = arith.select %parallel_loop3A_1574, %parallel_loop3A_1573, %parallel_loop3A_1530 : vector<16xi1>, vector<16xi32>
      %parallel_loop3A_1577 = arith.constant 43 : i32
      %parallel_loop3A_1578 = arith.index_cast %parallel_loop3A_1577 : i32 to index
      %parallel_loop3A_1579 = arith.index_cast %parallel_loop3A_10 : i32 to index
      %parallel_loop3A_1580 = tpu.vector_load %arg5[%parallel_loop3A_1578, %parallel_loop3A_1579] {strides = array<i32>} : memref<64x1024xf32, #tpu.memory_space<vmem>>, vector<1x16xf32>,
      %parallel_loop3A_1581 = vector.shape_cast %parallel_loop3A_1580 : vector<1x16xf32> to vector<16xf32>
      %parallel_loop3A_1582 = arith.select %parallel_loop3A_638, %parallel_loop3A_1581, %broadcast_in_dim3A_5 : vector<16xi1>, vector<16xf32>
      %parallel_loop3A_1583 = arith.constant 43 : i32
      %parallel_loop3A_1584 = vector.broadcast %parallel_loop3A_1583 : i32 to vector<16xi32>
      %parallel_loop3A_1585 = arith.cmpf oge, %parallel_loop3A_1582, %parallel_loop3A_1540 : vector<16xf32>
      %parallel_loop3A_1586 = arith.maximumf %parallel_loop3A_1582, %parallel_loop3A_1540 : vector<16xf32>
      %parallel_loop3A_1587 = arith.select %parallel_loop3A_1585, %parallel_loop3A_1584, %parallel_loop3A_1541 : vector<16xi1>, vector<16xi32>
      %parallel_loop3A_1588 = arith.minimumf %parallel_loop3A_1582, %parallel_loop3A_1540 : vector<16xf32>
      %parallel_loop3A_1589 = arith.select %parallel_loop3A_1585, %parallel_loop3A_1541, %parallel_loop3A_1584 : vector<16xi1>, vector<16xi32>
      %parallel_loop3A_1590 = arith.cmpf oge, %parallel_loop3A_1588, %parallel_loop3A_1545 : vector<16xf32>
      %parallel_loop3A_1591 = arith.maximumf %parallel_loop3A_1588, %parallel_loop3A_1545 : vector<16xf32>
      %parallel_loop3A_1592 = arith.select %parallel_loop3A_1590, %parallel_loop3A_1589, %parallel_loop3A_1546 : vector<16xi1>, vector<16xi32>
      %parallel_loop3A_1593 = arith.minimumf %parallel_loop3A_1588, %parallel_loop3A_1545 : vector<16xf32>
      %parallel_loop3A_1594 = arith.select %parallel_loop3A_1590, %parallel_loop3A_1546, %parallel_loop3A_1589 : vector<16xi1>, vector<16xi32>
      %parallel_loop3A_1595 = arith.cmpf oge, %parallel_loop3A_1593, %parallel_loop3A_1550 : vector<16xf32>
      %parallel_loop3A_1596 = arith.maximumf %parallel_loop3A_1593, %parallel_loop3A_1550 : vector<16xf32>
      %parallel_loop3A_1597 = arith.select %parallel_loop3A_1595, %parallel_loop3A_1594, %parallel_loop3A_1551 : vector<16xi1>, vector<16xi32>
      %parallel_loop3A_1598 = arith.minimumf %parallel_loop3A_1593, %parallel_loop3A_1550 : vector<16xf32>
      %parallel_loop3A_1599 = arith.select %parallel_loop3A_1595, %parallel_loop3A_1551, %parallel_loop3A_1594 : vector<16xi1>, vector<16xi32>
      %parallel_loop3A_1600 = arith.cmpf oge, %parallel_loop3A_1598, %parallel_loop3A_1555 : vector<16xf32>
      %parallel_loop3A_1601 = arith.maximumf %parallel_loop3A_1598, %parallel_loop3A_1555 : vector<16xf32>
      %parallel_loop3A_1602 = arith.select %parallel_loop3A_1600, %parallel_loop3A_1599, %parallel_loop3A_1556 : vector<16xi1>, vector<16xi32>
      %parallel_loop3A_1603 = arith.minimumf %parallel_loop3A_1598, %parallel_loop3A_1555 : vector<16xf32>
      %parallel_loop3A_1604 = arith.select %parallel_loop3A_1600, %parallel_loop3A_1556, %parallel_loop3A_1599 : vector<16xi1>, vector<16xi32>
      %parallel_loop3A_1605 = arith.cmpf oge, %parallel_loop3A_1603, %parallel_loop3A_1560 : vector<16xf32>
      %parallel_loop3A_1606 = arith.maximumf %parallel_loop3A_1603, %parallel_loop3A_1560 : vector<16xf32>
      %parallel_loop3A_1607 = arith.select %parallel_loop3A_1605, %parallel_loop3A_1604, %parallel_loop3A_1561 : vector<16xi1>, vector<16xi32>
      %parallel_loop3A_1608 = arith.minimumf %parallel_loop3A_1603, %parallel_loop3A_1560 : vector<16xf32>
      %parallel_loop3A_1609 = arith.select %parallel_loop3A_1605, %parallel_loop3A_1561, %parallel_loop3A_1604 : vector<16xi1>, vector<16xi32>
      %parallel_loop3A_1610 = arith.cmpf oge, %parallel_loop3A_1608, %parallel_loop3A_1565 : vector<16xf32>
      %parallel_loop3A_1611 = arith.maximumf %parallel_loop3A_1608, %parallel_loop3A_1565 : vector<16xf32>
      %parallel_loop3A_1612 = arith.select %parallel_loop3A_1610, %parallel_loop3A_1609, %parallel_loop3A_1566 : vector<16xi1>, vector<16xi32>
      %parallel_loop3A_1613 = arith.minimumf %parallel_loop3A_1608, %parallel_loop3A_1565 : vector<16xf32>
      %parallel_loop3A_1614 = arith.select %parallel_loop3A_1610, %parallel_loop3A_1566, %parallel_loop3A_1609 : vector<16xi1>, vector<16xi32>
      %parallel_loop3A_1615 = arith.cmpf oge, %parallel_loop3A_1613, %parallel_loop3A_1570 : vector<16xf32>
      %parallel_loop3A_1616 = arith.maximumf %parallel_loop3A_1613, %parallel_loop3A_1570 : vector<16xf32>
      %parallel_loop3A_1617 = arith.select %parallel_loop3A_1615, %parallel_loop3A_1614, %parallel_loop3A_1571 : vector<16xi1>, vector<16xi32>
      %parallel_loop3A_1618 = arith.minimumf %parallel_loop3A_1613, %parallel_loop3A_1570 : vector<16xf32>
      %parallel_loop3A_1619 = arith.select %parallel_loop3A_1615, %parallel_loop3A_1571, %parallel_loop3A_1614 : vector<16xi1>, vector<16xi32>
      %parallel_loop3A_1620 = arith.cmpf oge, %parallel_loop3A_1618, %parallel_loop3A_1575 : vector<16xf32>
      %parallel_loop3A_1621 = arith.maximumf %parallel_loop3A_1618, %parallel_loop3A_1575 : vector<16xf32>
      %parallel_loop3A_1622 = arith.select %parallel_loop3A_1620, %parallel_loop3A_1619, %parallel_loop3A_1576 : vector<16xi1>, vector<16xi32>
      %parallel_loop3A_1623 = arith.constant 42 : i32
      %parallel_loop3A_1624 = arith.index_cast %parallel_loop3A_1623 : i32 to index
      %parallel_loop3A_1625 = arith.index_cast %parallel_loop3A_10 : i32 to index
      %parallel_loop3A_1626 = tpu.vector_load %arg5[%parallel_loop3A_1624, %parallel_loop3A_1625] {strides = array<i32>} : memref<64x1024xf32, #tpu.memory_space<vmem>>, vector<1x16xf32>,
      %parallel_loop3A_1627 = vector.shape_cast %parallel_loop3A_1626 : vector<1x16xf32> to vector<16xf32>
      %parallel_loop3A_1628 = arith.select %parallel_loop3A_638, %parallel_loop3A_1627, %broadcast_in_dim3A_5 : vector<16xi1>, vector<16xf32>
      %parallel_loop3A_1629 = arith.constant 42 : i32
      %parallel_loop3A_1630 = vector.broadcast %parallel_loop3A_1629 : i32 to vector<16xi32>
      %parallel_loop3A_1631 = arith.cmpf oge, %parallel_loop3A_1628, %parallel_loop3A_1586 : vector<16xf32>
      %parallel_loop3A_1632 = arith.maximumf %parallel_loop3A_1628, %parallel_loop3A_1586 : vector<16xf32>
      %parallel_loop3A_1633 = arith.select %parallel_loop3A_1631, %parallel_loop3A_1630, %parallel_loop3A_1587 : vector<16xi1>, vector<16xi32>
      %parallel_loop3A_1634 = arith.minimumf %parallel_loop3A_1628, %parallel_loop3A_1586 : vector<16xf32>
      %parallel_loop3A_1635 = arith.select %parallel_loop3A_1631, %parallel_loop3A_1587, %parallel_loop3A_1630 : vector<16xi1>, vector<16xi32>
      %parallel_loop3A_1636 = arith.cmpf oge, %parallel_loop3A_1634, %parallel_loop3A_1591 : vector<16xf32>
      %parallel_loop3A_1637 = arith.maximumf %parallel_loop3A_1634, %parallel_loop3A_1591 : vector<16xf32>
      %parallel_loop3A_1638 = arith.select %parallel_loop3A_1636, %parallel_loop3A_1635, %parallel_loop3A_1592 : vector<16xi1>, vector<16xi32>
      %parallel_loop3A_1639 = arith.minimumf %parallel_loop3A_1634, %parallel_loop3A_1591 : vector<16xf32>
      %parallel_loop3A_1640 = arith.select %parallel_loop3A_1636, %parallel_loop3A_1592, %parallel_loop3A_1635 : vector<16xi1>, vector<16xi32>
      %parallel_loop3A_1641 = arith.cmpf oge, %parallel_loop3A_1639, %parallel_loop3A_1596 : vector<16xf32>
      %parallel_loop3A_1642 = arith.maximumf %parallel_loop3A_1639, %parallel_loop3A_1596 : vector<16xf32>
      %parallel_loop3A_1643 = arith.select %parallel_loop3A_1641, %parallel_loop3A_1640, %parallel_loop3A_1597 : vector<16xi1>, vector<16xi32>
      %parallel_loop3A_1644 = arith.minimumf %parallel_loop3A_1639, %parallel_loop3A_1596 : vector<16xf32>
      %parallel_loop3A_1645 = arith.select %parallel_loop3A_1641, %parallel_loop3A_1597, %parallel_loop3A_1640 : vector<16xi1>, vector<16xi32>
      %parallel_loop3A_1646 = arith.cmpf oge, %parallel_loop3A_1644, %parallel_loop3A_1601 : vector<16xf32>
      %parallel_loop3A_1647 = arith.maximumf %parallel_loop3A_1644, %parallel_loop3A_1601 : vector<16xf32>
      %parallel_loop3A_1648 = arith.select %parallel_loop3A_1646, %parallel_loop3A_1645, %parallel_loop3A_1602 : vector<16xi1>, vector<16xi32>
      %parallel_loop3A_1649 = arith.minimumf %parallel_loop3A_1644, %parallel_loop3A_1601 : vector<16xf32>
      %parallel_loop3A_1650 = arith.select %parallel_loop3A_1646, %parallel_loop3A_1602, %parallel_loop3A_1645 : vector<16xi1>, vector<16xi32>
      %parallel_loop3A_1651 = arith.cmpf oge, %parallel_loop3A_1649, %parallel_loop3A_1606 : vector<16xf32>
      %parallel_loop3A_1652 = arith.maximumf %parallel_loop3A_1649, %parallel_loop3A_1606 : vector<16xf32>
      %parallel_loop3A_1653 = arith.select %parallel_loop3A_1651, %parallel_loop3A_1650, %parallel_loop3A_1607 : vector<16xi1>, vector<16xi32>
      %parallel_loop3A_1654 = arith.minimumf %parallel_loop3A_1649, %parallel_loop3A_1606 : vector<16xf32>
      %parallel_loop3A_1655 = arith.select %parallel_loop3A_1651, %parallel_loop3A_1607, %parallel_loop3A_1650 : vector<16xi1>, vector<16xi32>
      %parallel_loop3A_1656 = arith.cmpf oge, %parallel_loop3A_1654, %parallel_loop3A_1611 : vector<16xf32>
      %parallel_loop3A_1657 = arith.maximumf %parallel_loop3A_1654, %parallel_loop3A_1611 : vector<16xf32>
      %parallel_loop3A_1658 = arith.select %parallel_loop3A_1656, %parallel_loop3A_1655, %parallel_loop3A_1612 : vector<16xi1>, vector<16xi32>
      %parallel_loop3A_1659 = arith.minimumf %parallel_loop3A_1654, %parallel_loop3A_1611 : vector<16xf32>
      %parallel_loop3A_1660 = arith.select %parallel_loop3A_1656, %parallel_loop3A_1612, %parallel_loop3A_1655 : vector<16xi1>, vector<16xi32>
      %parallel_loop3A_1661 = arith.cmpf oge, %parallel_loop3A_1659, %parallel_loop3A_1616 : vector<16xf32>
      %parallel_loop3A_1662 = arith.maximumf %parallel_loop3A_1659, %parallel_loop3A_1616 : vector<16xf32>
      %parallel_loop3A_1663 = arith.select %parallel_loop3A_1661, %parallel_loop3A_1660, %parallel_loop3A_1617 : vector<16xi1>, vector<16xi32>
      %parallel_loop3A_1664 = arith.minimumf %parallel_loop3A_1659, %parallel_loop3A_1616 : vector<16xf32>
      %parallel_loop3A_1665 = arith.select %parallel_loop3A_1661, %parallel_loop3A_1617, %parallel_loop3A_1660 : vector<16xi1>, vector<16xi32>
      %parallel_loop3A_1666 = arith.cmpf oge, %parallel_loop3A_1664, %parallel_loop3A_1621 : vector<16xf32>
      %parallel_loop3A_1667 = arith.maximumf %parallel_loop3A_1664, %parallel_loop3A_1621 : vector<16xf32>
      %parallel_loop3A_1668 = arith.select %parallel_loop3A_1666, %parallel_loop3A_1665, %parallel_loop3A_1622 : vector<16xi1>, vector<16xi32>
      %parallel_loop3A_1669 = arith.constant 41 : i32
      %parallel_loop3A_1670 = arith.index_cast %parallel_loop3A_1669 : i32 to index
      %parallel_loop3A_1671 = arith.index_cast %parallel_loop3A_10 : i32 to index
      %parallel_loop3A_1672 = tpu.vector_load %arg5[%parallel_loop3A_1670, %parallel_loop3A_1671] {strides = array<i32>} : memref<64x1024xf32, #tpu.memory_space<vmem>>, vector<1x16xf32>,
      %parallel_loop3A_1673 = vector.shape_cast %parallel_loop3A_1672 : vector<1x16xf32> to vector<16xf32>
      %parallel_loop3A_1674 = arith.select %parallel_loop3A_638, %parallel_loop3A_1673, %broadcast_in_dim3A_5 : vector<16xi1>, vector<16xf32>
      %parallel_loop3A_1675 = arith.constant 41 : i32
      %parallel_loop3A_1676 = vector.broadcast %parallel_loop3A_1675 : i32 to vector<16xi32>
      %parallel_loop3A_1677 = arith.cmpf oge, %parallel_loop3A_1674, %parallel_loop3A_1632 : vector<16xf32>
      %parallel_loop3A_1678 = arith.maximumf %parallel_loop3A_1674, %parallel_loop3A_1632 : vector<16xf32>
      %parallel_loop3A_1679 = arith.select %parallel_loop3A_1677, %parallel_loop3A_1676, %parallel_loop3A_1633 : vector<16xi1>, vector<16xi32>
      %parallel_loop3A_1680 = arith.minimumf %parallel_loop3A_1674, %parallel_loop3A_1632 : vector<16xf32>
      %parallel_loop3A_1681 = arith.select %parallel_loop3A_1677, %parallel_loop3A_1633, %parallel_loop3A_1676 : vector<16xi1>, vector<16xi32>
      %parallel_loop3A_1682 = arith.cmpf oge, %parallel_loop3A_1680, %parallel_loop3A_1637 : vector<16xf32>
      %parallel_loop3A_1683 = arith.maximumf %parallel_loop3A_1680, %parallel_loop3A_1637 : vector<16xf32>
      %parallel_loop3A_1684 = arith.select %parallel_loop3A_1682, %parallel_loop3A_1681, %parallel_loop3A_1638 : vector<16xi1>, vector<16xi32>
      %parallel_loop3A_1685 = arith.minimumf %parallel_loop3A_1680, %parallel_loop3A_1637 : vector<16xf32>
      %parallel_loop3A_1686 = arith.select %parallel_loop3A_1682, %parallel_loop3A_1638, %parallel_loop3A_1681 : vector<16xi1>, vector<16xi32>
      %parallel_loop3A_1687 = arith.cmpf oge, %parallel_loop3A_1685, %parallel_loop3A_1642 : vector<16xf32>
      %parallel_loop3A_1688 = arith.maximumf %parallel_loop3A_1685, %parallel_loop3A_1642 : vector<16xf32>
      %parallel_loop3A_1689 = arith.select %parallel_loop3A_1687, %parallel_loop3A_1686, %parallel_loop3A_1643 : vector<16xi1>, vector<16xi32>
      %parallel_loop3A_1690 = arith.minimumf %parallel_loop3A_1685, %parallel_loop3A_1642 : vector<16xf32>
      %parallel_loop3A_1691 = arith.select %parallel_loop3A_1687, %parallel_loop3A_1643, %parallel_loop3A_1686 : vector<16xi1>, vector<16xi32>
      %parallel_loop3A_1692 = arith.cmpf oge, %parallel_loop3A_1690, %parallel_loop3A_1647 : vector<16xf32>
      %parallel_loop3A_1693 = arith.maximumf %parallel_loop3A_1690, %parallel_loop3A_1647 : vector<16xf32>
      %parallel_loop3A_1694 = arith.select %parallel_loop3A_1692, %parallel_loop3A_1691, %parallel_loop3A_1648 : vector<16xi1>, vector<16xi32>
      %parallel_loop3A_1695 = arith.minimumf %parallel_loop3A_1690, %parallel_loop3A_1647 : vector<16xf32>
      %parallel_loop3A_1696 = arith.select %parallel_loop3A_1692, %parallel_loop3A_1648, %parallel_loop3A_1691 : vector<16xi1>, vector<16xi32>
      %parallel_loop3A_1697 = arith.cmpf oge, %parallel_loop3A_1695, %parallel_loop3A_1652 : vector<16xf32>
      %parallel_loop3A_1698 = arith.maximumf %parallel_loop3A_1695, %parallel_loop3A_1652 : vector<16xf32>
      %parallel_loop3A_1699 = arith.select %parallel_loop3A_1697, %parallel_loop3A_1696, %parallel_loop3A_1653 : vector<16xi1>, vector<16xi32>
      %parallel_loop3A_1700 = arith.minimumf %parallel_loop3A_1695, %parallel_loop3A_1652 : vector<16xf32>
      %parallel_loop3A_1701 = arith.select %parallel_loop3A_1697, %parallel_loop3A_1653, %parallel_loop3A_1696 : vector<16xi1>, vector<16xi32>
      %parallel_loop3A_1702 = arith.cmpf oge, %parallel_loop3A_1700, %parallel_loop3A_1657 : vector<16xf32>
      %parallel_loop3A_1703 = arith.maximumf %parallel_loop3A_1700, %parallel_loop3A_1657 : vector<16xf32>
      %parallel_loop3A_1704 = arith.select %parallel_loop3A_1702, %parallel_loop3A_1701, %parallel_loop3A_1658 : vector<16xi1>, vector<16xi32>
      %parallel_loop3A_1705 = arith.minimumf %parallel_loop3A_1700, %parallel_loop3A_1657 : vector<16xf32>
      %parallel_loop3A_1706 = arith.select %parallel_loop3A_1702, %parallel_loop3A_1658, %parallel_loop3A_1701 : vector<16xi1>, vector<16xi32>
      %parallel_loop3A_1707 = arith.cmpf oge, %parallel_loop3A_1705, %parallel_loop3A_1662 : vector<16xf32>
      %parallel_loop3A_1708 = arith.maximumf %parallel_loop3A_1705, %parallel_loop3A_1662 : vector<16xf32>
      %parallel_loop3A_1709 = arith.select %parallel_loop3A_1707, %parallel_loop3A_1706, %parallel_loop3A_1663 : vector<16xi1>, vector<16xi32>
      %parallel_loop3A_1710 = arith.minimumf %parallel_loop3A_1705, %parallel_loop3A_1662 : vector<16xf32>
      %parallel_loop3A_1711 = arith.select %parallel_loop3A_1707, %parallel_loop3A_1663, %parallel_loop3A_1706 : vector<16xi1>, vector<16xi32>
      %parallel_loop3A_1712 = arith.cmpf oge, %parallel_loop3A_1710, %parallel_loop3A_1667 : vector<16xf32>
      %parallel_loop3A_1713 = arith.maximumf %parallel_loop3A_1710, %parallel_loop3A_1667 : vector<16xf32>
      %parallel_loop3A_1714 = arith.select %parallel_loop3A_1712, %parallel_loop3A_1711, %parallel_loop3A_1668 : vector<16xi1>, vector<16xi32>
      %parallel_loop3A_1715 = arith.constant 40 : i32
      %parallel_loop3A_1716 = arith.index_cast %parallel_loop3A_1715 : i32 to index
      %parallel_loop3A_1717 = arith.index_cast %parallel_loop3A_10 : i32 to index
      %parallel_loop3A_1718 = tpu.vector_load %arg5[%parallel_loop3A_1716, %parallel_loop3A_1717] {strides = array<i32>} : memref<64x1024xf32, #tpu.memory_space<vmem>>, vector<1x16xf32>,
      %parallel_loop3A_1719 = vector.shape_cast %parallel_loop3A_1718 : vector<1x16xf32> to vector<16xf32>
      %parallel_loop3A_1720 = arith.select %parallel_loop3A_638, %parallel_loop3A_1719, %broadcast_in_dim3A_5 : vector<16xi1>, vector<16xf32>
      %parallel_loop3A_1721 = arith.constant 40 : i32
      %parallel_loop3A_1722 = vector.broadcast %parallel_loop3A_1721 : i32 to vector<16xi32>
      %parallel_loop3A_1723 = arith.cmpf oge, %parallel_loop3A_1720, %parallel_loop3A_1678 : vector<16xf32>
      %parallel_loop3A_1724 = arith.maximumf %parallel_loop3A_1720, %parallel_loop3A_1678 : vector<16xf32>
      %parallel_loop3A_1725 = arith.select %parallel_loop3A_1723, %parallel_loop3A_1722, %parallel_loop3A_1679 : vector<16xi1>, vector<16xi32>
      %parallel_loop3A_1726 = arith.minimumf %parallel_loop3A_1720, %parallel_loop3A_1678 : vector<16xf32>
      %parallel_loop3A_1727 = arith.select %parallel_loop3A_1723, %parallel_loop3A_1679, %parallel_loop3A_1722 : vector<16xi1>, vector<16xi32>
      %parallel_loop3A_1728 = arith.cmpf oge, %parallel_loop3A_1726, %parallel_loop3A_1683 : vector<16xf32>
      %parallel_loop3A_1729 = arith.maximumf %parallel_loop3A_1726, %parallel_loop3A_1683 : vector<16xf32>
      %parallel_loop3A_1730 = arith.select %parallel_loop3A_1728, %parallel_loop3A_1727, %parallel_loop3A_1684 : vector<16xi1>, vector<16xi32>
      %parallel_loop3A_1731 = arith.minimumf %parallel_loop3A_1726, %parallel_loop3A_1683 : vector<16xf32>
      %parallel_loop3A_1732 = arith.select %parallel_loop3A_1728, %parallel_loop3A_1684, %parallel_loop3A_1727 : vector<16xi1>, vector<16xi32>
      %parallel_loop3A_1733 = arith.cmpf oge, %parallel_loop3A_1731, %parallel_loop3A_1688 : vector<16xf32>
      %parallel_loop3A_1734 = arith.maximumf %parallel_loop3A_1731, %parallel_loop3A_1688 : vector<16xf32>
      %parallel_loop3A_1735 = arith.select %parallel_loop3A_1733, %parallel_loop3A_1732, %parallel_loop3A_1689 : vector<16xi1>, vector<16xi32>
      %parallel_loop3A_1736 = arith.minimumf %parallel_loop3A_1731, %parallel_loop3A_1688 : vector<16xf32>
      %parallel_loop3A_1737 = arith.select %parallel_loop3A_1733, %parallel_loop3A_1689, %parallel_loop3A_1732 : vector<16xi1>, vector<16xi32>
      %parallel_loop3A_1738 = arith.cmpf oge, %parallel_loop3A_1736, %parallel_loop3A_1693 : vector<16xf32>
      %parallel_loop3A_1739 = arith.maximumf %parallel_loop3A_1736, %parallel_loop3A_1693 : vector<16xf32>
      %parallel_loop3A_1740 = arith.select %parallel_loop3A_1738, %parallel_loop3A_1737, %parallel_loop3A_1694 : vector<16xi1>, vector<16xi32>
      %parallel_loop3A_1741 = arith.minimumf %parallel_loop3A_1736, %parallel_loop3A_1693 : vector<16xf32>
      %parallel_loop3A_1742 = arith.select %parallel_loop3A_1738, %parallel_loop3A_1694, %parallel_loop3A_1737 : vector<16xi1>, vector<16xi32>
      %parallel_loop3A_1743 = arith.cmpf oge, %parallel_loop3A_1741, %parallel_loop3A_1698 : vector<16xf32>
      %parallel_loop3A_1744 = arith.maximumf %parallel_loop3A_1741, %parallel_loop3A_1698 : vector<16xf32>
      %parallel_loop3A_1745 = arith.select %parallel_loop3A_1743, %parallel_loop3A_1742, %parallel_loop3A_1699 : vector<16xi1>, vector<16xi32>
      %parallel_loop3A_1746 = arith.minimumf %parallel_loop3A_1741, %parallel_loop3A_1698 : vector<16xf32>
      %parallel_loop3A_1747 = arith.select %parallel_loop3A_1743, %parallel_loop3A_1699, %parallel_loop3A_1742 : vector<16xi1>, vector<16xi32>
      %parallel_loop3A_1748 = arith.cmpf oge, %parallel_loop3A_1746, %parallel_loop3A_1703 : vector<16xf32>
      %parallel_loop3A_1749 = arith.maximumf %parallel_loop3A_1746, %parallel_loop3A_1703 : vector<16xf32>
      %parallel_loop3A_1750 = arith.select %parallel_loop3A_1748, %parallel_loop3A_1747, %parallel_loop3A_1704 : vector<16xi1>, vector<16xi32>
      %parallel_loop3A_1751 = arith.minimumf %parallel_loop3A_1746, %parallel_loop3A_1703 : vector<16xf32>
      %parallel_loop3A_1752 = arith.select %parallel_loop3A_1748, %parallel_loop3A_1704, %parallel_loop3A_1747 : vector<16xi1>, vector<16xi32>
      %parallel_loop3A_1753 = arith.cmpf oge, %parallel_loop3A_1751, %parallel_loop3A_1708 : vector<16xf32>
      %parallel_loop3A_1754 = arith.maximumf %parallel_loop3A_1751, %parallel_loop3A_1708 : vector<16xf32>
      %parallel_loop3A_1755 = arith.select %parallel_loop3A_1753, %parallel_loop3A_1752, %parallel_loop3A_1709 : vector<16xi1>, vector<16xi32>
      %parallel_loop3A_1756 = arith.minimumf %parallel_loop3A_1751, %parallel_loop3A_1708 : vector<16xf32>
      %parallel_loop3A_1757 = arith.select %parallel_loop3A_1753, %parallel_loop3A_1709, %parallel_loop3A_1752 : vector<16xi1>, vector<16xi32>
      %parallel_loop3A_1758 = arith.cmpf oge, %parallel_loop3A_1756, %parallel_loop3A_1713 : vector<16xf32>
      %parallel_loop3A_1759 = arith.maximumf %parallel_loop3A_1756, %parallel_loop3A_1713 : vector<16xf32>
      %parallel_loop3A_1760 = arith.select %parallel_loop3A_1758, %parallel_loop3A_1757, %parallel_loop3A_1714 : vector<16xi1>, vector<16xi32>
      %parallel_loop3A_1761 = arith.constant 39 : i32
      %parallel_loop3A_1762 = arith.index_cast %parallel_loop3A_1761 : i32 to index
      %parallel_loop3A_1763 = arith.index_cast %parallel_loop3A_10 : i32 to index
      %parallel_loop3A_1764 = tpu.vector_load %arg5[%parallel_loop3A_1762, %parallel_loop3A_1763] {strides = array<i32>} : memref<64x1024xf32, #tpu.memory_space<vmem>>, vector<1x16xf32>,
      %parallel_loop3A_1765 = vector.shape_cast %parallel_loop3A_1764 : vector<1x16xf32> to vector<16xf32>
      %parallel_loop3A_1766 = arith.select %parallel_loop3A_637, %parallel_loop3A_1765, %broadcast_in_dim3A_5 : vector<16xi1>, vector<16xf32>
      %parallel_loop3A_1767 = arith.constant 39 : i32
      %parallel_loop3A_1768 = vector.broadcast %parallel_loop3A_1767 : i32 to vector<16xi32>
      %parallel_loop3A_1769 = arith.cmpf oge, %parallel_loop3A_1766, %parallel_loop3A_1724 : vector<16xf32>
      %parallel_loop3A_1770 = arith.maximumf %parallel_loop3A_1766, %parallel_loop3A_1724 : vector<16xf32>
      %parallel_loop3A_1771 = arith.select %parallel_loop3A_1769, %parallel_loop3A_1768, %parallel_loop3A_1725 : vector<16xi1>, vector<16xi32>
      %parallel_loop3A_1772 = arith.minimumf %parallel_loop3A_1766, %parallel_loop3A_1724 : vector<16xf32>
      %parallel_loop3A_1773 = arith.select %parallel_loop3A_1769, %parallel_loop3A_1725, %parallel_loop3A_1768 : vector<16xi1>, vector<16xi32>
      %parallel_loop3A_1774 = arith.cmpf oge, %parallel_loop3A_1772, %parallel_loop3A_1729 : vector<16xf32>
      %parallel_loop3A_1775 = arith.maximumf %parallel_loop3A_1772, %parallel_loop3A_1729 : vector<16xf32>
      %parallel_loop3A_1776 = arith.select %parallel_loop3A_1774, %parallel_loop3A_1773, %parallel_loop3A_1730 : vector<16xi1>, vector<16xi32>
      %parallel_loop3A_1777 = arith.minimumf %parallel_loop3A_1772, %parallel_loop3A_1729 : vector<16xf32>
      %parallel_loop3A_1778 = arith.select %parallel_loop3A_1774, %parallel_loop3A_1730, %parallel_loop3A_1773 : vector<16xi1>, vector<16xi32>
      %parallel_loop3A_1779 = arith.cmpf oge, %parallel_loop3A_1777, %parallel_loop3A_1734 : vector<16xf32>
      %parallel_loop3A_1780 = arith.maximumf %parallel_loop3A_1777, %parallel_loop3A_1734 : vector<16xf32>
      %parallel_loop3A_1781 = arith.select %parallel_loop3A_1779, %parallel_loop3A_1778, %parallel_loop3A_1735 : vector<16xi1>, vector<16xi32>
      %parallel_loop3A_1782 = arith.minimumf %parallel_loop3A_1777, %parallel_loop3A_1734 : vector<16xf32>
      %parallel_loop3A_1783 = arith.select %parallel_loop3A_1779, %parallel_loop3A_1735, %parallel_loop3A_1778 : vector<16xi1>, vector<16xi32>
      %parallel_loop3A_1784 = arith.cmpf oge, %parallel_loop3A_1782, %parallel_loop3A_1739 : vector<16xf32>
      %parallel_loop3A_1785 = arith.maximumf %parallel_loop3A_1782, %parallel_loop3A_1739 : vector<16xf32>
      %parallel_loop3A_1786 = arith.select %parallel_loop3A_1784, %parallel_loop3A_1783, %parallel_loop3A_1740 : vector<16xi1>, vector<16xi32>
      %parallel_loop3A_1787 = arith.minimumf %parallel_loop3A_1782, %parallel_loop3A_1739 : vector<16xf32>
      %parallel_loop3A_1788 = arith.select %parallel_loop3A_1784, %parallel_loop3A_1740, %parallel_loop3A_1783 : vector<16xi1>, vector<16xi32>
      %parallel_loop3A_1789 = arith.cmpf oge, %parallel_loop3A_1787, %parallel_loop3A_1744 : vector<16xf32>
      %parallel_loop3A_1790 = arith.maximumf %parallel_loop3A_1787, %parallel_loop3A_1744 : vector<16xf32>
      %parallel_loop3A_1791 = arith.select %parallel_loop3A_1789, %parallel_loop3A_1788, %parallel_loop3A_1745 : vector<16xi1>, vector<16xi32>
      %parallel_loop3A_1792 = arith.minimumf %parallel_loop3A_1787, %parallel_loop3A_1744 : vector<16xf32>
      %parallel_loop3A_1793 = arith.select %parallel_loop3A_1789, %parallel_loop3A_1745, %parallel_loop3A_1788 : vector<16xi1>, vector<16xi32>
      %parallel_loop3A_1794 = arith.cmpf oge, %parallel_loop3A_1792, %parallel_loop3A_1749 : vector<16xf32>
      %parallel_loop3A_1795 = arith.maximumf %parallel_loop3A_1792, %parallel_loop3A_1749 : vector<16xf32>
      %parallel_loop3A_1796 = arith.select %parallel_loop3A_1794, %parallel_loop3A_1793, %parallel_loop3A_1750 : vector<16xi1>, vector<16xi32>
      %parallel_loop3A_1797 = arith.minimumf %parallel_loop3A_1792, %parallel_loop3A_1749 : vector<16xf32>
      %parallel_loop3A_1798 = arith.select %parallel_loop3A_1794, %parallel_loop3A_1750, %parallel_loop3A_1793 : vector<16xi1>, vector<16xi32>
      %parallel_loop3A_1799 = arith.cmpf oge, %parallel_loop3A_1797, %parallel_loop3A_1754 : vector<16xf32>
      %parallel_loop3A_1800 = arith.maximumf %parallel_loop3A_1797, %parallel_loop3A_1754 : vector<16xf32>
      %parallel_loop3A_1801 = arith.select %parallel_loop3A_1799, %parallel_loop3A_1798, %parallel_loop3A_1755 : vector<16xi1>, vector<16xi32>
      %parallel_loop3A_1802 = arith.minimumf %parallel_loop3A_1797, %parallel_loop3A_1754 : vector<16xf32>
      %parallel_loop3A_1803 = arith.select %parallel_loop3A_1799, %parallel_loop3A_1755, %parallel_loop3A_1798 : vector<16xi1>, vector<16xi32>
      %parallel_loop3A_1804 = arith.cmpf oge, %parallel_loop3A_1802, %parallel_loop3A_1759 : vector<16xf32>
      %parallel_loop3A_1805 = arith.maximumf %parallel_loop3A_1802, %parallel_loop3A_1759 : vector<16xf32>
      %parallel_loop3A_1806 = arith.select %parallel_loop3A_1804, %parallel_loop3A_1803, %parallel_loop3A_1760 : vector<16xi1>, vector<16xi32>
      %parallel_loop3A_1807 = arith.constant 38 : i32
      %parallel_loop3A_1808 = arith.index_cast %parallel_loop3A_1807 : i32 to index
      %parallel_loop3A_1809 = arith.index_cast %parallel_loop3A_10 : i32 to index
      %parallel_loop3A_1810 = tpu.vector_load %arg5[%parallel_loop3A_1808, %parallel_loop3A_1809] {strides = array<i32>} : memref<64x1024xf32, #tpu.memory_space<vmem>>, vector<1x16xf32>,
      %parallel_loop3A_1811 = vector.shape_cast %parallel_loop3A_1810 : vector<1x16xf32> to vector<16xf32>
      %parallel_loop3A_1812 = arith.select %parallel_loop3A_637, %parallel_loop3A_1811, %broadcast_in_dim3A_5 : vector<16xi1>, vector<16xf32>
      %parallel_loop3A_1813 = arith.constant 38 : i32
      %parallel_loop3A_1814 = vector.broadcast %parallel_loop3A_1813 : i32 to vector<16xi32>
      %parallel_loop3A_1815 = arith.cmpf oge, %parallel_loop3A_1812, %parallel_loop3A_1770 : vector<16xf32>
      %parallel_loop3A_1816 = arith.maximumf %parallel_loop3A_1812, %parallel_loop3A_1770 : vector<16xf32>
      %parallel_loop3A_1817 = arith.select %parallel_loop3A_1815, %parallel_loop3A_1814, %parallel_loop3A_1771 : vector<16xi1>, vector<16xi32>
      %parallel_loop3A_1818 = arith.minimumf %parallel_loop3A_1812, %parallel_loop3A_1770 : vector<16xf32>
      %parallel_loop3A_1819 = arith.select %parallel_loop3A_1815, %parallel_loop3A_1771, %parallel_loop3A_1814 : vector<16xi1>, vector<16xi32>
      %parallel_loop3A_1820 = arith.cmpf oge, %parallel_loop3A_1818, %parallel_loop3A_1775 : vector<16xf32>
      %parallel_loop3A_1821 = arith.maximumf %parallel_loop3A_1818, %parallel_loop3A_1775 : vector<16xf32>
      %parallel_loop3A_1822 = arith.select %parallel_loop3A_1820, %parallel_loop3A_1819, %parallel_loop3A_1776 : vector<16xi1>, vector<16xi32>
      %parallel_loop3A_1823 = arith.minimumf %parallel_loop3A_1818, %parallel_loop3A_1775 : vector<16xf32>
      %parallel_loop3A_1824 = arith.select %parallel_loop3A_1820, %parallel_loop3A_1776, %parallel_loop3A_1819 : vector<16xi1>, vector<16xi32>
      %parallel_loop3A_1825 = arith.cmpf oge, %parallel_loop3A_1823, %parallel_loop3A_1780 : vector<16xf32>
      %parallel_loop3A_1826 = arith.maximumf %parallel_loop3A_1823, %parallel_loop3A_1780 : vector<16xf32>
      %parallel_loop3A_1827 = arith.select %parallel_loop3A_1825, %parallel_loop3A_1824, %parallel_loop3A_1781 : vector<16xi1>, vector<16xi32>
      %parallel_loop3A_1828 = arith.minimumf %parallel_loop3A_1823, %parallel_loop3A_1780 : vector<16xf32>
      %parallel_loop3A_1829 = arith.select %parallel_loop3A_1825, %parallel_loop3A_1781, %parallel_loop3A_1824 : vector<16xi1>, vector<16xi32>
      %parallel_loop3A_1830 = arith.cmpf oge, %parallel_loop3A_1828, %parallel_loop3A_1785 : vector<16xf32>
      %parallel_loop3A_1831 = arith.maximumf %parallel_loop3A_1828, %parallel_loop3A_1785 : vector<16xf32>
      %parallel_loop3A_1832 = arith.select %parallel_loop3A_1830, %parallel_loop3A_1829, %parallel_loop3A_1786 : vector<16xi1>, vector<16xi32>
      %parallel_loop3A_1833 = arith.minimumf %parallel_loop3A_1828, %parallel_loop3A_1785 : vector<16xf32>
      %parallel_loop3A_1834 = arith.select %parallel_loop3A_1830, %parallel_loop3A_1786, %parallel_loop3A_1829 : vector<16xi1>, vector<16xi32>
      %parallel_loop3A_1835 = arith.cmpf oge, %parallel_loop3A_1833, %parallel_loop3A_1790 : vector<16xf32>
      %parallel_loop3A_1836 = arith.maximumf %parallel_loop3A_1833, %parallel_loop3A_1790 : vector<16xf32>
      %parallel_loop3A_1837 = arith.select %parallel_loop3A_1835, %parallel_loop3A_1834, %parallel_loop3A_1791 : vector<16xi1>, vector<16xi32>
      %parallel_loop3A_1838 = arith.minimumf %parallel_loop3A_1833, %parallel_loop3A_1790 : vector<16xf32>
      %parallel_loop3A_1839 = arith.select %parallel_loop3A_1835, %parallel_loop3A_1791, %parallel_loop3A_1834 : vector<16xi1>, vector<16xi32>
      %parallel_loop3A_1840 = arith.cmpf oge, %parallel_loop3A_1838, %parallel_loop3A_1795 : vector<16xf32>
      %parallel_loop3A_1841 = arith.maximumf %parallel_loop3A_1838, %parallel_loop3A_1795 : vector<16xf32>
      %parallel_loop3A_1842 = arith.select %parallel_loop3A_1840, %parallel_loop3A_1839, %parallel_loop3A_1796 : vector<16xi1>, vector<16xi32>
      %parallel_loop3A_1843 = arith.minimumf %parallel_loop3A_1838, %parallel_loop3A_1795 : vector<16xf32>
      %parallel_loop3A_1844 = arith.select %parallel_loop3A_1840, %parallel_loop3A_1796, %parallel_loop3A_1839 : vector<16xi1>, vector<16xi32>
      %parallel_loop3A_1845 = arith.cmpf oge, %parallel_loop3A_1843, %parallel_loop3A_1800 : vector<16xf32>
      %parallel_loop3A_1846 = arith.maximumf %parallel_loop3A_1843, %parallel_loop3A_1800 : vector<16xf32>
      %parallel_loop3A_1847 = arith.select %parallel_loop3A_1845, %parallel_loop3A_1844, %parallel_loop3A_1801 : vector<16xi1>, vector<16xi32>
      %parallel_loop3A_1848 = arith.minimumf %parallel_loop3A_1843, %parallel_loop3A_1800 : vector<16xf32>
      %parallel_loop3A_1849 = arith.select %parallel_loop3A_1845, %parallel_loop3A_1801, %parallel_loop3A_1844 : vector<16xi1>, vector<16xi32>
      %parallel_loop3A_1850 = arith.cmpf oge, %parallel_loop3A_1848, %parallel_loop3A_1805 : vector<16xf32>
      %parallel_loop3A_1851 = arith.maximumf %parallel_loop3A_1848, %parallel_loop3A_1805 : vector<16xf32>
      %parallel_loop3A_1852 = arith.select %parallel_loop3A_1850, %parallel_loop3A_1849, %parallel_loop3A_1806 : vector<16xi1>, vector<16xi32>
      %parallel_loop3A_1853 = arith.constant 37 : i32
      %parallel_loop3A_1854 = arith.index_cast %parallel_loop3A_1853 : i32 to index
      %parallel_loop3A_1855 = arith.index_cast %parallel_loop3A_10 : i32 to index
      %parallel_loop3A_1856 = tpu.vector_load %arg5[%parallel_loop3A_1854, %parallel_loop3A_1855] {strides = array<i32>} : memref<64x1024xf32, #tpu.memory_space<vmem>>, vector<1x16xf32>,
      %parallel_loop3A_1857 = vector.shape_cast %parallel_loop3A_1856 : vector<1x16xf32> to vector<16xf32>
      %parallel_loop3A_1858 = arith.select %parallel_loop3A_637, %parallel_loop3A_1857, %broadcast_in_dim3A_5 : vector<16xi1>, vector<16xf32>
      %parallel_loop3A_1859 = arith.constant 37 : i32
      %parallel_loop3A_1860 = vector.broadcast %parallel_loop3A_1859 : i32 to vector<16xi32>
      %parallel_loop3A_1861 = arith.cmpf oge, %parallel_loop3A_1858, %parallel_loop3A_1816 : vector<16xf32>
      %parallel_loop3A_1862 = arith.maximumf %parallel_loop3A_1858, %parallel_loop3A_1816 : vector<16xf32>
      %parallel_loop3A_1863 = arith.select %parallel_loop3A_1861, %parallel_loop3A_1860, %parallel_loop3A_1817 : vector<16xi1>, vector<16xi32>
      %parallel_loop3A_1864 = arith.minimumf %parallel_loop3A_1858, %parallel_loop3A_1816 : vector<16xf32>
      %parallel_loop3A_1865 = arith.select %parallel_loop3A_1861, %parallel_loop3A_1817, %parallel_loop3A_1860 : vector<16xi1>, vector<16xi32>
      %parallel_loop3A_1866 = arith.cmpf oge, %parallel_loop3A_1864, %parallel_loop3A_1821 : vector<16xf32>
      %parallel_loop3A_1867 = arith.maximumf %parallel_loop3A_1864, %parallel_loop3A_1821 : vector<16xf32>
      %parallel_loop3A_1868 = arith.select %parallel_loop3A_1866, %parallel_loop3A_1865, %parallel_loop3A_1822 : vector<16xi1>, vector<16xi32>
      %parallel_loop3A_1869 = arith.minimumf %parallel_loop3A_1864, %parallel_loop3A_1821 : vector<16xf32>
      %parallel_loop3A_1870 = arith.select %parallel_loop3A_1866, %parallel_loop3A_1822, %parallel_loop3A_1865 : vector<16xi1>, vector<16xi32>
      %parallel_loop3A_1871 = arith.cmpf oge, %parallel_loop3A_1869, %parallel_loop3A_1826 : vector<16xf32>
      %parallel_loop3A_1872 = arith.maximumf %parallel_loop3A_1869, %parallel_loop3A_1826 : vector<16xf32>
      %parallel_loop3A_1873 = arith.select %parallel_loop3A_1871, %parallel_loop3A_1870, %parallel_loop3A_1827 : vector<16xi1>, vector<16xi32>
      %parallel_loop3A_1874 = arith.minimumf %parallel_loop3A_1869, %parallel_loop3A_1826 : vector<16xf32>
      %parallel_loop3A_1875 = arith.select %parallel_loop3A_1871, %parallel_loop3A_1827, %parallel_loop3A_1870 : vector<16xi1>, vector<16xi32>
      %parallel_loop3A_1876 = arith.cmpf oge, %parallel_loop3A_1874, %parallel_loop3A_1831 : vector<16xf32>
      %parallel_loop3A_1877 = arith.maximumf %parallel_loop3A_1874, %parallel_loop3A_1831 : vector<16xf32>
      %parallel_loop3A_1878 = arith.select %parallel_loop3A_1876, %parallel_loop3A_1875, %parallel_loop3A_1832 : vector<16xi1>, vector<16xi32>
      %parallel_loop3A_1879 = arith.minimumf %parallel_loop3A_1874, %parallel_loop3A_1831 : vector<16xf32>
      %parallel_loop3A_1880 = arith.select %parallel_loop3A_1876, %parallel_loop3A_1832, %parallel_loop3A_1875 : vector<16xi1>, vector<16xi32>
      %parallel_loop3A_1881 = arith.cmpf oge, %parallel_loop3A_1879, %parallel_loop3A_1836 : vector<16xf32>
      %parallel_loop3A_1882 = arith.maximumf %parallel_loop3A_1879, %parallel_loop3A_1836 : vector<16xf32>
      %parallel_loop3A_1883 = arith.select %parallel_loop3A_1881, %parallel_loop3A_1880, %parallel_loop3A_1837 : vector<16xi1>, vector<16xi32>
      %parallel_loop3A_1884 = arith.minimumf %parallel_loop3A_1879, %parallel_loop3A_1836 : vector<16xf32>
      %parallel_loop3A_1885 = arith.select %parallel_loop3A_1881, %parallel_loop3A_1837, %parallel_loop3A_1880 : vector<16xi1>, vector<16xi32>
      %parallel_loop3A_1886 = arith.cmpf oge, %parallel_loop3A_1884, %parallel_loop3A_1841 : vector<16xf32>
      %parallel_loop3A_1887 = arith.maximumf %parallel_loop3A_1884, %parallel_loop3A_1841 : vector<16xf32>
      %parallel_loop3A_1888 = arith.select %parallel_loop3A_1886, %parallel_loop3A_1885, %parallel_loop3A_1842 : vector<16xi1>, vector<16xi32>
      %parallel_loop3A_1889 = arith.minimumf %parallel_loop3A_1884, %parallel_loop3A_1841 : vector<16xf32>
      %parallel_loop3A_1890 = arith.select %parallel_loop3A_1886, %parallel_loop3A_1842, %parallel_loop3A_1885 : vector<16xi1>, vector<16xi32>
      %parallel_loop3A_1891 = arith.cmpf oge, %parallel_loop3A_1889, %parallel_loop3A_1846 : vector<16xf32>
      %parallel_loop3A_1892 = arith.maximumf %parallel_loop3A_1889, %parallel_loop3A_1846 : vector<16xf32>
      %parallel_loop3A_1893 = arith.select %parallel_loop3A_1891, %parallel_loop3A_1890, %parallel_loop3A_1847 : vector<16xi1>, vector<16xi32>
      %parallel_loop3A_1894 = arith.minimumf %parallel_loop3A_1889, %parallel_loop3A_1846 : vector<16xf32>
      %parallel_loop3A_1895 = arith.select %parallel_loop3A_1891, %parallel_loop3A_1847, %parallel_loop3A_1890 : vector<16xi1>, vector<16xi32>
      %parallel_loop3A_1896 = arith.cmpf oge, %parallel_loop3A_1894, %parallel_loop3A_1851 : vector<16xf32>
      %parallel_loop3A_1897 = arith.maximumf %parallel_loop3A_1894, %parallel_loop3A_1851 : vector<16xf32>
      %parallel_loop3A_1898 = arith.select %parallel_loop3A_1896, %parallel_loop3A_1895, %parallel_loop3A_1852 : vector<16xi1>, vector<16xi32>
      %parallel_loop3A_1899 = arith.constant 36 : i32
      %parallel_loop3A_1900 = arith.index_cast %parallel_loop3A_1899 : i32 to index
      %parallel_loop3A_1901 = arith.index_cast %parallel_loop3A_10 : i32 to index
      %parallel_loop3A_1902 = tpu.vector_load %arg5[%parallel_loop3A_1900, %parallel_loop3A_1901] {strides = array<i32>} : memref<64x1024xf32, #tpu.memory_space<vmem>>, vector<1x16xf32>,
      %parallel_loop3A_1903 = vector.shape_cast %parallel_loop3A_1902 : vector<1x16xf32> to vector<16xf32>
      %parallel_loop3A_1904 = arith.select %parallel_loop3A_637, %parallel_loop3A_1903, %broadcast_in_dim3A_5 : vector<16xi1>, vector<16xf32>
      %parallel_loop3A_1905 = arith.constant 36 : i32
      %parallel_loop3A_1906 = vector.broadcast %parallel_loop3A_1905 : i32 to vector<16xi32>
      %parallel_loop3A_1907 = arith.cmpf oge, %parallel_loop3A_1904, %parallel_loop3A_1862 : vector<16xf32>
      %parallel_loop3A_1908 = arith.maximumf %parallel_loop3A_1904, %parallel_loop3A_1862 : vector<16xf32>
      %parallel_loop3A_1909 = arith.select %parallel_loop3A_1907, %parallel_loop3A_1906, %parallel_loop3A_1863 : vector<16xi1>, vector<16xi32>
      %parallel_loop3A_1910 = arith.minimumf %parallel_loop3A_1904, %parallel_loop3A_1862 : vector<16xf32>
      %parallel_loop3A_1911 = arith.select %parallel_loop3A_1907, %parallel_loop3A_1863, %parallel_loop3A_1906 : vector<16xi1>, vector<16xi32>
      %parallel_loop3A_1912 = arith.cmpf oge, %parallel_loop3A_1910, %parallel_loop3A_1867 : vector<16xf32>
      %parallel_loop3A_1913 = arith.maximumf %parallel_loop3A_1910, %parallel_loop3A_1867 : vector<16xf32>
      %parallel_loop3A_1914 = arith.select %parallel_loop3A_1912, %parallel_loop3A_1911, %parallel_loop3A_1868 : vector<16xi1>, vector<16xi32>
      %parallel_loop3A_1915 = arith.minimumf %parallel_loop3A_1910, %parallel_loop3A_1867 : vector<16xf32>
      %parallel_loop3A_1916 = arith.select %parallel_loop3A_1912, %parallel_loop3A_1868, %parallel_loop3A_1911 : vector<16xi1>, vector<16xi32>
      %parallel_loop3A_1917 = arith.cmpf oge, %parallel_loop3A_1915, %parallel_loop3A_1872 : vector<16xf32>
      %parallel_loop3A_1918 = arith.maximumf %parallel_loop3A_1915, %parallel_loop3A_1872 : vector<16xf32>
      %parallel_loop3A_1919 = arith.select %parallel_loop3A_1917, %parallel_loop3A_1916, %parallel_loop3A_1873 : vector<16xi1>, vector<16xi32>
      %parallel_loop3A_1920 = arith.minimumf %parallel_loop3A_1915, %parallel_loop3A_1872 : vector<16xf32>
      %parallel_loop3A_1921 = arith.select %parallel_loop3A_1917, %parallel_loop3A_1873, %parallel_loop3A_1916 : vector<16xi1>, vector<16xi32>
      %parallel_loop3A_1922 = arith.cmpf oge, %parallel_loop3A_1920, %parallel_loop3A_1877 : vector<16xf32>
      %parallel_loop3A_1923 = arith.maximumf %parallel_loop3A_1920, %parallel_loop3A_1877 : vector<16xf32>
      %parallel_loop3A_1924 = arith.select %parallel_loop3A_1922, %parallel_loop3A_1921, %parallel_loop3A_1878 : vector<16xi1>, vector<16xi32>
      %parallel_loop3A_1925 = arith.minimumf %parallel_loop3A_1920, %parallel_loop3A_1877 : vector<16xf32>
      %parallel_loop3A_1926 = arith.select %parallel_loop3A_1922, %parallel_loop3A_1878, %parallel_loop3A_1921 : vector<16xi1>, vector<16xi32>
      %parallel_loop3A_1927 = arith.cmpf oge, %parallel_loop3A_1925, %parallel_loop3A_1882 : vector<16xf32>
      %parallel_loop3A_1928 = arith.maximumf %parallel_loop3A_1925, %parallel_loop3A_1882 : vector<16xf32>
      %parallel_loop3A_1929 = arith.select %parallel_loop3A_1927, %parallel_loop3A_1926, %parallel_loop3A_1883 : vector<16xi1>, vector<16xi32>
      %parallel_loop3A_1930 = arith.minimumf %parallel_loop3A_1925, %parallel_loop3A_1882 : vector<16xf32>
      %parallel_loop3A_1931 = arith.select %parallel_loop3A_1927, %parallel_loop3A_1883, %parallel_loop3A_1926 : vector<16xi1>, vector<16xi32>
      %parallel_loop3A_1932 = arith.cmpf oge, %parallel_loop3A_1930, %parallel_loop3A_1887 : vector<16xf32>
      %parallel_loop3A_1933 = arith.maximumf %parallel_loop3A_1930, %parallel_loop3A_1887 : vector<16xf32>
      %parallel_loop3A_1934 = arith.select %parallel_loop3A_1932, %parallel_loop3A_1931, %parallel_loop3A_1888 : vector<16xi1>, vector<16xi32>
      %parallel_loop3A_1935 = arith.minimumf %parallel_loop3A_1930, %parallel_loop3A_1887 : vector<16xf32>
      %parallel_loop3A_1936 = arith.select %parallel_loop3A_1932, %parallel_loop3A_1888, %parallel_loop3A_1931 : vector<16xi1>, vector<16xi32>
      %parallel_loop3A_1937 = arith.cmpf oge, %parallel_loop3A_1935, %parallel_loop3A_1892 : vector<16xf32>
      %parallel_loop3A_1938 = arith.maximumf %parallel_loop3A_1935, %parallel_loop3A_1892 : vector<16xf32>
      %parallel_loop3A_1939 = arith.select %parallel_loop3A_1937, %parallel_loop3A_1936, %parallel_loop3A_1893 : vector<16xi1>, vector<16xi32>
      %parallel_loop3A_1940 = arith.minimumf %parallel_loop3A_1935, %parallel_loop3A_1892 : vector<16xf32>
      %parallel_loop3A_1941 = arith.select %parallel_loop3A_1937, %parallel_loop3A_1893, %parallel_loop3A_1936 : vector<16xi1>, vector<16xi32>
      %parallel_loop3A_1942 = arith.cmpf oge, %parallel_loop3A_1940, %parallel_loop3A_1897 : vector<16xf32>
      %parallel_loop3A_1943 = arith.maximumf %parallel_loop3A_1940, %parallel_loop3A_1897 : vector<16xf32>
      %parallel_loop3A_1944 = arith.select %parallel_loop3A_1942, %parallel_loop3A_1941, %parallel_loop3A_1898 : vector<16xi1>, vector<16xi32>
      %parallel_loop3A_1945 = arith.constant 35 : i32
      %parallel_loop3A_1946 = arith.index_cast %parallel_loop3A_1945 : i32 to index
      %parallel_loop3A_1947 = arith.index_cast %parallel_loop3A_10 : i32 to index
      %parallel_loop3A_1948 = tpu.vector_load %arg5[%parallel_loop3A_1946, %parallel_loop3A_1947] {strides = array<i32>} : memref<64x1024xf32, #tpu.memory_space<vmem>>, vector<1x16xf32>,
      %parallel_loop3A_1949 = vector.shape_cast %parallel_loop3A_1948 : vector<1x16xf32> to vector<16xf32>
      %parallel_loop3A_1950 = arith.select %parallel_loop3A_637, %parallel_loop3A_1949, %broadcast_in_dim3A_5 : vector<16xi1>, vector<16xf32>
      %parallel_loop3A_1951 = arith.constant 35 : i32
      %parallel_loop3A_1952 = vector.broadcast %parallel_loop3A_1951 : i32 to vector<16xi32>
      %parallel_loop3A_1953 = arith.cmpf oge, %parallel_loop3A_1950, %parallel_loop3A_1908 : vector<16xf32>
      %parallel_loop3A_1954 = arith.maximumf %parallel_loop3A_1950, %parallel_loop3A_1908 : vector<16xf32>
      %parallel_loop3A_1955 = arith.select %parallel_loop3A_1953, %parallel_loop3A_1952, %parallel_loop3A_1909 : vector<16xi1>, vector<16xi32>
      %parallel_loop3A_1956 = arith.minimumf %parallel_loop3A_1950, %parallel_loop3A_1908 : vector<16xf32>
      %parallel_loop3A_1957 = arith.select %parallel_loop3A_1953, %parallel_loop3A_1909, %parallel_loop3A_1952 : vector<16xi1>, vector<16xi32>
      %parallel_loop3A_1958 = arith.cmpf oge, %parallel_loop3A_1956, %parallel_loop3A_1913 : vector<16xf32>
      %parallel_loop3A_1959 = arith.maximumf %parallel_loop3A_1956, %parallel_loop3A_1913 : vector<16xf32>
      %parallel_loop3A_1960 = arith.select %parallel_loop3A_1958, %parallel_loop3A_1957, %parallel_loop3A_1914 : vector<16xi1>, vector<16xi32>
      %parallel_loop3A_1961 = arith.minimumf %parallel_loop3A_1956, %parallel_loop3A_1913 : vector<16xf32>
      %parallel_loop3A_1962 = arith.select %parallel_loop3A_1958, %parallel_loop3A_1914, %parallel_loop3A_1957 : vector<16xi1>, vector<16xi32>
      %parallel_loop3A_1963 = arith.cmpf oge, %parallel_loop3A_1961, %parallel_loop3A_1918 : vector<16xf32>
      %parallel_loop3A_1964 = arith.maximumf %parallel_loop3A_1961, %parallel_loop3A_1918 : vector<16xf32>
      %parallel_loop3A_1965 = arith.select %parallel_loop3A_1963, %parallel_loop3A_1962, %parallel_loop3A_1919 : vector<16xi1>, vector<16xi32>
      %parallel_loop3A_1966 = arith.minimumf %parallel_loop3A_1961, %parallel_loop3A_1918 : vector<16xf32>
      %parallel_loop3A_1967 = arith.select %parallel_loop3A_1963, %parallel_loop3A_1919, %parallel_loop3A_1962 : vector<16xi1>, vector<16xi32>
      %parallel_loop3A_1968 = arith.cmpf oge, %parallel_loop3A_1966, %parallel_loop3A_1923 : vector<16xf32>
      %parallel_loop3A_1969 = arith.maximumf %parallel_loop3A_1966, %parallel_loop3A_1923 : vector<16xf32>
      %parallel_loop3A_1970 = arith.select %parallel_loop3A_1968, %parallel_loop3A_1967, %parallel_loop3A_1924 : vector<16xi1>, vector<16xi32>
      %parallel_loop3A_1971 = arith.minimumf %parallel_loop3A_1966, %parallel_loop3A_1923 : vector<16xf32>
      %parallel_loop3A_1972 = arith.select %parallel_loop3A_1968, %parallel_loop3A_1924, %parallel_loop3A_1967 : vector<16xi1>, vector<16xi32>
      %parallel_loop3A_1973 = arith.cmpf oge, %parallel_loop3A_1971, %parallel_loop3A_1928 : vector<16xf32>
      %parallel_loop3A_1974 = arith.maximumf %parallel_loop3A_1971, %parallel_loop3A_1928 : vector<16xf32>
      %parallel_loop3A_1975 = arith.select %parallel_loop3A_1973, %parallel_loop3A_1972, %parallel_loop3A_1929 : vector<16xi1>, vector<16xi32>
      %parallel_loop3A_1976 = arith.minimumf %parallel_loop3A_1971, %parallel_loop3A_1928 : vector<16xf32>
      %parallel_loop3A_1977 = arith.select %parallel_loop3A_1973, %parallel_loop3A_1929, %parallel_loop3A_1972 : vector<16xi1>, vector<16xi32>
      %parallel_loop3A_1978 = arith.cmpf oge, %parallel_loop3A_1976, %parallel_loop3A_1933 : vector<16xf32>
      %parallel_loop3A_1979 = arith.maximumf %parallel_loop3A_1976, %parallel_loop3A_1933 : vector<16xf32>
      %parallel_loop3A_1980 = arith.select %parallel_loop3A_1978, %parallel_loop3A_1977, %parallel_loop3A_1934 : vector<16xi1>, vector<16xi32>
      %parallel_loop3A_1981 = arith.minimumf %parallel_loop3A_1976, %parallel_loop3A_1933 : vector<16xf32>
      %parallel_loop3A_1982 = arith.select %parallel_loop3A_1978, %parallel_loop3A_1934, %parallel_loop3A_1977 : vector<16xi1>, vector<16xi32>
      %parallel_loop3A_1983 = arith.cmpf oge, %parallel_loop3A_1981, %parallel_loop3A_1938 : vector<16xf32>
      %parallel_loop3A_1984 = arith.maximumf %parallel_loop3A_1981, %parallel_loop3A_1938 : vector<16xf32>
      %parallel_loop3A_1985 = arith.select %parallel_loop3A_1983, %parallel_loop3A_1982, %parallel_loop3A_1939 : vector<16xi1>, vector<16xi32>
      %parallel_loop3A_1986 = arith.minimumf %parallel_loop3A_1981, %parallel_loop3A_1938 : vector<16xf32>
      %parallel_loop3A_1987 = arith.select %parallel_loop3A_1983, %parallel_loop3A_1939, %parallel_loop3A_1982 : vector<16xi1>, vector<16xi32>
      %parallel_loop3A_1988 = arith.cmpf oge, %parallel_loop3A_1986, %parallel_loop3A_1943 : vector<16xf32>
      %parallel_loop3A_1989 = arith.maximumf %parallel_loop3A_1986, %parallel_loop3A_1943 : vector<16xf32>
      %parallel_loop3A_1990 = arith.select %parallel_loop3A_1988, %parallel_loop3A_1987, %parallel_loop3A_1944 : vector<16xi1>, vector<16xi32>
      %parallel_loop3A_1991 = arith.constant 34 : i32
      %parallel_loop3A_1992 = arith.index_cast %parallel_loop3A_1991 : i32 to index
      %parallel_loop3A_1993 = arith.index_cast %parallel_loop3A_10 : i32 to index
      %parallel_loop3A_1994 = tpu.vector_load %arg5[%parallel_loop3A_1992, %parallel_loop3A_1993] {strides = array<i32>} : memref<64x1024xf32, #tpu.memory_space<vmem>>, vector<1x16xf32>,
      %parallel_loop3A_1995 = vector.shape_cast %parallel_loop3A_1994 : vector<1x16xf32> to vector<16xf32>
      %parallel_loop3A_1996 = arith.select %parallel_loop3A_637, %parallel_loop3A_1995, %broadcast_in_dim3A_5 : vector<16xi1>, vector<16xf32>
      %parallel_loop3A_1997 = arith.constant 34 : i32
      %parallel_loop3A_1998 = vector.broadcast %parallel_loop3A_1997 : i32 to vector<16xi32>
      %parallel_loop3A_1999 = arith.cmpf oge, %parallel_loop3A_1996, %parallel_loop3A_1954 : vector<16xf32>
      %parallel_loop3A_2000 = arith.maximumf %parallel_loop3A_1996, %parallel_loop3A_1954 : vector<16xf32>
      %parallel_loop3A_2001 = arith.select %parallel_loop3A_1999, %parallel_loop3A_1998, %parallel_loop3A_1955 : vector<16xi1>, vector<16xi32>
      %parallel_loop3A_2002 = arith.minimumf %parallel_loop3A_1996, %parallel_loop3A_1954 : vector<16xf32>
      %parallel_loop3A_2003 = arith.select %parallel_loop3A_1999, %parallel_loop3A_1955, %parallel_loop3A_1998 : vector<16xi1>, vector<16xi32>
      %parallel_loop3A_2004 = arith.cmpf oge, %parallel_loop3A_2002, %parallel_loop3A_1959 : vector<16xf32>
      %parallel_loop3A_2005 = arith.maximumf %parallel_loop3A_2002, %parallel_loop3A_1959 : vector<16xf32>
      %parallel_loop3A_2006 = arith.select %parallel_loop3A_2004, %parallel_loop3A_2003, %parallel_loop3A_1960 : vector<16xi1>, vector<16xi32>
      %parallel_loop3A_2007 = arith.minimumf %parallel_loop3A_2002, %parallel_loop3A_1959 : vector<16xf32>
      %parallel_loop3A_2008 = arith.select %parallel_loop3A_2004, %parallel_loop3A_1960, %parallel_loop3A_2003 : vector<16xi1>, vector<16xi32>
      %parallel_loop3A_2009 = arith.cmpf oge, %parallel_loop3A_2007, %parallel_loop3A_1964 : vector<16xf32>
      %parallel_loop3A_2010 = arith.maximumf %parallel_loop3A_2007, %parallel_loop3A_1964 : vector<16xf32>
      %parallel_loop3A_2011 = arith.select %parallel_loop3A_2009, %parallel_loop3A_2008, %parallel_loop3A_1965 : vector<16xi1>, vector<16xi32>
      %parallel_loop3A_2012 = arith.minimumf %parallel_loop3A_2007, %parallel_loop3A_1964 : vector<16xf32>
      %parallel_loop3A_2013 = arith.select %parallel_loop3A_2009, %parallel_loop3A_1965, %parallel_loop3A_2008 : vector<16xi1>, vector<16xi32>
      %parallel_loop3A_2014 = arith.cmpf oge, %parallel_loop3A_2012, %parallel_loop3A_1969 : vector<16xf32>
      %parallel_loop3A_2015 = arith.maximumf %parallel_loop3A_2012, %parallel_loop3A_1969 : vector<16xf32>
      %parallel_loop3A_2016 = arith.select %parallel_loop3A_2014, %parallel_loop3A_2013, %parallel_loop3A_1970 : vector<16xi1>, vector<16xi32>
      %parallel_loop3A_2017 = arith.minimumf %parallel_loop3A_2012, %parallel_loop3A_1969 : vector<16xf32>
      %parallel_loop3A_2018 = arith.select %parallel_loop3A_2014, %parallel_loop3A_1970, %parallel_loop3A_2013 : vector<16xi1>, vector<16xi32>
      %parallel_loop3A_2019 = arith.cmpf oge, %parallel_loop3A_2017, %parallel_loop3A_1974 : vector<16xf32>
      %parallel_loop3A_2020 = arith.maximumf %parallel_loop3A_2017, %parallel_loop3A_1974 : vector<16xf32>
      %parallel_loop3A_2021 = arith.select %parallel_loop3A_2019, %parallel_loop3A_2018, %parallel_loop3A_1975 : vector<16xi1>, vector<16xi32>
      %parallel_loop3A_2022 = arith.minimumf %parallel_loop3A_2017, %parallel_loop3A_1974 : vector<16xf32>
      %parallel_loop3A_2023 = arith.select %parallel_loop3A_2019, %parallel_loop3A_1975, %parallel_loop3A_2018 : vector<16xi1>, vector<16xi32>
      %parallel_loop3A_2024 = arith.cmpf oge, %parallel_loop3A_2022, %parallel_loop3A_1979 : vector<16xf32>
      %parallel_loop3A_2025 = arith.maximumf %parallel_loop3A_2022, %parallel_loop3A_1979 : vector<16xf32>
      %parallel_loop3A_2026 = arith.select %parallel_loop3A_2024, %parallel_loop3A_2023, %parallel_loop3A_1980 : vector<16xi1>, vector<16xi32>
      %parallel_loop3A_2027 = arith.minimumf %parallel_loop3A_2022, %parallel_loop3A_1979 : vector<16xf32>
      %parallel_loop3A_2028 = arith.select %parallel_loop3A_2024, %parallel_loop3A_1980, %parallel_loop3A_2023 : vector<16xi1>, vector<16xi32>
      %parallel_loop3A_2029 = arith.cmpf oge, %parallel_loop3A_2027, %parallel_loop3A_1984 : vector<16xf32>
      %parallel_loop3A_2030 = arith.maximumf %parallel_loop3A_2027, %parallel_loop3A_1984 : vector<16xf32>
      %parallel_loop3A_2031 = arith.select %parallel_loop3A_2029, %parallel_loop3A_2028, %parallel_loop3A_1985 : vector<16xi1>, vector<16xi32>
      %parallel_loop3A_2032 = arith.minimumf %parallel_loop3A_2027, %parallel_loop3A_1984 : vector<16xf32>
      %parallel_loop3A_2033 = arith.select %parallel_loop3A_2029, %parallel_loop3A_1985, %parallel_loop3A_2028 : vector<16xi1>, vector<16xi32>
      %parallel_loop3A_2034 = arith.cmpf oge, %parallel_loop3A_2032, %parallel_loop3A_1989 : vector<16xf32>
      %parallel_loop3A_2035 = arith.maximumf %parallel_loop3A_2032, %parallel_loop3A_1989 : vector<16xf32>
      %parallel_loop3A_2036 = arith.select %parallel_loop3A_2034, %parallel_loop3A_2033, %parallel_loop3A_1990 : vector<16xi1>, vector<16xi32>
      %parallel_loop3A_2037 = arith.constant 33 : i32
      %parallel_loop3A_2038 = arith.index_cast %parallel_loop3A_2037 : i32 to index
      %parallel_loop3A_2039 = arith.index_cast %parallel_loop3A_10 : i32 to index
      %parallel_loop3A_2040 = tpu.vector_load %arg5[%parallel_loop3A_2038, %parallel_loop3A_2039] {strides = array<i32>} : memref<64x1024xf32, #tpu.memory_space<vmem>>, vector<1x16xf32>,
      %parallel_loop3A_2041 = vector.shape_cast %parallel_loop3A_2040 : vector<1x16xf32> to vector<16xf32>
      %parallel_loop3A_2042 = arith.select %parallel_loop3A_637, %parallel_loop3A_2041, %broadcast_in_dim3A_5 : vector<16xi1>, vector<16xf32>
      %parallel_loop3A_2043 = arith.constant 33 : i32
      %parallel_loop3A_2044 = vector.broadcast %parallel_loop3A_2043 : i32 to vector<16xi32>
      %parallel_loop3A_2045 = arith.cmpf oge, %parallel_loop3A_2042, %parallel_loop3A_2000 : vector<16xf32>
      %parallel_loop3A_2046 = arith.maximumf %parallel_loop3A_2042, %parallel_loop3A_2000 : vector<16xf32>
      %parallel_loop3A_2047 = arith.select %parallel_loop3A_2045, %parallel_loop3A_2044, %parallel_loop3A_2001 : vector<16xi1>, vector<16xi32>
      %parallel_loop3A_2048 = arith.minimumf %parallel_loop3A_2042, %parallel_loop3A_2000 : vector<16xf32>
      %parallel_loop3A_2049 = arith.select %parallel_loop3A_2045, %parallel_loop3A_2001, %parallel_loop3A_2044 : vector<16xi1>, vector<16xi32>
      %parallel_loop3A_2050 = arith.cmpf oge, %parallel_loop3A_2048, %parallel_loop3A_2005 : vector<16xf32>
      %parallel_loop3A_2051 = arith.maximumf %parallel_loop3A_2048, %parallel_loop3A_2005 : vector<16xf32>
      %parallel_loop3A_2052 = arith.select %parallel_loop3A_2050, %parallel_loop3A_2049, %parallel_loop3A_2006 : vector<16xi1>, vector<16xi32>
      %parallel_loop3A_2053 = arith.minimumf %parallel_loop3A_2048, %parallel_loop3A_2005 : vector<16xf32>
      %parallel_loop3A_2054 = arith.select %parallel_loop3A_2050, %parallel_loop3A_2006, %parallel_loop3A_2049 : vector<16xi1>, vector<16xi32>
      %parallel_loop3A_2055 = arith.cmpf oge, %parallel_loop3A_2053, %parallel_loop3A_2010 : vector<16xf32>
      %parallel_loop3A_2056 = arith.maximumf %parallel_loop3A_2053, %parallel_loop3A_2010 : vector<16xf32>
      %parallel_loop3A_2057 = arith.select %parallel_loop3A_2055, %parallel_loop3A_2054, %parallel_loop3A_2011 : vector<16xi1>, vector<16xi32>
      %parallel_loop3A_2058 = arith.minimumf %parallel_loop3A_2053, %parallel_loop3A_2010 : vector<16xf32>
      %parallel_loop3A_2059 = arith.select %parallel_loop3A_2055, %parallel_loop3A_2011, %parallel_loop3A_2054 : vector<16xi1>, vector<16xi32>
      %parallel_loop3A_2060 = arith.cmpf oge, %parallel_loop3A_2058, %parallel_loop3A_2015 : vector<16xf32>
      %parallel_loop3A_2061 = arith.maximumf %parallel_loop3A_2058, %parallel_loop3A_2015 : vector<16xf32>
      %parallel_loop3A_2062 = arith.select %parallel_loop3A_2060, %parallel_loop3A_2059, %parallel_loop3A_2016 : vector<16xi1>, vector<16xi32>
      %parallel_loop3A_2063 = arith.minimumf %parallel_loop3A_2058, %parallel_loop3A_2015 : vector<16xf32>
      %parallel_loop3A_2064 = arith.select %parallel_loop3A_2060, %parallel_loop3A_2016, %parallel_loop3A_2059 : vector<16xi1>, vector<16xi32>
      %parallel_loop3A_2065 = arith.cmpf oge, %parallel_loop3A_2063, %parallel_loop3A_2020 : vector<16xf32>
      %parallel_loop3A_2066 = arith.maximumf %parallel_loop3A_2063, %parallel_loop3A_2020 : vector<16xf32>
      %parallel_loop3A_2067 = arith.select %parallel_loop3A_2065, %parallel_loop3A_2064, %parallel_loop3A_2021 : vector<16xi1>, vector<16xi32>
      %parallel_loop3A_2068 = arith.minimumf %parallel_loop3A_2063, %parallel_loop3A_2020 : vector<16xf32>
      %parallel_loop3A_2069 = arith.select %parallel_loop3A_2065, %parallel_loop3A_2021, %parallel_loop3A_2064 : vector<16xi1>, vector<16xi32>
      %parallel_loop3A_2070 = arith.cmpf oge, %parallel_loop3A_2068, %parallel_loop3A_2025 : vector<16xf32>
      %parallel_loop3A_2071 = arith.maximumf %parallel_loop3A_2068, %parallel_loop3A_2025 : vector<16xf32>
      %parallel_loop3A_2072 = arith.select %parallel_loop3A_2070, %parallel_loop3A_2069, %parallel_loop3A_2026 : vector<16xi1>, vector<16xi32>
      %parallel_loop3A_2073 = arith.minimumf %parallel_loop3A_2068, %parallel_loop3A_2025 : vector<16xf32>
      %parallel_loop3A_2074 = arith.select %parallel_loop3A_2070, %parallel_loop3A_2026, %parallel_loop3A_2069 : vector<16xi1>, vector<16xi32>
      %parallel_loop3A_2075 = arith.cmpf oge, %parallel_loop3A_2073, %parallel_loop3A_2030 : vector<16xf32>
      %parallel_loop3A_2076 = arith.maximumf %parallel_loop3A_2073, %parallel_loop3A_2030 : vector<16xf32>
      %parallel_loop3A_2077 = arith.select %parallel_loop3A_2075, %parallel_loop3A_2074, %parallel_loop3A_2031 : vector<16xi1>, vector<16xi32>
      %parallel_loop3A_2078 = arith.minimumf %parallel_loop3A_2073, %parallel_loop3A_2030 : vector<16xf32>
      %parallel_loop3A_2079 = arith.select %parallel_loop3A_2075, %parallel_loop3A_2031, %parallel_loop3A_2074 : vector<16xi1>, vector<16xi32>
      %parallel_loop3A_2080 = arith.cmpf oge, %parallel_loop3A_2078, %parallel_loop3A_2035 : vector<16xf32>
      %parallel_loop3A_2081 = arith.maximumf %parallel_loop3A_2078, %parallel_loop3A_2035 : vector<16xf32>
      %parallel_loop3A_2082 = arith.select %parallel_loop3A_2080, %parallel_loop3A_2079, %parallel_loop3A_2036 : vector<16xi1>, vector<16xi32>
      %parallel_loop3A_2083 = arith.constant 32 : i32
      %parallel_loop3A_2084 = arith.index_cast %parallel_loop3A_2083 : i32 to index
      %parallel_loop3A_2085 = arith.index_cast %parallel_loop3A_10 : i32 to index
      %parallel_loop3A_2086 = tpu.vector_load %arg5[%parallel_loop3A_2084, %parallel_loop3A_2085] {strides = array<i32>} : memref<64x1024xf32, #tpu.memory_space<vmem>>, vector<1x16xf32>,
      %parallel_loop3A_2087 = vector.shape_cast %parallel_loop3A_2086 : vector<1x16xf32> to vector<16xf32>
      %parallel_loop3A_2088 = arith.select %parallel_loop3A_637, %parallel_loop3A_2087, %broadcast_in_dim3A_5 : vector<16xi1>, vector<16xf32>
      %parallel_loop3A_2089 = arith.constant 32 : i32
      %parallel_loop3A_2090 = vector.broadcast %parallel_loop3A_2089 : i32 to vector<16xi32>
      %parallel_loop3A_2091 = arith.cmpf oge, %parallel_loop3A_2088, %parallel_loop3A_2046 : vector<16xf32>
      %parallel_loop3A_2092 = arith.maximumf %parallel_loop3A_2088, %parallel_loop3A_2046 : vector<16xf32>
      %parallel_loop3A_2093 = arith.select %parallel_loop3A_2091, %parallel_loop3A_2090, %parallel_loop3A_2047 : vector<16xi1>, vector<16xi32>
      %parallel_loop3A_2094 = arith.minimumf %parallel_loop3A_2088, %parallel_loop3A_2046 : vector<16xf32>
      %parallel_loop3A_2095 = arith.select %parallel_loop3A_2091, %parallel_loop3A_2047, %parallel_loop3A_2090 : vector<16xi1>, vector<16xi32>
      %parallel_loop3A_2096 = arith.cmpf oge, %parallel_loop3A_2094, %parallel_loop3A_2051 : vector<16xf32>
      %parallel_loop3A_2097 = arith.maximumf %parallel_loop3A_2094, %parallel_loop3A_2051 : vector<16xf32>
      %parallel_loop3A_2098 = arith.select %parallel_loop3A_2096, %parallel_loop3A_2095, %parallel_loop3A_2052 : vector<16xi1>, vector<16xi32>
      %parallel_loop3A_2099 = arith.minimumf %parallel_loop3A_2094, %parallel_loop3A_2051 : vector<16xf32>
      %parallel_loop3A_2100 = arith.select %parallel_loop3A_2096, %parallel_loop3A_2052, %parallel_loop3A_2095 : vector<16xi1>, vector<16xi32>
      %parallel_loop3A_2101 = arith.cmpf oge, %parallel_loop3A_2099, %parallel_loop3A_2056 : vector<16xf32>
      %parallel_loop3A_2102 = arith.maximumf %parallel_loop3A_2099, %parallel_loop3A_2056 : vector<16xf32>
      %parallel_loop3A_2103 = arith.select %parallel_loop3A_2101, %parallel_loop3A_2100, %parallel_loop3A_2057 : vector<16xi1>, vector<16xi32>
      %parallel_loop3A_2104 = arith.minimumf %parallel_loop3A_2099, %parallel_loop3A_2056 : vector<16xf32>
      %parallel_loop3A_2105 = arith.select %parallel_loop3A_2101, %parallel_loop3A_2057, %parallel_loop3A_2100 : vector<16xi1>, vector<16xi32>
      %parallel_loop3A_2106 = arith.cmpf oge, %parallel_loop3A_2104, %parallel_loop3A_2061 : vector<16xf32>
      %parallel_loop3A_2107 = arith.maximumf %parallel_loop3A_2104, %parallel_loop3A_2061 : vector<16xf32>
      %parallel_loop3A_2108 = arith.select %parallel_loop3A_2106, %parallel_loop3A_2105, %parallel_loop3A_2062 : vector<16xi1>, vector<16xi32>
      %parallel_loop3A_2109 = arith.minimumf %parallel_loop3A_2104, %parallel_loop3A_2061 : vector<16xf32>
      %parallel_loop3A_2110 = arith.select %parallel_loop3A_2106, %parallel_loop3A_2062, %parallel_loop3A_2105 : vector<16xi1>, vector<16xi32>
      %parallel_loop3A_2111 = arith.cmpf oge, %parallel_loop3A_2109, %parallel_loop3A_2066 : vector<16xf32>
      %parallel_loop3A_2112 = arith.maximumf %parallel_loop3A_2109, %parallel_loop3A_2066 : vector<16xf32>
      %parallel_loop3A_2113 = arith.select %parallel_loop3A_2111, %parallel_loop3A_2110, %parallel_loop3A_2067 : vector<16xi1>, vector<16xi32>
      %parallel_loop3A_2114 = arith.minimumf %parallel_loop3A_2109, %parallel_loop3A_2066 : vector<16xf32>
      %parallel_loop3A_2115 = arith.select %parallel_loop3A_2111, %parallel_loop3A_2067, %parallel_loop3A_2110 : vector<16xi1>, vector<16xi32>
      %parallel_loop3A_2116 = arith.cmpf oge, %parallel_loop3A_2114, %parallel_loop3A_2071 : vector<16xf32>
      %parallel_loop3A_2117 = arith.maximumf %parallel_loop3A_2114, %parallel_loop3A_2071 : vector<16xf32>
      %parallel_loop3A_2118 = arith.select %parallel_loop3A_2116, %parallel_loop3A_2115, %parallel_loop3A_2072 : vector<16xi1>, vector<16xi32>
      %parallel_loop3A_2119 = arith.minimumf %parallel_loop3A_2114, %parallel_loop3A_2071 : vector<16xf32>
      %parallel_loop3A_2120 = arith.select %parallel_loop3A_2116, %parallel_loop3A_2072, %parallel_loop3A_2115 : vector<16xi1>, vector<16xi32>
      %parallel_loop3A_2121 = arith.cmpf oge, %parallel_loop3A_2119, %parallel_loop3A_2076 : vector<16xf32>
      %parallel_loop3A_2122 = arith.maximumf %parallel_loop3A_2119, %parallel_loop3A_2076 : vector<16xf32>
      %parallel_loop3A_2123 = arith.select %parallel_loop3A_2121, %parallel_loop3A_2120, %parallel_loop3A_2077 : vector<16xi1>, vector<16xi32>
      %parallel_loop3A_2124 = arith.minimumf %parallel_loop3A_2119, %parallel_loop3A_2076 : vector<16xf32>
      %parallel_loop3A_2125 = arith.select %parallel_loop3A_2121, %parallel_loop3A_2077, %parallel_loop3A_2120 : vector<16xi1>, vector<16xi32>
      %parallel_loop3A_2126 = arith.cmpf oge, %parallel_loop3A_2124, %parallel_loop3A_2081 : vector<16xf32>
      %parallel_loop3A_2127 = arith.maximumf %parallel_loop3A_2124, %parallel_loop3A_2081 : vector<16xf32>
      %parallel_loop3A_2128 = arith.select %parallel_loop3A_2126, %parallel_loop3A_2125, %parallel_loop3A_2082 : vector<16xi1>, vector<16xi32>
      %parallel_loop3A_2129 = arith.constant 31 : i32
      %parallel_loop3A_2130 = arith.index_cast %parallel_loop3A_2129 : i32 to index
      %parallel_loop3A_2131 = arith.index_cast %parallel_loop3A_10 : i32 to index
      %parallel_loop3A_2132 = tpu.vector_load %arg5[%parallel_loop3A_2130, %parallel_loop3A_2131] {strides = array<i32>} : memref<64x1024xf32, #tpu.memory_space<vmem>>, vector<1x16xf32>,
      %parallel_loop3A_2133 = vector.shape_cast %parallel_loop3A_2132 : vector<1x16xf32> to vector<16xf32>
      %parallel_loop3A_2134 = arith.select %parallel_loop3A_636, %parallel_loop3A_2133, %broadcast_in_dim3A_5 : vector<16xi1>, vector<16xf32>
      %parallel_loop3A_2135 = arith.constant 31 : i32
      %parallel_loop3A_2136 = vector.broadcast %parallel_loop3A_2135 : i32 to vector<16xi32>
      %parallel_loop3A_2137 = arith.cmpf oge, %parallel_loop3A_2134, %parallel_loop3A_2092 : vector<16xf32>
      %parallel_loop3A_2138 = arith.maximumf %parallel_loop3A_2134, %parallel_loop3A_2092 : vector<16xf32>
      %parallel_loop3A_2139 = arith.select %parallel_loop3A_2137, %parallel_loop3A_2136, %parallel_loop3A_2093 : vector<16xi1>, vector<16xi32>
      %parallel_loop3A_2140 = arith.minimumf %parallel_loop3A_2134, %parallel_loop3A_2092 : vector<16xf32>
      %parallel_loop3A_2141 = arith.select %parallel_loop3A_2137, %parallel_loop3A_2093, %parallel_loop3A_2136 : vector<16xi1>, vector<16xi32>
      %parallel_loop3A_2142 = arith.cmpf oge, %parallel_loop3A_2140, %parallel_loop3A_2097 : vector<16xf32>
      %parallel_loop3A_2143 = arith.maximumf %parallel_loop3A_2140, %parallel_loop3A_2097 : vector<16xf32>
      %parallel_loop3A_2144 = arith.select %parallel_loop3A_2142, %parallel_loop3A_2141, %parallel_loop3A_2098 : vector<16xi1>, vector<16xi32>
      %parallel_loop3A_2145 = arith.minimumf %parallel_loop3A_2140, %parallel_loop3A_2097 : vector<16xf32>
      %parallel_loop3A_2146 = arith.select %parallel_loop3A_2142, %parallel_loop3A_2098, %parallel_loop3A_2141 : vector<16xi1>, vector<16xi32>
      %parallel_loop3A_2147 = arith.cmpf oge, %parallel_loop3A_2145, %parallel_loop3A_2102 : vector<16xf32>
      %parallel_loop3A_2148 = arith.maximumf %parallel_loop3A_2145, %parallel_loop3A_2102 : vector<16xf32>
      %parallel_loop3A_2149 = arith.select %parallel_loop3A_2147, %parallel_loop3A_2146, %parallel_loop3A_2103 : vector<16xi1>, vector<16xi32>
      %parallel_loop3A_2150 = arith.minimumf %parallel_loop3A_2145, %parallel_loop3A_2102 : vector<16xf32>
      %parallel_loop3A_2151 = arith.select %parallel_loop3A_2147, %parallel_loop3A_2103, %parallel_loop3A_2146 : vector<16xi1>, vector<16xi32>
      %parallel_loop3A_2152 = arith.cmpf oge, %parallel_loop3A_2150, %parallel_loop3A_2107 : vector<16xf32>
      %parallel_loop3A_2153 = arith.maximumf %parallel_loop3A_2150, %parallel_loop3A_2107 : vector<16xf32>
      %parallel_loop3A_2154 = arith.select %parallel_loop3A_2152, %parallel_loop3A_2151, %parallel_loop3A_2108 : vector<16xi1>, vector<16xi32>
      %parallel_loop3A_2155 = arith.minimumf %parallel_loop3A_2150, %parallel_loop3A_2107 : vector<16xf32>
      %parallel_loop3A_2156 = arith.select %parallel_loop3A_2152, %parallel_loop3A_2108, %parallel_loop3A_2151 : vector<16xi1>, vector<16xi32>
      %parallel_loop3A_2157 = arith.cmpf oge, %parallel_loop3A_2155, %parallel_loop3A_2112 : vector<16xf32>
      %parallel_loop3A_2158 = arith.maximumf %parallel_loop3A_2155, %parallel_loop3A_2112 : vector<16xf32>
      %parallel_loop3A_2159 = arith.select %parallel_loop3A_2157, %parallel_loop3A_2156, %parallel_loop3A_2113 : vector<16xi1>, vector<16xi32>
      %parallel_loop3A_2160 = arith.minimumf %parallel_loop3A_2155, %parallel_loop3A_2112 : vector<16xf32>
      %parallel_loop3A_2161 = arith.select %parallel_loop3A_2157, %parallel_loop3A_2113, %parallel_loop3A_2156 : vector<16xi1>, vector<16xi32>
      %parallel_loop3A_2162 = arith.cmpf oge, %parallel_loop3A_2160, %parallel_loop3A_2117 : vector<16xf32>
      %parallel_loop3A_2163 = arith.maximumf %parallel_loop3A_2160, %parallel_loop3A_2117 : vector<16xf32>
      %parallel_loop3A_2164 = arith.select %parallel_loop3A_2162, %parallel_loop3A_2161, %parallel_loop3A_2118 : vector<16xi1>, vector<16xi32>
      %parallel_loop3A_2165 = arith.minimumf %parallel_loop3A_2160, %parallel_loop3A_2117 : vector<16xf32>
      %parallel_loop3A_2166 = arith.select %parallel_loop3A_2162, %parallel_loop3A_2118, %parallel_loop3A_2161 : vector<16xi1>, vector<16xi32>
      %parallel_loop3A_2167 = arith.cmpf oge, %parallel_loop3A_2165, %parallel_loop3A_2122 : vector<16xf32>
      %parallel_loop3A_2168 = arith.maximumf %parallel_loop3A_2165, %parallel_loop3A_2122 : vector<16xf32>
      %parallel_loop3A_2169 = arith.select %parallel_loop3A_2167, %parallel_loop3A_2166, %parallel_loop3A_2123 : vector<16xi1>, vector<16xi32>
      %parallel_loop3A_2170 = arith.minimumf %parallel_loop3A_2165, %parallel_loop3A_2122 : vector<16xf32>
      %parallel_loop3A_2171 = arith.select %parallel_loop3A_2167, %parallel_loop3A_2123, %parallel_loop3A_2166 : vector<16xi1>, vector<16xi32>
      %parallel_loop3A_2172 = arith.cmpf oge, %parallel_loop3A_2170, %parallel_loop3A_2127 : vector<16xf32>
      %parallel_loop3A_2173 = arith.maximumf %parallel_loop3A_2170, %parallel_loop3A_2127 : vector<16xf32>
      %parallel_loop3A_2174 = arith.select %parallel_loop3A_2172, %parallel_loop3A_2171, %parallel_loop3A_2128 : vector<16xi1>, vector<16xi32>
      %parallel_loop3A_2175 = arith.constant 30 : i32
      %parallel_loop3A_2176 = arith.index_cast %parallel_loop3A_2175 : i32 to index
      %parallel_loop3A_2177 = arith.index_cast %parallel_loop3A_10 : i32 to index
      %parallel_loop3A_2178 = tpu.vector_load %arg5[%parallel_loop3A_2176, %parallel_loop3A_2177] {strides = array<i32>} : memref<64x1024xf32, #tpu.memory_space<vmem>>, vector<1x16xf32>,
      %parallel_loop3A_2179 = vector.shape_cast %parallel_loop3A_2178 : vector<1x16xf32> to vector<16xf32>
      %parallel_loop3A_2180 = arith.select %parallel_loop3A_636, %parallel_loop3A_2179, %broadcast_in_dim3A_5 : vector<16xi1>, vector<16xf32>
      %parallel_loop3A_2181 = arith.constant 30 : i32
      %parallel_loop3A_2182 = vector.broadcast %parallel_loop3A_2181 : i32 to vector<16xi32>
      %parallel_loop3A_2183 = arith.cmpf oge, %parallel_loop3A_2180, %parallel_loop3A_2138 : vector<16xf32>
      %parallel_loop3A_2184 = arith.maximumf %parallel_loop3A_2180, %parallel_loop3A_2138 : vector<16xf32>
      %parallel_loop3A_2185 = arith.select %parallel_loop3A_2183, %parallel_loop3A_2182, %parallel_loop3A_2139 : vector<16xi1>, vector<16xi32>
      %parallel_loop3A_2186 = arith.minimumf %parallel_loop3A_2180, %parallel_loop3A_2138 : vector<16xf32>
      %parallel_loop3A_2187 = arith.select %parallel_loop3A_2183, %parallel_loop3A_2139, %parallel_loop3A_2182 : vector<16xi1>, vector<16xi32>
      %parallel_loop3A_2188 = arith.cmpf oge, %parallel_loop3A_2186, %parallel_loop3A_2143 : vector<16xf32>
      %parallel_loop3A_2189 = arith.maximumf %parallel_loop3A_2186, %parallel_loop3A_2143 : vector<16xf32>
      %parallel_loop3A_2190 = arith.select %parallel_loop3A_2188, %parallel_loop3A_2187, %parallel_loop3A_2144 : vector<16xi1>, vector<16xi32>
      %parallel_loop3A_2191 = arith.minimumf %parallel_loop3A_2186, %parallel_loop3A_2143 : vector<16xf32>
      %parallel_loop3A_2192 = arith.select %parallel_loop3A_2188, %parallel_loop3A_2144, %parallel_loop3A_2187 : vector<16xi1>, vector<16xi32>
      %parallel_loop3A_2193 = arith.cmpf oge, %parallel_loop3A_2191, %parallel_loop3A_2148 : vector<16xf32>
      %parallel_loop3A_2194 = arith.maximumf %parallel_loop3A_2191, %parallel_loop3A_2148 : vector<16xf32>
      %parallel_loop3A_2195 = arith.select %parallel_loop3A_2193, %parallel_loop3A_2192, %parallel_loop3A_2149 : vector<16xi1>, vector<16xi32>
      %parallel_loop3A_2196 = arith.minimumf %parallel_loop3A_2191, %parallel_loop3A_2148 : vector<16xf32>
      %parallel_loop3A_2197 = arith.select %parallel_loop3A_2193, %parallel_loop3A_2149, %parallel_loop3A_2192 : vector<16xi1>, vector<16xi32>
      %parallel_loop3A_2198 = arith.cmpf oge, %parallel_loop3A_2196, %parallel_loop3A_2153 : vector<16xf32>
      %parallel_loop3A_2199 = arith.maximumf %parallel_loop3A_2196, %parallel_loop3A_2153 : vector<16xf32>
      %parallel_loop3A_2200 = arith.select %parallel_loop3A_2198, %parallel_loop3A_2197, %parallel_loop3A_2154 : vector<16xi1>, vector<16xi32>
      %parallel_loop3A_2201 = arith.minimumf %parallel_loop3A_2196, %parallel_loop3A_2153 : vector<16xf32>
      %parallel_loop3A_2202 = arith.select %parallel_loop3A_2198, %parallel_loop3A_2154, %parallel_loop3A_2197 : vector<16xi1>, vector<16xi32>
      %parallel_loop3A_2203 = arith.cmpf oge, %parallel_loop3A_2201, %parallel_loop3A_2158 : vector<16xf32>
      %parallel_loop3A_2204 = arith.maximumf %parallel_loop3A_2201, %parallel_loop3A_2158 : vector<16xf32>
      %parallel_loop3A_2205 = arith.select %parallel_loop3A_2203, %parallel_loop3A_2202, %parallel_loop3A_2159 : vector<16xi1>, vector<16xi32>
      %parallel_loop3A_2206 = arith.minimumf %parallel_loop3A_2201, %parallel_loop3A_2158 : vector<16xf32>
      %parallel_loop3A_2207 = arith.select %parallel_loop3A_2203, %parallel_loop3A_2159, %parallel_loop3A_2202 : vector<16xi1>, vector<16xi32>
      %parallel_loop3A_2208 = arith.cmpf oge, %parallel_loop3A_2206, %parallel_loop3A_2163 : vector<16xf32>
      %parallel_loop3A_2209 = arith.maximumf %parallel_loop3A_2206, %parallel_loop3A_2163 : vector<16xf32>
      %parallel_loop3A_2210 = arith.select %parallel_loop3A_2208, %parallel_loop3A_2207, %parallel_loop3A_2164 : vector<16xi1>, vector<16xi32>
      %parallel_loop3A_2211 = arith.minimumf %parallel_loop3A_2206, %parallel_loop3A_2163 : vector<16xf32>
      %parallel_loop3A_2212 = arith.select %parallel_loop3A_2208, %parallel_loop3A_2164, %parallel_loop3A_2207 : vector<16xi1>, vector<16xi32>
      %parallel_loop3A_2213 = arith.cmpf oge, %parallel_loop3A_2211, %parallel_loop3A_2168 : vector<16xf32>
      %parallel_loop3A_2214 = arith.maximumf %parallel_loop3A_2211, %parallel_loop3A_2168 : vector<16xf32>
      %parallel_loop3A_2215 = arith.select %parallel_loop3A_2213, %parallel_loop3A_2212, %parallel_loop3A_2169 : vector<16xi1>, vector<16xi32>
      %parallel_loop3A_2216 = arith.minimumf %parallel_loop3A_2211, %parallel_loop3A_2168 : vector<16xf32>
      %parallel_loop3A_2217 = arith.select %parallel_loop3A_2213, %parallel_loop3A_2169, %parallel_loop3A_2212 : vector<16xi1>, vector<16xi32>
      %parallel_loop3A_2218 = arith.cmpf oge, %parallel_loop3A_2216, %parallel_loop3A_2173 : vector<16xf32>
      %parallel_loop3A_2219 = arith.maximumf %parallel_loop3A_2216, %parallel_loop3A_2173 : vector<16xf32>
      %parallel_loop3A_2220 = arith.select %parallel_loop3A_2218, %parallel_loop3A_2217, %parallel_loop3A_2174 : vector<16xi1>, vector<16xi32>
      %parallel_loop3A_2221 = arith.constant 29 : i32
      %parallel_loop3A_2222 = arith.index_cast %parallel_loop3A_2221 : i32 to index
      %parallel_loop3A_2223 = arith.index_cast %parallel_loop3A_10 : i32 to index
      %parallel_loop3A_2224 = tpu.vector_load %arg5[%parallel_loop3A_2222, %parallel_loop3A_2223] {strides = array<i32>} : memref<64x1024xf32, #tpu.memory_space<vmem>>, vector<1x16xf32>,
      %parallel_loop3A_2225 = vector.shape_cast %parallel_loop3A_2224 : vector<1x16xf32> to vector<16xf32>
      %parallel_loop3A_2226 = arith.select %parallel_loop3A_636, %parallel_loop3A_2225, %broadcast_in_dim3A_5 : vector<16xi1>, vector<16xf32>
      %parallel_loop3A_2227 = arith.constant 29 : i32
      %parallel_loop3A_2228 = vector.broadcast %parallel_loop3A_2227 : i32 to vector<16xi32>
      %parallel_loop3A_2229 = arith.cmpf oge, %parallel_loop3A_2226, %parallel_loop3A_2184 : vector<16xf32>
      %parallel_loop3A_2230 = arith.maximumf %parallel_loop3A_2226, %parallel_loop3A_2184 : vector<16xf32>
      %parallel_loop3A_2231 = arith.select %parallel_loop3A_2229, %parallel_loop3A_2228, %parallel_loop3A_2185 : vector<16xi1>, vector<16xi32>
      %parallel_loop3A_2232 = arith.minimumf %parallel_loop3A_2226, %parallel_loop3A_2184 : vector<16xf32>
      %parallel_loop3A_2233 = arith.select %parallel_loop3A_2229, %parallel_loop3A_2185, %parallel_loop3A_2228 : vector<16xi1>, vector<16xi32>
      %parallel_loop3A_2234 = arith.cmpf oge, %parallel_loop3A_2232, %parallel_loop3A_2189 : vector<16xf32>
      %parallel_loop3A_2235 = arith.maximumf %parallel_loop3A_2232, %parallel_loop3A_2189 : vector<16xf32>
      %parallel_loop3A_2236 = arith.select %parallel_loop3A_2234, %parallel_loop3A_2233, %parallel_loop3A_2190 : vector<16xi1>, vector<16xi32>
      %parallel_loop3A_2237 = arith.minimumf %parallel_loop3A_2232, %parallel_loop3A_2189 : vector<16xf32>
      %parallel_loop3A_2238 = arith.select %parallel_loop3A_2234, %parallel_loop3A_2190, %parallel_loop3A_2233 : vector<16xi1>, vector<16xi32>
      %parallel_loop3A_2239 = arith.cmpf oge, %parallel_loop3A_2237, %parallel_loop3A_2194 : vector<16xf32>
      %parallel_loop3A_2240 = arith.maximumf %parallel_loop3A_2237, %parallel_loop3A_2194 : vector<16xf32>
      %parallel_loop3A_2241 = arith.select %parallel_loop3A_2239, %parallel_loop3A_2238, %parallel_loop3A_2195 : vector<16xi1>, vector<16xi32>
      %parallel_loop3A_2242 = arith.minimumf %parallel_loop3A_2237, %parallel_loop3A_2194 : vector<16xf32>
      %parallel_loop3A_2243 = arith.select %parallel_loop3A_2239, %parallel_loop3A_2195, %parallel_loop3A_2238 : vector<16xi1>, vector<16xi32>
      %parallel_loop3A_2244 = arith.cmpf oge, %parallel_loop3A_2242, %parallel_loop3A_2199 : vector<16xf32>
      %parallel_loop3A_2245 = arith.maximumf %parallel_loop3A_2242, %parallel_loop3A_2199 : vector<16xf32>
      %parallel_loop3A_2246 = arith.select %parallel_loop3A_2244, %parallel_loop3A_2243, %parallel_loop3A_2200 : vector<16xi1>, vector<16xi32>
      %parallel_loop3A_2247 = arith.minimumf %parallel_loop3A_2242, %parallel_loop3A_2199 : vector<16xf32>
      %parallel_loop3A_2248 = arith.select %parallel_loop3A_2244, %parallel_loop3A_2200, %parallel_loop3A_2243 : vector<16xi1>, vector<16xi32>
      %parallel_loop3A_2249 = arith.cmpf oge, %parallel_loop3A_2247, %parallel_loop3A_2204 : vector<16xf32>
      %parallel_loop3A_2250 = arith.maximumf %parallel_loop3A_2247, %parallel_loop3A_2204 : vector<16xf32>
      %parallel_loop3A_2251 = arith.select %parallel_loop3A_2249, %parallel_loop3A_2248, %parallel_loop3A_2205 : vector<16xi1>, vector<16xi32>
      %parallel_loop3A_2252 = arith.minimumf %parallel_loop3A_2247, %parallel_loop3A_2204 : vector<16xf32>
      %parallel_loop3A_2253 = arith.select %parallel_loop3A_2249, %parallel_loop3A_2205, %parallel_loop3A_2248 : vector<16xi1>, vector<16xi32>
      %parallel_loop3A_2254 = arith.cmpf oge, %parallel_loop3A_2252, %parallel_loop3A_2209 : vector<16xf32>
      %parallel_loop3A_2255 = arith.maximumf %parallel_loop3A_2252, %parallel_loop3A_2209 : vector<16xf32>
      %parallel_loop3A_2256 = arith.select %parallel_loop3A_2254, %parallel_loop3A_2253, %parallel_loop3A_2210 : vector<16xi1>, vector<16xi32>
      %parallel_loop3A_2257 = arith.minimumf %parallel_loop3A_2252, %parallel_loop3A_2209 : vector<16xf32>
      %parallel_loop3A_2258 = arith.select %parallel_loop3A_2254, %parallel_loop3A_2210, %parallel_loop3A_2253 : vector<16xi1>, vector<16xi32>
      %parallel_loop3A_2259 = arith.cmpf oge, %parallel_loop3A_2257, %parallel_loop3A_2214 : vector<16xf32>
      %parallel_loop3A_2260 = arith.maximumf %parallel_loop3A_2257, %parallel_loop3A_2214 : vector<16xf32>
      %parallel_loop3A_2261 = arith.select %parallel_loop3A_2259, %parallel_loop3A_2258, %parallel_loop3A_2215 : vector<16xi1>, vector<16xi32>
      %parallel_loop3A_2262 = arith.minimumf %parallel_loop3A_2257, %parallel_loop3A_2214 : vector<16xf32>
      %parallel_loop3A_2263 = arith.select %parallel_loop3A_2259, %parallel_loop3A_2215, %parallel_loop3A_2258 : vector<16xi1>, vector<16xi32>
      %parallel_loop3A_2264 = arith.cmpf oge, %parallel_loop3A_2262, %parallel_loop3A_2219 : vector<16xf32>
      %parallel_loop3A_2265 = arith.maximumf %parallel_loop3A_2262, %parallel_loop3A_2219 : vector<16xf32>
      %parallel_loop3A_2266 = arith.select %parallel_loop3A_2264, %parallel_loop3A_2263, %parallel_loop3A_2220 : vector<16xi1>, vector<16xi32>
      %parallel_loop3A_2267 = arith.constant 28 : i32
      %parallel_loop3A_2268 = arith.index_cast %parallel_loop3A_2267 : i32 to index
      %parallel_loop3A_2269 = arith.index_cast %parallel_loop3A_10 : i32 to index
      %parallel_loop3A_2270 = tpu.vector_load %arg5[%parallel_loop3A_2268, %parallel_loop3A_2269] {strides = array<i32>} : memref<64x1024xf32, #tpu.memory_space<vmem>>, vector<1x16xf32>,
      %parallel_loop3A_2271 = vector.shape_cast %parallel_loop3A_2270 : vector<1x16xf32> to vector<16xf32>
      %parallel_loop3A_2272 = arith.select %parallel_loop3A_636, %parallel_loop3A_2271, %broadcast_in_dim3A_5 : vector<16xi1>, vector<16xf32>
      %parallel_loop3A_2273 = arith.constant 28 : i32
      %parallel_loop3A_2274 = vector.broadcast %parallel_loop3A_2273 : i32 to vector<16xi32>
      %parallel_loop3A_2275 = arith.cmpf oge, %parallel_loop3A_2272, %parallel_loop3A_2230 : vector<16xf32>
      %parallel_loop3A_2276 = arith.maximumf %parallel_loop3A_2272, %parallel_loop3A_2230 : vector<16xf32>
      %parallel_loop3A_2277 = arith.select %parallel_loop3A_2275, %parallel_loop3A_2274, %parallel_loop3A_2231 : vector<16xi1>, vector<16xi32>
      %parallel_loop3A_2278 = arith.minimumf %parallel_loop3A_2272, %parallel_loop3A_2230 : vector<16xf32>
      %parallel_loop3A_2279 = arith.select %parallel_loop3A_2275, %parallel_loop3A_2231, %parallel_loop3A_2274 : vector<16xi1>, vector<16xi32>
      %parallel_loop3A_2280 = arith.cmpf oge, %parallel_loop3A_2278, %parallel_loop3A_2235 : vector<16xf32>
      %parallel_loop3A_2281 = arith.maximumf %parallel_loop3A_2278, %parallel_loop3A_2235 : vector<16xf32>
      %parallel_loop3A_2282 = arith.select %parallel_loop3A_2280, %parallel_loop3A_2279, %parallel_loop3A_2236 : vector<16xi1>, vector<16xi32>
      %parallel_loop3A_2283 = arith.minimumf %parallel_loop3A_2278, %parallel_loop3A_2235 : vector<16xf32>
      %parallel_loop3A_2284 = arith.select %parallel_loop3A_2280, %parallel_loop3A_2236, %parallel_loop3A_2279 : vector<16xi1>, vector<16xi32>
      %parallel_loop3A_2285 = arith.cmpf oge, %parallel_loop3A_2283, %parallel_loop3A_2240 : vector<16xf32>
      %parallel_loop3A_2286 = arith.maximumf %parallel_loop3A_2283, %parallel_loop3A_2240 : vector<16xf32>
      %parallel_loop3A_2287 = arith.select %parallel_loop3A_2285, %parallel_loop3A_2284, %parallel_loop3A_2241 : vector<16xi1>, vector<16xi32>
      %parallel_loop3A_2288 = arith.minimumf %parallel_loop3A_2283, %parallel_loop3A_2240 : vector<16xf32>
      %parallel_loop3A_2289 = arith.select %parallel_loop3A_2285, %parallel_loop3A_2241, %parallel_loop3A_2284 : vector<16xi1>, vector<16xi32>
      %parallel_loop3A_2290 = arith.cmpf oge, %parallel_loop3A_2288, %parallel_loop3A_2245 : vector<16xf32>
      %parallel_loop3A_2291 = arith.maximumf %parallel_loop3A_2288, %parallel_loop3A_2245 : vector<16xf32>
      %parallel_loop3A_2292 = arith.select %parallel_loop3A_2290, %parallel_loop3A_2289, %parallel_loop3A_2246 : vector<16xi1>, vector<16xi32>
      %parallel_loop3A_2293 = arith.minimumf %parallel_loop3A_2288, %parallel_loop3A_2245 : vector<16xf32>
      %parallel_loop3A_2294 = arith.select %parallel_loop3A_2290, %parallel_loop3A_2246, %parallel_loop3A_2289 : vector<16xi1>, vector<16xi32>
      %parallel_loop3A_2295 = arith.cmpf oge, %parallel_loop3A_2293, %parallel_loop3A_2250 : vector<16xf32>
      %parallel_loop3A_2296 = arith.maximumf %parallel_loop3A_2293, %parallel_loop3A_2250 : vector<16xf32>
      %parallel_loop3A_2297 = arith.select %parallel_loop3A_2295, %parallel_loop3A_2294, %parallel_loop3A_2251 : vector<16xi1>, vector<16xi32>
      %parallel_loop3A_2298 = arith.minimumf %parallel_loop3A_2293, %parallel_loop3A_2250 : vector<16xf32>
      %parallel_loop3A_2299 = arith.select %parallel_loop3A_2295, %parallel_loop3A_2251, %parallel_loop3A_2294 : vector<16xi1>, vector<16xi32>
      %parallel_loop3A_2300 = arith.cmpf oge, %parallel_loop3A_2298, %parallel_loop3A_2255 : vector<16xf32>
      %parallel_loop3A_2301 = arith.maximumf %parallel_loop3A_2298, %parallel_loop3A_2255 : vector<16xf32>
      %parallel_loop3A_2302 = arith.select %parallel_loop3A_2300, %parallel_loop3A_2299, %parallel_loop3A_2256 : vector<16xi1>, vector<16xi32>
      %parallel_loop3A_2303 = arith.minimumf %parallel_loop3A_2298, %parallel_loop3A_2255 : vector<16xf32>
      %parallel_loop3A_2304 = arith.select %parallel_loop3A_2300, %parallel_loop3A_2256, %parallel_loop3A_2299 : vector<16xi1>, vector<16xi32>
      %parallel_loop3A_2305 = arith.cmpf oge, %parallel_loop3A_2303, %parallel_loop3A_2260 : vector<16xf32>
      %parallel_loop3A_2306 = arith.maximumf %parallel_loop3A_2303, %parallel_loop3A_2260 : vector<16xf32>
      %parallel_loop3A_2307 = arith.select %parallel_loop3A_2305, %parallel_loop3A_2304, %parallel_loop3A_2261 : vector<16xi1>, vector<16xi32>
      %parallel_loop3A_2308 = arith.minimumf %parallel_loop3A_2303, %parallel_loop3A_2260 : vector<16xf32>
      %parallel_loop3A_2309 = arith.select %parallel_loop3A_2305, %parallel_loop3A_2261, %parallel_loop3A_2304 : vector<16xi1>, vector<16xi32>
      %parallel_loop3A_2310 = arith.cmpf oge, %parallel_loop3A_2308, %parallel_loop3A_2265 : vector<16xf32>
      %parallel_loop3A_2311 = arith.maximumf %parallel_loop3A_2308, %parallel_loop3A_2265 : vector<16xf32>
      %parallel_loop3A_2312 = arith.select %parallel_loop3A_2310, %parallel_loop3A_2309, %parallel_loop3A_2266 : vector<16xi1>, vector<16xi32>
      %parallel_loop3A_2313 = arith.constant 27 : i32
      %parallel_loop3A_2314 = arith.index_cast %parallel_loop3A_2313 : i32 to index
      %parallel_loop3A_2315 = arith.index_cast %parallel_loop3A_10 : i32 to index
      %parallel_loop3A_2316 = tpu.vector_load %arg5[%parallel_loop3A_2314, %parallel_loop3A_2315] {strides = array<i32>} : memref<64x1024xf32, #tpu.memory_space<vmem>>, vector<1x16xf32>,
      %parallel_loop3A_2317 = vector.shape_cast %parallel_loop3A_2316 : vector<1x16xf32> to vector<16xf32>
      %parallel_loop3A_2318 = arith.select %parallel_loop3A_636, %parallel_loop3A_2317, %broadcast_in_dim3A_5 : vector<16xi1>, vector<16xf32>
      %parallel_loop3A_2319 = arith.constant 27 : i32
      %parallel_loop3A_2320 = vector.broadcast %parallel_loop3A_2319 : i32 to vector<16xi32>
      %parallel_loop3A_2321 = arith.cmpf oge, %parallel_loop3A_2318, %parallel_loop3A_2276 : vector<16xf32>
      %parallel_loop3A_2322 = arith.maximumf %parallel_loop3A_2318, %parallel_loop3A_2276 : vector<16xf32>
      %parallel_loop3A_2323 = arith.select %parallel_loop3A_2321, %parallel_loop3A_2320, %parallel_loop3A_2277 : vector<16xi1>, vector<16xi32>
      %parallel_loop3A_2324 = arith.minimumf %parallel_loop3A_2318, %parallel_loop3A_2276 : vector<16xf32>
      %parallel_loop3A_2325 = arith.select %parallel_loop3A_2321, %parallel_loop3A_2277, %parallel_loop3A_2320 : vector<16xi1>, vector<16xi32>
      %parallel_loop3A_2326 = arith.cmpf oge, %parallel_loop3A_2324, %parallel_loop3A_2281 : vector<16xf32>
      %parallel_loop3A_2327 = arith.maximumf %parallel_loop3A_2324, %parallel_loop3A_2281 : vector<16xf32>
      %parallel_loop3A_2328 = arith.select %parallel_loop3A_2326, %parallel_loop3A_2325, %parallel_loop3A_2282 : vector<16xi1>, vector<16xi32>
      %parallel_loop3A_2329 = arith.minimumf %parallel_loop3A_2324, %parallel_loop3A_2281 : vector<16xf32>
      %parallel_loop3A_2330 = arith.select %parallel_loop3A_2326, %parallel_loop3A_2282, %parallel_loop3A_2325 : vector<16xi1>, vector<16xi32>
      %parallel_loop3A_2331 = arith.cmpf oge, %parallel_loop3A_2329, %parallel_loop3A_2286 : vector<16xf32>
      %parallel_loop3A_2332 = arith.maximumf %parallel_loop3A_2329, %parallel_loop3A_2286 : vector<16xf32>
      %parallel_loop3A_2333 = arith.select %parallel_loop3A_2331, %parallel_loop3A_2330, %parallel_loop3A_2287 : vector<16xi1>, vector<16xi32>
      %parallel_loop3A_2334 = arith.minimumf %parallel_loop3A_2329, %parallel_loop3A_2286 : vector<16xf32>
      %parallel_loop3A_2335 = arith.select %parallel_loop3A_2331, %parallel_loop3A_2287, %parallel_loop3A_2330 : vector<16xi1>, vector<16xi32>
      %parallel_loop3A_2336 = arith.cmpf oge, %parallel_loop3A_2334, %parallel_loop3A_2291 : vector<16xf32>
      %parallel_loop3A_2337 = arith.maximumf %parallel_loop3A_2334, %parallel_loop3A_2291 : vector<16xf32>
      %parallel_loop3A_2338 = arith.select %parallel_loop3A_2336, %parallel_loop3A_2335, %parallel_loop3A_2292 : vector<16xi1>, vector<16xi32>
      %parallel_loop3A_2339 = arith.minimumf %parallel_loop3A_2334, %parallel_loop3A_2291 : vector<16xf32>
      %parallel_loop3A_2340 = arith.select %parallel_loop3A_2336, %parallel_loop3A_2292, %parallel_loop3A_2335 : vector<16xi1>, vector<16xi32>
      %parallel_loop3A_2341 = arith.cmpf oge, %parallel_loop3A_2339, %parallel_loop3A_2296 : vector<16xf32>
      %parallel_loop3A_2342 = arith.maximumf %parallel_loop3A_2339, %parallel_loop3A_2296 : vector<16xf32>
      %parallel_loop3A_2343 = arith.select %parallel_loop3A_2341, %parallel_loop3A_2340, %parallel_loop3A_2297 : vector<16xi1>, vector<16xi32>
      %parallel_loop3A_2344 = arith.minimumf %parallel_loop3A_2339, %parallel_loop3A_2296 : vector<16xf32>
      %parallel_loop3A_2345 = arith.select %parallel_loop3A_2341, %parallel_loop3A_2297, %parallel_loop3A_2340 : vector<16xi1>, vector<16xi32>
      %parallel_loop3A_2346 = arith.cmpf oge, %parallel_loop3A_2344, %parallel_loop3A_2301 : vector<16xf32>
      %parallel_loop3A_2347 = arith.maximumf %parallel_loop3A_2344, %parallel_loop3A_2301 : vector<16xf32>
      %parallel_loop3A_2348 = arith.select %parallel_loop3A_2346, %parallel_loop3A_2345, %parallel_loop3A_2302 : vector<16xi1>, vector<16xi32>
      %parallel_loop3A_2349 = arith.minimumf %parallel_loop3A_2344, %parallel_loop3A_2301 : vector<16xf32>
      %parallel_loop3A_2350 = arith.select %parallel_loop3A_2346, %parallel_loop3A_2302, %parallel_loop3A_2345 : vector<16xi1>, vector<16xi32>
      %parallel_loop3A_2351 = arith.cmpf oge, %parallel_loop3A_2349, %parallel_loop3A_2306 : vector<16xf32>
      %parallel_loop3A_2352 = arith.maximumf %parallel_loop3A_2349, %parallel_loop3A_2306 : vector<16xf32>
      %parallel_loop3A_2353 = arith.select %parallel_loop3A_2351, %parallel_loop3A_2350, %parallel_loop3A_2307 : vector<16xi1>, vector<16xi32>
      %parallel_loop3A_2354 = arith.minimumf %parallel_loop3A_2349, %parallel_loop3A_2306 : vector<16xf32>
      %parallel_loop3A_2355 = arith.select %parallel_loop3A_2351, %parallel_loop3A_2307, %parallel_loop3A_2350 : vector<16xi1>, vector<16xi32>
      %parallel_loop3A_2356 = arith.cmpf oge, %parallel_loop3A_2354, %parallel_loop3A_2311 : vector<16xf32>
      %parallel_loop3A_2357 = arith.maximumf %parallel_loop3A_2354, %parallel_loop3A_2311 : vector<16xf32>
      %parallel_loop3A_2358 = arith.select %parallel_loop3A_2356, %parallel_loop3A_2355, %parallel_loop3A_2312 : vector<16xi1>, vector<16xi32>
      %parallel_loop3A_2359 = arith.constant 26 : i32
      %parallel_loop3A_2360 = arith.index_cast %parallel_loop3A_2359 : i32 to index
      %parallel_loop3A_2361 = arith.index_cast %parallel_loop3A_10 : i32 to index
      %parallel_loop3A_2362 = tpu.vector_load %arg5[%parallel_loop3A_2360, %parallel_loop3A_2361] {strides = array<i32>} : memref<64x1024xf32, #tpu.memory_space<vmem>>, vector<1x16xf32>,
      %parallel_loop3A_2363 = vector.shape_cast %parallel_loop3A_2362 : vector<1x16xf32> to vector<16xf32>
      %parallel_loop3A_2364 = arith.select %parallel_loop3A_636, %parallel_loop3A_2363, %broadcast_in_dim3A_5 : vector<16xi1>, vector<16xf32>
      %parallel_loop3A_2365 = arith.constant 26 : i32
      %parallel_loop3A_2366 = vector.broadcast %parallel_loop3A_2365 : i32 to vector<16xi32>
      %parallel_loop3A_2367 = arith.cmpf oge, %parallel_loop3A_2364, %parallel_loop3A_2322 : vector<16xf32>
      %parallel_loop3A_2368 = arith.maximumf %parallel_loop3A_2364, %parallel_loop3A_2322 : vector<16xf32>
      %parallel_loop3A_2369 = arith.select %parallel_loop3A_2367, %parallel_loop3A_2366, %parallel_loop3A_2323 : vector<16xi1>, vector<16xi32>
      %parallel_loop3A_2370 = arith.minimumf %parallel_loop3A_2364, %parallel_loop3A_2322 : vector<16xf32>
      %parallel_loop3A_2371 = arith.select %parallel_loop3A_2367, %parallel_loop3A_2323, %parallel_loop3A_2366 : vector<16xi1>, vector<16xi32>
      %parallel_loop3A_2372 = arith.cmpf oge, %parallel_loop3A_2370, %parallel_loop3A_2327 : vector<16xf32>
      %parallel_loop3A_2373 = arith.maximumf %parallel_loop3A_2370, %parallel_loop3A_2327 : vector<16xf32>
      %parallel_loop3A_2374 = arith.select %parallel_loop3A_2372, %parallel_loop3A_2371, %parallel_loop3A_2328 : vector<16xi1>, vector<16xi32>
      %parallel_loop3A_2375 = arith.minimumf %parallel_loop3A_2370, %parallel_loop3A_2327 : vector<16xf32>
      %parallel_loop3A_2376 = arith.select %parallel_loop3A_2372, %parallel_loop3A_2328, %parallel_loop3A_2371 : vector<16xi1>, vector<16xi32>
      %parallel_loop3A_2377 = arith.cmpf oge, %parallel_loop3A_2375, %parallel_loop3A_2332 : vector<16xf32>
      %parallel_loop3A_2378 = arith.maximumf %parallel_loop3A_2375, %parallel_loop3A_2332 : vector<16xf32>
      %parallel_loop3A_2379 = arith.select %parallel_loop3A_2377, %parallel_loop3A_2376, %parallel_loop3A_2333 : vector<16xi1>, vector<16xi32>
      %parallel_loop3A_2380 = arith.minimumf %parallel_loop3A_2375, %parallel_loop3A_2332 : vector<16xf32>
      %parallel_loop3A_2381 = arith.select %parallel_loop3A_2377, %parallel_loop3A_2333, %parallel_loop3A_2376 : vector<16xi1>, vector<16xi32>
      %parallel_loop3A_2382 = arith.cmpf oge, %parallel_loop3A_2380, %parallel_loop3A_2337 : vector<16xf32>
      %parallel_loop3A_2383 = arith.maximumf %parallel_loop3A_2380, %parallel_loop3A_2337 : vector<16xf32>
      %parallel_loop3A_2384 = arith.select %parallel_loop3A_2382, %parallel_loop3A_2381, %parallel_loop3A_2338 : vector<16xi1>, vector<16xi32>
      %parallel_loop3A_2385 = arith.minimumf %parallel_loop3A_2380, %parallel_loop3A_2337 : vector<16xf32>
      %parallel_loop3A_2386 = arith.select %parallel_loop3A_2382, %parallel_loop3A_2338, %parallel_loop3A_2381 : vector<16xi1>, vector<16xi32>
      %parallel_loop3A_2387 = arith.cmpf oge, %parallel_loop3A_2385, %parallel_loop3A_2342 : vector<16xf32>
      %parallel_loop3A_2388 = arith.maximumf %parallel_loop3A_2385, %parallel_loop3A_2342 : vector<16xf32>
      %parallel_loop3A_2389 = arith.select %parallel_loop3A_2387, %parallel_loop3A_2386, %parallel_loop3A_2343 : vector<16xi1>, vector<16xi32>
      %parallel_loop3A_2390 = arith.minimumf %parallel_loop3A_2385, %parallel_loop3A_2342 : vector<16xf32>
      %parallel_loop3A_2391 = arith.select %parallel_loop3A_2387, %parallel_loop3A_2343, %parallel_loop3A_2386 : vector<16xi1>, vector<16xi32>
      %parallel_loop3A_2392 = arith.cmpf oge, %parallel_loop3A_2390, %parallel_loop3A_2347 : vector<16xf32>
      %parallel_loop3A_2393 = arith.maximumf %parallel_loop3A_2390, %parallel_loop3A_2347 : vector<16xf32>
      %parallel_loop3A_2394 = arith.select %parallel_loop3A_2392, %parallel_loop3A_2391, %parallel_loop3A_2348 : vector<16xi1>, vector<16xi32>
      %parallel_loop3A_2395 = arith.minimumf %parallel_loop3A_2390, %parallel_loop3A_2347 : vector<16xf32>
      %parallel_loop3A_2396 = arith.select %parallel_loop3A_2392, %parallel_loop3A_2348, %parallel_loop3A_2391 : vector<16xi1>, vector<16xi32>
      %parallel_loop3A_2397 = arith.cmpf oge, %parallel_loop3A_2395, %parallel_loop3A_2352 : vector<16xf32>
      %parallel_loop3A_2398 = arith.maximumf %parallel_loop3A_2395, %parallel_loop3A_2352 : vector<16xf32>
      %parallel_loop3A_2399 = arith.select %parallel_loop3A_2397, %parallel_loop3A_2396, %parallel_loop3A_2353 : vector<16xi1>, vector<16xi32>
      %parallel_loop3A_2400 = arith.minimumf %parallel_loop3A_2395, %parallel_loop3A_2352 : vector<16xf32>
      %parallel_loop3A_2401 = arith.select %parallel_loop3A_2397, %parallel_loop3A_2353, %parallel_loop3A_2396 : vector<16xi1>, vector<16xi32>
      %parallel_loop3A_2402 = arith.cmpf oge, %parallel_loop3A_2400, %parallel_loop3A_2357 : vector<16xf32>
      %parallel_loop3A_2403 = arith.maximumf %parallel_loop3A_2400, %parallel_loop3A_2357 : vector<16xf32>
      %parallel_loop3A_2404 = arith.select %parallel_loop3A_2402, %parallel_loop3A_2401, %parallel_loop3A_2358 : vector<16xi1>, vector<16xi32>
      %parallel_loop3A_2405 = arith.constant 25 : i32
      %parallel_loop3A_2406 = arith.index_cast %parallel_loop3A_2405 : i32 to index
      %parallel_loop3A_2407 = arith.index_cast %parallel_loop3A_10 : i32 to index
      %parallel_loop3A_2408 = tpu.vector_load %arg5[%parallel_loop3A_2406, %parallel_loop3A_2407] {strides = array<i32>} : memref<64x1024xf32, #tpu.memory_space<vmem>>, vector<1x16xf32>,
      %parallel_loop3A_2409 = vector.shape_cast %parallel_loop3A_2408 : vector<1x16xf32> to vector<16xf32>
      %parallel_loop3A_2410 = arith.select %parallel_loop3A_636, %parallel_loop3A_2409, %broadcast_in_dim3A_5 : vector<16xi1>, vector<16xf32>
      %parallel_loop3A_2411 = arith.constant 25 : i32
      %parallel_loop3A_2412 = vector.broadcast %parallel_loop3A_2411 : i32 to vector<16xi32>
      %parallel_loop3A_2413 = arith.cmpf oge, %parallel_loop3A_2410, %parallel_loop3A_2368 : vector<16xf32>
      %parallel_loop3A_2414 = arith.maximumf %parallel_loop3A_2410, %parallel_loop3A_2368 : vector<16xf32>
      %parallel_loop3A_2415 = arith.select %parallel_loop3A_2413, %parallel_loop3A_2412, %parallel_loop3A_2369 : vector<16xi1>, vector<16xi32>
      %parallel_loop3A_2416 = arith.minimumf %parallel_loop3A_2410, %parallel_loop3A_2368 : vector<16xf32>
      %parallel_loop3A_2417 = arith.select %parallel_loop3A_2413, %parallel_loop3A_2369, %parallel_loop3A_2412 : vector<16xi1>, vector<16xi32>
      %parallel_loop3A_2418 = arith.cmpf oge, %parallel_loop3A_2416, %parallel_loop3A_2373 : vector<16xf32>
      %parallel_loop3A_2419 = arith.maximumf %parallel_loop3A_2416, %parallel_loop3A_2373 : vector<16xf32>
      %parallel_loop3A_2420 = arith.select %parallel_loop3A_2418, %parallel_loop3A_2417, %parallel_loop3A_2374 : vector<16xi1>, vector<16xi32>
      %parallel_loop3A_2421 = arith.minimumf %parallel_loop3A_2416, %parallel_loop3A_2373 : vector<16xf32>
      %parallel_loop3A_2422 = arith.select %parallel_loop3A_2418, %parallel_loop3A_2374, %parallel_loop3A_2417 : vector<16xi1>, vector<16xi32>
      %parallel_loop3A_2423 = arith.cmpf oge, %parallel_loop3A_2421, %parallel_loop3A_2378 : vector<16xf32>
      %parallel_loop3A_2424 = arith.maximumf %parallel_loop3A_2421, %parallel_loop3A_2378 : vector<16xf32>
      %parallel_loop3A_2425 = arith.select %parallel_loop3A_2423, %parallel_loop3A_2422, %parallel_loop3A_2379 : vector<16xi1>, vector<16xi32>
      %parallel_loop3A_2426 = arith.minimumf %parallel_loop3A_2421, %parallel_loop3A_2378 : vector<16xf32>
      %parallel_loop3A_2427 = arith.select %parallel_loop3A_2423, %parallel_loop3A_2379, %parallel_loop3A_2422 : vector<16xi1>, vector<16xi32>
      %parallel_loop3A_2428 = arith.cmpf oge, %parallel_loop3A_2426, %parallel_loop3A_2383 : vector<16xf32>
      %parallel_loop3A_2429 = arith.maximumf %parallel_loop3A_2426, %parallel_loop3A_2383 : vector<16xf32>
      %parallel_loop3A_2430 = arith.select %parallel_loop3A_2428, %parallel_loop3A_2427, %parallel_loop3A_2384 : vector<16xi1>, vector<16xi32>
      %parallel_loop3A_2431 = arith.minimumf %parallel_loop3A_2426, %parallel_loop3A_2383 : vector<16xf32>
      %parallel_loop3A_2432 = arith.select %parallel_loop3A_2428, %parallel_loop3A_2384, %parallel_loop3A_2427 : vector<16xi1>, vector<16xi32>
      %parallel_loop3A_2433 = arith.cmpf oge, %parallel_loop3A_2431, %parallel_loop3A_2388 : vector<16xf32>
      %parallel_loop3A_2434 = arith.maximumf %parallel_loop3A_2431, %parallel_loop3A_2388 : vector<16xf32>
      %parallel_loop3A_2435 = arith.select %parallel_loop3A_2433, %parallel_loop3A_2432, %parallel_loop3A_2389 : vector<16xi1>, vector<16xi32>
      %parallel_loop3A_2436 = arith.minimumf %parallel_loop3A_2431, %parallel_loop3A_2388 : vector<16xf32>
      %parallel_loop3A_2437 = arith.select %parallel_loop3A_2433, %parallel_loop3A_2389, %parallel_loop3A_2432 : vector<16xi1>, vector<16xi32>
      %parallel_loop3A_2438 = arith.cmpf oge, %parallel_loop3A_2436, %parallel_loop3A_2393 : vector<16xf32>
      %parallel_loop3A_2439 = arith.maximumf %parallel_loop3A_2436, %parallel_loop3A_2393 : vector<16xf32>
      %parallel_loop3A_2440 = arith.select %parallel_loop3A_2438, %parallel_loop3A_2437, %parallel_loop3A_2394 : vector<16xi1>, vector<16xi32>
      %parallel_loop3A_2441 = arith.minimumf %parallel_loop3A_2436, %parallel_loop3A_2393 : vector<16xf32>
      %parallel_loop3A_2442 = arith.select %parallel_loop3A_2438, %parallel_loop3A_2394, %parallel_loop3A_2437 : vector<16xi1>, vector<16xi32>
      %parallel_loop3A_2443 = arith.cmpf oge, %parallel_loop3A_2441, %parallel_loop3A_2398 : vector<16xf32>
      %parallel_loop3A_2444 = arith.maximumf %parallel_loop3A_2441, %parallel_loop3A_2398 : vector<16xf32>
      %parallel_loop3A_2445 = arith.select %parallel_loop3A_2443, %parallel_loop3A_2442, %parallel_loop3A_2399 : vector<16xi1>, vector<16xi32>
      %parallel_loop3A_2446 = arith.minimumf %parallel_loop3A_2441, %parallel_loop3A_2398 : vector<16xf32>
      %parallel_loop3A_2447 = arith.select %parallel_loop3A_2443, %parallel_loop3A_2399, %parallel_loop3A_2442 : vector<16xi1>, vector<16xi32>
      %parallel_loop3A_2448 = arith.cmpf oge, %parallel_loop3A_2446, %parallel_loop3A_2403 : vector<16xf32>
      %parallel_loop3A_2449 = arith.maximumf %parallel_loop3A_2446, %parallel_loop3A_2403 : vector<16xf32>
      %parallel_loop3A_2450 = arith.select %parallel_loop3A_2448, %parallel_loop3A_2447, %parallel_loop3A_2404 : vector<16xi1>, vector<16xi32>
      %parallel_loop3A_2451 = arith.constant 24 : i32
      %parallel_loop3A_2452 = arith.index_cast %parallel_loop3A_2451 : i32 to index
      %parallel_loop3A_2453 = arith.index_cast %parallel_loop3A_10 : i32 to index
      %parallel_loop3A_2454 = tpu.vector_load %arg5[%parallel_loop3A_2452, %parallel_loop3A_2453] {strides = array<i32>} : memref<64x1024xf32, #tpu.memory_space<vmem>>, vector<1x16xf32>,
      %parallel_loop3A_2455 = vector.shape_cast %parallel_loop3A_2454 : vector<1x16xf32> to vector<16xf32>
      %parallel_loop3A_2456 = arith.select %parallel_loop3A_636, %parallel_loop3A_2455, %broadcast_in_dim3A_5 : vector<16xi1>, vector<16xf32>
      %parallel_loop3A_2457 = arith.constant 24 : i32
      %parallel_loop3A_2458 = vector.broadcast %parallel_loop3A_2457 : i32 to vector<16xi32>
      %parallel_loop3A_2459 = arith.cmpf oge, %parallel_loop3A_2456, %parallel_loop3A_2414 : vector<16xf32>
      %parallel_loop3A_2460 = arith.maximumf %parallel_loop3A_2456, %parallel_loop3A_2414 : vector<16xf32>
      %parallel_loop3A_2461 = arith.select %parallel_loop3A_2459, %parallel_loop3A_2458, %parallel_loop3A_2415 : vector<16xi1>, vector<16xi32>
      %parallel_loop3A_2462 = arith.minimumf %parallel_loop3A_2456, %parallel_loop3A_2414 : vector<16xf32>
      %parallel_loop3A_2463 = arith.select %parallel_loop3A_2459, %parallel_loop3A_2415, %parallel_loop3A_2458 : vector<16xi1>, vector<16xi32>
      %parallel_loop3A_2464 = arith.cmpf oge, %parallel_loop3A_2462, %parallel_loop3A_2419 : vector<16xf32>
      %parallel_loop3A_2465 = arith.maximumf %parallel_loop3A_2462, %parallel_loop3A_2419 : vector<16xf32>
      %parallel_loop3A_2466 = arith.select %parallel_loop3A_2464, %parallel_loop3A_2463, %parallel_loop3A_2420 : vector<16xi1>, vector<16xi32>
      %parallel_loop3A_2467 = arith.minimumf %parallel_loop3A_2462, %parallel_loop3A_2419 : vector<16xf32>
      %parallel_loop3A_2468 = arith.select %parallel_loop3A_2464, %parallel_loop3A_2420, %parallel_loop3A_2463 : vector<16xi1>, vector<16xi32>
      %parallel_loop3A_2469 = arith.cmpf oge, %parallel_loop3A_2467, %parallel_loop3A_2424 : vector<16xf32>
      %parallel_loop3A_2470 = arith.maximumf %parallel_loop3A_2467, %parallel_loop3A_2424 : vector<16xf32>
      %parallel_loop3A_2471 = arith.select %parallel_loop3A_2469, %parallel_loop3A_2468, %parallel_loop3A_2425 : vector<16xi1>, vector<16xi32>
      %parallel_loop3A_2472 = arith.minimumf %parallel_loop3A_2467, %parallel_loop3A_2424 : vector<16xf32>
      %parallel_loop3A_2473 = arith.select %parallel_loop3A_2469, %parallel_loop3A_2425, %parallel_loop3A_2468 : vector<16xi1>, vector<16xi32>
      %parallel_loop3A_2474 = arith.cmpf oge, %parallel_loop3A_2472, %parallel_loop3A_2429 : vector<16xf32>
      %parallel_loop3A_2475 = arith.maximumf %parallel_loop3A_2472, %parallel_loop3A_2429 : vector<16xf32>
      %parallel_loop3A_2476 = arith.select %parallel_loop3A_2474, %parallel_loop3A_2473, %parallel_loop3A_2430 : vector<16xi1>, vector<16xi32>
      %parallel_loop3A_2477 = arith.minimumf %parallel_loop3A_2472, %parallel_loop3A_2429 : vector<16xf32>
      %parallel_loop3A_2478 = arith.select %parallel_loop3A_2474, %parallel_loop3A_2430, %parallel_loop3A_2473 : vector<16xi1>, vector<16xi32>
      %parallel_loop3A_2479 = arith.cmpf oge, %parallel_loop3A_2477, %parallel_loop3A_2434 : vector<16xf32>
      %parallel_loop3A_2480 = arith.maximumf %parallel_loop3A_2477, %parallel_loop3A_2434 : vector<16xf32>
      %parallel_loop3A_2481 = arith.select %parallel_loop3A_2479, %parallel_loop3A_2478, %parallel_loop3A_2435 : vector<16xi1>, vector<16xi32>
      %parallel_loop3A_2482 = arith.minimumf %parallel_loop3A_2477, %parallel_loop3A_2434 : vector<16xf32>
      %parallel_loop3A_2483 = arith.select %parallel_loop3A_2479, %parallel_loop3A_2435, %parallel_loop3A_2478 : vector<16xi1>, vector<16xi32>
      %parallel_loop3A_2484 = arith.cmpf oge, %parallel_loop3A_2482, %parallel_loop3A_2439 : vector<16xf32>
      %parallel_loop3A_2485 = arith.maximumf %parallel_loop3A_2482, %parallel_loop3A_2439 : vector<16xf32>
      %parallel_loop3A_2486 = arith.select %parallel_loop3A_2484, %parallel_loop3A_2483, %parallel_loop3A_2440 : vector<16xi1>, vector<16xi32>
      %parallel_loop3A_2487 = arith.minimumf %parallel_loop3A_2482, %parallel_loop3A_2439 : vector<16xf32>
      %parallel_loop3A_2488 = arith.select %parallel_loop3A_2484, %parallel_loop3A_2440, %parallel_loop3A_2483 : vector<16xi1>, vector<16xi32>
      %parallel_loop3A_2489 = arith.cmpf oge, %parallel_loop3A_2487, %parallel_loop3A_2444 : vector<16xf32>
      %parallel_loop3A_2490 = arith.maximumf %parallel_loop3A_2487, %parallel_loop3A_2444 : vector<16xf32>
      %parallel_loop3A_2491 = arith.select %parallel_loop3A_2489, %parallel_loop3A_2488, %parallel_loop3A_2445 : vector<16xi1>, vector<16xi32>
      %parallel_loop3A_2492 = arith.minimumf %parallel_loop3A_2487, %parallel_loop3A_2444 : vector<16xf32>
      %parallel_loop3A_2493 = arith.select %parallel_loop3A_2489, %parallel_loop3A_2445, %parallel_loop3A_2488 : vector<16xi1>, vector<16xi32>
      %parallel_loop3A_2494 = arith.cmpf oge, %parallel_loop3A_2492, %parallel_loop3A_2449 : vector<16xf32>
      %parallel_loop3A_2495 = arith.maximumf %parallel_loop3A_2492, %parallel_loop3A_2449 : vector<16xf32>
      %parallel_loop3A_2496 = arith.select %parallel_loop3A_2494, %parallel_loop3A_2493, %parallel_loop3A_2450 : vector<16xi1>, vector<16xi32>
      %parallel_loop3A_2497 = arith.constant 23 : i32
      %parallel_loop3A_2498 = arith.index_cast %parallel_loop3A_2497 : i32 to index
      %parallel_loop3A_2499 = arith.index_cast %parallel_loop3A_10 : i32 to index
      %parallel_loop3A_2500 = tpu.vector_load %arg5[%parallel_loop3A_2498, %parallel_loop3A_2499] {strides = array<i32>} : memref<64x1024xf32, #tpu.memory_space<vmem>>, vector<1x16xf32>,
      %parallel_loop3A_2501 = vector.shape_cast %parallel_loop3A_2500 : vector<1x16xf32> to vector<16xf32>
      %parallel_loop3A_2502 = arith.select %parallel_loop3A_635, %parallel_loop3A_2501, %broadcast_in_dim3A_5 : vector<16xi1>, vector<16xf32>
      %parallel_loop3A_2503 = arith.constant 23 : i32
      %parallel_loop3A_2504 = vector.broadcast %parallel_loop3A_2503 : i32 to vector<16xi32>
      %parallel_loop3A_2505 = arith.cmpf oge, %parallel_loop3A_2502, %parallel_loop3A_2460 : vector<16xf32>
      %parallel_loop3A_2506 = arith.maximumf %parallel_loop3A_2502, %parallel_loop3A_2460 : vector<16xf32>
      %parallel_loop3A_2507 = arith.select %parallel_loop3A_2505, %parallel_loop3A_2504, %parallel_loop3A_2461 : vector<16xi1>, vector<16xi32>
      %parallel_loop3A_2508 = arith.minimumf %parallel_loop3A_2502, %parallel_loop3A_2460 : vector<16xf32>
      %parallel_loop3A_2509 = arith.select %parallel_loop3A_2505, %parallel_loop3A_2461, %parallel_loop3A_2504 : vector<16xi1>, vector<16xi32>
      %parallel_loop3A_2510 = arith.cmpf oge, %parallel_loop3A_2508, %parallel_loop3A_2465 : vector<16xf32>
      %parallel_loop3A_2511 = arith.maximumf %parallel_loop3A_2508, %parallel_loop3A_2465 : vector<16xf32>
      %parallel_loop3A_2512 = arith.select %parallel_loop3A_2510, %parallel_loop3A_2509, %parallel_loop3A_2466 : vector<16xi1>, vector<16xi32>
      %parallel_loop3A_2513 = arith.minimumf %parallel_loop3A_2508, %parallel_loop3A_2465 : vector<16xf32>
      %parallel_loop3A_2514 = arith.select %parallel_loop3A_2510, %parallel_loop3A_2466, %parallel_loop3A_2509 : vector<16xi1>, vector<16xi32>
      %parallel_loop3A_2515 = arith.cmpf oge, %parallel_loop3A_2513, %parallel_loop3A_2470 : vector<16xf32>
      %parallel_loop3A_2516 = arith.maximumf %parallel_loop3A_2513, %parallel_loop3A_2470 : vector<16xf32>
      %parallel_loop3A_2517 = arith.select %parallel_loop3A_2515, %parallel_loop3A_2514, %parallel_loop3A_2471 : vector<16xi1>, vector<16xi32>
      %parallel_loop3A_2518 = arith.minimumf %parallel_loop3A_2513, %parallel_loop3A_2470 : vector<16xf32>
      %parallel_loop3A_2519 = arith.select %parallel_loop3A_2515, %parallel_loop3A_2471, %parallel_loop3A_2514 : vector<16xi1>, vector<16xi32>
      %parallel_loop3A_2520 = arith.cmpf oge, %parallel_loop3A_2518, %parallel_loop3A_2475 : vector<16xf32>
      %parallel_loop3A_2521 = arith.maximumf %parallel_loop3A_2518, %parallel_loop3A_2475 : vector<16xf32>
      %parallel_loop3A_2522 = arith.select %parallel_loop3A_2520, %parallel_loop3A_2519, %parallel_loop3A_2476 : vector<16xi1>, vector<16xi32>
      %parallel_loop3A_2523 = arith.minimumf %parallel_loop3A_2518, %parallel_loop3A_2475 : vector<16xf32>
      %parallel_loop3A_2524 = arith.select %parallel_loop3A_2520, %parallel_loop3A_2476, %parallel_loop3A_2519 : vector<16xi1>, vector<16xi32>
      %parallel_loop3A_2525 = arith.cmpf oge, %parallel_loop3A_2523, %parallel_loop3A_2480 : vector<16xf32>
      %parallel_loop3A_2526 = arith.maximumf %parallel_loop3A_2523, %parallel_loop3A_2480 : vector<16xf32>
      %parallel_loop3A_2527 = arith.select %parallel_loop3A_2525, %parallel_loop3A_2524, %parallel_loop3A_2481 : vector<16xi1>, vector<16xi32>
      %parallel_loop3A_2528 = arith.minimumf %parallel_loop3A_2523, %parallel_loop3A_2480 : vector<16xf32>
      %parallel_loop3A_2529 = arith.select %parallel_loop3A_2525, %parallel_loop3A_2481, %parallel_loop3A_2524 : vector<16xi1>, vector<16xi32>
      %parallel_loop3A_2530 = arith.cmpf oge, %parallel_loop3A_2528, %parallel_loop3A_2485 : vector<16xf32>
      %parallel_loop3A_2531 = arith.maximumf %parallel_loop3A_2528, %parallel_loop3A_2485 : vector<16xf32>
      %parallel_loop3A_2532 = arith.select %parallel_loop3A_2530, %parallel_loop3A_2529, %parallel_loop3A_2486 : vector<16xi1>, vector<16xi32>
      %parallel_loop3A_2533 = arith.minimumf %parallel_loop3A_2528, %parallel_loop3A_2485 : vector<16xf32>
      %parallel_loop3A_2534 = arith.select %parallel_loop3A_2530, %parallel_loop3A_2486, %parallel_loop3A_2529 : vector<16xi1>, vector<16xi32>
      %parallel_loop3A_2535 = arith.cmpf oge, %parallel_loop3A_2533, %parallel_loop3A_2490 : vector<16xf32>
      %parallel_loop3A_2536 = arith.maximumf %parallel_loop3A_2533, %parallel_loop3A_2490 : vector<16xf32>
      %parallel_loop3A_2537 = arith.select %parallel_loop3A_2535, %parallel_loop3A_2534, %parallel_loop3A_2491 : vector<16xi1>, vector<16xi32>
      %parallel_loop3A_2538 = arith.minimumf %parallel_loop3A_2533, %parallel_loop3A_2490 : vector<16xf32>
      %parallel_loop3A_2539 = arith.select %parallel_loop3A_2535, %parallel_loop3A_2491, %parallel_loop3A_2534 : vector<16xi1>, vector<16xi32>
      %parallel_loop3A_2540 = arith.cmpf oge, %parallel_loop3A_2538, %parallel_loop3A_2495 : vector<16xf32>
      %parallel_loop3A_2541 = arith.maximumf %parallel_loop3A_2538, %parallel_loop3A_2495 : vector<16xf32>
      %parallel_loop3A_2542 = arith.select %parallel_loop3A_2540, %parallel_loop3A_2539, %parallel_loop3A_2496 : vector<16xi1>, vector<16xi32>
      %parallel_loop3A_2543 = arith.constant 22 : i32
      %parallel_loop3A_2544 = arith.index_cast %parallel_loop3A_2543 : i32 to index
      %parallel_loop3A_2545 = arith.index_cast %parallel_loop3A_10 : i32 to index
      %parallel_loop3A_2546 = tpu.vector_load %arg5[%parallel_loop3A_2544, %parallel_loop3A_2545] {strides = array<i32>} : memref<64x1024xf32, #tpu.memory_space<vmem>>, vector<1x16xf32>,
      %parallel_loop3A_2547 = vector.shape_cast %parallel_loop3A_2546 : vector<1x16xf32> to vector<16xf32>
      %parallel_loop3A_2548 = arith.select %parallel_loop3A_635, %parallel_loop3A_2547, %broadcast_in_dim3A_5 : vector<16xi1>, vector<16xf32>
      %parallel_loop3A_2549 = arith.constant 22 : i32
      %parallel_loop3A_2550 = vector.broadcast %parallel_loop3A_2549 : i32 to vector<16xi32>
      %parallel_loop3A_2551 = arith.cmpf oge, %parallel_loop3A_2548, %parallel_loop3A_2506 : vector<16xf32>
      %parallel_loop3A_2552 = arith.maximumf %parallel_loop3A_2548, %parallel_loop3A_2506 : vector<16xf32>
      %parallel_loop3A_2553 = arith.select %parallel_loop3A_2551, %parallel_loop3A_2550, %parallel_loop3A_2507 : vector<16xi1>, vector<16xi32>
      %parallel_loop3A_2554 = arith.minimumf %parallel_loop3A_2548, %parallel_loop3A_2506 : vector<16xf32>
      %parallel_loop3A_2555 = arith.select %parallel_loop3A_2551, %parallel_loop3A_2507, %parallel_loop3A_2550 : vector<16xi1>, vector<16xi32>
      %parallel_loop3A_2556 = arith.cmpf oge, %parallel_loop3A_2554, %parallel_loop3A_2511 : vector<16xf32>
      %parallel_loop3A_2557 = arith.maximumf %parallel_loop3A_2554, %parallel_loop3A_2511 : vector<16xf32>
      %parallel_loop3A_2558 = arith.select %parallel_loop3A_2556, %parallel_loop3A_2555, %parallel_loop3A_2512 : vector<16xi1>, vector<16xi32>
      %parallel_loop3A_2559 = arith.minimumf %parallel_loop3A_2554, %parallel_loop3A_2511 : vector<16xf32>
      %parallel_loop3A_2560 = arith.select %parallel_loop3A_2556, %parallel_loop3A_2512, %parallel_loop3A_2555 : vector<16xi1>, vector<16xi32>
      %parallel_loop3A_2561 = arith.cmpf oge, %parallel_loop3A_2559, %parallel_loop3A_2516 : vector<16xf32>
      %parallel_loop3A_2562 = arith.maximumf %parallel_loop3A_2559, %parallel_loop3A_2516 : vector<16xf32>
      %parallel_loop3A_2563 = arith.select %parallel_loop3A_2561, %parallel_loop3A_2560, %parallel_loop3A_2517 : vector<16xi1>, vector<16xi32>
      %parallel_loop3A_2564 = arith.minimumf %parallel_loop3A_2559, %parallel_loop3A_2516 : vector<16xf32>
      %parallel_loop3A_2565 = arith.select %parallel_loop3A_2561, %parallel_loop3A_2517, %parallel_loop3A_2560 : vector<16xi1>, vector<16xi32>
      %parallel_loop3A_2566 = arith.cmpf oge, %parallel_loop3A_2564, %parallel_loop3A_2521 : vector<16xf32>
      %parallel_loop3A_2567 = arith.maximumf %parallel_loop3A_2564, %parallel_loop3A_2521 : vector<16xf32>
      %parallel_loop3A_2568 = arith.select %parallel_loop3A_2566, %parallel_loop3A_2565, %parallel_loop3A_2522 : vector<16xi1>, vector<16xi32>
      %parallel_loop3A_2569 = arith.minimumf %parallel_loop3A_2564, %parallel_loop3A_2521 : vector<16xf32>
      %parallel_loop3A_2570 = arith.select %parallel_loop3A_2566, %parallel_loop3A_2522, %parallel_loop3A_2565 : vector<16xi1>, vector<16xi32>
      %parallel_loop3A_2571 = arith.cmpf oge, %parallel_loop3A_2569, %parallel_loop3A_2526 : vector<16xf32>
      %parallel_loop3A_2572 = arith.maximumf %parallel_loop3A_2569, %parallel_loop3A_2526 : vector<16xf32>
      %parallel_loop3A_2573 = arith.select %parallel_loop3A_2571, %parallel_loop3A_2570, %parallel_loop3A_2527 : vector<16xi1>, vector<16xi32>
      %parallel_loop3A_2574 = arith.minimumf %parallel_loop3A_2569, %parallel_loop3A_2526 : vector<16xf32>
      %parallel_loop3A_2575 = arith.select %parallel_loop3A_2571, %parallel_loop3A_2527, %parallel_loop3A_2570 : vector<16xi1>, vector<16xi32>
      %parallel_loop3A_2576 = arith.cmpf oge, %parallel_loop3A_2574, %parallel_loop3A_2531 : vector<16xf32>
      %parallel_loop3A_2577 = arith.maximumf %parallel_loop3A_2574, %parallel_loop3A_2531 : vector<16xf32>
      %parallel_loop3A_2578 = arith.select %parallel_loop3A_2576, %parallel_loop3A_2575, %parallel_loop3A_2532 : vector<16xi1>, vector<16xi32>
      %parallel_loop3A_2579 = arith.minimumf %parallel_loop3A_2574, %parallel_loop3A_2531 : vector<16xf32>
      %parallel_loop3A_2580 = arith.select %parallel_loop3A_2576, %parallel_loop3A_2532, %parallel_loop3A_2575 : vector<16xi1>, vector<16xi32>
      %parallel_loop3A_2581 = arith.cmpf oge, %parallel_loop3A_2579, %parallel_loop3A_2536 : vector<16xf32>
      %parallel_loop3A_2582 = arith.maximumf %parallel_loop3A_2579, %parallel_loop3A_2536 : vector<16xf32>
      %parallel_loop3A_2583 = arith.select %parallel_loop3A_2581, %parallel_loop3A_2580, %parallel_loop3A_2537 : vector<16xi1>, vector<16xi32>
      %parallel_loop3A_2584 = arith.minimumf %parallel_loop3A_2579, %parallel_loop3A_2536 : vector<16xf32>
      %parallel_loop3A_2585 = arith.select %parallel_loop3A_2581, %parallel_loop3A_2537, %parallel_loop3A_2580 : vector<16xi1>, vector<16xi32>
      %parallel_loop3A_2586 = arith.cmpf oge, %parallel_loop3A_2584, %parallel_loop3A_2541 : vector<16xf32>
      %parallel_loop3A_2587 = arith.maximumf %parallel_loop3A_2584, %parallel_loop3A_2541 : vector<16xf32>
      %parallel_loop3A_2588 = arith.select %parallel_loop3A_2586, %parallel_loop3A_2585, %parallel_loop3A_2542 : vector<16xi1>, vector<16xi32>
      %parallel_loop3A_2589 = arith.constant 21 : i32
      %parallel_loop3A_2590 = arith.index_cast %parallel_loop3A_2589 : i32 to index
      %parallel_loop3A_2591 = arith.index_cast %parallel_loop3A_10 : i32 to index
      %parallel_loop3A_2592 = tpu.vector_load %arg5[%parallel_loop3A_2590, %parallel_loop3A_2591] {strides = array<i32>} : memref<64x1024xf32, #tpu.memory_space<vmem>>, vector<1x16xf32>,
      %parallel_loop3A_2593 = vector.shape_cast %parallel_loop3A_2592 : vector<1x16xf32> to vector<16xf32>
      %parallel_loop3A_2594 = arith.select %parallel_loop3A_635, %parallel_loop3A_2593, %broadcast_in_dim3A_5 : vector<16xi1>, vector<16xf32>
      %parallel_loop3A_2595 = arith.constant 21 : i32
      %parallel_loop3A_2596 = vector.broadcast %parallel_loop3A_2595 : i32 to vector<16xi32>
      %parallel_loop3A_2597 = arith.cmpf oge, %parallel_loop3A_2594, %parallel_loop3A_2552 : vector<16xf32>
      %parallel_loop3A_2598 = arith.maximumf %parallel_loop3A_2594, %parallel_loop3A_2552 : vector<16xf32>
      %parallel_loop3A_2599 = arith.select %parallel_loop3A_2597, %parallel_loop3A_2596, %parallel_loop3A_2553 : vector<16xi1>, vector<16xi32>
      %parallel_loop3A_2600 = arith.minimumf %parallel_loop3A_2594, %parallel_loop3A_2552 : vector<16xf32>
      %parallel_loop3A_2601 = arith.select %parallel_loop3A_2597, %parallel_loop3A_2553, %parallel_loop3A_2596 : vector<16xi1>, vector<16xi32>
      %parallel_loop3A_2602 = arith.cmpf oge, %parallel_loop3A_2600, %parallel_loop3A_2557 : vector<16xf32>
      %parallel_loop3A_2603 = arith.maximumf %parallel_loop3A_2600, %parallel_loop3A_2557 : vector<16xf32>
      %parallel_loop3A_2604 = arith.select %parallel_loop3A_2602, %parallel_loop3A_2601, %parallel_loop3A_2558 : vector<16xi1>, vector<16xi32>
      %parallel_loop3A_2605 = arith.minimumf %parallel_loop3A_2600, %parallel_loop3A_2557 : vector<16xf32>
      %parallel_loop3A_2606 = arith.select %parallel_loop3A_2602, %parallel_loop3A_2558, %parallel_loop3A_2601 : vector<16xi1>, vector<16xi32>
      %parallel_loop3A_2607 = arith.cmpf oge, %parallel_loop3A_2605, %parallel_loop3A_2562 : vector<16xf32>
      %parallel_loop3A_2608 = arith.maximumf %parallel_loop3A_2605, %parallel_loop3A_2562 : vector<16xf32>
      %parallel_loop3A_2609 = arith.select %parallel_loop3A_2607, %parallel_loop3A_2606, %parallel_loop3A_2563 : vector<16xi1>, vector<16xi32>
      %parallel_loop3A_2610 = arith.minimumf %parallel_loop3A_2605, %parallel_loop3A_2562 : vector<16xf32>
      %parallel_loop3A_2611 = arith.select %parallel_loop3A_2607, %parallel_loop3A_2563, %parallel_loop3A_2606 : vector<16xi1>, vector<16xi32>
      %parallel_loop3A_2612 = arith.cmpf oge, %parallel_loop3A_2610, %parallel_loop3A_2567 : vector<16xf32>
      %parallel_loop3A_2613 = arith.maximumf %parallel_loop3A_2610, %parallel_loop3A_2567 : vector<16xf32>
      %parallel_loop3A_2614 = arith.select %parallel_loop3A_2612, %parallel_loop3A_2611, %parallel_loop3A_2568 : vector<16xi1>, vector<16xi32>
      %parallel_loop3A_2615 = arith.minimumf %parallel_loop3A_2610, %parallel_loop3A_2567 : vector<16xf32>
      %parallel_loop3A_2616 = arith.select %parallel_loop3A_2612, %parallel_loop3A_2568, %parallel_loop3A_2611 : vector<16xi1>, vector<16xi32>
      %parallel_loop3A_2617 = arith.cmpf oge, %parallel_loop3A_2615, %parallel_loop3A_2572 : vector<16xf32>
      %parallel_loop3A_2618 = arith.maximumf %parallel_loop3A_2615, %parallel_loop3A_2572 : vector<16xf32>
      %parallel_loop3A_2619 = arith.select %parallel_loop3A_2617, %parallel_loop3A_2616, %parallel_loop3A_2573 : vector<16xi1>, vector<16xi32>
      %parallel_loop3A_2620 = arith.minimumf %parallel_loop3A_2615, %parallel_loop3A_2572 : vector<16xf32>
      %parallel_loop3A_2621 = arith.select %parallel_loop3A_2617, %parallel_loop3A_2573, %parallel_loop3A_2616 : vector<16xi1>, vector<16xi32>
      %parallel_loop3A_2622 = arith.cmpf oge, %parallel_loop3A_2620, %parallel_loop3A_2577 : vector<16xf32>
      %parallel_loop3A_2623 = arith.maximumf %parallel_loop3A_2620, %parallel_loop3A_2577 : vector<16xf32>
      %parallel_loop3A_2624 = arith.select %parallel_loop3A_2622, %parallel_loop3A_2621, %parallel_loop3A_2578 : vector<16xi1>, vector<16xi32>
      %parallel_loop3A_2625 = arith.minimumf %parallel_loop3A_2620, %parallel_loop3A_2577 : vector<16xf32>
      %parallel_loop3A_2626 = arith.select %parallel_loop3A_2622, %parallel_loop3A_2578, %parallel_loop3A_2621 : vector<16xi1>, vector<16xi32>
      %parallel_loop3A_2627 = arith.cmpf oge, %parallel_loop3A_2625, %parallel_loop3A_2582 : vector<16xf32>
      %parallel_loop3A_2628 = arith.maximumf %parallel_loop3A_2625, %parallel_loop3A_2582 : vector<16xf32>
      %parallel_loop3A_2629 = arith.select %parallel_loop3A_2627, %parallel_loop3A_2626, %parallel_loop3A_2583 : vector<16xi1>, vector<16xi32>
      %parallel_loop3A_2630 = arith.minimumf %parallel_loop3A_2625, %parallel_loop3A_2582 : vector<16xf32>
      %parallel_loop3A_2631 = arith.select %parallel_loop3A_2627, %parallel_loop3A_2583, %parallel_loop3A_2626 : vector<16xi1>, vector<16xi32>
      %parallel_loop3A_2632 = arith.cmpf oge, %parallel_loop3A_2630, %parallel_loop3A_2587 : vector<16xf32>
      %parallel_loop3A_2633 = arith.maximumf %parallel_loop3A_2630, %parallel_loop3A_2587 : vector<16xf32>
      %parallel_loop3A_2634 = arith.select %parallel_loop3A_2632, %parallel_loop3A_2631, %parallel_loop3A_2588 : vector<16xi1>, vector<16xi32>
      %parallel_loop3A_2635 = arith.constant 20 : i32
      %parallel_loop3A_2636 = arith.index_cast %parallel_loop3A_2635 : i32 to index
      %parallel_loop3A_2637 = arith.index_cast %parallel_loop3A_10 : i32 to index
      %parallel_loop3A_2638 = tpu.vector_load %arg5[%parallel_loop3A_2636, %parallel_loop3A_2637] {strides = array<i32>} : memref<64x1024xf32, #tpu.memory_space<vmem>>, vector<1x16xf32>,
      %parallel_loop3A_2639 = vector.shape_cast %parallel_loop3A_2638 : vector<1x16xf32> to vector<16xf32>
      %parallel_loop3A_2640 = arith.select %parallel_loop3A_635, %parallel_loop3A_2639, %broadcast_in_dim3A_5 : vector<16xi1>, vector<16xf32>
      %parallel_loop3A_2641 = arith.constant 20 : i32
      %parallel_loop3A_2642 = vector.broadcast %parallel_loop3A_2641 : i32 to vector<16xi32>
      %parallel_loop3A_2643 = arith.cmpf oge, %parallel_loop3A_2640, %parallel_loop3A_2598 : vector<16xf32>
      %parallel_loop3A_2644 = arith.maximumf %parallel_loop3A_2640, %parallel_loop3A_2598 : vector<16xf32>
      %parallel_loop3A_2645 = arith.select %parallel_loop3A_2643, %parallel_loop3A_2642, %parallel_loop3A_2599 : vector<16xi1>, vector<16xi32>
      %parallel_loop3A_2646 = arith.minimumf %parallel_loop3A_2640, %parallel_loop3A_2598 : vector<16xf32>
      %parallel_loop3A_2647 = arith.select %parallel_loop3A_2643, %parallel_loop3A_2599, %parallel_loop3A_2642 : vector<16xi1>, vector<16xi32>
      %parallel_loop3A_2648 = arith.cmpf oge, %parallel_loop3A_2646, %parallel_loop3A_2603 : vector<16xf32>
      %parallel_loop3A_2649 = arith.maximumf %parallel_loop3A_2646, %parallel_loop3A_2603 : vector<16xf32>
      %parallel_loop3A_2650 = arith.select %parallel_loop3A_2648, %parallel_loop3A_2647, %parallel_loop3A_2604 : vector<16xi1>, vector<16xi32>
      %parallel_loop3A_2651 = arith.minimumf %parallel_loop3A_2646, %parallel_loop3A_2603 : vector<16xf32>
      %parallel_loop3A_2652 = arith.select %parallel_loop3A_2648, %parallel_loop3A_2604, %parallel_loop3A_2647 : vector<16xi1>, vector<16xi32>
      %parallel_loop3A_2653 = arith.cmpf oge, %parallel_loop3A_2651, %parallel_loop3A_2608 : vector<16xf32>
      %parallel_loop3A_2654 = arith.maximumf %parallel_loop3A_2651, %parallel_loop3A_2608 : vector<16xf32>
      %parallel_loop3A_2655 = arith.select %parallel_loop3A_2653, %parallel_loop3A_2652, %parallel_loop3A_2609 : vector<16xi1>, vector<16xi32>
      %parallel_loop3A_2656 = arith.minimumf %parallel_loop3A_2651, %parallel_loop3A_2608 : vector<16xf32>
      %parallel_loop3A_2657 = arith.select %parallel_loop3A_2653, %parallel_loop3A_2609, %parallel_loop3A_2652 : vector<16xi1>, vector<16xi32>
      %parallel_loop3A_2658 = arith.cmpf oge, %parallel_loop3A_2656, %parallel_loop3A_2613 : vector<16xf32>
      %parallel_loop3A_2659 = arith.maximumf %parallel_loop3A_2656, %parallel_loop3A_2613 : vector<16xf32>
      %parallel_loop3A_2660 = arith.select %parallel_loop3A_2658, %parallel_loop3A_2657, %parallel_loop3A_2614 : vector<16xi1>, vector<16xi32>
      %parallel_loop3A_2661 = arith.minimumf %parallel_loop3A_2656, %parallel_loop3A_2613 : vector<16xf32>
      %parallel_loop3A_2662 = arith.select %parallel_loop3A_2658, %parallel_loop3A_2614, %parallel_loop3A_2657 : vector<16xi1>, vector<16xi32>
      %parallel_loop3A_2663 = arith.cmpf oge, %parallel_loop3A_2661, %parallel_loop3A_2618 : vector<16xf32>
      %parallel_loop3A_2664 = arith.maximumf %parallel_loop3A_2661, %parallel_loop3A_2618 : vector<16xf32>
      %parallel_loop3A_2665 = arith.select %parallel_loop3A_2663, %parallel_loop3A_2662, %parallel_loop3A_2619 : vector<16xi1>, vector<16xi32>
      %parallel_loop3A_2666 = arith.minimumf %parallel_loop3A_2661, %parallel_loop3A_2618 : vector<16xf32>
      %parallel_loop3A_2667 = arith.select %parallel_loop3A_2663, %parallel_loop3A_2619, %parallel_loop3A_2662 : vector<16xi1>, vector<16xi32>
      %parallel_loop3A_2668 = arith.cmpf oge, %parallel_loop3A_2666, %parallel_loop3A_2623 : vector<16xf32>
      %parallel_loop3A_2669 = arith.maximumf %parallel_loop3A_2666, %parallel_loop3A_2623 : vector<16xf32>
      %parallel_loop3A_2670 = arith.select %parallel_loop3A_2668, %parallel_loop3A_2667, %parallel_loop3A_2624 : vector<16xi1>, vector<16xi32>
      %parallel_loop3A_2671 = arith.minimumf %parallel_loop3A_2666, %parallel_loop3A_2623 : vector<16xf32>
      %parallel_loop3A_2672 = arith.select %parallel_loop3A_2668, %parallel_loop3A_2624, %parallel_loop3A_2667 : vector<16xi1>, vector<16xi32>
      %parallel_loop3A_2673 = arith.cmpf oge, %parallel_loop3A_2671, %parallel_loop3A_2628 : vector<16xf32>
      %parallel_loop3A_2674 = arith.maximumf %parallel_loop3A_2671, %parallel_loop3A_2628 : vector<16xf32>
      %parallel_loop3A_2675 = arith.select %parallel_loop3A_2673, %parallel_loop3A_2672, %parallel_loop3A_2629 : vector<16xi1>, vector<16xi32>
      %parallel_loop3A_2676 = arith.minimumf %parallel_loop3A_2671, %parallel_loop3A_2628 : vector<16xf32>
      %parallel_loop3A_2677 = arith.select %parallel_loop3A_2673, %parallel_loop3A_2629, %parallel_loop3A_2672 : vector<16xi1>, vector<16xi32>
      %parallel_loop3A_2678 = arith.cmpf oge, %parallel_loop3A_2676, %parallel_loop3A_2633 : vector<16xf32>
      %parallel_loop3A_2679 = arith.maximumf %parallel_loop3A_2676, %parallel_loop3A_2633 : vector<16xf32>
      %parallel_loop3A_2680 = arith.select %parallel_loop3A_2678, %parallel_loop3A_2677, %parallel_loop3A_2634 : vector<16xi1>, vector<16xi32>
      %parallel_loop3A_2681 = arith.constant 19 : i32
      %parallel_loop3A_2682 = arith.index_cast %parallel_loop3A_2681 : i32 to index
      %parallel_loop3A_2683 = arith.index_cast %parallel_loop3A_10 : i32 to index
      %parallel_loop3A_2684 = tpu.vector_load %arg5[%parallel_loop3A_2682, %parallel_loop3A_2683] {strides = array<i32>} : memref<64x1024xf32, #tpu.memory_space<vmem>>, vector<1x16xf32>,
      %parallel_loop3A_2685 = vector.shape_cast %parallel_loop3A_2684 : vector<1x16xf32> to vector<16xf32>
      %parallel_loop3A_2686 = arith.select %parallel_loop3A_635, %parallel_loop3A_2685, %broadcast_in_dim3A_5 : vector<16xi1>, vector<16xf32>
      %parallel_loop3A_2687 = arith.constant 19 : i32
      %parallel_loop3A_2688 = vector.broadcast %parallel_loop3A_2687 : i32 to vector<16xi32>
      %parallel_loop3A_2689 = arith.cmpf oge, %parallel_loop3A_2686, %parallel_loop3A_2644 : vector<16xf32>
      %parallel_loop3A_2690 = arith.maximumf %parallel_loop3A_2686, %parallel_loop3A_2644 : vector<16xf32>
      %parallel_loop3A_2691 = arith.select %parallel_loop3A_2689, %parallel_loop3A_2688, %parallel_loop3A_2645 : vector<16xi1>, vector<16xi32>
      %parallel_loop3A_2692 = arith.minimumf %parallel_loop3A_2686, %parallel_loop3A_2644 : vector<16xf32>
      %parallel_loop3A_2693 = arith.select %parallel_loop3A_2689, %parallel_loop3A_2645, %parallel_loop3A_2688 : vector<16xi1>, vector<16xi32>
      %parallel_loop3A_2694 = arith.cmpf oge, %parallel_loop3A_2692, %parallel_loop3A_2649 : vector<16xf32>
      %parallel_loop3A_2695 = arith.maximumf %parallel_loop3A_2692, %parallel_loop3A_2649 : vector<16xf32>
      %parallel_loop3A_2696 = arith.select %parallel_loop3A_2694, %parallel_loop3A_2693, %parallel_loop3A_2650 : vector<16xi1>, vector<16xi32>
      %parallel_loop3A_2697 = arith.minimumf %parallel_loop3A_2692, %parallel_loop3A_2649 : vector<16xf32>
      %parallel_loop3A_2698 = arith.select %parallel_loop3A_2694, %parallel_loop3A_2650, %parallel_loop3A_2693 : vector<16xi1>, vector<16xi32>
      %parallel_loop3A_2699 = arith.cmpf oge, %parallel_loop3A_2697, %parallel_loop3A_2654 : vector<16xf32>
      %parallel_loop3A_2700 = arith.maximumf %parallel_loop3A_2697, %parallel_loop3A_2654 : vector<16xf32>
      %parallel_loop3A_2701 = arith.select %parallel_loop3A_2699, %parallel_loop3A_2698, %parallel_loop3A_2655 : vector<16xi1>, vector<16xi32>
      %parallel_loop3A_2702 = arith.minimumf %parallel_loop3A_2697, %parallel_loop3A_2654 : vector<16xf32>
      %parallel_loop3A_2703 = arith.select %parallel_loop3A_2699, %parallel_loop3A_2655, %parallel_loop3A_2698 : vector<16xi1>, vector<16xi32>
      %parallel_loop3A_2704 = arith.cmpf oge, %parallel_loop3A_2702, %parallel_loop3A_2659 : vector<16xf32>
      %parallel_loop3A_2705 = arith.maximumf %parallel_loop3A_2702, %parallel_loop3A_2659 : vector<16xf32>
      %parallel_loop3A_2706 = arith.select %parallel_loop3A_2704, %parallel_loop3A_2703, %parallel_loop3A_2660 : vector<16xi1>, vector<16xi32>
      %parallel_loop3A_2707 = arith.minimumf %parallel_loop3A_2702, %parallel_loop3A_2659 : vector<16xf32>
      %parallel_loop3A_2708 = arith.select %parallel_loop3A_2704, %parallel_loop3A_2660, %parallel_loop3A_2703 : vector<16xi1>, vector<16xi32>
      %parallel_loop3A_2709 = arith.cmpf oge, %parallel_loop3A_2707, %parallel_loop3A_2664 : vector<16xf32>
      %parallel_loop3A_2710 = arith.maximumf %parallel_loop3A_2707, %parallel_loop3A_2664 : vector<16xf32>
      %parallel_loop3A_2711 = arith.select %parallel_loop3A_2709, %parallel_loop3A_2708, %parallel_loop3A_2665 : vector<16xi1>, vector<16xi32>
      %parallel_loop3A_2712 = arith.minimumf %parallel_loop3A_2707, %parallel_loop3A_2664 : vector<16xf32>
      %parallel_loop3A_2713 = arith.select %parallel_loop3A_2709, %parallel_loop3A_2665, %parallel_loop3A_2708 : vector<16xi1>, vector<16xi32>
      %parallel_loop3A_2714 = arith.cmpf oge, %parallel_loop3A_2712, %parallel_loop3A_2669 : vector<16xf32>
      %parallel_loop3A_2715 = arith.maximumf %parallel_loop3A_2712, %parallel_loop3A_2669 : vector<16xf32>
      %parallel_loop3A_2716 = arith.select %parallel_loop3A_2714, %parallel_loop3A_2713, %parallel_loop3A_2670 : vector<16xi1>, vector<16xi32>
      %parallel_loop3A_2717 = arith.minimumf %parallel_loop3A_2712, %parallel_loop3A_2669 : vector<16xf32>
      %parallel_loop3A_2718 = arith.select %parallel_loop3A_2714, %parallel_loop3A_2670, %parallel_loop3A_2713 : vector<16xi1>, vector<16xi32>
      %parallel_loop3A_2719 = arith.cmpf oge, %parallel_loop3A_2717, %parallel_loop3A_2674 : vector<16xf32>
      %parallel_loop3A_2720 = arith.maximumf %parallel_loop3A_2717, %parallel_loop3A_2674 : vector<16xf32>
      %parallel_loop3A_2721 = arith.select %parallel_loop3A_2719, %parallel_loop3A_2718, %parallel_loop3A_2675 : vector<16xi1>, vector<16xi32>
      %parallel_loop3A_2722 = arith.minimumf %parallel_loop3A_2717, %parallel_loop3A_2674 : vector<16xf32>
      %parallel_loop3A_2723 = arith.select %parallel_loop3A_2719, %parallel_loop3A_2675, %parallel_loop3A_2718 : vector<16xi1>, vector<16xi32>
      %parallel_loop3A_2724 = arith.cmpf oge, %parallel_loop3A_2722, %parallel_loop3A_2679 : vector<16xf32>
      %parallel_loop3A_2725 = arith.maximumf %parallel_loop3A_2722, %parallel_loop3A_2679 : vector<16xf32>
      %parallel_loop3A_2726 = arith.select %parallel_loop3A_2724, %parallel_loop3A_2723, %parallel_loop3A_2680 : vector<16xi1>, vector<16xi32>
      %parallel_loop3A_2727 = arith.constant 18 : i32
      %parallel_loop3A_2728 = arith.index_cast %parallel_loop3A_2727 : i32 to index
      %parallel_loop3A_2729 = arith.index_cast %parallel_loop3A_10 : i32 to index
      %parallel_loop3A_2730 = tpu.vector_load %arg5[%parallel_loop3A_2728, %parallel_loop3A_2729] {strides = array<i32>} : memref<64x1024xf32, #tpu.memory_space<vmem>>, vector<1x16xf32>,
      %parallel_loop3A_2731 = vector.shape_cast %parallel_loop3A_2730 : vector<1x16xf32> to vector<16xf32>
      %parallel_loop3A_2732 = arith.select %parallel_loop3A_635, %parallel_loop3A_2731, %broadcast_in_dim3A_5 : vector<16xi1>, vector<16xf32>
      %parallel_loop3A_2733 = arith.constant 18 : i32
      %parallel_loop3A_2734 = vector.broadcast %parallel_loop3A_2733 : i32 to vector<16xi32>
      %parallel_loop3A_2735 = arith.cmpf oge, %parallel_loop3A_2732, %parallel_loop3A_2690 : vector<16xf32>
      %parallel_loop3A_2736 = arith.maximumf %parallel_loop3A_2732, %parallel_loop3A_2690 : vector<16xf32>
      %parallel_loop3A_2737 = arith.select %parallel_loop3A_2735, %parallel_loop3A_2734, %parallel_loop3A_2691 : vector<16xi1>, vector<16xi32>
      %parallel_loop3A_2738 = arith.minimumf %parallel_loop3A_2732, %parallel_loop3A_2690 : vector<16xf32>
      %parallel_loop3A_2739 = arith.select %parallel_loop3A_2735, %parallel_loop3A_2691, %parallel_loop3A_2734 : vector<16xi1>, vector<16xi32>
      %parallel_loop3A_2740 = arith.cmpf oge, %parallel_loop3A_2738, %parallel_loop3A_2695 : vector<16xf32>
      %parallel_loop3A_2741 = arith.maximumf %parallel_loop3A_2738, %parallel_loop3A_2695 : vector<16xf32>
      %parallel_loop3A_2742 = arith.select %parallel_loop3A_2740, %parallel_loop3A_2739, %parallel_loop3A_2696 : vector<16xi1>, vector<16xi32>
      %parallel_loop3A_2743 = arith.minimumf %parallel_loop3A_2738, %parallel_loop3A_2695 : vector<16xf32>
      %parallel_loop3A_2744 = arith.select %parallel_loop3A_2740, %parallel_loop3A_2696, %parallel_loop3A_2739 : vector<16xi1>, vector<16xi32>
      %parallel_loop3A_2745 = arith.cmpf oge, %parallel_loop3A_2743, %parallel_loop3A_2700 : vector<16xf32>
      %parallel_loop3A_2746 = arith.maximumf %parallel_loop3A_2743, %parallel_loop3A_2700 : vector<16xf32>
      %parallel_loop3A_2747 = arith.select %parallel_loop3A_2745, %parallel_loop3A_2744, %parallel_loop3A_2701 : vector<16xi1>, vector<16xi32>
      %parallel_loop3A_2748 = arith.minimumf %parallel_loop3A_2743, %parallel_loop3A_2700 : vector<16xf32>
      %parallel_loop3A_2749 = arith.select %parallel_loop3A_2745, %parallel_loop3A_2701, %parallel_loop3A_2744 : vector<16xi1>, vector<16xi32>
      %parallel_loop3A_2750 = arith.cmpf oge, %parallel_loop3A_2748, %parallel_loop3A_2705 : vector<16xf32>
      %parallel_loop3A_2751 = arith.maximumf %parallel_loop3A_2748, %parallel_loop3A_2705 : vector<16xf32>
      %parallel_loop3A_2752 = arith.select %parallel_loop3A_2750, %parallel_loop3A_2749, %parallel_loop3A_2706 : vector<16xi1>, vector<16xi32>
      %parallel_loop3A_2753 = arith.minimumf %parallel_loop3A_2748, %parallel_loop3A_2705 : vector<16xf32>
      %parallel_loop3A_2754 = arith.select %parallel_loop3A_2750, %parallel_loop3A_2706, %parallel_loop3A_2749 : vector<16xi1>, vector<16xi32>
      %parallel_loop3A_2755 = arith.cmpf oge, %parallel_loop3A_2753, %parallel_loop3A_2710 : vector<16xf32>
      %parallel_loop3A_2756 = arith.maximumf %parallel_loop3A_2753, %parallel_loop3A_2710 : vector<16xf32>
      %parallel_loop3A_2757 = arith.select %parallel_loop3A_2755, %parallel_loop3A_2754, %parallel_loop3A_2711 : vector<16xi1>, vector<16xi32>
      %parallel_loop3A_2758 = arith.minimumf %parallel_loop3A_2753, %parallel_loop3A_2710 : vector<16xf32>
      %parallel_loop3A_2759 = arith.select %parallel_loop3A_2755, %parallel_loop3A_2711, %parallel_loop3A_2754 : vector<16xi1>, vector<16xi32>
      %parallel_loop3A_2760 = arith.cmpf oge, %parallel_loop3A_2758, %parallel_loop3A_2715 : vector<16xf32>
      %parallel_loop3A_2761 = arith.maximumf %parallel_loop3A_2758, %parallel_loop3A_2715 : vector<16xf32>
      %parallel_loop3A_2762 = arith.select %parallel_loop3A_2760, %parallel_loop3A_2759, %parallel_loop3A_2716 : vector<16xi1>, vector<16xi32>
      %parallel_loop3A_2763 = arith.minimumf %parallel_loop3A_2758, %parallel_loop3A_2715 : vector<16xf32>
      %parallel_loop3A_2764 = arith.select %parallel_loop3A_2760, %parallel_loop3A_2716, %parallel_loop3A_2759 : vector<16xi1>, vector<16xi32>
      %parallel_loop3A_2765 = arith.cmpf oge, %parallel_loop3A_2763, %parallel_loop3A_2720 : vector<16xf32>
      %parallel_loop3A_2766 = arith.maximumf %parallel_loop3A_2763, %parallel_loop3A_2720 : vector<16xf32>
      %parallel_loop3A_2767 = arith.select %parallel_loop3A_2765, %parallel_loop3A_2764, %parallel_loop3A_2721 : vector<16xi1>, vector<16xi32>
      %parallel_loop3A_2768 = arith.minimumf %parallel_loop3A_2763, %parallel_loop3A_2720 : vector<16xf32>
      %parallel_loop3A_2769 = arith.select %parallel_loop3A_2765, %parallel_loop3A_2721, %parallel_loop3A_2764 : vector<16xi1>, vector<16xi32>
      %parallel_loop3A_2770 = arith.cmpf oge, %parallel_loop3A_2768, %parallel_loop3A_2725 : vector<16xf32>
      %parallel_loop3A_2771 = arith.maximumf %parallel_loop3A_2768, %parallel_loop3A_2725 : vector<16xf32>
      %parallel_loop3A_2772 = arith.select %parallel_loop3A_2770, %parallel_loop3A_2769, %parallel_loop3A_2726 : vector<16xi1>, vector<16xi32>
      %parallel_loop3A_2773 = arith.constant 17 : i32
      %parallel_loop3A_2774 = arith.index_cast %parallel_loop3A_2773 : i32 to index
      %parallel_loop3A_2775 = arith.index_cast %parallel_loop3A_10 : i32 to index
      %parallel_loop3A_2776 = tpu.vector_load %arg5[%parallel_loop3A_2774, %parallel_loop3A_2775] {strides = array<i32>} : memref<64x1024xf32, #tpu.memory_space<vmem>>, vector<1x16xf32>,
      %parallel_loop3A_2777 = vector.shape_cast %parallel_loop3A_2776 : vector<1x16xf32> to vector<16xf32>
      %parallel_loop3A_2778 = arith.select %parallel_loop3A_635, %parallel_loop3A_2777, %broadcast_in_dim3A_5 : vector<16xi1>, vector<16xf32>
      %parallel_loop3A_2779 = arith.constant 17 : i32
      %parallel_loop3A_2780 = vector.broadcast %parallel_loop3A_2779 : i32 to vector<16xi32>
      %parallel_loop3A_2781 = arith.cmpf oge, %parallel_loop3A_2778, %parallel_loop3A_2736 : vector<16xf32>
      %parallel_loop3A_2782 = arith.maximumf %parallel_loop3A_2778, %parallel_loop3A_2736 : vector<16xf32>
      %parallel_loop3A_2783 = arith.select %parallel_loop3A_2781, %parallel_loop3A_2780, %parallel_loop3A_2737 : vector<16xi1>, vector<16xi32>
      %parallel_loop3A_2784 = arith.minimumf %parallel_loop3A_2778, %parallel_loop3A_2736 : vector<16xf32>
      %parallel_loop3A_2785 = arith.select %parallel_loop3A_2781, %parallel_loop3A_2737, %parallel_loop3A_2780 : vector<16xi1>, vector<16xi32>
      %parallel_loop3A_2786 = arith.cmpf oge, %parallel_loop3A_2784, %parallel_loop3A_2741 : vector<16xf32>
      %parallel_loop3A_2787 = arith.maximumf %parallel_loop3A_2784, %parallel_loop3A_2741 : vector<16xf32>
      %parallel_loop3A_2788 = arith.select %parallel_loop3A_2786, %parallel_loop3A_2785, %parallel_loop3A_2742 : vector<16xi1>, vector<16xi32>
      %parallel_loop3A_2789 = arith.minimumf %parallel_loop3A_2784, %parallel_loop3A_2741 : vector<16xf32>
      %parallel_loop3A_2790 = arith.select %parallel_loop3A_2786, %parallel_loop3A_2742, %parallel_loop3A_2785 : vector<16xi1>, vector<16xi32>
      %parallel_loop3A_2791 = arith.cmpf oge, %parallel_loop3A_2789, %parallel_loop3A_2746 : vector<16xf32>
      %parallel_loop3A_2792 = arith.maximumf %parallel_loop3A_2789, %parallel_loop3A_2746 : vector<16xf32>
      %parallel_loop3A_2793 = arith.select %parallel_loop3A_2791, %parallel_loop3A_2790, %parallel_loop3A_2747 : vector<16xi1>, vector<16xi32>
      %parallel_loop3A_2794 = arith.minimumf %parallel_loop3A_2789, %parallel_loop3A_2746 : vector<16xf32>
      %parallel_loop3A_2795 = arith.select %parallel_loop3A_2791, %parallel_loop3A_2747, %parallel_loop3A_2790 : vector<16xi1>, vector<16xi32>
      %parallel_loop3A_2796 = arith.cmpf oge, %parallel_loop3A_2794, %parallel_loop3A_2751 : vector<16xf32>
      %parallel_loop3A_2797 = arith.maximumf %parallel_loop3A_2794, %parallel_loop3A_2751 : vector<16xf32>
      %parallel_loop3A_2798 = arith.select %parallel_loop3A_2796, %parallel_loop3A_2795, %parallel_loop3A_2752 : vector<16xi1>, vector<16xi32>
      %parallel_loop3A_2799 = arith.minimumf %parallel_loop3A_2794, %parallel_loop3A_2751 : vector<16xf32>
      %parallel_loop3A_2800 = arith.select %parallel_loop3A_2796, %parallel_loop3A_2752, %parallel_loop3A_2795 : vector<16xi1>, vector<16xi32>
      %parallel_loop3A_2801 = arith.cmpf oge, %parallel_loop3A_2799, %parallel_loop3A_2756 : vector<16xf32>
      %parallel_loop3A_2802 = arith.maximumf %parallel_loop3A_2799, %parallel_loop3A_2756 : vector<16xf32>
      %parallel_loop3A_2803 = arith.select %parallel_loop3A_2801, %parallel_loop3A_2800, %parallel_loop3A_2757 : vector<16xi1>, vector<16xi32>
      %parallel_loop3A_2804 = arith.minimumf %parallel_loop3A_2799, %parallel_loop3A_2756 : vector<16xf32>
      %parallel_loop3A_2805 = arith.select %parallel_loop3A_2801, %parallel_loop3A_2757, %parallel_loop3A_2800 : vector<16xi1>, vector<16xi32>
      %parallel_loop3A_2806 = arith.cmpf oge, %parallel_loop3A_2804, %parallel_loop3A_2761 : vector<16xf32>
      %parallel_loop3A_2807 = arith.maximumf %parallel_loop3A_2804, %parallel_loop3A_2761 : vector<16xf32>
      %parallel_loop3A_2808 = arith.select %parallel_loop3A_2806, %parallel_loop3A_2805, %parallel_loop3A_2762 : vector<16xi1>, vector<16xi32>
      %parallel_loop3A_2809 = arith.minimumf %parallel_loop3A_2804, %parallel_loop3A_2761 : vector<16xf32>
      %parallel_loop3A_2810 = arith.select %parallel_loop3A_2806, %parallel_loop3A_2762, %parallel_loop3A_2805 : vector<16xi1>, vector<16xi32>
      %parallel_loop3A_2811 = arith.cmpf oge, %parallel_loop3A_2809, %parallel_loop3A_2766 : vector<16xf32>
      %parallel_loop3A_2812 = arith.maximumf %parallel_loop3A_2809, %parallel_loop3A_2766 : vector<16xf32>
      %parallel_loop3A_2813 = arith.select %parallel_loop3A_2811, %parallel_loop3A_2810, %parallel_loop3A_2767 : vector<16xi1>, vector<16xi32>
      %parallel_loop3A_2814 = arith.minimumf %parallel_loop3A_2809, %parallel_loop3A_2766 : vector<16xf32>
      %parallel_loop3A_2815 = arith.select %parallel_loop3A_2811, %parallel_loop3A_2767, %parallel_loop3A_2810 : vector<16xi1>, vector<16xi32>
      %parallel_loop3A_2816 = arith.cmpf oge, %parallel_loop3A_2814, %parallel_loop3A_2771 : vector<16xf32>
      %parallel_loop3A_2817 = arith.maximumf %parallel_loop3A_2814, %parallel_loop3A_2771 : vector<16xf32>
      %parallel_loop3A_2818 = arith.select %parallel_loop3A_2816, %parallel_loop3A_2815, %parallel_loop3A_2772 : vector<16xi1>, vector<16xi32>
      %parallel_loop3A_2819 = arith.constant 16 : i32
      %parallel_loop3A_2820 = arith.index_cast %parallel_loop3A_2819 : i32 to index
      %parallel_loop3A_2821 = arith.index_cast %parallel_loop3A_10 : i32 to index
      %parallel_loop3A_2822 = tpu.vector_load %arg5[%parallel_loop3A_2820, %parallel_loop3A_2821] {strides = array<i32>} : memref<64x1024xf32, #tpu.memory_space<vmem>>, vector<1x16xf32>,
      %parallel_loop3A_2823 = vector.shape_cast %parallel_loop3A_2822 : vector<1x16xf32> to vector<16xf32>
      %parallel_loop3A_2824 = arith.select %parallel_loop3A_635, %parallel_loop3A_2823, %broadcast_in_dim3A_5 : vector<16xi1>, vector<16xf32>
      %parallel_loop3A_2825 = arith.constant 16 : i32
      %parallel_loop3A_2826 = vector.broadcast %parallel_loop3A_2825 : i32 to vector<16xi32>
      %parallel_loop3A_2827 = arith.cmpf oge, %parallel_loop3A_2824, %parallel_loop3A_2782 : vector<16xf32>
      %parallel_loop3A_2828 = arith.maximumf %parallel_loop3A_2824, %parallel_loop3A_2782 : vector<16xf32>
      %parallel_loop3A_2829 = arith.select %parallel_loop3A_2827, %parallel_loop3A_2826, %parallel_loop3A_2783 : vector<16xi1>, vector<16xi32>
      %parallel_loop3A_2830 = arith.minimumf %parallel_loop3A_2824, %parallel_loop3A_2782 : vector<16xf32>
      %parallel_loop3A_2831 = arith.select %parallel_loop3A_2827, %parallel_loop3A_2783, %parallel_loop3A_2826 : vector<16xi1>, vector<16xi32>
      %parallel_loop3A_2832 = arith.cmpf oge, %parallel_loop3A_2830, %parallel_loop3A_2787 : vector<16xf32>
      %parallel_loop3A_2833 = arith.maximumf %parallel_loop3A_2830, %parallel_loop3A_2787 : vector<16xf32>
      %parallel_loop3A_2834 = arith.select %parallel_loop3A_2832, %parallel_loop3A_2831, %parallel_loop3A_2788 : vector<16xi1>, vector<16xi32>
      %parallel_loop3A_2835 = arith.minimumf %parallel_loop3A_2830, %parallel_loop3A_2787 : vector<16xf32>
      %parallel_loop3A_2836 = arith.select %parallel_loop3A_2832, %parallel_loop3A_2788, %parallel_loop3A_2831 : vector<16xi1>, vector<16xi32>
      %parallel_loop3A_2837 = arith.cmpf oge, %parallel_loop3A_2835, %parallel_loop3A_2792 : vector<16xf32>
      %parallel_loop3A_2838 = arith.maximumf %parallel_loop3A_2835, %parallel_loop3A_2792 : vector<16xf32>
      %parallel_loop3A_2839 = arith.select %parallel_loop3A_2837, %parallel_loop3A_2836, %parallel_loop3A_2793 : vector<16xi1>, vector<16xi32>
      %parallel_loop3A_2840 = arith.minimumf %parallel_loop3A_2835, %parallel_loop3A_2792 : vector<16xf32>
      %parallel_loop3A_2841 = arith.select %parallel_loop3A_2837, %parallel_loop3A_2793, %parallel_loop3A_2836 : vector<16xi1>, vector<16xi32>
      %parallel_loop3A_2842 = arith.cmpf oge, %parallel_loop3A_2840, %parallel_loop3A_2797 : vector<16xf32>
      %parallel_loop3A_2843 = arith.maximumf %parallel_loop3A_2840, %parallel_loop3A_2797 : vector<16xf32>
      %parallel_loop3A_2844 = arith.select %parallel_loop3A_2842, %parallel_loop3A_2841, %parallel_loop3A_2798 : vector<16xi1>, vector<16xi32>
      %parallel_loop3A_2845 = arith.minimumf %parallel_loop3A_2840, %parallel_loop3A_2797 : vector<16xf32>
      %parallel_loop3A_2846 = arith.select %parallel_loop3A_2842, %parallel_loop3A_2798, %parallel_loop3A_2841 : vector<16xi1>, vector<16xi32>
      %parallel_loop3A_2847 = arith.cmpf oge, %parallel_loop3A_2845, %parallel_loop3A_2802 : vector<16xf32>
      %parallel_loop3A_2848 = arith.maximumf %parallel_loop3A_2845, %parallel_loop3A_2802 : vector<16xf32>
      %parallel_loop3A_2849 = arith.select %parallel_loop3A_2847, %parallel_loop3A_2846, %parallel_loop3A_2803 : vector<16xi1>, vector<16xi32>
      %parallel_loop3A_2850 = arith.minimumf %parallel_loop3A_2845, %parallel_loop3A_2802 : vector<16xf32>
      %parallel_loop3A_2851 = arith.select %parallel_loop3A_2847, %parallel_loop3A_2803, %parallel_loop3A_2846 : vector<16xi1>, vector<16xi32>
      %parallel_loop3A_2852 = arith.cmpf oge, %parallel_loop3A_2850, %parallel_loop3A_2807 : vector<16xf32>
      %parallel_loop3A_2853 = arith.maximumf %parallel_loop3A_2850, %parallel_loop3A_2807 : vector<16xf32>
      %parallel_loop3A_2854 = arith.select %parallel_loop3A_2852, %parallel_loop3A_2851, %parallel_loop3A_2808 : vector<16xi1>, vector<16xi32>
      %parallel_loop3A_2855 = arith.minimumf %parallel_loop3A_2850, %parallel_loop3A_2807 : vector<16xf32>
      %parallel_loop3A_2856 = arith.select %parallel_loop3A_2852, %parallel_loop3A_2808, %parallel_loop3A_2851 : vector<16xi1>, vector<16xi32>
      %parallel_loop3A_2857 = arith.cmpf oge, %parallel_loop3A_2855, %parallel_loop3A_2812 : vector<16xf32>
      %parallel_loop3A_2858 = arith.maximumf %parallel_loop3A_2855, %parallel_loop3A_2812 : vector<16xf32>
      %parallel_loop3A_2859 = arith.select %parallel_loop3A_2857, %parallel_loop3A_2856, %parallel_loop3A_2813 : vector<16xi1>, vector<16xi32>
      %parallel_loop3A_2860 = arith.minimumf %parallel_loop3A_2855, %parallel_loop3A_2812 : vector<16xf32>
      %parallel_loop3A_2861 = arith.select %parallel_loop3A_2857, %parallel_loop3A_2813, %parallel_loop3A_2856 : vector<16xi1>, vector<16xi32>
      %parallel_loop3A_2862 = arith.cmpf oge, %parallel_loop3A_2860, %parallel_loop3A_2817 : vector<16xf32>
      %parallel_loop3A_2863 = arith.maximumf %parallel_loop3A_2860, %parallel_loop3A_2817 : vector<16xf32>
      %parallel_loop3A_2864 = arith.select %parallel_loop3A_2862, %parallel_loop3A_2861, %parallel_loop3A_2818 : vector<16xi1>, vector<16xi32>
      %parallel_loop3A_2865 = arith.constant 15 : i32
      %parallel_loop3A_2866 = arith.index_cast %parallel_loop3A_2865 : i32 to index
      %parallel_loop3A_2867 = arith.index_cast %parallel_loop3A_10 : i32 to index
      %parallel_loop3A_2868 = tpu.vector_load %arg5[%parallel_loop3A_2866, %parallel_loop3A_2867] {strides = array<i32>} : memref<64x1024xf32, #tpu.memory_space<vmem>>, vector<1x16xf32>,
      %parallel_loop3A_2869 = vector.shape_cast %parallel_loop3A_2868 : vector<1x16xf32> to vector<16xf32>
      %parallel_loop3A_2870 = arith.select %parallel_loop3A_634, %parallel_loop3A_2869, %broadcast_in_dim3A_5 : vector<16xi1>, vector<16xf32>
      %parallel_loop3A_2871 = arith.constant 15 : i32
      %parallel_loop3A_2872 = vector.broadcast %parallel_loop3A_2871 : i32 to vector<16xi32>
      %parallel_loop3A_2873 = arith.cmpf oge, %parallel_loop3A_2870, %parallel_loop3A_2828 : vector<16xf32>
      %parallel_loop3A_2874 = arith.maximumf %parallel_loop3A_2870, %parallel_loop3A_2828 : vector<16xf32>
      %parallel_loop3A_2875 = arith.select %parallel_loop3A_2873, %parallel_loop3A_2872, %parallel_loop3A_2829 : vector<16xi1>, vector<16xi32>
      %parallel_loop3A_2876 = arith.minimumf %parallel_loop3A_2870, %parallel_loop3A_2828 : vector<16xf32>
      %parallel_loop3A_2877 = arith.select %parallel_loop3A_2873, %parallel_loop3A_2829, %parallel_loop3A_2872 : vector<16xi1>, vector<16xi32>
      %parallel_loop3A_2878 = arith.cmpf oge, %parallel_loop3A_2876, %parallel_loop3A_2833 : vector<16xf32>
      %parallel_loop3A_2879 = arith.maximumf %parallel_loop3A_2876, %parallel_loop3A_2833 : vector<16xf32>
      %parallel_loop3A_2880 = arith.select %parallel_loop3A_2878, %parallel_loop3A_2877, %parallel_loop3A_2834 : vector<16xi1>, vector<16xi32>
      %parallel_loop3A_2881 = arith.minimumf %parallel_loop3A_2876, %parallel_loop3A_2833 : vector<16xf32>
      %parallel_loop3A_2882 = arith.select %parallel_loop3A_2878, %parallel_loop3A_2834, %parallel_loop3A_2877 : vector<16xi1>, vector<16xi32>
      %parallel_loop3A_2883 = arith.cmpf oge, %parallel_loop3A_2881, %parallel_loop3A_2838 : vector<16xf32>
      %parallel_loop3A_2884 = arith.maximumf %parallel_loop3A_2881, %parallel_loop3A_2838 : vector<16xf32>
      %parallel_loop3A_2885 = arith.select %parallel_loop3A_2883, %parallel_loop3A_2882, %parallel_loop3A_2839 : vector<16xi1>, vector<16xi32>
      %parallel_loop3A_2886 = arith.minimumf %parallel_loop3A_2881, %parallel_loop3A_2838 : vector<16xf32>
      %parallel_loop3A_2887 = arith.select %parallel_loop3A_2883, %parallel_loop3A_2839, %parallel_loop3A_2882 : vector<16xi1>, vector<16xi32>
      %parallel_loop3A_2888 = arith.cmpf oge, %parallel_loop3A_2886, %parallel_loop3A_2843 : vector<16xf32>
      %parallel_loop3A_2889 = arith.maximumf %parallel_loop3A_2886, %parallel_loop3A_2843 : vector<16xf32>
      %parallel_loop3A_2890 = arith.select %parallel_loop3A_2888, %parallel_loop3A_2887, %parallel_loop3A_2844 : vector<16xi1>, vector<16xi32>
      %parallel_loop3A_2891 = arith.minimumf %parallel_loop3A_2886, %parallel_loop3A_2843 : vector<16xf32>
      %parallel_loop3A_2892 = arith.select %parallel_loop3A_2888, %parallel_loop3A_2844, %parallel_loop3A_2887 : vector<16xi1>, vector<16xi32>
      %parallel_loop3A_2893 = arith.cmpf oge, %parallel_loop3A_2891, %parallel_loop3A_2848 : vector<16xf32>
      %parallel_loop3A_2894 = arith.maximumf %parallel_loop3A_2891, %parallel_loop3A_2848 : vector<16xf32>
      %parallel_loop3A_2895 = arith.select %parallel_loop3A_2893, %parallel_loop3A_2892, %parallel_loop3A_2849 : vector<16xi1>, vector<16xi32>
      %parallel_loop3A_2896 = arith.minimumf %parallel_loop3A_2891, %parallel_loop3A_2848 : vector<16xf32>
      %parallel_loop3A_2897 = arith.select %parallel_loop3A_2893, %parallel_loop3A_2849, %parallel_loop3A_2892 : vector<16xi1>, vector<16xi32>
      %parallel_loop3A_2898 = arith.cmpf oge, %parallel_loop3A_2896, %parallel_loop3A_2853 : vector<16xf32>
      %parallel_loop3A_2899 = arith.maximumf %parallel_loop3A_2896, %parallel_loop3A_2853 : vector<16xf32>
      %parallel_loop3A_2900 = arith.select %parallel_loop3A_2898, %parallel_loop3A_2897, %parallel_loop3A_2854 : vector<16xi1>, vector<16xi32>
      %parallel_loop3A_2901 = arith.minimumf %parallel_loop3A_2896, %parallel_loop3A_2853 : vector<16xf32>
      %parallel_loop3A_2902 = arith.select %parallel_loop3A_2898, %parallel_loop3A_2854, %parallel_loop3A_2897 : vector<16xi1>, vector<16xi32>
      %parallel_loop3A_2903 = arith.cmpf oge, %parallel_loop3A_2901, %parallel_loop3A_2858 : vector<16xf32>
      %parallel_loop3A_2904 = arith.maximumf %parallel_loop3A_2901, %parallel_loop3A_2858 : vector<16xf32>
      %parallel_loop3A_2905 = arith.select %parallel_loop3A_2903, %parallel_loop3A_2902, %parallel_loop3A_2859 : vector<16xi1>, vector<16xi32>
      %parallel_loop3A_2906 = arith.minimumf %parallel_loop3A_2901, %parallel_loop3A_2858 : vector<16xf32>
      %parallel_loop3A_2907 = arith.select %parallel_loop3A_2903, %parallel_loop3A_2859, %parallel_loop3A_2902 : vector<16xi1>, vector<16xi32>
      %parallel_loop3A_2908 = arith.cmpf oge, %parallel_loop3A_2906, %parallel_loop3A_2863 : vector<16xf32>
      %parallel_loop3A_2909 = arith.maximumf %parallel_loop3A_2906, %parallel_loop3A_2863 : vector<16xf32>
      %parallel_loop3A_2910 = arith.select %parallel_loop3A_2908, %parallel_loop3A_2907, %parallel_loop3A_2864 : vector<16xi1>, vector<16xi32>
      %parallel_loop3A_2911 = arith.constant 14 : i32
      %parallel_loop3A_2912 = arith.index_cast %parallel_loop3A_2911 : i32 to index
      %parallel_loop3A_2913 = arith.index_cast %parallel_loop3A_10 : i32 to index
      %parallel_loop3A_2914 = tpu.vector_load %arg5[%parallel_loop3A_2912, %parallel_loop3A_2913] {strides = array<i32>} : memref<64x1024xf32, #tpu.memory_space<vmem>>, vector<1x16xf32>,
      %parallel_loop3A_2915 = vector.shape_cast %parallel_loop3A_2914 : vector<1x16xf32> to vector<16xf32>
      %parallel_loop3A_2916 = arith.select %parallel_loop3A_634, %parallel_loop3A_2915, %broadcast_in_dim3A_5 : vector<16xi1>, vector<16xf32>
      %parallel_loop3A_2917 = arith.constant 14 : i32
      %parallel_loop3A_2918 = vector.broadcast %parallel_loop3A_2917 : i32 to vector<16xi32>
      %parallel_loop3A_2919 = arith.cmpf oge, %parallel_loop3A_2916, %parallel_loop3A_2874 : vector<16xf32>
      %parallel_loop3A_2920 = arith.maximumf %parallel_loop3A_2916, %parallel_loop3A_2874 : vector<16xf32>
      %parallel_loop3A_2921 = arith.select %parallel_loop3A_2919, %parallel_loop3A_2918, %parallel_loop3A_2875 : vector<16xi1>, vector<16xi32>
      %parallel_loop3A_2922 = arith.minimumf %parallel_loop3A_2916, %parallel_loop3A_2874 : vector<16xf32>
      %parallel_loop3A_2923 = arith.select %parallel_loop3A_2919, %parallel_loop3A_2875, %parallel_loop3A_2918 : vector<16xi1>, vector<16xi32>
      %parallel_loop3A_2924 = arith.cmpf oge, %parallel_loop3A_2922, %parallel_loop3A_2879 : vector<16xf32>
      %parallel_loop3A_2925 = arith.maximumf %parallel_loop3A_2922, %parallel_loop3A_2879 : vector<16xf32>
      %parallel_loop3A_2926 = arith.select %parallel_loop3A_2924, %parallel_loop3A_2923, %parallel_loop3A_2880 : vector<16xi1>, vector<16xi32>
      %parallel_loop3A_2927 = arith.minimumf %parallel_loop3A_2922, %parallel_loop3A_2879 : vector<16xf32>
      %parallel_loop3A_2928 = arith.select %parallel_loop3A_2924, %parallel_loop3A_2880, %parallel_loop3A_2923 : vector<16xi1>, vector<16xi32>
      %parallel_loop3A_2929 = arith.cmpf oge, %parallel_loop3A_2927, %parallel_loop3A_2884 : vector<16xf32>
      %parallel_loop3A_2930 = arith.maximumf %parallel_loop3A_2927, %parallel_loop3A_2884 : vector<16xf32>
      %parallel_loop3A_2931 = arith.select %parallel_loop3A_2929, %parallel_loop3A_2928, %parallel_loop3A_2885 : vector<16xi1>, vector<16xi32>
      %parallel_loop3A_2932 = arith.minimumf %parallel_loop3A_2927, %parallel_loop3A_2884 : vector<16xf32>
      %parallel_loop3A_2933 = arith.select %parallel_loop3A_2929, %parallel_loop3A_2885, %parallel_loop3A_2928 : vector<16xi1>, vector<16xi32>
      %parallel_loop3A_2934 = arith.cmpf oge, %parallel_loop3A_2932, %parallel_loop3A_2889 : vector<16xf32>
      %parallel_loop3A_2935 = arith.maximumf %parallel_loop3A_2932, %parallel_loop3A_2889 : vector<16xf32>
      %parallel_loop3A_2936 = arith.select %parallel_loop3A_2934, %parallel_loop3A_2933, %parallel_loop3A_2890 : vector<16xi1>, vector<16xi32>
      %parallel_loop3A_2937 = arith.minimumf %parallel_loop3A_2932, %parallel_loop3A_2889 : vector<16xf32>
      %parallel_loop3A_2938 = arith.select %parallel_loop3A_2934, %parallel_loop3A_2890, %parallel_loop3A_2933 : vector<16xi1>, vector<16xi32>
      %parallel_loop3A_2939 = arith.cmpf oge, %parallel_loop3A_2937, %parallel_loop3A_2894 : vector<16xf32>
      %parallel_loop3A_2940 = arith.maximumf %parallel_loop3A_2937, %parallel_loop3A_2894 : vector<16xf32>
      %parallel_loop3A_2941 = arith.select %parallel_loop3A_2939, %parallel_loop3A_2938, %parallel_loop3A_2895 : vector<16xi1>, vector<16xi32>
      %parallel_loop3A_2942 = arith.minimumf %parallel_loop3A_2937, %parallel_loop3A_2894 : vector<16xf32>
      %parallel_loop3A_2943 = arith.select %parallel_loop3A_2939, %parallel_loop3A_2895, %parallel_loop3A_2938 : vector<16xi1>, vector<16xi32>
      %parallel_loop3A_2944 = arith.cmpf oge, %parallel_loop3A_2942, %parallel_loop3A_2899 : vector<16xf32>
      %parallel_loop3A_2945 = arith.maximumf %parallel_loop3A_2942, %parallel_loop3A_2899 : vector<16xf32>
      %parallel_loop3A_2946 = arith.select %parallel_loop3A_2944, %parallel_loop3A_2943, %parallel_loop3A_2900 : vector<16xi1>, vector<16xi32>
      %parallel_loop3A_2947 = arith.minimumf %parallel_loop3A_2942, %parallel_loop3A_2899 : vector<16xf32>
      %parallel_loop3A_2948 = arith.select %parallel_loop3A_2944, %parallel_loop3A_2900, %parallel_loop3A_2943 : vector<16xi1>, vector<16xi32>
      %parallel_loop3A_2949 = arith.cmpf oge, %parallel_loop3A_2947, %parallel_loop3A_2904 : vector<16xf32>
      %parallel_loop3A_2950 = arith.maximumf %parallel_loop3A_2947, %parallel_loop3A_2904 : vector<16xf32>
      %parallel_loop3A_2951 = arith.select %parallel_loop3A_2949, %parallel_loop3A_2948, %parallel_loop3A_2905 : vector<16xi1>, vector<16xi32>
      %parallel_loop3A_2952 = arith.minimumf %parallel_loop3A_2947, %parallel_loop3A_2904 : vector<16xf32>
      %parallel_loop3A_2953 = arith.select %parallel_loop3A_2949, %parallel_loop3A_2905, %parallel_loop3A_2948 : vector<16xi1>, vector<16xi32>
      %parallel_loop3A_2954 = arith.cmpf oge, %parallel_loop3A_2952, %parallel_loop3A_2909 : vector<16xf32>
      %parallel_loop3A_2955 = arith.maximumf %parallel_loop3A_2952, %parallel_loop3A_2909 : vector<16xf32>
      %parallel_loop3A_2956 = arith.select %parallel_loop3A_2954, %parallel_loop3A_2953, %parallel_loop3A_2910 : vector<16xi1>, vector<16xi32>
      %parallel_loop3A_2957 = arith.constant 13 : i32
      %parallel_loop3A_2958 = arith.index_cast %parallel_loop3A_2957 : i32 to index
      %parallel_loop3A_2959 = arith.index_cast %parallel_loop3A_10 : i32 to index
      %parallel_loop3A_2960 = tpu.vector_load %arg5[%parallel_loop3A_2958, %parallel_loop3A_2959] {strides = array<i32>} : memref<64x1024xf32, #tpu.memory_space<vmem>>, vector<1x16xf32>,
      %parallel_loop3A_2961 = vector.shape_cast %parallel_loop3A_2960 : vector<1x16xf32> to vector<16xf32>
      %parallel_loop3A_2962 = arith.select %parallel_loop3A_634, %parallel_loop3A_2961, %broadcast_in_dim3A_5 : vector<16xi1>, vector<16xf32>
      %parallel_loop3A_2963 = arith.constant 13 : i32
      %parallel_loop3A_2964 = vector.broadcast %parallel_loop3A_2963 : i32 to vector<16xi32>
      %parallel_loop3A_2965 = arith.cmpf oge, %parallel_loop3A_2962, %parallel_loop3A_2920 : vector<16xf32>
      %parallel_loop3A_2966 = arith.maximumf %parallel_loop3A_2962, %parallel_loop3A_2920 : vector<16xf32>
      %parallel_loop3A_2967 = arith.select %parallel_loop3A_2965, %parallel_loop3A_2964, %parallel_loop3A_2921 : vector<16xi1>, vector<16xi32>
      %parallel_loop3A_2968 = arith.minimumf %parallel_loop3A_2962, %parallel_loop3A_2920 : vector<16xf32>
      %parallel_loop3A_2969 = arith.select %parallel_loop3A_2965, %parallel_loop3A_2921, %parallel_loop3A_2964 : vector<16xi1>, vector<16xi32>
      %parallel_loop3A_2970 = arith.cmpf oge, %parallel_loop3A_2968, %parallel_loop3A_2925 : vector<16xf32>
      %parallel_loop3A_2971 = arith.maximumf %parallel_loop3A_2968, %parallel_loop3A_2925 : vector<16xf32>
      %parallel_loop3A_2972 = arith.select %parallel_loop3A_2970, %parallel_loop3A_2969, %parallel_loop3A_2926 : vector<16xi1>, vector<16xi32>
      %parallel_loop3A_2973 = arith.minimumf %parallel_loop3A_2968, %parallel_loop3A_2925 : vector<16xf32>
      %parallel_loop3A_2974 = arith.select %parallel_loop3A_2970, %parallel_loop3A_2926, %parallel_loop3A_2969 : vector<16xi1>, vector<16xi32>
      %parallel_loop3A_2975 = arith.cmpf oge, %parallel_loop3A_2973, %parallel_loop3A_2930 : vector<16xf32>
      %parallel_loop3A_2976 = arith.maximumf %parallel_loop3A_2973, %parallel_loop3A_2930 : vector<16xf32>
      %parallel_loop3A_2977 = arith.select %parallel_loop3A_2975, %parallel_loop3A_2974, %parallel_loop3A_2931 : vector<16xi1>, vector<16xi32>
      %parallel_loop3A_2978 = arith.minimumf %parallel_loop3A_2973, %parallel_loop3A_2930 : vector<16xf32>
      %parallel_loop3A_2979 = arith.select %parallel_loop3A_2975, %parallel_loop3A_2931, %parallel_loop3A_2974 : vector<16xi1>, vector<16xi32>
      %parallel_loop3A_2980 = arith.cmpf oge, %parallel_loop3A_2978, %parallel_loop3A_2935 : vector<16xf32>
      %parallel_loop3A_2981 = arith.maximumf %parallel_loop3A_2978, %parallel_loop3A_2935 : vector<16xf32>
      %parallel_loop3A_2982 = arith.select %parallel_loop3A_2980, %parallel_loop3A_2979, %parallel_loop3A_2936 : vector<16xi1>, vector<16xi32>
      %parallel_loop3A_2983 = arith.minimumf %parallel_loop3A_2978, %parallel_loop3A_2935 : vector<16xf32>
      %parallel_loop3A_2984 = arith.select %parallel_loop3A_2980, %parallel_loop3A_2936, %parallel_loop3A_2979 : vector<16xi1>, vector<16xi32>
      %parallel_loop3A_2985 = arith.cmpf oge, %parallel_loop3A_2983, %parallel_loop3A_2940 : vector<16xf32>
      %parallel_loop3A_2986 = arith.maximumf %parallel_loop3A_2983, %parallel_loop3A_2940 : vector<16xf32>
      %parallel_loop3A_2987 = arith.select %parallel_loop3A_2985, %parallel_loop3A_2984, %parallel_loop3A_2941 : vector<16xi1>, vector<16xi32>
      %parallel_loop3A_2988 = arith.minimumf %parallel_loop3A_2983, %parallel_loop3A_2940 : vector<16xf32>
      %parallel_loop3A_2989 = arith.select %parallel_loop3A_2985, %parallel_loop3A_2941, %parallel_loop3A_2984 : vector<16xi1>, vector<16xi32>
      %parallel_loop3A_2990 = arith.cmpf oge, %parallel_loop3A_2988, %parallel_loop3A_2945 : vector<16xf32>
      %parallel_loop3A_2991 = arith.maximumf %parallel_loop3A_2988, %parallel_loop3A_2945 : vector<16xf32>
      %parallel_loop3A_2992 = arith.select %parallel_loop3A_2990, %parallel_loop3A_2989, %parallel_loop3A_2946 : vector<16xi1>, vector<16xi32>
      %parallel_loop3A_2993 = arith.minimumf %parallel_loop3A_2988, %parallel_loop3A_2945 : vector<16xf32>
      %parallel_loop3A_2994 = arith.select %parallel_loop3A_2990, %parallel_loop3A_2946, %parallel_loop3A_2989 : vector<16xi1>, vector<16xi32>
      %parallel_loop3A_2995 = arith.cmpf oge, %parallel_loop3A_2993, %parallel_loop3A_2950 : vector<16xf32>
      %parallel_loop3A_2996 = arith.maximumf %parallel_loop3A_2993, %parallel_loop3A_2950 : vector<16xf32>
      %parallel_loop3A_2997 = arith.select %parallel_loop3A_2995, %parallel_loop3A_2994, %parallel_loop3A_2951 : vector<16xi1>, vector<16xi32>
      %parallel_loop3A_2998 = arith.minimumf %parallel_loop3A_2993, %parallel_loop3A_2950 : vector<16xf32>
      %parallel_loop3A_2999 = arith.select %parallel_loop3A_2995, %parallel_loop3A_2951, %parallel_loop3A_2994 : vector<16xi1>, vector<16xi32>
      %parallel_loop3A_3000 = arith.cmpf oge, %parallel_loop3A_2998, %parallel_loop3A_2955 : vector<16xf32>
      %parallel_loop3A_3001 = arith.maximumf %parallel_loop3A_2998, %parallel_loop3A_2955 : vector<16xf32>
      %parallel_loop3A_3002 = arith.select %parallel_loop3A_3000, %parallel_loop3A_2999, %parallel_loop3A_2956 : vector<16xi1>, vector<16xi32>
      %parallel_loop3A_3003 = arith.constant 12 : i32
      %parallel_loop3A_3004 = arith.index_cast %parallel_loop3A_3003 : i32 to index
      %parallel_loop3A_3005 = arith.index_cast %parallel_loop3A_10 : i32 to index
      %parallel_loop3A_3006 = tpu.vector_load %arg5[%parallel_loop3A_3004, %parallel_loop3A_3005] {strides = array<i32>} : memref<64x1024xf32, #tpu.memory_space<vmem>>, vector<1x16xf32>,
      %parallel_loop3A_3007 = vector.shape_cast %parallel_loop3A_3006 : vector<1x16xf32> to vector<16xf32>
      %parallel_loop3A_3008 = arith.select %parallel_loop3A_634, %parallel_loop3A_3007, %broadcast_in_dim3A_5 : vector<16xi1>, vector<16xf32>
      %parallel_loop3A_3009 = arith.constant 12 : i32
      %parallel_loop3A_3010 = vector.broadcast %parallel_loop3A_3009 : i32 to vector<16xi32>
      %parallel_loop3A_3011 = arith.cmpf oge, %parallel_loop3A_3008, %parallel_loop3A_2966 : vector<16xf32>
      %parallel_loop3A_3012 = arith.maximumf %parallel_loop3A_3008, %parallel_loop3A_2966 : vector<16xf32>
      %parallel_loop3A_3013 = arith.select %parallel_loop3A_3011, %parallel_loop3A_3010, %parallel_loop3A_2967 : vector<16xi1>, vector<16xi32>
      %parallel_loop3A_3014 = arith.minimumf %parallel_loop3A_3008, %parallel_loop3A_2966 : vector<16xf32>
      %parallel_loop3A_3015 = arith.select %parallel_loop3A_3011, %parallel_loop3A_2967, %parallel_loop3A_3010 : vector<16xi1>, vector<16xi32>
      %parallel_loop3A_3016 = arith.cmpf oge, %parallel_loop3A_3014, %parallel_loop3A_2971 : vector<16xf32>
      %parallel_loop3A_3017 = arith.maximumf %parallel_loop3A_3014, %parallel_loop3A_2971 : vector<16xf32>
      %parallel_loop3A_3018 = arith.select %parallel_loop3A_3016, %parallel_loop3A_3015, %parallel_loop3A_2972 : vector<16xi1>, vector<16xi32>
      %parallel_loop3A_3019 = arith.minimumf %parallel_loop3A_3014, %parallel_loop3A_2971 : vector<16xf32>
      %parallel_loop3A_3020 = arith.select %parallel_loop3A_3016, %parallel_loop3A_2972, %parallel_loop3A_3015 : vector<16xi1>, vector<16xi32>
      %parallel_loop3A_3021 = arith.cmpf oge, %parallel_loop3A_3019, %parallel_loop3A_2976 : vector<16xf32>
      %parallel_loop3A_3022 = arith.maximumf %parallel_loop3A_3019, %parallel_loop3A_2976 : vector<16xf32>
      %parallel_loop3A_3023 = arith.select %parallel_loop3A_3021, %parallel_loop3A_3020, %parallel_loop3A_2977 : vector<16xi1>, vector<16xi32>
      %parallel_loop3A_3024 = arith.minimumf %parallel_loop3A_3019, %parallel_loop3A_2976 : vector<16xf32>
      %parallel_loop3A_3025 = arith.select %parallel_loop3A_3021, %parallel_loop3A_2977, %parallel_loop3A_3020 : vector<16xi1>, vector<16xi32>
      %parallel_loop3A_3026 = arith.cmpf oge, %parallel_loop3A_3024, %parallel_loop3A_2981 : vector<16xf32>
      %parallel_loop3A_3027 = arith.maximumf %parallel_loop3A_3024, %parallel_loop3A_2981 : vector<16xf32>
      %parallel_loop3A_3028 = arith.select %parallel_loop3A_3026, %parallel_loop3A_3025, %parallel_loop3A_2982 : vector<16xi1>, vector<16xi32>
      %parallel_loop3A_3029 = arith.minimumf %parallel_loop3A_3024, %parallel_loop3A_2981 : vector<16xf32>
      %parallel_loop3A_3030 = arith.select %parallel_loop3A_3026, %parallel_loop3A_2982, %parallel_loop3A_3025 : vector<16xi1>, vector<16xi32>
      %parallel_loop3A_3031 = arith.cmpf oge, %parallel_loop3A_3029, %parallel_loop3A_2986 : vector<16xf32>
      %parallel_loop3A_3032 = arith.maximumf %parallel_loop3A_3029, %parallel_loop3A_2986 : vector<16xf32>
      %parallel_loop3A_3033 = arith.select %parallel_loop3A_3031, %parallel_loop3A_3030, %parallel_loop3A_2987 : vector<16xi1>, vector<16xi32>
      %parallel_loop3A_3034 = arith.minimumf %parallel_loop3A_3029, %parallel_loop3A_2986 : vector<16xf32>
      %parallel_loop3A_3035 = arith.select %parallel_loop3A_3031, %parallel_loop3A_2987, %parallel_loop3A_3030 : vector<16xi1>, vector<16xi32>
      %parallel_loop3A_3036 = arith.cmpf oge, %parallel_loop3A_3034, %parallel_loop3A_2991 : vector<16xf32>
      %parallel_loop3A_3037 = arith.maximumf %parallel_loop3A_3034, %parallel_loop3A_2991 : vector<16xf32>
      %parallel_loop3A_3038 = arith.select %parallel_loop3A_3036, %parallel_loop3A_3035, %parallel_loop3A_2992 : vector<16xi1>, vector<16xi32>
      %parallel_loop3A_3039 = arith.minimumf %parallel_loop3A_3034, %parallel_loop3A_2991 : vector<16xf32>
      %parallel_loop3A_3040 = arith.select %parallel_loop3A_3036, %parallel_loop3A_2992, %parallel_loop3A_3035 : vector<16xi1>, vector<16xi32>
      %parallel_loop3A_3041 = arith.cmpf oge, %parallel_loop3A_3039, %parallel_loop3A_2996 : vector<16xf32>
      %parallel_loop3A_3042 = arith.maximumf %parallel_loop3A_3039, %parallel_loop3A_2996 : vector<16xf32>
      %parallel_loop3A_3043 = arith.select %parallel_loop3A_3041, %parallel_loop3A_3040, %parallel_loop3A_2997 : vector<16xi1>, vector<16xi32>
      %parallel_loop3A_3044 = arith.minimumf %parallel_loop3A_3039, %parallel_loop3A_2996 : vector<16xf32>
      %parallel_loop3A_3045 = arith.select %parallel_loop3A_3041, %parallel_loop3A_2997, %parallel_loop3A_3040 : vector<16xi1>, vector<16xi32>
      %parallel_loop3A_3046 = arith.cmpf oge, %parallel_loop3A_3044, %parallel_loop3A_3001 : vector<16xf32>
      %parallel_loop3A_3047 = arith.maximumf %parallel_loop3A_3044, %parallel_loop3A_3001 : vector<16xf32>
      %parallel_loop3A_3048 = arith.select %parallel_loop3A_3046, %parallel_loop3A_3045, %parallel_loop3A_3002 : vector<16xi1>, vector<16xi32>
      %parallel_loop3A_3049 = arith.constant 11 : i32
      %parallel_loop3A_3050 = arith.index_cast %parallel_loop3A_3049 : i32 to index
      %parallel_loop3A_3051 = arith.index_cast %parallel_loop3A_10 : i32 to index
      %parallel_loop3A_3052 = tpu.vector_load %arg5[%parallel_loop3A_3050, %parallel_loop3A_3051] {strides = array<i32>} : memref<64x1024xf32, #tpu.memory_space<vmem>>, vector<1x16xf32>,
      %parallel_loop3A_3053 = vector.shape_cast %parallel_loop3A_3052 : vector<1x16xf32> to vector<16xf32>
      %parallel_loop3A_3054 = arith.select %parallel_loop3A_634, %parallel_loop3A_3053, %broadcast_in_dim3A_5 : vector<16xi1>, vector<16xf32>
      %parallel_loop3A_3055 = arith.constant 11 : i32
      %parallel_loop3A_3056 = vector.broadcast %parallel_loop3A_3055 : i32 to vector<16xi32>
      %parallel_loop3A_3057 = arith.cmpf oge, %parallel_loop3A_3054, %parallel_loop3A_3012 : vector<16xf32>
      %parallel_loop3A_3058 = arith.maximumf %parallel_loop3A_3054, %parallel_loop3A_3012 : vector<16xf32>
      %parallel_loop3A_3059 = arith.select %parallel_loop3A_3057, %parallel_loop3A_3056, %parallel_loop3A_3013 : vector<16xi1>, vector<16xi32>
      %parallel_loop3A_3060 = arith.minimumf %parallel_loop3A_3054, %parallel_loop3A_3012 : vector<16xf32>
      %parallel_loop3A_3061 = arith.select %parallel_loop3A_3057, %parallel_loop3A_3013, %parallel_loop3A_3056 : vector<16xi1>, vector<16xi32>
      %parallel_loop3A_3062 = arith.cmpf oge, %parallel_loop3A_3060, %parallel_loop3A_3017 : vector<16xf32>
      %parallel_loop3A_3063 = arith.maximumf %parallel_loop3A_3060, %parallel_loop3A_3017 : vector<16xf32>
      %parallel_loop3A_3064 = arith.select %parallel_loop3A_3062, %parallel_loop3A_3061, %parallel_loop3A_3018 : vector<16xi1>, vector<16xi32>
      %parallel_loop3A_3065 = arith.minimumf %parallel_loop3A_3060, %parallel_loop3A_3017 : vector<16xf32>
      %parallel_loop3A_3066 = arith.select %parallel_loop3A_3062, %parallel_loop3A_3018, %parallel_loop3A_3061 : vector<16xi1>, vector<16xi32>
      %parallel_loop3A_3067 = arith.cmpf oge, %parallel_loop3A_3065, %parallel_loop3A_3022 : vector<16xf32>
      %parallel_loop3A_3068 = arith.maximumf %parallel_loop3A_3065, %parallel_loop3A_3022 : vector<16xf32>
      %parallel_loop3A_3069 = arith.select %parallel_loop3A_3067, %parallel_loop3A_3066, %parallel_loop3A_3023 : vector<16xi1>, vector<16xi32>
      %parallel_loop3A_3070 = arith.minimumf %parallel_loop3A_3065, %parallel_loop3A_3022 : vector<16xf32>
      %parallel_loop3A_3071 = arith.select %parallel_loop3A_3067, %parallel_loop3A_3023, %parallel_loop3A_3066 : vector<16xi1>, vector<16xi32>
      %parallel_loop3A_3072 = arith.cmpf oge, %parallel_loop3A_3070, %parallel_loop3A_3027 : vector<16xf32>
      %parallel_loop3A_3073 = arith.maximumf %parallel_loop3A_3070, %parallel_loop3A_3027 : vector<16xf32>
      %parallel_loop3A_3074 = arith.select %parallel_loop3A_3072, %parallel_loop3A_3071, %parallel_loop3A_3028 : vector<16xi1>, vector<16xi32>
      %parallel_loop3A_3075 = arith.minimumf %parallel_loop3A_3070, %parallel_loop3A_3027 : vector<16xf32>
      %parallel_loop3A_3076 = arith.select %parallel_loop3A_3072, %parallel_loop3A_3028, %parallel_loop3A_3071 : vector<16xi1>, vector<16xi32>
      %parallel_loop3A_3077 = arith.cmpf oge, %parallel_loop3A_3075, %parallel_loop3A_3032 : vector<16xf32>
      %parallel_loop3A_3078 = arith.maximumf %parallel_loop3A_3075, %parallel_loop3A_3032 : vector<16xf32>
      %parallel_loop3A_3079 = arith.select %parallel_loop3A_3077, %parallel_loop3A_3076, %parallel_loop3A_3033 : vector<16xi1>, vector<16xi32>
      %parallel_loop3A_3080 = arith.minimumf %parallel_loop3A_3075, %parallel_loop3A_3032 : vector<16xf32>
      %parallel_loop3A_3081 = arith.select %parallel_loop3A_3077, %parallel_loop3A_3033, %parallel_loop3A_3076 : vector<16xi1>, vector<16xi32>
      %parallel_loop3A_3082 = arith.cmpf oge, %parallel_loop3A_3080, %parallel_loop3A_3037 : vector<16xf32>
      %parallel_loop3A_3083 = arith.maximumf %parallel_loop3A_3080, %parallel_loop3A_3037 : vector<16xf32>
      %parallel_loop3A_3084 = arith.select %parallel_loop3A_3082, %parallel_loop3A_3081, %parallel_loop3A_3038 : vector<16xi1>, vector<16xi32>
      %parallel_loop3A_3085 = arith.minimumf %parallel_loop3A_3080, %parallel_loop3A_3037 : vector<16xf32>
      %parallel_loop3A_3086 = arith.select %parallel_loop3A_3082, %parallel_loop3A_3038, %parallel_loop3A_3081 : vector<16xi1>, vector<16xi32>
      %parallel_loop3A_3087 = arith.cmpf oge, %parallel_loop3A_3085, %parallel_loop3A_3042 : vector<16xf32>
      %parallel_loop3A_3088 = arith.maximumf %parallel_loop3A_3085, %parallel_loop3A_3042 : vector<16xf32>
      %parallel_loop3A_3089 = arith.select %parallel_loop3A_3087, %parallel_loop3A_3086, %parallel_loop3A_3043 : vector<16xi1>, vector<16xi32>
      %parallel_loop3A_3090 = arith.minimumf %parallel_loop3A_3085, %parallel_loop3A_3042 : vector<16xf32>
      %parallel_loop3A_3091 = arith.select %parallel_loop3A_3087, %parallel_loop3A_3043, %parallel_loop3A_3086 : vector<16xi1>, vector<16xi32>
      %parallel_loop3A_3092 = arith.cmpf oge, %parallel_loop3A_3090, %parallel_loop3A_3047 : vector<16xf32>
      %parallel_loop3A_3093 = arith.maximumf %parallel_loop3A_3090, %parallel_loop3A_3047 : vector<16xf32>
      %parallel_loop3A_3094 = arith.select %parallel_loop3A_3092, %parallel_loop3A_3091, %parallel_loop3A_3048 : vector<16xi1>, vector<16xi32>
      %parallel_loop3A_3095 = arith.constant 10 : i32
      %parallel_loop3A_3096 = arith.index_cast %parallel_loop3A_3095 : i32 to index
      %parallel_loop3A_3097 = arith.index_cast %parallel_loop3A_10 : i32 to index
      %parallel_loop3A_3098 = tpu.vector_load %arg5[%parallel_loop3A_3096, %parallel_loop3A_3097] {strides = array<i32>} : memref<64x1024xf32, #tpu.memory_space<vmem>>, vector<1x16xf32>,
      %parallel_loop3A_3099 = vector.shape_cast %parallel_loop3A_3098 : vector<1x16xf32> to vector<16xf32>
      %parallel_loop3A_3100 = arith.select %parallel_loop3A_634, %parallel_loop3A_3099, %broadcast_in_dim3A_5 : vector<16xi1>, vector<16xf32>
      %parallel_loop3A_3101 = arith.constant 10 : i32
      %parallel_loop3A_3102 = vector.broadcast %parallel_loop3A_3101 : i32 to vector<16xi32>
      %parallel_loop3A_3103 = arith.cmpf oge, %parallel_loop3A_3100, %parallel_loop3A_3058 : vector<16xf32>
      %parallel_loop3A_3104 = arith.maximumf %parallel_loop3A_3100, %parallel_loop3A_3058 : vector<16xf32>
      %parallel_loop3A_3105 = arith.select %parallel_loop3A_3103, %parallel_loop3A_3102, %parallel_loop3A_3059 : vector<16xi1>, vector<16xi32>
      %parallel_loop3A_3106 = arith.minimumf %parallel_loop3A_3100, %parallel_loop3A_3058 : vector<16xf32>
      %parallel_loop3A_3107 = arith.select %parallel_loop3A_3103, %parallel_loop3A_3059, %parallel_loop3A_3102 : vector<16xi1>, vector<16xi32>
      %parallel_loop3A_3108 = arith.cmpf oge, %parallel_loop3A_3106, %parallel_loop3A_3063 : vector<16xf32>
      %parallel_loop3A_3109 = arith.maximumf %parallel_loop3A_3106, %parallel_loop3A_3063 : vector<16xf32>
      %parallel_loop3A_3110 = arith.select %parallel_loop3A_3108, %parallel_loop3A_3107, %parallel_loop3A_3064 : vector<16xi1>, vector<16xi32>
      %parallel_loop3A_3111 = arith.minimumf %parallel_loop3A_3106, %parallel_loop3A_3063 : vector<16xf32>
      %parallel_loop3A_3112 = arith.select %parallel_loop3A_3108, %parallel_loop3A_3064, %parallel_loop3A_3107 : vector<16xi1>, vector<16xi32>
      %parallel_loop3A_3113 = arith.cmpf oge, %parallel_loop3A_3111, %parallel_loop3A_3068 : vector<16xf32>
      %parallel_loop3A_3114 = arith.maximumf %parallel_loop3A_3111, %parallel_loop3A_3068 : vector<16xf32>
      %parallel_loop3A_3115 = arith.select %parallel_loop3A_3113, %parallel_loop3A_3112, %parallel_loop3A_3069 : vector<16xi1>, vector<16xi32>
      %parallel_loop3A_3116 = arith.minimumf %parallel_loop3A_3111, %parallel_loop3A_3068 : vector<16xf32>
      %parallel_loop3A_3117 = arith.select %parallel_loop3A_3113, %parallel_loop3A_3069, %parallel_loop3A_3112 : vector<16xi1>, vector<16xi32>
      %parallel_loop3A_3118 = arith.cmpf oge, %parallel_loop3A_3116, %parallel_loop3A_3073 : vector<16xf32>
      %parallel_loop3A_3119 = arith.maximumf %parallel_loop3A_3116, %parallel_loop3A_3073 : vector<16xf32>
      %parallel_loop3A_3120 = arith.select %parallel_loop3A_3118, %parallel_loop3A_3117, %parallel_loop3A_3074 : vector<16xi1>, vector<16xi32>
      %parallel_loop3A_3121 = arith.minimumf %parallel_loop3A_3116, %parallel_loop3A_3073 : vector<16xf32>
      %parallel_loop3A_3122 = arith.select %parallel_loop3A_3118, %parallel_loop3A_3074, %parallel_loop3A_3117 : vector<16xi1>, vector<16xi32>
      %parallel_loop3A_3123 = arith.cmpf oge, %parallel_loop3A_3121, %parallel_loop3A_3078 : vector<16xf32>
      %parallel_loop3A_3124 = arith.maximumf %parallel_loop3A_3121, %parallel_loop3A_3078 : vector<16xf32>
      %parallel_loop3A_3125 = arith.select %parallel_loop3A_3123, %parallel_loop3A_3122, %parallel_loop3A_3079 : vector<16xi1>, vector<16xi32>
      %parallel_loop3A_3126 = arith.minimumf %parallel_loop3A_3121, %parallel_loop3A_3078 : vector<16xf32>
      %parallel_loop3A_3127 = arith.select %parallel_loop3A_3123, %parallel_loop3A_3079, %parallel_loop3A_3122 : vector<16xi1>, vector<16xi32>
      %parallel_loop3A_3128 = arith.cmpf oge, %parallel_loop3A_3126, %parallel_loop3A_3083 : vector<16xf32>
      %parallel_loop3A_3129 = arith.maximumf %parallel_loop3A_3126, %parallel_loop3A_3083 : vector<16xf32>
      %parallel_loop3A_3130 = arith.select %parallel_loop3A_3128, %parallel_loop3A_3127, %parallel_loop3A_3084 : vector<16xi1>, vector<16xi32>
      %parallel_loop3A_3131 = arith.minimumf %parallel_loop3A_3126, %parallel_loop3A_3083 : vector<16xf32>
      %parallel_loop3A_3132 = arith.select %parallel_loop3A_3128, %parallel_loop3A_3084, %parallel_loop3A_3127 : vector<16xi1>, vector<16xi32>
      %parallel_loop3A_3133 = arith.cmpf oge, %parallel_loop3A_3131, %parallel_loop3A_3088 : vector<16xf32>
      %parallel_loop3A_3134 = arith.maximumf %parallel_loop3A_3131, %parallel_loop3A_3088 : vector<16xf32>
      %parallel_loop3A_3135 = arith.select %parallel_loop3A_3133, %parallel_loop3A_3132, %parallel_loop3A_3089 : vector<16xi1>, vector<16xi32>
      %parallel_loop3A_3136 = arith.minimumf %parallel_loop3A_3131, %parallel_loop3A_3088 : vector<16xf32>
      %parallel_loop3A_3137 = arith.select %parallel_loop3A_3133, %parallel_loop3A_3089, %parallel_loop3A_3132 : vector<16xi1>, vector<16xi32>
      %parallel_loop3A_3138 = arith.cmpf oge, %parallel_loop3A_3136, %parallel_loop3A_3093 : vector<16xf32>
      %parallel_loop3A_3139 = arith.maximumf %parallel_loop3A_3136, %parallel_loop3A_3093 : vector<16xf32>
      %parallel_loop3A_3140 = arith.select %parallel_loop3A_3138, %parallel_loop3A_3137, %parallel_loop3A_3094 : vector<16xi1>, vector<16xi32>
      %parallel_loop3A_3141 = arith.constant 9 : i32
      %parallel_loop3A_3142 = arith.index_cast %parallel_loop3A_3141 : i32 to index
      %parallel_loop3A_3143 = arith.index_cast %parallel_loop3A_10 : i32 to index
      %parallel_loop3A_3144 = tpu.vector_load %arg5[%parallel_loop3A_3142, %parallel_loop3A_3143] {strides = array<i32>} : memref<64x1024xf32, #tpu.memory_space<vmem>>, vector<1x16xf32>,
      %parallel_loop3A_3145 = vector.shape_cast %parallel_loop3A_3144 : vector<1x16xf32> to vector<16xf32>
      %parallel_loop3A_3146 = arith.select %parallel_loop3A_634, %parallel_loop3A_3145, %broadcast_in_dim3A_5 : vector<16xi1>, vector<16xf32>
      %parallel_loop3A_3147 = arith.constant 9 : i32
      %parallel_loop3A_3148 = vector.broadcast %parallel_loop3A_3147 : i32 to vector<16xi32>
      %parallel_loop3A_3149 = arith.cmpf oge, %parallel_loop3A_3146, %parallel_loop3A_3104 : vector<16xf32>
      %parallel_loop3A_3150 = arith.maximumf %parallel_loop3A_3146, %parallel_loop3A_3104 : vector<16xf32>
      %parallel_loop3A_3151 = arith.select %parallel_loop3A_3149, %parallel_loop3A_3148, %parallel_loop3A_3105 : vector<16xi1>, vector<16xi32>
      %parallel_loop3A_3152 = arith.minimumf %parallel_loop3A_3146, %parallel_loop3A_3104 : vector<16xf32>
      %parallel_loop3A_3153 = arith.select %parallel_loop3A_3149, %parallel_loop3A_3105, %parallel_loop3A_3148 : vector<16xi1>, vector<16xi32>
      %parallel_loop3A_3154 = arith.cmpf oge, %parallel_loop3A_3152, %parallel_loop3A_3109 : vector<16xf32>
      %parallel_loop3A_3155 = arith.maximumf %parallel_loop3A_3152, %parallel_loop3A_3109 : vector<16xf32>
      %parallel_loop3A_3156 = arith.select %parallel_loop3A_3154, %parallel_loop3A_3153, %parallel_loop3A_3110 : vector<16xi1>, vector<16xi32>
      %parallel_loop3A_3157 = arith.minimumf %parallel_loop3A_3152, %parallel_loop3A_3109 : vector<16xf32>
      %parallel_loop3A_3158 = arith.select %parallel_loop3A_3154, %parallel_loop3A_3110, %parallel_loop3A_3153 : vector<16xi1>, vector<16xi32>
      %parallel_loop3A_3159 = arith.cmpf oge, %parallel_loop3A_3157, %parallel_loop3A_3114 : vector<16xf32>
      %parallel_loop3A_3160 = arith.maximumf %parallel_loop3A_3157, %parallel_loop3A_3114 : vector<16xf32>
      %parallel_loop3A_3161 = arith.select %parallel_loop3A_3159, %parallel_loop3A_3158, %parallel_loop3A_3115 : vector<16xi1>, vector<16xi32>
      %parallel_loop3A_3162 = arith.minimumf %parallel_loop3A_3157, %parallel_loop3A_3114 : vector<16xf32>
      %parallel_loop3A_3163 = arith.select %parallel_loop3A_3159, %parallel_loop3A_3115, %parallel_loop3A_3158 : vector<16xi1>, vector<16xi32>
      %parallel_loop3A_3164 = arith.cmpf oge, %parallel_loop3A_3162, %parallel_loop3A_3119 : vector<16xf32>
      %parallel_loop3A_3165 = arith.maximumf %parallel_loop3A_3162, %parallel_loop3A_3119 : vector<16xf32>
      %parallel_loop3A_3166 = arith.select %parallel_loop3A_3164, %parallel_loop3A_3163, %parallel_loop3A_3120 : vector<16xi1>, vector<16xi32>
      %parallel_loop3A_3167 = arith.minimumf %parallel_loop3A_3162, %parallel_loop3A_3119 : vector<16xf32>
      %parallel_loop3A_3168 = arith.select %parallel_loop3A_3164, %parallel_loop3A_3120, %parallel_loop3A_3163 : vector<16xi1>, vector<16xi32>
      %parallel_loop3A_3169 = arith.cmpf oge, %parallel_loop3A_3167, %parallel_loop3A_3124 : vector<16xf32>
      %parallel_loop3A_3170 = arith.maximumf %parallel_loop3A_3167, %parallel_loop3A_3124 : vector<16xf32>
      %parallel_loop3A_3171 = arith.select %parallel_loop3A_3169, %parallel_loop3A_3168, %parallel_loop3A_3125 : vector<16xi1>, vector<16xi32>
      %parallel_loop3A_3172 = arith.minimumf %parallel_loop3A_3167, %parallel_loop3A_3124 : vector<16xf32>
      %parallel_loop3A_3173 = arith.select %parallel_loop3A_3169, %parallel_loop3A_3125, %parallel_loop3A_3168 : vector<16xi1>, vector<16xi32>
      %parallel_loop3A_3174 = arith.cmpf oge, %parallel_loop3A_3172, %parallel_loop3A_3129 : vector<16xf32>
      %parallel_loop3A_3175 = arith.maximumf %parallel_loop3A_3172, %parallel_loop3A_3129 : vector<16xf32>
      %parallel_loop3A_3176 = arith.select %parallel_loop3A_3174, %parallel_loop3A_3173, %parallel_loop3A_3130 : vector<16xi1>, vector<16xi32>
      %parallel_loop3A_3177 = arith.minimumf %parallel_loop3A_3172, %parallel_loop3A_3129 : vector<16xf32>
      %parallel_loop3A_3178 = arith.select %parallel_loop3A_3174, %parallel_loop3A_3130, %parallel_loop3A_3173 : vector<16xi1>, vector<16xi32>
      %parallel_loop3A_3179 = arith.cmpf oge, %parallel_loop3A_3177, %parallel_loop3A_3134 : vector<16xf32>
      %parallel_loop3A_3180 = arith.maximumf %parallel_loop3A_3177, %parallel_loop3A_3134 : vector<16xf32>
      %parallel_loop3A_3181 = arith.select %parallel_loop3A_3179, %parallel_loop3A_3178, %parallel_loop3A_3135 : vector<16xi1>, vector<16xi32>
      %parallel_loop3A_3182 = arith.minimumf %parallel_loop3A_3177, %parallel_loop3A_3134 : vector<16xf32>
      %parallel_loop3A_3183 = arith.select %parallel_loop3A_3179, %parallel_loop3A_3135, %parallel_loop3A_3178 : vector<16xi1>, vector<16xi32>
      %parallel_loop3A_3184 = arith.cmpf oge, %parallel_loop3A_3182, %parallel_loop3A_3139 : vector<16xf32>
      %parallel_loop3A_3185 = arith.maximumf %parallel_loop3A_3182, %parallel_loop3A_3139 : vector<16xf32>
      %parallel_loop3A_3186 = arith.select %parallel_loop3A_3184, %parallel_loop3A_3183, %parallel_loop3A_3140 : vector<16xi1>, vector<16xi32>
      %parallel_loop3A_3187 = arith.constant 8 : i32
      %parallel_loop3A_3188 = arith.index_cast %parallel_loop3A_3187 : i32 to index
      %parallel_loop3A_3189 = arith.index_cast %parallel_loop3A_10 : i32 to index
      %parallel_loop3A_3190 = tpu.vector_load %arg5[%parallel_loop3A_3188, %parallel_loop3A_3189] {strides = array<i32>} : memref<64x1024xf32, #tpu.memory_space<vmem>>, vector<1x16xf32>,
      %parallel_loop3A_3191 = vector.shape_cast %parallel_loop3A_3190 : vector<1x16xf32> to vector<16xf32>
      %parallel_loop3A_3192 = arith.select %parallel_loop3A_634, %parallel_loop3A_3191, %broadcast_in_dim3A_5 : vector<16xi1>, vector<16xf32>
      %parallel_loop3A_3193 = arith.constant 8 : i32
      %parallel_loop3A_3194 = vector.broadcast %parallel_loop3A_3193 : i32 to vector<16xi32>
      %parallel_loop3A_3195 = arith.cmpf oge, %parallel_loop3A_3192, %parallel_loop3A_3150 : vector<16xf32>
      %parallel_loop3A_3196 = arith.maximumf %parallel_loop3A_3192, %parallel_loop3A_3150 : vector<16xf32>
      %parallel_loop3A_3197 = arith.select %parallel_loop3A_3195, %parallel_loop3A_3194, %parallel_loop3A_3151 : vector<16xi1>, vector<16xi32>
      %parallel_loop3A_3198 = arith.minimumf %parallel_loop3A_3192, %parallel_loop3A_3150 : vector<16xf32>
      %parallel_loop3A_3199 = arith.select %parallel_loop3A_3195, %parallel_loop3A_3151, %parallel_loop3A_3194 : vector<16xi1>, vector<16xi32>
      %parallel_loop3A_3200 = arith.cmpf oge, %parallel_loop3A_3198, %parallel_loop3A_3155 : vector<16xf32>
      %parallel_loop3A_3201 = arith.maximumf %parallel_loop3A_3198, %parallel_loop3A_3155 : vector<16xf32>
      %parallel_loop3A_3202 = arith.select %parallel_loop3A_3200, %parallel_loop3A_3199, %parallel_loop3A_3156 : vector<16xi1>, vector<16xi32>
      %parallel_loop3A_3203 = arith.minimumf %parallel_loop3A_3198, %parallel_loop3A_3155 : vector<16xf32>
      %parallel_loop3A_3204 = arith.select %parallel_loop3A_3200, %parallel_loop3A_3156, %parallel_loop3A_3199 : vector<16xi1>, vector<16xi32>
      %parallel_loop3A_3205 = arith.cmpf oge, %parallel_loop3A_3203, %parallel_loop3A_3160 : vector<16xf32>
      %parallel_loop3A_3206 = arith.maximumf %parallel_loop3A_3203, %parallel_loop3A_3160 : vector<16xf32>
      %parallel_loop3A_3207 = arith.select %parallel_loop3A_3205, %parallel_loop3A_3204, %parallel_loop3A_3161 : vector<16xi1>, vector<16xi32>
      %parallel_loop3A_3208 = arith.minimumf %parallel_loop3A_3203, %parallel_loop3A_3160 : vector<16xf32>
      %parallel_loop3A_3209 = arith.select %parallel_loop3A_3205, %parallel_loop3A_3161, %parallel_loop3A_3204 : vector<16xi1>, vector<16xi32>
      %parallel_loop3A_3210 = arith.cmpf oge, %parallel_loop3A_3208, %parallel_loop3A_3165 : vector<16xf32>
      %parallel_loop3A_3211 = arith.maximumf %parallel_loop3A_3208, %parallel_loop3A_3165 : vector<16xf32>
      %parallel_loop3A_3212 = arith.select %parallel_loop3A_3210, %parallel_loop3A_3209, %parallel_loop3A_3166 : vector<16xi1>, vector<16xi32>
      %parallel_loop3A_3213 = arith.minimumf %parallel_loop3A_3208, %parallel_loop3A_3165 : vector<16xf32>
      %parallel_loop3A_3214 = arith.select %parallel_loop3A_3210, %parallel_loop3A_3166, %parallel_loop3A_3209 : vector<16xi1>, vector<16xi32>
      %parallel_loop3A_3215 = arith.cmpf oge, %parallel_loop3A_3213, %parallel_loop3A_3170 : vector<16xf32>
      %parallel_loop3A_3216 = arith.maximumf %parallel_loop3A_3213, %parallel_loop3A_3170 : vector<16xf32>
      %parallel_loop3A_3217 = arith.select %parallel_loop3A_3215, %parallel_loop3A_3214, %parallel_loop3A_3171 : vector<16xi1>, vector<16xi32>
      %parallel_loop3A_3218 = arith.minimumf %parallel_loop3A_3213, %parallel_loop3A_3170 : vector<16xf32>
      %parallel_loop3A_3219 = arith.select %parallel_loop3A_3215, %parallel_loop3A_3171, %parallel_loop3A_3214 : vector<16xi1>, vector<16xi32>
      %parallel_loop3A_3220 = arith.cmpf oge, %parallel_loop3A_3218, %parallel_loop3A_3175 : vector<16xf32>
      %parallel_loop3A_3221 = arith.maximumf %parallel_loop3A_3218, %parallel_loop3A_3175 : vector<16xf32>
      %parallel_loop3A_3222 = arith.select %parallel_loop3A_3220, %parallel_loop3A_3219, %parallel_loop3A_3176 : vector<16xi1>, vector<16xi32>
      %parallel_loop3A_3223 = arith.minimumf %parallel_loop3A_3218, %parallel_loop3A_3175 : vector<16xf32>
      %parallel_loop3A_3224 = arith.select %parallel_loop3A_3220, %parallel_loop3A_3176, %parallel_loop3A_3219 : vector<16xi1>, vector<16xi32>
      %parallel_loop3A_3225 = arith.cmpf oge, %parallel_loop3A_3223, %parallel_loop3A_3180 : vector<16xf32>
      %parallel_loop3A_3226 = arith.maximumf %parallel_loop3A_3223, %parallel_loop3A_3180 : vector<16xf32>
      %parallel_loop3A_3227 = arith.select %parallel_loop3A_3225, %parallel_loop3A_3224, %parallel_loop3A_3181 : vector<16xi1>, vector<16xi32>
      %parallel_loop3A_3228 = arith.minimumf %parallel_loop3A_3223, %parallel_loop3A_3180 : vector<16xf32>
      %parallel_loop3A_3229 = arith.select %parallel_loop3A_3225, %parallel_loop3A_3181, %parallel_loop3A_3224 : vector<16xi1>, vector<16xi32>
      %parallel_loop3A_3230 = arith.cmpf oge, %parallel_loop3A_3228, %parallel_loop3A_3185 : vector<16xf32>
      %parallel_loop3A_3231 = arith.maximumf %parallel_loop3A_3228, %parallel_loop3A_3185 : vector<16xf32>
      %parallel_loop3A_3232 = arith.select %parallel_loop3A_3230, %parallel_loop3A_3229, %parallel_loop3A_3186 : vector<16xi1>, vector<16xi32>
      %parallel_loop3A_3233 = arith.constant 7 : i32
      %parallel_loop3A_3234 = arith.index_cast %parallel_loop3A_3233 : i32 to index
      %parallel_loop3A_3235 = arith.index_cast %parallel_loop3A_10 : i32 to index
      %parallel_loop3A_3236 = tpu.vector_load %arg5[%parallel_loop3A_3234, %parallel_loop3A_3235] {strides = array<i32>} : memref<64x1024xf32, #tpu.memory_space<vmem>>, vector<1x16xf32>,
      %parallel_loop3A_3237 = vector.shape_cast %parallel_loop3A_3236 : vector<1x16xf32> to vector<16xf32>
      %parallel_loop3A_3238 = arith.select %parallel_loop3A_633, %parallel_loop3A_3237, %broadcast_in_dim3A_5 : vector<16xi1>, vector<16xf32>
      %parallel_loop3A_3239 = arith.constant 7 : i32
      %parallel_loop3A_3240 = vector.broadcast %parallel_loop3A_3239 : i32 to vector<16xi32>
      %parallel_loop3A_3241 = arith.cmpf oge, %parallel_loop3A_3238, %parallel_loop3A_3196 : vector<16xf32>
      %parallel_loop3A_3242 = arith.maximumf %parallel_loop3A_3238, %parallel_loop3A_3196 : vector<16xf32>
      %parallel_loop3A_3243 = arith.select %parallel_loop3A_3241, %parallel_loop3A_3240, %parallel_loop3A_3197 : vector<16xi1>, vector<16xi32>
      %parallel_loop3A_3244 = arith.minimumf %parallel_loop3A_3238, %parallel_loop3A_3196 : vector<16xf32>
      %parallel_loop3A_3245 = arith.select %parallel_loop3A_3241, %parallel_loop3A_3197, %parallel_loop3A_3240 : vector<16xi1>, vector<16xi32>
      %parallel_loop3A_3246 = arith.cmpf oge, %parallel_loop3A_3244, %parallel_loop3A_3201 : vector<16xf32>
      %parallel_loop3A_3247 = arith.maximumf %parallel_loop3A_3244, %parallel_loop3A_3201 : vector<16xf32>
      %parallel_loop3A_3248 = arith.select %parallel_loop3A_3246, %parallel_loop3A_3245, %parallel_loop3A_3202 : vector<16xi1>, vector<16xi32>
      %parallel_loop3A_3249 = arith.minimumf %parallel_loop3A_3244, %parallel_loop3A_3201 : vector<16xf32>
      %parallel_loop3A_3250 = arith.select %parallel_loop3A_3246, %parallel_loop3A_3202, %parallel_loop3A_3245 : vector<16xi1>, vector<16xi32>
      %parallel_loop3A_3251 = arith.cmpf oge, %parallel_loop3A_3249, %parallel_loop3A_3206 : vector<16xf32>
      %parallel_loop3A_3252 = arith.maximumf %parallel_loop3A_3249, %parallel_loop3A_3206 : vector<16xf32>
      %parallel_loop3A_3253 = arith.select %parallel_loop3A_3251, %parallel_loop3A_3250, %parallel_loop3A_3207 : vector<16xi1>, vector<16xi32>
      %parallel_loop3A_3254 = arith.minimumf %parallel_loop3A_3249, %parallel_loop3A_3206 : vector<16xf32>
      %parallel_loop3A_3255 = arith.select %parallel_loop3A_3251, %parallel_loop3A_3207, %parallel_loop3A_3250 : vector<16xi1>, vector<16xi32>
      %parallel_loop3A_3256 = arith.cmpf oge, %parallel_loop3A_3254, %parallel_loop3A_3211 : vector<16xf32>
      %parallel_loop3A_3257 = arith.maximumf %parallel_loop3A_3254, %parallel_loop3A_3211 : vector<16xf32>
      %parallel_loop3A_3258 = arith.select %parallel_loop3A_3256, %parallel_loop3A_3255, %parallel_loop3A_3212 : vector<16xi1>, vector<16xi32>
      %parallel_loop3A_3259 = arith.minimumf %parallel_loop3A_3254, %parallel_loop3A_3211 : vector<16xf32>
      %parallel_loop3A_3260 = arith.select %parallel_loop3A_3256, %parallel_loop3A_3212, %parallel_loop3A_3255 : vector<16xi1>, vector<16xi32>
      %parallel_loop3A_3261 = arith.cmpf oge, %parallel_loop3A_3259, %parallel_loop3A_3216 : vector<16xf32>
      %parallel_loop3A_3262 = arith.maximumf %parallel_loop3A_3259, %parallel_loop3A_3216 : vector<16xf32>
      %parallel_loop3A_3263 = arith.select %parallel_loop3A_3261, %parallel_loop3A_3260, %parallel_loop3A_3217 : vector<16xi1>, vector<16xi32>
      %parallel_loop3A_3264 = arith.minimumf %parallel_loop3A_3259, %parallel_loop3A_3216 : vector<16xf32>
      %parallel_loop3A_3265 = arith.select %parallel_loop3A_3261, %parallel_loop3A_3217, %parallel_loop3A_3260 : vector<16xi1>, vector<16xi32>
      %parallel_loop3A_3266 = arith.cmpf oge, %parallel_loop3A_3264, %parallel_loop3A_3221 : vector<16xf32>
      %parallel_loop3A_3267 = arith.maximumf %parallel_loop3A_3264, %parallel_loop3A_3221 : vector<16xf32>
      %parallel_loop3A_3268 = arith.select %parallel_loop3A_3266, %parallel_loop3A_3265, %parallel_loop3A_3222 : vector<16xi1>, vector<16xi32>
      %parallel_loop3A_3269 = arith.minimumf %parallel_loop3A_3264, %parallel_loop3A_3221 : vector<16xf32>
      %parallel_loop3A_3270 = arith.select %parallel_loop3A_3266, %parallel_loop3A_3222, %parallel_loop3A_3265 : vector<16xi1>, vector<16xi32>
      %parallel_loop3A_3271 = arith.cmpf oge, %parallel_loop3A_3269, %parallel_loop3A_3226 : vector<16xf32>
      %parallel_loop3A_3272 = arith.maximumf %parallel_loop3A_3269, %parallel_loop3A_3226 : vector<16xf32>
      %parallel_loop3A_3273 = arith.select %parallel_loop3A_3271, %parallel_loop3A_3270, %parallel_loop3A_3227 : vector<16xi1>, vector<16xi32>
      %parallel_loop3A_3274 = arith.minimumf %parallel_loop3A_3269, %parallel_loop3A_3226 : vector<16xf32>
      %parallel_loop3A_3275 = arith.select %parallel_loop3A_3271, %parallel_loop3A_3227, %parallel_loop3A_3270 : vector<16xi1>, vector<16xi32>
      %parallel_loop3A_3276 = arith.cmpf oge, %parallel_loop3A_3274, %parallel_loop3A_3231 : vector<16xf32>
      %parallel_loop3A_3277 = arith.maximumf %parallel_loop3A_3274, %parallel_loop3A_3231 : vector<16xf32>
      %parallel_loop3A_3278 = arith.select %parallel_loop3A_3276, %parallel_loop3A_3275, %parallel_loop3A_3232 : vector<16xi1>, vector<16xi32>
      %parallel_loop3A_3279 = arith.constant 6 : i32
      %parallel_loop3A_3280 = arith.index_cast %parallel_loop3A_3279 : i32 to index
      %parallel_loop3A_3281 = arith.index_cast %parallel_loop3A_10 : i32 to index
      %parallel_loop3A_3282 = tpu.vector_load %arg5[%parallel_loop3A_3280, %parallel_loop3A_3281] {strides = array<i32>} : memref<64x1024xf32, #tpu.memory_space<vmem>>, vector<1x16xf32>,
      %parallel_loop3A_3283 = vector.shape_cast %parallel_loop3A_3282 : vector<1x16xf32> to vector<16xf32>
      %parallel_loop3A_3284 = arith.select %parallel_loop3A_633, %parallel_loop3A_3283, %broadcast_in_dim3A_5 : vector<16xi1>, vector<16xf32>
      %parallel_loop3A_3285 = arith.constant 6 : i32
      %parallel_loop3A_3286 = vector.broadcast %parallel_loop3A_3285 : i32 to vector<16xi32>
      %parallel_loop3A_3287 = arith.cmpf oge, %parallel_loop3A_3284, %parallel_loop3A_3242 : vector<16xf32>
      %parallel_loop3A_3288 = arith.maximumf %parallel_loop3A_3284, %parallel_loop3A_3242 : vector<16xf32>
      %parallel_loop3A_3289 = arith.select %parallel_loop3A_3287, %parallel_loop3A_3286, %parallel_loop3A_3243 : vector<16xi1>, vector<16xi32>
      %parallel_loop3A_3290 = arith.minimumf %parallel_loop3A_3284, %parallel_loop3A_3242 : vector<16xf32>
      %parallel_loop3A_3291 = arith.select %parallel_loop3A_3287, %parallel_loop3A_3243, %parallel_loop3A_3286 : vector<16xi1>, vector<16xi32>
      %parallel_loop3A_3292 = arith.cmpf oge, %parallel_loop3A_3290, %parallel_loop3A_3247 : vector<16xf32>
      %parallel_loop3A_3293 = arith.maximumf %parallel_loop3A_3290, %parallel_loop3A_3247 : vector<16xf32>
      %parallel_loop3A_3294 = arith.select %parallel_loop3A_3292, %parallel_loop3A_3291, %parallel_loop3A_3248 : vector<16xi1>, vector<16xi32>
      %parallel_loop3A_3295 = arith.minimumf %parallel_loop3A_3290, %parallel_loop3A_3247 : vector<16xf32>
      %parallel_loop3A_3296 = arith.select %parallel_loop3A_3292, %parallel_loop3A_3248, %parallel_loop3A_3291 : vector<16xi1>, vector<16xi32>
      %parallel_loop3A_3297 = arith.cmpf oge, %parallel_loop3A_3295, %parallel_loop3A_3252 : vector<16xf32>
      %parallel_loop3A_3298 = arith.maximumf %parallel_loop3A_3295, %parallel_loop3A_3252 : vector<16xf32>
      %parallel_loop3A_3299 = arith.select %parallel_loop3A_3297, %parallel_loop3A_3296, %parallel_loop3A_3253 : vector<16xi1>, vector<16xi32>
      %parallel_loop3A_3300 = arith.minimumf %parallel_loop3A_3295, %parallel_loop3A_3252 : vector<16xf32>
      %parallel_loop3A_3301 = arith.select %parallel_loop3A_3297, %parallel_loop3A_3253, %parallel_loop3A_3296 : vector<16xi1>, vector<16xi32>
      %parallel_loop3A_3302 = arith.cmpf oge, %parallel_loop3A_3300, %parallel_loop3A_3257 : vector<16xf32>
      %parallel_loop3A_3303 = arith.maximumf %parallel_loop3A_3300, %parallel_loop3A_3257 : vector<16xf32>
      %parallel_loop3A_3304 = arith.select %parallel_loop3A_3302, %parallel_loop3A_3301, %parallel_loop3A_3258 : vector<16xi1>, vector<16xi32>
      %parallel_loop3A_3305 = arith.minimumf %parallel_loop3A_3300, %parallel_loop3A_3257 : vector<16xf32>
      %parallel_loop3A_3306 = arith.select %parallel_loop3A_3302, %parallel_loop3A_3258, %parallel_loop3A_3301 : vector<16xi1>, vector<16xi32>
      %parallel_loop3A_3307 = arith.cmpf oge, %parallel_loop3A_3305, %parallel_loop3A_3262 : vector<16xf32>
      %parallel_loop3A_3308 = arith.maximumf %parallel_loop3A_3305, %parallel_loop3A_3262 : vector<16xf32>
      %parallel_loop3A_3309 = arith.select %parallel_loop3A_3307, %parallel_loop3A_3306, %parallel_loop3A_3263 : vector<16xi1>, vector<16xi32>
      %parallel_loop3A_3310 = arith.minimumf %parallel_loop3A_3305, %parallel_loop3A_3262 : vector<16xf32>
      %parallel_loop3A_3311 = arith.select %parallel_loop3A_3307, %parallel_loop3A_3263, %parallel_loop3A_3306 : vector<16xi1>, vector<16xi32>
      %parallel_loop3A_3312 = arith.cmpf oge, %parallel_loop3A_3310, %parallel_loop3A_3267 : vector<16xf32>
      %parallel_loop3A_3313 = arith.maximumf %parallel_loop3A_3310, %parallel_loop3A_3267 : vector<16xf32>
      %parallel_loop3A_3314 = arith.select %parallel_loop3A_3312, %parallel_loop3A_3311, %parallel_loop3A_3268 : vector<16xi1>, vector<16xi32>
      %parallel_loop3A_3315 = arith.minimumf %parallel_loop3A_3310, %parallel_loop3A_3267 : vector<16xf32>
      %parallel_loop3A_3316 = arith.select %parallel_loop3A_3312, %parallel_loop3A_3268, %parallel_loop3A_3311 : vector<16xi1>, vector<16xi32>
      %parallel_loop3A_3317 = arith.cmpf oge, %parallel_loop3A_3315, %parallel_loop3A_3272 : vector<16xf32>
      %parallel_loop3A_3318 = arith.maximumf %parallel_loop3A_3315, %parallel_loop3A_3272 : vector<16xf32>
      %parallel_loop3A_3319 = arith.select %parallel_loop3A_3317, %parallel_loop3A_3316, %parallel_loop3A_3273 : vector<16xi1>, vector<16xi32>
      %parallel_loop3A_3320 = arith.minimumf %parallel_loop3A_3315, %parallel_loop3A_3272 : vector<16xf32>
      %parallel_loop3A_3321 = arith.select %parallel_loop3A_3317, %parallel_loop3A_3273, %parallel_loop3A_3316 : vector<16xi1>, vector<16xi32>
      %parallel_loop3A_3322 = arith.cmpf oge, %parallel_loop3A_3320, %parallel_loop3A_3277 : vector<16xf32>
      %parallel_loop3A_3323 = arith.maximumf %parallel_loop3A_3320, %parallel_loop3A_3277 : vector<16xf32>
      %parallel_loop3A_3324 = arith.select %parallel_loop3A_3322, %parallel_loop3A_3321, %parallel_loop3A_3278 : vector<16xi1>, vector<16xi32>
      %parallel_loop3A_3325 = arith.constant 5 : i32
      %parallel_loop3A_3326 = arith.index_cast %parallel_loop3A_3325 : i32 to index
      %parallel_loop3A_3327 = arith.index_cast %parallel_loop3A_10 : i32 to index
      %parallel_loop3A_3328 = tpu.vector_load %arg5[%parallel_loop3A_3326, %parallel_loop3A_3327] {strides = array<i32>} : memref<64x1024xf32, #tpu.memory_space<vmem>>, vector<1x16xf32>,
      %parallel_loop3A_3329 = vector.shape_cast %parallel_loop3A_3328 : vector<1x16xf32> to vector<16xf32>
      %parallel_loop3A_3330 = arith.select %parallel_loop3A_633, %parallel_loop3A_3329, %broadcast_in_dim3A_5 : vector<16xi1>, vector<16xf32>
      %parallel_loop3A_3331 = arith.constant 5 : i32
      %parallel_loop3A_3332 = vector.broadcast %parallel_loop3A_3331 : i32 to vector<16xi32>
      %parallel_loop3A_3333 = arith.cmpf oge, %parallel_loop3A_3330, %parallel_loop3A_3288 : vector<16xf32>
      %parallel_loop3A_3334 = arith.maximumf %parallel_loop3A_3330, %parallel_loop3A_3288 : vector<16xf32>
      %parallel_loop3A_3335 = arith.select %parallel_loop3A_3333, %parallel_loop3A_3332, %parallel_loop3A_3289 : vector<16xi1>, vector<16xi32>
      %parallel_loop3A_3336 = arith.minimumf %parallel_loop3A_3330, %parallel_loop3A_3288 : vector<16xf32>
      %parallel_loop3A_3337 = arith.select %parallel_loop3A_3333, %parallel_loop3A_3289, %parallel_loop3A_3332 : vector<16xi1>, vector<16xi32>
      %parallel_loop3A_3338 = arith.cmpf oge, %parallel_loop3A_3336, %parallel_loop3A_3293 : vector<16xf32>
      %parallel_loop3A_3339 = arith.maximumf %parallel_loop3A_3336, %parallel_loop3A_3293 : vector<16xf32>
      %parallel_loop3A_3340 = arith.select %parallel_loop3A_3338, %parallel_loop3A_3337, %parallel_loop3A_3294 : vector<16xi1>, vector<16xi32>
      %parallel_loop3A_3341 = arith.minimumf %parallel_loop3A_3336, %parallel_loop3A_3293 : vector<16xf32>
      %parallel_loop3A_3342 = arith.select %parallel_loop3A_3338, %parallel_loop3A_3294, %parallel_loop3A_3337 : vector<16xi1>, vector<16xi32>
      %parallel_loop3A_3343 = arith.cmpf oge, %parallel_loop3A_3341, %parallel_loop3A_3298 : vector<16xf32>
      %parallel_loop3A_3344 = arith.maximumf %parallel_loop3A_3341, %parallel_loop3A_3298 : vector<16xf32>
      %parallel_loop3A_3345 = arith.select %parallel_loop3A_3343, %parallel_loop3A_3342, %parallel_loop3A_3299 : vector<16xi1>, vector<16xi32>
      %parallel_loop3A_3346 = arith.minimumf %parallel_loop3A_3341, %parallel_loop3A_3298 : vector<16xf32>
      %parallel_loop3A_3347 = arith.select %parallel_loop3A_3343, %parallel_loop3A_3299, %parallel_loop3A_3342 : vector<16xi1>, vector<16xi32>
      %parallel_loop3A_3348 = arith.cmpf oge, %parallel_loop3A_3346, %parallel_loop3A_3303 : vector<16xf32>
      %parallel_loop3A_3349 = arith.maximumf %parallel_loop3A_3346, %parallel_loop3A_3303 : vector<16xf32>
      %parallel_loop3A_3350 = arith.select %parallel_loop3A_3348, %parallel_loop3A_3347, %parallel_loop3A_3304 : vector<16xi1>, vector<16xi32>
      %parallel_loop3A_3351 = arith.minimumf %parallel_loop3A_3346, %parallel_loop3A_3303 : vector<16xf32>
      %parallel_loop3A_3352 = arith.select %parallel_loop3A_3348, %parallel_loop3A_3304, %parallel_loop3A_3347 : vector<16xi1>, vector<16xi32>
      %parallel_loop3A_3353 = arith.cmpf oge, %parallel_loop3A_3351, %parallel_loop3A_3308 : vector<16xf32>
      %parallel_loop3A_3354 = arith.maximumf %parallel_loop3A_3351, %parallel_loop3A_3308 : vector<16xf32>
      %parallel_loop3A_3355 = arith.select %parallel_loop3A_3353, %parallel_loop3A_3352, %parallel_loop3A_3309 : vector<16xi1>, vector<16xi32>
      %parallel_loop3A_3356 = arith.minimumf %parallel_loop3A_3351, %parallel_loop3A_3308 : vector<16xf32>
      %parallel_loop3A_3357 = arith.select %parallel_loop3A_3353, %parallel_loop3A_3309, %parallel_loop3A_3352 : vector<16xi1>, vector<16xi32>
      %parallel_loop3A_3358 = arith.cmpf oge, %parallel_loop3A_3356, %parallel_loop3A_3313 : vector<16xf32>
      %parallel_loop3A_3359 = arith.maximumf %parallel_loop3A_3356, %parallel_loop3A_3313 : vector<16xf32>
      %parallel_loop3A_3360 = arith.select %parallel_loop3A_3358, %parallel_loop3A_3357, %parallel_loop3A_3314 : vector<16xi1>, vector<16xi32>
      %parallel_loop3A_3361 = arith.minimumf %parallel_loop3A_3356, %parallel_loop3A_3313 : vector<16xf32>
      %parallel_loop3A_3362 = arith.select %parallel_loop3A_3358, %parallel_loop3A_3314, %parallel_loop3A_3357 : vector<16xi1>, vector<16xi32>
      %parallel_loop3A_3363 = arith.cmpf oge, %parallel_loop3A_3361, %parallel_loop3A_3318 : vector<16xf32>
      %parallel_loop3A_3364 = arith.maximumf %parallel_loop3A_3361, %parallel_loop3A_3318 : vector<16xf32>
      %parallel_loop3A_3365 = arith.select %parallel_loop3A_3363, %parallel_loop3A_3362, %parallel_loop3A_3319 : vector<16xi1>, vector<16xi32>
      %parallel_loop3A_3366 = arith.minimumf %parallel_loop3A_3361, %parallel_loop3A_3318 : vector<16xf32>
      %parallel_loop3A_3367 = arith.select %parallel_loop3A_3363, %parallel_loop3A_3319, %parallel_loop3A_3362 : vector<16xi1>, vector<16xi32>
      %parallel_loop3A_3368 = arith.cmpf oge, %parallel_loop3A_3366, %parallel_loop3A_3323 : vector<16xf32>
      %parallel_loop3A_3369 = arith.maximumf %parallel_loop3A_3366, %parallel_loop3A_3323 : vector<16xf32>
      %parallel_loop3A_3370 = arith.select %parallel_loop3A_3368, %parallel_loop3A_3367, %parallel_loop3A_3324 : vector<16xi1>, vector<16xi32>
      %parallel_loop3A_3371 = arith.constant 4 : i32
      %parallel_loop3A_3372 = arith.index_cast %parallel_loop3A_3371 : i32 to index
      %parallel_loop3A_3373 = arith.index_cast %parallel_loop3A_10 : i32 to index
      %parallel_loop3A_3374 = tpu.vector_load %arg5[%parallel_loop3A_3372, %parallel_loop3A_3373] {strides = array<i32>} : memref<64x1024xf32, #tpu.memory_space<vmem>>, vector<1x16xf32>,
      %parallel_loop3A_3375 = vector.shape_cast %parallel_loop3A_3374 : vector<1x16xf32> to vector<16xf32>
      %parallel_loop3A_3376 = arith.select %parallel_loop3A_633, %parallel_loop3A_3375, %broadcast_in_dim3A_5 : vector<16xi1>, vector<16xf32>
      %parallel_loop3A_3377 = arith.constant 4 : i32
      %parallel_loop3A_3378 = vector.broadcast %parallel_loop3A_3377 : i32 to vector<16xi32>
      %parallel_loop3A_3379 = arith.cmpf oge, %parallel_loop3A_3376, %parallel_loop3A_3334 : vector<16xf32>
      %parallel_loop3A_3380 = arith.maximumf %parallel_loop3A_3376, %parallel_loop3A_3334 : vector<16xf32>
      %parallel_loop3A_3381 = arith.select %parallel_loop3A_3379, %parallel_loop3A_3378, %parallel_loop3A_3335 : vector<16xi1>, vector<16xi32>
      %parallel_loop3A_3382 = arith.minimumf %parallel_loop3A_3376, %parallel_loop3A_3334 : vector<16xf32>
      %parallel_loop3A_3383 = arith.select %parallel_loop3A_3379, %parallel_loop3A_3335, %parallel_loop3A_3378 : vector<16xi1>, vector<16xi32>
      %parallel_loop3A_3384 = arith.cmpf oge, %parallel_loop3A_3382, %parallel_loop3A_3339 : vector<16xf32>
      %parallel_loop3A_3385 = arith.maximumf %parallel_loop3A_3382, %parallel_loop3A_3339 : vector<16xf32>
      %parallel_loop3A_3386 = arith.select %parallel_loop3A_3384, %parallel_loop3A_3383, %parallel_loop3A_3340 : vector<16xi1>, vector<16xi32>
      %parallel_loop3A_3387 = arith.minimumf %parallel_loop3A_3382, %parallel_loop3A_3339 : vector<16xf32>
      %parallel_loop3A_3388 = arith.select %parallel_loop3A_3384, %parallel_loop3A_3340, %parallel_loop3A_3383 : vector<16xi1>, vector<16xi32>
      %parallel_loop3A_3389 = arith.cmpf oge, %parallel_loop3A_3387, %parallel_loop3A_3344 : vector<16xf32>
      %parallel_loop3A_3390 = arith.maximumf %parallel_loop3A_3387, %parallel_loop3A_3344 : vector<16xf32>
      %parallel_loop3A_3391 = arith.select %parallel_loop3A_3389, %parallel_loop3A_3388, %parallel_loop3A_3345 : vector<16xi1>, vector<16xi32>
      %parallel_loop3A_3392 = arith.minimumf %parallel_loop3A_3387, %parallel_loop3A_3344 : vector<16xf32>
      %parallel_loop3A_3393 = arith.select %parallel_loop3A_3389, %parallel_loop3A_3345, %parallel_loop3A_3388 : vector<16xi1>, vector<16xi32>
      %parallel_loop3A_3394 = arith.cmpf oge, %parallel_loop3A_3392, %parallel_loop3A_3349 : vector<16xf32>
      %parallel_loop3A_3395 = arith.maximumf %parallel_loop3A_3392, %parallel_loop3A_3349 : vector<16xf32>
      %parallel_loop3A_3396 = arith.select %parallel_loop3A_3394, %parallel_loop3A_3393, %parallel_loop3A_3350 : vector<16xi1>, vector<16xi32>
      %parallel_loop3A_3397 = arith.minimumf %parallel_loop3A_3392, %parallel_loop3A_3349 : vector<16xf32>
      %parallel_loop3A_3398 = arith.select %parallel_loop3A_3394, %parallel_loop3A_3350, %parallel_loop3A_3393 : vector<16xi1>, vector<16xi32>
      %parallel_loop3A_3399 = arith.cmpf oge, %parallel_loop3A_3397, %parallel_loop3A_3354 : vector<16xf32>
      %parallel_loop3A_3400 = arith.maximumf %parallel_loop3A_3397, %parallel_loop3A_3354 : vector<16xf32>
      %parallel_loop3A_3401 = arith.select %parallel_loop3A_3399, %parallel_loop3A_3398, %parallel_loop3A_3355 : vector<16xi1>, vector<16xi32>
      %parallel_loop3A_3402 = arith.minimumf %parallel_loop3A_3397, %parallel_loop3A_3354 : vector<16xf32>
      %parallel_loop3A_3403 = arith.select %parallel_loop3A_3399, %parallel_loop3A_3355, %parallel_loop3A_3398 : vector<16xi1>, vector<16xi32>
      %parallel_loop3A_3404 = arith.cmpf oge, %parallel_loop3A_3402, %parallel_loop3A_3359 : vector<16xf32>
      %parallel_loop3A_3405 = arith.maximumf %parallel_loop3A_3402, %parallel_loop3A_3359 : vector<16xf32>
      %parallel_loop3A_3406 = arith.select %parallel_loop3A_3404, %parallel_loop3A_3403, %parallel_loop3A_3360 : vector<16xi1>, vector<16xi32>
      %parallel_loop3A_3407 = arith.minimumf %parallel_loop3A_3402, %parallel_loop3A_3359 : vector<16xf32>
      %parallel_loop3A_3408 = arith.select %parallel_loop3A_3404, %parallel_loop3A_3360, %parallel_loop3A_3403 : vector<16xi1>, vector<16xi32>
      %parallel_loop3A_3409 = arith.cmpf oge, %parallel_loop3A_3407, %parallel_loop3A_3364 : vector<16xf32>
      %parallel_loop3A_3410 = arith.maximumf %parallel_loop3A_3407, %parallel_loop3A_3364 : vector<16xf32>
      %parallel_loop3A_3411 = arith.select %parallel_loop3A_3409, %parallel_loop3A_3408, %parallel_loop3A_3365 : vector<16xi1>, vector<16xi32>
      %parallel_loop3A_3412 = arith.minimumf %parallel_loop3A_3407, %parallel_loop3A_3364 : vector<16xf32>
      %parallel_loop3A_3413 = arith.select %parallel_loop3A_3409, %parallel_loop3A_3365, %parallel_loop3A_3408 : vector<16xi1>, vector<16xi32>
      %parallel_loop3A_3414 = arith.cmpf oge, %parallel_loop3A_3412, %parallel_loop3A_3369 : vector<16xf32>
      %parallel_loop3A_3415 = arith.maximumf %parallel_loop3A_3412, %parallel_loop3A_3369 : vector<16xf32>
      %parallel_loop3A_3416 = arith.select %parallel_loop3A_3414, %parallel_loop3A_3413, %parallel_loop3A_3370 : vector<16xi1>, vector<16xi32>
      %parallel_loop3A_3417 = arith.constant 3 : i32
      %parallel_loop3A_3418 = arith.index_cast %parallel_loop3A_3417 : i32 to index
      %parallel_loop3A_3419 = arith.index_cast %parallel_loop3A_10 : i32 to index
      %parallel_loop3A_3420 = tpu.vector_load %arg5[%parallel_loop3A_3418, %parallel_loop3A_3419] {strides = array<i32>} : memref<64x1024xf32, #tpu.memory_space<vmem>>, vector<1x16xf32>,
      %parallel_loop3A_3421 = vector.shape_cast %parallel_loop3A_3420 : vector<1x16xf32> to vector<16xf32>
      %parallel_loop3A_3422 = arith.select %parallel_loop3A_633, %parallel_loop3A_3421, %broadcast_in_dim3A_5 : vector<16xi1>, vector<16xf32>
      %parallel_loop3A_3423 = arith.constant 3 : i32
      %parallel_loop3A_3424 = vector.broadcast %parallel_loop3A_3423 : i32 to vector<16xi32>
      %parallel_loop3A_3425 = arith.cmpf oge, %parallel_loop3A_3422, %parallel_loop3A_3380 : vector<16xf32>
      %parallel_loop3A_3426 = arith.maximumf %parallel_loop3A_3422, %parallel_loop3A_3380 : vector<16xf32>
      %parallel_loop3A_3427 = arith.select %parallel_loop3A_3425, %parallel_loop3A_3424, %parallel_loop3A_3381 : vector<16xi1>, vector<16xi32>
      %parallel_loop3A_3428 = arith.minimumf %parallel_loop3A_3422, %parallel_loop3A_3380 : vector<16xf32>
      %parallel_loop3A_3429 = arith.select %parallel_loop3A_3425, %parallel_loop3A_3381, %parallel_loop3A_3424 : vector<16xi1>, vector<16xi32>
      %parallel_loop3A_3430 = arith.cmpf oge, %parallel_loop3A_3428, %parallel_loop3A_3385 : vector<16xf32>
      %parallel_loop3A_3431 = arith.maximumf %parallel_loop3A_3428, %parallel_loop3A_3385 : vector<16xf32>
      %parallel_loop3A_3432 = arith.select %parallel_loop3A_3430, %parallel_loop3A_3429, %parallel_loop3A_3386 : vector<16xi1>, vector<16xi32>
      %parallel_loop3A_3433 = arith.minimumf %parallel_loop3A_3428, %parallel_loop3A_3385 : vector<16xf32>
      %parallel_loop3A_3434 = arith.select %parallel_loop3A_3430, %parallel_loop3A_3386, %parallel_loop3A_3429 : vector<16xi1>, vector<16xi32>
      %parallel_loop3A_3435 = arith.cmpf oge, %parallel_loop3A_3433, %parallel_loop3A_3390 : vector<16xf32>
      %parallel_loop3A_3436 = arith.maximumf %parallel_loop3A_3433, %parallel_loop3A_3390 : vector<16xf32>
      %parallel_loop3A_3437 = arith.select %parallel_loop3A_3435, %parallel_loop3A_3434, %parallel_loop3A_3391 : vector<16xi1>, vector<16xi32>
      %parallel_loop3A_3438 = arith.minimumf %parallel_loop3A_3433, %parallel_loop3A_3390 : vector<16xf32>
      %parallel_loop3A_3439 = arith.select %parallel_loop3A_3435, %parallel_loop3A_3391, %parallel_loop3A_3434 : vector<16xi1>, vector<16xi32>
      %parallel_loop3A_3440 = arith.cmpf oge, %parallel_loop3A_3438, %parallel_loop3A_3395 : vector<16xf32>
      %parallel_loop3A_3441 = arith.maximumf %parallel_loop3A_3438, %parallel_loop3A_3395 : vector<16xf32>
      %parallel_loop3A_3442 = arith.select %parallel_loop3A_3440, %parallel_loop3A_3439, %parallel_loop3A_3396 : vector<16xi1>, vector<16xi32>
      %parallel_loop3A_3443 = arith.minimumf %parallel_loop3A_3438, %parallel_loop3A_3395 : vector<16xf32>
      %parallel_loop3A_3444 = arith.select %parallel_loop3A_3440, %parallel_loop3A_3396, %parallel_loop3A_3439 : vector<16xi1>, vector<16xi32>
      %parallel_loop3A_3445 = arith.cmpf oge, %parallel_loop3A_3443, %parallel_loop3A_3400 : vector<16xf32>
      %parallel_loop3A_3446 = arith.maximumf %parallel_loop3A_3443, %parallel_loop3A_3400 : vector<16xf32>
      %parallel_loop3A_3447 = arith.select %parallel_loop3A_3445, %parallel_loop3A_3444, %parallel_loop3A_3401 : vector<16xi1>, vector<16xi32>
      %parallel_loop3A_3448 = arith.minimumf %parallel_loop3A_3443, %parallel_loop3A_3400 : vector<16xf32>
      %parallel_loop3A_3449 = arith.select %parallel_loop3A_3445, %parallel_loop3A_3401, %parallel_loop3A_3444 : vector<16xi1>, vector<16xi32>
      %parallel_loop3A_3450 = arith.cmpf oge, %parallel_loop3A_3448, %parallel_loop3A_3405 : vector<16xf32>
      %parallel_loop3A_3451 = arith.maximumf %parallel_loop3A_3448, %parallel_loop3A_3405 : vector<16xf32>
      %parallel_loop3A_3452 = arith.select %parallel_loop3A_3450, %parallel_loop3A_3449, %parallel_loop3A_3406 : vector<16xi1>, vector<16xi32>
      %parallel_loop3A_3453 = arith.minimumf %parallel_loop3A_3448, %parallel_loop3A_3405 : vector<16xf32>
      %parallel_loop3A_3454 = arith.select %parallel_loop3A_3450, %parallel_loop3A_3406, %parallel_loop3A_3449 : vector<16xi1>, vector<16xi32>
      %parallel_loop3A_3455 = arith.cmpf oge, %parallel_loop3A_3453, %parallel_loop3A_3410 : vector<16xf32>
      %parallel_loop3A_3456 = arith.maximumf %parallel_loop3A_3453, %parallel_loop3A_3410 : vector<16xf32>
      %parallel_loop3A_3457 = arith.select %parallel_loop3A_3455, %parallel_loop3A_3454, %parallel_loop3A_3411 : vector<16xi1>, vector<16xi32>
      %parallel_loop3A_3458 = arith.minimumf %parallel_loop3A_3453, %parallel_loop3A_3410 : vector<16xf32>
      %parallel_loop3A_3459 = arith.select %parallel_loop3A_3455, %parallel_loop3A_3411, %parallel_loop3A_3454 : vector<16xi1>, vector<16xi32>
      %parallel_loop3A_3460 = arith.cmpf oge, %parallel_loop3A_3458, %parallel_loop3A_3415 : vector<16xf32>
      %parallel_loop3A_3461 = arith.maximumf %parallel_loop3A_3458, %parallel_loop3A_3415 : vector<16xf32>
      %parallel_loop3A_3462 = arith.select %parallel_loop3A_3460, %parallel_loop3A_3459, %parallel_loop3A_3416 : vector<16xi1>, vector<16xi32>
      %parallel_loop3A_3463 = arith.constant 2 : i32
      %parallel_loop3A_3464 = arith.index_cast %parallel_loop3A_3463 : i32 to index
      %parallel_loop3A_3465 = arith.index_cast %parallel_loop3A_10 : i32 to index
      %parallel_loop3A_3466 = tpu.vector_load %arg5[%parallel_loop3A_3464, %parallel_loop3A_3465] {strides = array<i32>} : memref<64x1024xf32, #tpu.memory_space<vmem>>, vector<1x16xf32>,
      %parallel_loop3A_3467 = vector.shape_cast %parallel_loop3A_3466 : vector<1x16xf32> to vector<16xf32>
      %parallel_loop3A_3468 = arith.select %parallel_loop3A_633, %parallel_loop3A_3467, %broadcast_in_dim3A_5 : vector<16xi1>, vector<16xf32>
      %parallel_loop3A_3469 = arith.constant 2 : i32
      %parallel_loop3A_3470 = vector.broadcast %parallel_loop3A_3469 : i32 to vector<16xi32>
      %parallel_loop3A_3471 = arith.cmpf oge, %parallel_loop3A_3468, %parallel_loop3A_3426 : vector<16xf32>
      %parallel_loop3A_3472 = arith.maximumf %parallel_loop3A_3468, %parallel_loop3A_3426 : vector<16xf32>
      %parallel_loop3A_3473 = arith.select %parallel_loop3A_3471, %parallel_loop3A_3470, %parallel_loop3A_3427 : vector<16xi1>, vector<16xi32>
      %parallel_loop3A_3474 = arith.minimumf %parallel_loop3A_3468, %parallel_loop3A_3426 : vector<16xf32>
      %parallel_loop3A_3475 = arith.select %parallel_loop3A_3471, %parallel_loop3A_3427, %parallel_loop3A_3470 : vector<16xi1>, vector<16xi32>
      %parallel_loop3A_3476 = arith.cmpf oge, %parallel_loop3A_3474, %parallel_loop3A_3431 : vector<16xf32>
      %parallel_loop3A_3477 = arith.maximumf %parallel_loop3A_3474, %parallel_loop3A_3431 : vector<16xf32>
      %parallel_loop3A_3478 = arith.select %parallel_loop3A_3476, %parallel_loop3A_3475, %parallel_loop3A_3432 : vector<16xi1>, vector<16xi32>
      %parallel_loop3A_3479 = arith.minimumf %parallel_loop3A_3474, %parallel_loop3A_3431 : vector<16xf32>
      %parallel_loop3A_3480 = arith.select %parallel_loop3A_3476, %parallel_loop3A_3432, %parallel_loop3A_3475 : vector<16xi1>, vector<16xi32>
      %parallel_loop3A_3481 = arith.cmpf oge, %parallel_loop3A_3479, %parallel_loop3A_3436 : vector<16xf32>
      %parallel_loop3A_3482 = arith.maximumf %parallel_loop3A_3479, %parallel_loop3A_3436 : vector<16xf32>
      %parallel_loop3A_3483 = arith.select %parallel_loop3A_3481, %parallel_loop3A_3480, %parallel_loop3A_3437 : vector<16xi1>, vector<16xi32>
      %parallel_loop3A_3484 = arith.minimumf %parallel_loop3A_3479, %parallel_loop3A_3436 : vector<16xf32>
      %parallel_loop3A_3485 = arith.select %parallel_loop3A_3481, %parallel_loop3A_3437, %parallel_loop3A_3480 : vector<16xi1>, vector<16xi32>
      %parallel_loop3A_3486 = arith.cmpf oge, %parallel_loop3A_3484, %parallel_loop3A_3441 : vector<16xf32>
      %parallel_loop3A_3487 = arith.maximumf %parallel_loop3A_3484, %parallel_loop3A_3441 : vector<16xf32>
      %parallel_loop3A_3488 = arith.select %parallel_loop3A_3486, %parallel_loop3A_3485, %parallel_loop3A_3442 : vector<16xi1>, vector<16xi32>
      %parallel_loop3A_3489 = arith.minimumf %parallel_loop3A_3484, %parallel_loop3A_3441 : vector<16xf32>
      %parallel_loop3A_3490 = arith.select %parallel_loop3A_3486, %parallel_loop3A_3442, %parallel_loop3A_3485 : vector<16xi1>, vector<16xi32>
      %parallel_loop3A_3491 = arith.cmpf oge, %parallel_loop3A_3489, %parallel_loop3A_3446 : vector<16xf32>
      %parallel_loop3A_3492 = arith.maximumf %parallel_loop3A_3489, %parallel_loop3A_3446 : vector<16xf32>
      %parallel_loop3A_3493 = arith.select %parallel_loop3A_3491, %parallel_loop3A_3490, %parallel_loop3A_3447 : vector<16xi1>, vector<16xi32>
      %parallel_loop3A_3494 = arith.minimumf %parallel_loop3A_3489, %parallel_loop3A_3446 : vector<16xf32>
      %parallel_loop3A_3495 = arith.select %parallel_loop3A_3491, %parallel_loop3A_3447, %parallel_loop3A_3490 : vector<16xi1>, vector<16xi32>
      %parallel_loop3A_3496 = arith.cmpf oge, %parallel_loop3A_3494, %parallel_loop3A_3451 : vector<16xf32>
      %parallel_loop3A_3497 = arith.maximumf %parallel_loop3A_3494, %parallel_loop3A_3451 : vector<16xf32>
      %parallel_loop3A_3498 = arith.select %parallel_loop3A_3496, %parallel_loop3A_3495, %parallel_loop3A_3452 : vector<16xi1>, vector<16xi32>
      %parallel_loop3A_3499 = arith.minimumf %parallel_loop3A_3494, %parallel_loop3A_3451 : vector<16xf32>
      %parallel_loop3A_3500 = arith.select %parallel_loop3A_3496, %parallel_loop3A_3452, %parallel_loop3A_3495 : vector<16xi1>, vector<16xi32>
      %parallel_loop3A_3501 = arith.cmpf oge, %parallel_loop3A_3499, %parallel_loop3A_3456 : vector<16xf32>
      %parallel_loop3A_3502 = arith.maximumf %parallel_loop3A_3499, %parallel_loop3A_3456 : vector<16xf32>
      %parallel_loop3A_3503 = arith.select %parallel_loop3A_3501, %parallel_loop3A_3500, %parallel_loop3A_3457 : vector<16xi1>, vector<16xi32>
      %parallel_loop3A_3504 = arith.minimumf %parallel_loop3A_3499, %parallel_loop3A_3456 : vector<16xf32>
      %parallel_loop3A_3505 = arith.select %parallel_loop3A_3501, %parallel_loop3A_3457, %parallel_loop3A_3500 : vector<16xi1>, vector<16xi32>
      %parallel_loop3A_3506 = arith.cmpf oge, %parallel_loop3A_3504, %parallel_loop3A_3461 : vector<16xf32>
      %parallel_loop3A_3507 = arith.maximumf %parallel_loop3A_3504, %parallel_loop3A_3461 : vector<16xf32>
      %parallel_loop3A_3508 = arith.select %parallel_loop3A_3506, %parallel_loop3A_3505, %parallel_loop3A_3462 : vector<16xi1>, vector<16xi32>
      %parallel_loop3A_3509 = arith.constant 1 : i32
      %parallel_loop3A_3510 = arith.index_cast %parallel_loop3A_3509 : i32 to index
      %parallel_loop3A_3511 = arith.index_cast %parallel_loop3A_10 : i32 to index
      %parallel_loop3A_3512 = tpu.vector_load %arg5[%parallel_loop3A_3510, %parallel_loop3A_3511] {strides = array<i32>} : memref<64x1024xf32, #tpu.memory_space<vmem>>, vector<1x16xf32>,
      %parallel_loop3A_3513 = vector.shape_cast %parallel_loop3A_3512 : vector<1x16xf32> to vector<16xf32>
      %parallel_loop3A_3514 = arith.select %parallel_loop3A_633, %parallel_loop3A_3513, %broadcast_in_dim3A_5 : vector<16xi1>, vector<16xf32>
      %parallel_loop3A_3515 = arith.constant 1 : i32
      %parallel_loop3A_3516 = vector.broadcast %parallel_loop3A_3515 : i32 to vector<16xi32>
      %parallel_loop3A_3517 = arith.cmpf oge, %parallel_loop3A_3514, %parallel_loop3A_3472 : vector<16xf32>
      %parallel_loop3A_3518 = arith.maximumf %parallel_loop3A_3514, %parallel_loop3A_3472 : vector<16xf32>
      %parallel_loop3A_3519 = arith.select %parallel_loop3A_3517, %parallel_loop3A_3516, %parallel_loop3A_3473 : vector<16xi1>, vector<16xi32>
      %parallel_loop3A_3520 = arith.minimumf %parallel_loop3A_3514, %parallel_loop3A_3472 : vector<16xf32>
      %parallel_loop3A_3521 = arith.select %parallel_loop3A_3517, %parallel_loop3A_3473, %parallel_loop3A_3516 : vector<16xi1>, vector<16xi32>
      %parallel_loop3A_3522 = arith.cmpf oge, %parallel_loop3A_3520, %parallel_loop3A_3477 : vector<16xf32>
      %parallel_loop3A_3523 = arith.maximumf %parallel_loop3A_3520, %parallel_loop3A_3477 : vector<16xf32>
      %parallel_loop3A_3524 = arith.select %parallel_loop3A_3522, %parallel_loop3A_3521, %parallel_loop3A_3478 : vector<16xi1>, vector<16xi32>
      %parallel_loop3A_3525 = arith.minimumf %parallel_loop3A_3520, %parallel_loop3A_3477 : vector<16xf32>
      %parallel_loop3A_3526 = arith.select %parallel_loop3A_3522, %parallel_loop3A_3478, %parallel_loop3A_3521 : vector<16xi1>, vector<16xi32>
      %parallel_loop3A_3527 = arith.cmpf oge, %parallel_loop3A_3525, %parallel_loop3A_3482 : vector<16xf32>
      %parallel_loop3A_3528 = arith.maximumf %parallel_loop3A_3525, %parallel_loop3A_3482 : vector<16xf32>
      %parallel_loop3A_3529 = arith.select %parallel_loop3A_3527, %parallel_loop3A_3526, %parallel_loop3A_3483 : vector<16xi1>, vector<16xi32>
      %parallel_loop3A_3530 = arith.minimumf %parallel_loop3A_3525, %parallel_loop3A_3482 : vector<16xf32>
      %parallel_loop3A_3531 = arith.select %parallel_loop3A_3527, %parallel_loop3A_3483, %parallel_loop3A_3526 : vector<16xi1>, vector<16xi32>
      %parallel_loop3A_3532 = arith.cmpf oge, %parallel_loop3A_3530, %parallel_loop3A_3487 : vector<16xf32>
      %parallel_loop3A_3533 = arith.maximumf %parallel_loop3A_3530, %parallel_loop3A_3487 : vector<16xf32>
      %parallel_loop3A_3534 = arith.select %parallel_loop3A_3532, %parallel_loop3A_3531, %parallel_loop3A_3488 : vector<16xi1>, vector<16xi32>
      %parallel_loop3A_3535 = arith.minimumf %parallel_loop3A_3530, %parallel_loop3A_3487 : vector<16xf32>
      %parallel_loop3A_3536 = arith.select %parallel_loop3A_3532, %parallel_loop3A_3488, %parallel_loop3A_3531 : vector<16xi1>, vector<16xi32>
      %parallel_loop3A_3537 = arith.cmpf oge, %parallel_loop3A_3535, %parallel_loop3A_3492 : vector<16xf32>
      %parallel_loop3A_3538 = arith.maximumf %parallel_loop3A_3535, %parallel_loop3A_3492 : vector<16xf32>
      %parallel_loop3A_3539 = arith.select %parallel_loop3A_3537, %parallel_loop3A_3536, %parallel_loop3A_3493 : vector<16xi1>, vector<16xi32>
      %parallel_loop3A_3540 = arith.minimumf %parallel_loop3A_3535, %parallel_loop3A_3492 : vector<16xf32>
      %parallel_loop3A_3541 = arith.select %parallel_loop3A_3537, %parallel_loop3A_3493, %parallel_loop3A_3536 : vector<16xi1>, vector<16xi32>
      %parallel_loop3A_3542 = arith.cmpf oge, %parallel_loop3A_3540, %parallel_loop3A_3497 : vector<16xf32>
      %parallel_loop3A_3543 = arith.maximumf %parallel_loop3A_3540, %parallel_loop3A_3497 : vector<16xf32>
      %parallel_loop3A_3544 = arith.select %parallel_loop3A_3542, %parallel_loop3A_3541, %parallel_loop3A_3498 : vector<16xi1>, vector<16xi32>
      %parallel_loop3A_3545 = arith.minimumf %parallel_loop3A_3540, %parallel_loop3A_3497 : vector<16xf32>
      %parallel_loop3A_3546 = arith.select %parallel_loop3A_3542, %parallel_loop3A_3498, %parallel_loop3A_3541 : vector<16xi1>, vector<16xi32>
      %parallel_loop3A_3547 = arith.cmpf oge, %parallel_loop3A_3545, %parallel_loop3A_3502 : vector<16xf32>
      %parallel_loop3A_3548 = arith.maximumf %parallel_loop3A_3545, %parallel_loop3A_3502 : vector<16xf32>
      %parallel_loop3A_3549 = arith.select %parallel_loop3A_3547, %parallel_loop3A_3546, %parallel_loop3A_3503 : vector<16xi1>, vector<16xi32>
      %parallel_loop3A_3550 = arith.minimumf %parallel_loop3A_3545, %parallel_loop3A_3502 : vector<16xf32>
      %parallel_loop3A_3551 = arith.select %parallel_loop3A_3547, %parallel_loop3A_3503, %parallel_loop3A_3546 : vector<16xi1>, vector<16xi32>
      %parallel_loop3A_3552 = arith.cmpf oge, %parallel_loop3A_3550, %parallel_loop3A_3507 : vector<16xf32>
      %parallel_loop3A_3553 = arith.maximumf %parallel_loop3A_3550, %parallel_loop3A_3507 : vector<16xf32>
      %parallel_loop3A_3554 = arith.select %parallel_loop3A_3552, %parallel_loop3A_3551, %parallel_loop3A_3508 : vector<16xi1>, vector<16xi32>
      %parallel_loop3A_3555 = arith.constant 0 : i32
      %parallel_loop3A_3556 = arith.index_cast %parallel_loop3A_3555 : i32 to index
      %parallel_loop3A_3557 = arith.index_cast %parallel_loop3A_10 : i32 to index
      %parallel_loop3A_3558 = tpu.vector_load %arg5[%parallel_loop3A_3556, %parallel_loop3A_3557] {strides = array<i32>} : memref<64x1024xf32, #tpu.memory_space<vmem>>, vector<1x16xf32>,
      %parallel_loop3A_3559 = vector.shape_cast %parallel_loop3A_3558 : vector<1x16xf32> to vector<16xf32>
      %parallel_loop3A_3560 = arith.select %parallel_loop3A_633, %parallel_loop3A_3559, %broadcast_in_dim3A_5 : vector<16xi1>, vector<16xf32>
      %parallel_loop3A_3561 = arith.constant 0 : i32
      %parallel_loop3A_3562 = vector.broadcast %parallel_loop3A_3561 : i32 to vector<16xi32>
      %parallel_loop3A_3563 = arith.cmpf oge, %parallel_loop3A_3560, %parallel_loop3A_3518 : vector<16xf32>
      %parallel_loop3A_3564 = arith.maximumf %parallel_loop3A_3560, %parallel_loop3A_3518 : vector<16xf32>
      %parallel_loop3A_3565 = arith.select %parallel_loop3A_3563, %parallel_loop3A_3562, %parallel_loop3A_3519 : vector<16xi1>, vector<16xi32>
      %parallel_loop3A_3566 = arith.minimumf %parallel_loop3A_3560, %parallel_loop3A_3518 : vector<16xf32>
      %parallel_loop3A_3567 = arith.select %parallel_loop3A_3563, %parallel_loop3A_3519, %parallel_loop3A_3562 : vector<16xi1>, vector<16xi32>
      %parallel_loop3A_3568 = arith.cmpf oge, %parallel_loop3A_3566, %parallel_loop3A_3523 : vector<16xf32>
      %parallel_loop3A_3569 = arith.maximumf %parallel_loop3A_3566, %parallel_loop3A_3523 : vector<16xf32>
      %parallel_loop3A_3570 = arith.select %parallel_loop3A_3568, %parallel_loop3A_3567, %parallel_loop3A_3524 : vector<16xi1>, vector<16xi32>
      %parallel_loop3A_3571 = arith.minimumf %parallel_loop3A_3566, %parallel_loop3A_3523 : vector<16xf32>
      %parallel_loop3A_3572 = arith.select %parallel_loop3A_3568, %parallel_loop3A_3524, %parallel_loop3A_3567 : vector<16xi1>, vector<16xi32>
      %parallel_loop3A_3573 = arith.cmpf oge, %parallel_loop3A_3571, %parallel_loop3A_3528 : vector<16xf32>
      %parallel_loop3A_3574 = arith.maximumf %parallel_loop3A_3571, %parallel_loop3A_3528 : vector<16xf32>
      %parallel_loop3A_3575 = arith.select %parallel_loop3A_3573, %parallel_loop3A_3572, %parallel_loop3A_3529 : vector<16xi1>, vector<16xi32>
      %parallel_loop3A_3576 = arith.minimumf %parallel_loop3A_3571, %parallel_loop3A_3528 : vector<16xf32>
      %parallel_loop3A_3577 = arith.select %parallel_loop3A_3573, %parallel_loop3A_3529, %parallel_loop3A_3572 : vector<16xi1>, vector<16xi32>
      %parallel_loop3A_3578 = arith.cmpf oge, %parallel_loop3A_3576, %parallel_loop3A_3533 : vector<16xf32>
      %parallel_loop3A_3579 = arith.maximumf %parallel_loop3A_3576, %parallel_loop3A_3533 : vector<16xf32>
      %parallel_loop3A_3580 = arith.select %parallel_loop3A_3578, %parallel_loop3A_3577, %parallel_loop3A_3534 : vector<16xi1>, vector<16xi32>
      %parallel_loop3A_3581 = arith.minimumf %parallel_loop3A_3576, %parallel_loop3A_3533 : vector<16xf32>
      %parallel_loop3A_3582 = arith.select %parallel_loop3A_3578, %parallel_loop3A_3534, %parallel_loop3A_3577 : vector<16xi1>, vector<16xi32>
      %parallel_loop3A_3583 = arith.cmpf oge, %parallel_loop3A_3581, %parallel_loop3A_3538 : vector<16xf32>
      %parallel_loop3A_3584 = arith.maximumf %parallel_loop3A_3581, %parallel_loop3A_3538 : vector<16xf32>
      %parallel_loop3A_3585 = arith.select %parallel_loop3A_3583, %parallel_loop3A_3582, %parallel_loop3A_3539 : vector<16xi1>, vector<16xi32>
      %parallel_loop3A_3586 = arith.minimumf %parallel_loop3A_3581, %parallel_loop3A_3538 : vector<16xf32>
      %parallel_loop3A_3587 = arith.select %parallel_loop3A_3583, %parallel_loop3A_3539, %parallel_loop3A_3582 : vector<16xi1>, vector<16xi32>
      %parallel_loop3A_3588 = arith.cmpf oge, %parallel_loop3A_3586, %parallel_loop3A_3543 : vector<16xf32>
      %parallel_loop3A_3589 = arith.maximumf %parallel_loop3A_3586, %parallel_loop3A_3543 : vector<16xf32>
      %parallel_loop3A_3590 = arith.select %parallel_loop3A_3588, %parallel_loop3A_3587, %parallel_loop3A_3544 : vector<16xi1>, vector<16xi32>
      %parallel_loop3A_3591 = arith.minimumf %parallel_loop3A_3586, %parallel_loop3A_3543 : vector<16xf32>
      %parallel_loop3A_3592 = arith.select %parallel_loop3A_3588, %parallel_loop3A_3544, %parallel_loop3A_3587 : vector<16xi1>, vector<16xi32>
      %parallel_loop3A_3593 = arith.cmpf oge, %parallel_loop3A_3591, %parallel_loop3A_3548 : vector<16xf32>
      %parallel_loop3A_3594 = arith.maximumf %parallel_loop3A_3591, %parallel_loop3A_3548 : vector<16xf32>
      %parallel_loop3A_3595 = arith.select %parallel_loop3A_3593, %parallel_loop3A_3592, %parallel_loop3A_3549 : vector<16xi1>, vector<16xi32>
      %parallel_loop3A_3596 = arith.minimumf %parallel_loop3A_3591, %parallel_loop3A_3548 : vector<16xf32>
      %parallel_loop3A_3597 = arith.select %parallel_loop3A_3593, %parallel_loop3A_3549, %parallel_loop3A_3592 : vector<16xi1>, vector<16xi32>
      %parallel_loop3A_3598 = arith.cmpf oge, %parallel_loop3A_3596, %parallel_loop3A_3553 : vector<16xf32>
      %parallel_loop3A_3599 = arith.maximumf %parallel_loop3A_3596, %parallel_loop3A_3553 : vector<16xf32>
      %parallel_loop3A_3600 = arith.select %parallel_loop3A_3598, %parallel_loop3A_3597, %parallel_loop3A_3554 : vector<16xi1>, vector<16xi32>
      %parallel_loop3A_3601 = arith.addf %parallel_loop3A_3564, %parallel_loop3A_3569 : vector<16xf32>
      %parallel_loop3A_3602 = arith.addf %parallel_loop3A_3601, %parallel_loop3A_3574 : vector<16xf32>
      %parallel_loop3A_3603 = arith.addf %parallel_loop3A_3602, %parallel_loop3A_3579 : vector<16xf32>
      %parallel_loop3A_3604 = arith.addf %parallel_loop3A_3603, %parallel_loop3A_3584 : vector<16xf32>
      %parallel_loop3A_3605 = arith.addf %parallel_loop3A_3604, %parallel_loop3A_3589 : vector<16xf32>
      %parallel_loop3A_3606 = arith.addf %parallel_loop3A_3605, %parallel_loop3A_3594 : vector<16xf32>
      %parallel_loop3A_3607 = arith.addf %parallel_loop3A_3606, %parallel_loop3A_3599 : vector<16xf32>
      %parallel_loop3A_3608 = arith.constant 9.99999968E-21 : f32
      %parallel_loop3A_3609 = vector.broadcast %parallel_loop3A_3608 : f32 to vector<16xf32>
      %parallel_loop3A_3610 = arith.addf %parallel_loop3A_3607, %parallel_loop3A_3609 : vector<16xf32>
      %parallel_loop3A_3611 = arith.constant 2.500000e+00 : f32
      %parallel_loop3A_3612 = vector.broadcast %parallel_loop3A_3611 : f32 to vector<16xf32>
      %parallel_loop3A_3613 = arith.divf %parallel_loop3A_3612, %parallel_loop3A_3610 : vector<16xf32>
      %parallel_loop3A_3614 = arith.constant 0 : i32
      %parallel_loop3A_3615 = arith.index_cast %parallel_loop3A_3614 : i32 to index
      %parallel_loop3A_3616 = arith.index_cast %parallel_loop3A_10 : i32 to index
      %parallel_loop3A_3617 = tpu.vector_load %arg6[%parallel_loop3A_3615, %parallel_loop3A_3616] {strides = array<i32>} : memref<8x1024xi32, #tpu.memory_space<vmem>>, vector<1x16xi32>,
      %parallel_loop3A_3618 = vector.shape_cast %parallel_loop3A_3617 : vector<1x16xi32> to vector<16xi32>
      %parallel_loop3A_3619 = vector.shape_cast %parallel_loop3A_3565 : vector<16xi32> to vector<1x16xi32>
      tpu.vector_store %arg6[%parallel_loop3A_3615, %parallel_loop3A_3616], %parallel_loop3A_3619 {strides = array<i32>} : memref<8x1024xi32, #tpu.memory_space<vmem>>, vector<1x16xi32>,
      %parallel_loop3A_3620 = arith.mulf %parallel_loop3A_3564, %parallel_loop3A_3613 : vector<16xf32>
      %parallel_loop3A_3621 = arith.constant 0 : i32
      %parallel_loop3A_3622 = arith.index_cast %parallel_loop3A_3621 : i32 to index
      %parallel_loop3A_3623 = arith.index_cast %parallel_loop3A_10 : i32 to index
      %parallel_loop3A_3624 = tpu.vector_load %arg7[%parallel_loop3A_3622, %parallel_loop3A_3623] {strides = array<i32>} : memref<8x1024xf32, #tpu.memory_space<vmem>>, vector<1x16xf32>,
      %parallel_loop3A_3625 = vector.shape_cast %parallel_loop3A_3624 : vector<1x16xf32> to vector<16xf32>
      %parallel_loop3A_3626 = vector.shape_cast %parallel_loop3A_3620 : vector<16xf32> to vector<1x16xf32>
      tpu.vector_store %arg7[%parallel_loop3A_3622, %parallel_loop3A_3623], %parallel_loop3A_3626 {strides = array<i32>} : memref<8x1024xf32, #tpu.memory_space<vmem>>, vector<1x16xf32>,
      %parallel_loop3A_3627 = arith.constant 1 : i32
      %parallel_loop3A_3628 = arith.index_cast %parallel_loop3A_3627 : i32 to index
      %parallel_loop3A_3629 = arith.index_cast %parallel_loop3A_10 : i32 to index
      %parallel_loop3A_3630 = tpu.vector_load %arg6[%parallel_loop3A_3628, %parallel_loop3A_3629] {strides = array<i32>} : memref<8x1024xi32, #tpu.memory_space<vmem>>, vector<1x16xi32>,
      %parallel_loop3A_3631 = vector.shape_cast %parallel_loop3A_3630 : vector<1x16xi32> to vector<16xi32>
      %parallel_loop3A_3632 = vector.shape_cast %parallel_loop3A_3570 : vector<16xi32> to vector<1x16xi32>
      tpu.vector_store %arg6[%parallel_loop3A_3628, %parallel_loop3A_3629], %parallel_loop3A_3632 {strides = array<i32>} : memref<8x1024xi32, #tpu.memory_space<vmem>>, vector<1x16xi32>,
      %parallel_loop3A_3633 = arith.mulf %parallel_loop3A_3569, %parallel_loop3A_3613 : vector<16xf32>
      %parallel_loop3A_3634 = arith.constant 1 : i32
      %parallel_loop3A_3635 = arith.index_cast %parallel_loop3A_3634 : i32 to index
      %parallel_loop3A_3636 = arith.index_cast %parallel_loop3A_10 : i32 to index
      %parallel_loop3A_3637 = tpu.vector_load %arg7[%parallel_loop3A_3635, %parallel_loop3A_3636] {strides = array<i32>} : memref<8x1024xf32, #tpu.memory_space<vmem>>, vector<1x16xf32>,
      %parallel_loop3A_3638 = vector.shape_cast %parallel_loop3A_3637 : vector<1x16xf32> to vector<16xf32>
      %parallel_loop3A_3639 = vector.shape_cast %parallel_loop3A_3633 : vector<16xf32> to vector<1x16xf32>
      tpu.vector_store %arg7[%parallel_loop3A_3635, %parallel_loop3A_3636], %parallel_loop3A_3639 {strides = array<i32>} : memref<8x1024xf32, #tpu.memory_space<vmem>>, vector<1x16xf32>,
      %parallel_loop3A_3640 = arith.constant 2 : i32
      %parallel_loop3A_3641 = arith.index_cast %parallel_loop3A_3640 : i32 to index
      %parallel_loop3A_3642 = arith.index_cast %parallel_loop3A_10 : i32 to index
      %parallel_loop3A_3643 = tpu.vector_load %arg6[%parallel_loop3A_3641, %parallel_loop3A_3642] {strides = array<i32>} : memref<8x1024xi32, #tpu.memory_space<vmem>>, vector<1x16xi32>,
      %parallel_loop3A_3644 = vector.shape_cast %parallel_loop3A_3643 : vector<1x16xi32> to vector<16xi32>
      %parallel_loop3A_3645 = vector.shape_cast %parallel_loop3A_3575 : vector<16xi32> to vector<1x16xi32>
      tpu.vector_store %arg6[%parallel_loop3A_3641, %parallel_loop3A_3642], %parallel_loop3A_3645 {strides = array<i32>} : memref<8x1024xi32, #tpu.memory_space<vmem>>, vector<1x16xi32>,
      %parallel_loop3A_3646 = arith.mulf %parallel_loop3A_3574, %parallel_loop3A_3613 : vector<16xf32>
      %parallel_loop3A_3647 = arith.constant 2 : i32
      %parallel_loop3A_3648 = arith.index_cast %parallel_loop3A_3647 : i32 to index
      %parallel_loop3A_3649 = arith.index_cast %parallel_loop3A_10 : i32 to index
      %parallel_loop3A_3650 = tpu.vector_load %arg7[%parallel_loop3A_3648, %parallel_loop3A_3649] {strides = array<i32>} : memref<8x1024xf32, #tpu.memory_space<vmem>>, vector<1x16xf32>,
      %parallel_loop3A_3651 = vector.shape_cast %parallel_loop3A_3650 : vector<1x16xf32> to vector<16xf32>
      %parallel_loop3A_3652 = vector.shape_cast %parallel_loop3A_3646 : vector<16xf32> to vector<1x16xf32>
      tpu.vector_store %arg7[%parallel_loop3A_3648, %parallel_loop3A_3649], %parallel_loop3A_3652 {strides = array<i32>} : memref<8x1024xf32, #tpu.memory_space<vmem>>, vector<1x16xf32>,
      %parallel_loop3A_3653 = arith.constant 3 : i32
      %parallel_loop3A_3654 = arith.index_cast %parallel_loop3A_3653 : i32 to index
      %parallel_loop3A_3655 = arith.index_cast %parallel_loop3A_10 : i32 to index
      %parallel_loop3A_3656 = tpu.vector_load %arg6[%parallel_loop3A_3654, %parallel_loop3A_3655] {strides = array<i32>} : memref<8x1024xi32, #tpu.memory_space<vmem>>, vector<1x16xi32>,
      %parallel_loop3A_3657 = vector.shape_cast %parallel_loop3A_3656 : vector<1x16xi32> to vector<16xi32>
      %parallel_loop3A_3658 = vector.shape_cast %parallel_loop3A_3580 : vector<16xi32> to vector<1x16xi32>
      tpu.vector_store %arg6[%parallel_loop3A_3654, %parallel_loop3A_3655], %parallel_loop3A_3658 {strides = array<i32>} : memref<8x1024xi32, #tpu.memory_space<vmem>>, vector<1x16xi32>,
      %parallel_loop3A_3659 = arith.mulf %parallel_loop3A_3579, %parallel_loop3A_3613 : vector<16xf32>
      %parallel_loop3A_3660 = arith.constant 3 : i32
      %parallel_loop3A_3661 = arith.index_cast %parallel_loop3A_3660 : i32 to index
      %parallel_loop3A_3662 = arith.index_cast %parallel_loop3A_10 : i32 to index
      %parallel_loop3A_3663 = tpu.vector_load %arg7[%parallel_loop3A_3661, %parallel_loop3A_3662] {strides = array<i32>} : memref<8x1024xf32, #tpu.memory_space<vmem>>, vector<1x16xf32>,
      %parallel_loop3A_3664 = vector.shape_cast %parallel_loop3A_3663 : vector<1x16xf32> to vector<16xf32>
      %parallel_loop3A_3665 = vector.shape_cast %parallel_loop3A_3659 : vector<16xf32> to vector<1x16xf32>
      tpu.vector_store %arg7[%parallel_loop3A_3661, %parallel_loop3A_3662], %parallel_loop3A_3665 {strides = array<i32>} : memref<8x1024xf32, #tpu.memory_space<vmem>>, vector<1x16xf32>,
      %parallel_loop3A_3666 = arith.constant 4 : i32
      %parallel_loop3A_3667 = arith.index_cast %parallel_loop3A_3666 : i32 to index
      %parallel_loop3A_3668 = arith.index_cast %parallel_loop3A_10 : i32 to index
      %parallel_loop3A_3669 = tpu.vector_load %arg6[%parallel_loop3A_3667, %parallel_loop3A_3668] {strides = array<i32>} : memref<8x1024xi32, #tpu.memory_space<vmem>>, vector<1x16xi32>,
      %parallel_loop3A_3670 = vector.shape_cast %parallel_loop3A_3669 : vector<1x16xi32> to vector<16xi32>
      %parallel_loop3A_3671 = vector.shape_cast %parallel_loop3A_3585 : vector<16xi32> to vector<1x16xi32>
      tpu.vector_store %arg6[%parallel_loop3A_3667, %parallel_loop3A_3668], %parallel_loop3A_3671 {strides = array<i32>} : memref<8x1024xi32, #tpu.memory_space<vmem>>, vector<1x16xi32>,
      %parallel_loop3A_3672 = arith.mulf %parallel_loop3A_3584, %parallel_loop3A_3613 : vector<16xf32>
      %parallel_loop3A_3673 = arith.constant 4 : i32
      %parallel_loop3A_3674 = arith.index_cast %parallel_loop3A_3673 : i32 to index
      %parallel_loop3A_3675 = arith.index_cast %parallel_loop3A_10 : i32 to index
      %parallel_loop3A_3676 = tpu.vector_load %arg7[%parallel_loop3A_3674, %parallel_loop3A_3675] {strides = array<i32>} : memref<8x1024xf32, #tpu.memory_space<vmem>>, vector<1x16xf32>,
      %parallel_loop3A_3677 = vector.shape_cast %parallel_loop3A_3676 : vector<1x16xf32> to vector<16xf32>
      %parallel_loop3A_3678 = vector.shape_cast %parallel_loop3A_3672 : vector<16xf32> to vector<1x16xf32>
      tpu.vector_store %arg7[%parallel_loop3A_3674, %parallel_loop3A_3675], %parallel_loop3A_3678 {strides = array<i32>} : memref<8x1024xf32, #tpu.memory_space<vmem>>, vector<1x16xf32>,
      %parallel_loop3A_3679 = arith.constant 5 : i32
      %parallel_loop3A_3680 = arith.index_cast %parallel_loop3A_3679 : i32 to index
      %parallel_loop3A_3681 = arith.index_cast %parallel_loop3A_10 : i32 to index
      %parallel_loop3A_3682 = tpu.vector_load %arg6[%parallel_loop3A_3680, %parallel_loop3A_3681] {strides = array<i32>} : memref<8x1024xi32, #tpu.memory_space<vmem>>, vector<1x16xi32>,
      %parallel_loop3A_3683 = vector.shape_cast %parallel_loop3A_3682 : vector<1x16xi32> to vector<16xi32>
      %parallel_loop3A_3684 = vector.shape_cast %parallel_loop3A_3590 : vector<16xi32> to vector<1x16xi32>
      tpu.vector_store %arg6[%parallel_loop3A_3680, %parallel_loop3A_3681], %parallel_loop3A_3684 {strides = array<i32>} : memref<8x1024xi32, #tpu.memory_space<vmem>>, vector<1x16xi32>,
      %parallel_loop3A_3685 = arith.mulf %parallel_loop3A_3589, %parallel_loop3A_3613 : vector<16xf32>
      %parallel_loop3A_3686 = arith.constant 5 : i32
      %parallel_loop3A_3687 = arith.index_cast %parallel_loop3A_3686 : i32 to index
      %parallel_loop3A_3688 = arith.index_cast %parallel_loop3A_10 : i32 to index
      %parallel_loop3A_3689 = tpu.vector_load %arg7[%parallel_loop3A_3687, %parallel_loop3A_3688] {strides = array<i32>} : memref<8x1024xf32, #tpu.memory_space<vmem>>, vector<1x16xf32>,
      %parallel_loop3A_3690 = vector.shape_cast %parallel_loop3A_3689 : vector<1x16xf32> to vector<16xf32>
      %parallel_loop3A_3691 = vector.shape_cast %parallel_loop3A_3685 : vector<16xf32> to vector<1x16xf32>
      tpu.vector_store %arg7[%parallel_loop3A_3687, %parallel_loop3A_3688], %parallel_loop3A_3691 {strides = array<i32>} : memref<8x1024xf32, #tpu.memory_space<vmem>>, vector<1x16xf32>,
      %parallel_loop3A_3692 = arith.constant 6 : i32
      %parallel_loop3A_3693 = arith.index_cast %parallel_loop3A_3692 : i32 to index
      %parallel_loop3A_3694 = arith.index_cast %parallel_loop3A_10 : i32 to index
      %parallel_loop3A_3695 = tpu.vector_load %arg6[%parallel_loop3A_3693, %parallel_loop3A_3694] {strides = array<i32>} : memref<8x1024xi32, #tpu.memory_space<vmem>>, vector<1x16xi32>,
      %parallel_loop3A_3696 = vector.shape_cast %parallel_loop3A_3695 : vector<1x16xi32> to vector<16xi32>
      %parallel_loop3A_3697 = vector.shape_cast %parallel_loop3A_3595 : vector<16xi32> to vector<1x16xi32>
      tpu.vector_store %arg6[%parallel_loop3A_3693, %parallel_loop3A_3694], %parallel_loop3A_3697 {strides = array<i32>} : memref<8x1024xi32, #tpu.memory_space<vmem>>, vector<1x16xi32>,
      %parallel_loop3A_3698 = arith.mulf %parallel_loop3A_3594, %parallel_loop3A_3613 : vector<16xf32>
      %parallel_loop3A_3699 = arith.constant 6 : i32
      %parallel_loop3A_3700 = arith.index_cast %parallel_loop3A_3699 : i32 to index
      %parallel_loop3A_3701 = arith.index_cast %parallel_loop3A_10 : i32 to index
      %parallel_loop3A_3702 = tpu.vector_load %arg7[%parallel_loop3A_3700, %parallel_loop3A_3701] {strides = array<i32>} : memref<8x1024xf32, #tpu.memory_space<vmem>>, vector<1x16xf32>,
      %parallel_loop3A_3703 = vector.shape_cast %parallel_loop3A_3702 : vector<1x16xf32> to vector<16xf32>
      %parallel_loop3A_3704 = vector.shape_cast %parallel_loop3A_3698 : vector<16xf32> to vector<1x16xf32>
      tpu.vector_store %arg7[%parallel_loop3A_3700, %parallel_loop3A_3701], %parallel_loop3A_3704 {strides = array<i32>} : memref<8x1024xf32, #tpu.memory_space<vmem>>, vector<1x16xf32>,
      %parallel_loop3A_3705 = arith.constant 7 : i32
      %parallel_loop3A_3706 = arith.index_cast %parallel_loop3A_3705 : i32 to index
      %parallel_loop3A_3707 = arith.index_cast %parallel_loop3A_10 : i32 to index
      %parallel_loop3A_3708 = tpu.vector_load %arg6[%parallel_loop3A_3706, %parallel_loop3A_3707] {strides = array<i32>} : memref<8x1024xi32, #tpu.memory_space<vmem>>, vector<1x16xi32>,
      %parallel_loop3A_3709 = vector.shape_cast %parallel_loop3A_3708 : vector<1x16xi32> to vector<16xi32>
      %parallel_loop3A_3710 = vector.shape_cast %parallel_loop3A_3600 : vector<16xi32> to vector<1x16xi32>
      tpu.vector_store %arg6[%parallel_loop3A_3706, %parallel_loop3A_3707], %parallel_loop3A_3710 {strides = array<i32>} : memref<8x1024xi32, #tpu.memory_space<vmem>>, vector<1x16xi32>,
      %parallel_loop3A_3711 = arith.mulf %parallel_loop3A_3599, %parallel_loop3A_3613 : vector<16xf32>
      %parallel_loop3A_3712 = arith.constant 7 : i32
      %parallel_loop3A_3713 = arith.index_cast %parallel_loop3A_3712 : i32 to index
      %parallel_loop3A_3714 = arith.index_cast %parallel_loop3A_10 : i32 to index
      %parallel_loop3A_3715 = tpu.vector_load %arg7[%parallel_loop3A_3713, %parallel_loop3A_3714] {strides = array<i32>} : memref<8x1024xf32, #tpu.memory_space<vmem>>, vector<1x16xf32>,
      %parallel_loop3A_3716 = vector.shape_cast %parallel_loop3A_3715 : vector<1x16xf32> to vector<16xf32>
      %parallel_loop3A_3717 = vector.shape_cast %parallel_loop3A_3711 : vector<16xf32> to vector<1x16xf32>
      tpu.vector_store %arg7[%parallel_loop3A_3713, %parallel_loop3A_3714], %parallel_loop3A_3717 {strides = array<i32>} : memref<8x1024xf32, #tpu.memory_space<vmem>>, vector<1x16xf32>,
    } {sc.loop_unroll_factor = 1 : i64, sc.parallel_access}
    "tpu.region"() ({
      %run_scoped3A = tpu.sem_alloc : memref<!tpu.dma_semaphore, #tpu.memory_space<semaphore_mem>>
      %dma_start3A = arith.constant 0 : i32
      %dma_start3A_8 = tpu.memref_slice %arg3[%dma_start3A, %mul3A_2] : memref<8x32768xi32, #tpu.memory_space<hbm>> -> memref<8x1024xi32, #tpu.memory_space<hbm>>
      %dma_start3A_9 = arith.constant 0 : i32
      %dma_start3A_10 = tpu.memref_slice %arg3[%dma_start3A_9, %mul3A_2] : memref<8x32768xi32, #tpu.memory_space<hbm>> -> memref<8x1024xi32, #tpu.memory_space<hbm>>
      tpu.enqueue_dma source(%arg6 : memref<8x1024xi32, #tpu.memory_space<vmem>>) target(%dma_start3A_10 : memref<8x1024xi32, #tpu.memory_space<hbm>>) target_semaphore(%run_scoped3A : memref<!tpu.dma_semaphore, #tpu.memory_space<semaphore_mem>>)
      %dma_wait3A = arith.constant 0 : i32
      %dma_wait3A_11 = tpu.memref_slice %arg3[%dma_wait3A, %mul3A_2] : memref<8x32768xi32, #tpu.memory_space<hbm>> -> memref<8x1024xi32, #tpu.memory_space<hbm>>
      %dma_wait3A_12 = arith.constant 0 : i32
      %dma_wait3A_13 = tpu.memref_slice %arg3[%dma_wait3A_12, %mul3A_2] : memref<8x32768xi32, #tpu.memory_space<hbm>> -> memref<8x1024xi32, #tpu.memory_space<hbm>>
      tpu.wait_dma2 semaphore(%run_scoped3A : memref<!tpu.dma_semaphore, #tpu.memory_space<semaphore_mem>>) src(%arg6 : memref<8x1024xi32, #tpu.memory_space<vmem>>) dst(%dma_wait3A_13 : memref<8x1024xi32, #tpu.memory_space<hbm>>)
      tpu.yield
    }) : () -> ()
    "tpu.region"() ({
      %run_scoped3A = tpu.sem_alloc : memref<!tpu.dma_semaphore, #tpu.memory_space<semaphore_mem>>
      %dma_start3A = arith.constant 0 : i32
      %dma_start3A_8 = tpu.memref_slice %arg4[%dma_start3A, %mul3A_2] : memref<8x32768xf32, #tpu.memory_space<hbm>> -> memref<8x1024xf32, #tpu.memory_space<hbm>>
      %dma_start3A_9 = arith.constant 0 : i32
      %dma_start3A_10 = tpu.memref_slice %arg4[%dma_start3A_9, %mul3A_2] : memref<8x32768xf32, #tpu.memory_space<hbm>> -> memref<8x1024xf32, #tpu.memory_space<hbm>>
      tpu.enqueue_dma source(%arg7 : memref<8x1024xf32, #tpu.memory_space<vmem>>) target(%dma_start3A_10 : memref<8x1024xf32, #tpu.memory_space<hbm>>) target_semaphore(%run_scoped3A : memref<!tpu.dma_semaphore, #tpu.memory_space<semaphore_mem>>)
      %dma_wait3A = arith.constant 0 : i32
      %dma_wait3A_11 = tpu.memref_slice %arg4[%dma_wait3A, %mul3A_2] : memref<8x32768xf32, #tpu.memory_space<hbm>> -> memref<8x1024xf32, #tpu.memory_space<hbm>>
      %dma_wait3A_12 = arith.constant 0 : i32
      %dma_wait3A_13 = tpu.memref_slice %arg4[%dma_wait3A_12, %mul3A_2] : memref<8x32768xf32, #tpu.memory_space<hbm>> -> memref<8x1024xf32, #tpu.memory_space<hbm>>
      tpu.wait_dma2 semaphore(%run_scoped3A : memref<!tpu.dma_semaphore, #tpu.memory_space<semaphore_mem>>) src(%arg7 : memref<8x1024xf32, #tpu.memory_space<vmem>>) dst(%dma_wait3A_13 : memref<8x1024xf32, #tpu.memory_space<hbm>>)
      tpu.yield
    }) : () -> ()
    return
  }
}

module attributes {stable_mosaic.version = 14 : i64} {
  func.func @_score_body(%arg0: i32, %arg1: memref<4096x768xf32, #tpu.memory_space<vmem>>, %arg2: memref<64x768xf32, #tpu.memory_space<vmem>>, %arg3: memref<64x4096xf32, #tpu.memory_space<vmem>>) attributes {dimension_semantics = [#tpu.dimension_semantics<arbitrary>], iteration_bounds = array<i64: 8>, scalar_prefetch = 0 : i64, scratch_operands = 0 : i64, tpu.core_type = #tpu.core_type<tc>, window_params = [{transform_indices = @transform_0, window_bounds = array<i64: 4096, 768>}, {pipeline_mode = #tpu.pipeline_mode<synchronous>, transform_indices = @transform_1, window_bounds = array<i64: 64, 768>}, {transform_indices = @transform_2, window_bounds = array<i64: 64, 4096>}]} {
    %get3A = arith.constant 0 : index
    %get3A_0 = arith.constant 0 : index
    %get3A_1 = vector.load %arg2[%get3A, %get3A_0] : memref<64x768xf32, #tpu.memory_space<vmem>>, vector<64x768xf32>
    %get3A_2 = arith.constant 0 : index
    %get3A_3 = arith.constant 0 : index
    %get3A_4 = vector.load %arg1[%get3A_2, %get3A_3] : memref<4096x768xf32, #tpu.memory_space<vmem>>, vector<4096x768xf32>
    %dot_general3A = arith.constant dense<0.000000e+00> : vector<64x4096xf32>
    %dot_general3A_5 = tpu.matmul %get3A_1, %get3A_4, %dot_general3A {dimension_numbers = #tpu.dot_dimension_numbers<[1], [1], [0], [0], [0, 0, 1, 0], [], []>, transpose_lhs_hint = false} : vector<64x768xf32>, vector<4096x768xf32>, vector<64x4096xf32> -> vector<64x4096xf32>
    %logistic3A = arith.negf %dot_general3A_5 : vector<64x4096xf32>
    %logistic3A_6 = math.exp %logistic3A : vector<64x4096xf32>
    %logistic3A_7 = arith.constant 1.000000e+00 : f32
    %logistic3A_8 = vector.broadcast %logistic3A_7 : f32 to vector<64x4096xf32>
    %logistic3A_9 = arith.addf %logistic3A_8, %logistic3A_6 : vector<64x4096xf32>
    %logistic3A_10 = arith.divf %logistic3A_8, %logistic3A_9 : vector<64x4096xf32>
    %swap3A = arith.constant 0 : index
    %swap3A_11 = arith.constant 0 : index
    %swap3A_12 = vector.load %arg3[%swap3A, %swap3A_11] : memref<64x4096xf32, #tpu.memory_space<vmem>>, vector<64x4096xf32>
    tpu.vector_store %arg3[%swap3A, %swap3A_11], %logistic3A_10 {strides = array<i32>} : memref<64x4096xf32, #tpu.memory_space<vmem>>, vector<64x4096xf32>,
    return
  }
  func.func @transform_0(%arg0: i32) -> (i32, i32) {
    %c0_i32 = arith.constant 0 : i32
    %c0_i32_0 = arith.constant 0 : i32
    return %arg0, %c0_i32 : i32, i32
  }
  func.func @transform_1(%arg0: i32) -> (i32, i32) {
    %c0_i32 = arith.constant 0 : i32
    %c0_i32_0 = arith.constant 0 : i32
    %c0_i32_1 = arith.constant 0 : i32
    return %c0_i32, %c0_i32_0 : i32, i32
  }
  func.func @transform_2(%arg0: i32) -> (i32, i32) {
    %c0_i32 = arith.constant 0 : i32
    %c0_i32_0 = arith.constant 0 : i32
    return %c0_i32, %arg0 : i32, i32
  }
}

</mosaic_0001>

<sc_bundles>
// kernel: kernel.4.cloned.1.call-start
scs
__scs_entry_jumppad:
0x0: {  	(pc) =	sbr.rel $0x88, $3  }
0x1: {  	(tag) =	ssettag $0x0;
	lr =	simm.s32 $0x1  }
0x2: {  	[smem:$0x3F9F] =	sst lr;
	_ =	strace $0xD0000000  }
0x3: {  	_ = 	snop  }
0x4: {  	_ = 	snop  }
0x5: {  	_ = 	snop  }
0x6: {  	_ = 	snop  }
0x7: {  	_ = 	snop  }
__scs_overlays_trampoline_lowered:
0x8: {  	[smem:$0x3FAE] =	sst s0  }
0x9: {  	[smem:$0x3FAF] =	sst s1  }
0xa: {  	[smem:$0x3FB0] =	sst s2  }
0xb: {  	[smem:$0x3FB1] =	sst s3  }
0xc: {  	[smem:$0x3FB2] =	sst s4  }
0xd: {  	[smem:$0x3FB3] =	sst s5  }
0xe: {  	[smem:$0x3FB4] =	sst s6  }
0xf: {  	[smem:$0x3FB5] =	sst s7  }
0x10: {  	[smem:$0x3FB6] =	sst s8  }
0x11: {  	[smem:$0x3FB7] =	sst s9;
	s0 =	simm.s32 @!p0 $0x0  }
0x12: {  	s1 =	sld [smem:$0x3F9D];
	s0 =	simm.s32 @p0 $0x1  }
0x13: {  	[smem:$0x3FB8] =	sst s0;
	s0 =	simm.s32 @!p1 $0x0  }
0x14: {  	s2 =	sld [smem:$0x3F9C];
	s0 =	simm.s32 @p1 $0x1  }
0x15: {  	[smem:$0x3FB9] =	sst s0;
	s0 =	simm.s32 @!p2 $0x0  }
0x16: {  	s3 =	sld [smem:$0x3FDB];
	s0 =	simm.s32 @p2 $0x1  }
0x17: {  	s4 =	simm.s32 $0x1BF5;
	[smem:$0x3FBB] =	sst s0  }
0x18: {  	s0 =	sld [smem:$0x3F9E];
	_ =	swait.ge [sflag:s4], $0x0  }
0x19: {  	s7 =	sld [smem:$0x3F9F]  }
0x1a: {  	s8 =	sadd.s32 $0xFFFFE003, lr  }
0x1b: {  	s9 =	sadd.s32 $0xFFFFFEF7, lr;
	s5 =	simm.s32 $0xFFFFFFFF;
	p2 =	slt.u32 s8, $0xFFFFF086  }
0x1c: {  	p1 =	slt.u32 s9, $0xF7A;
	s5 =	simm.s32 @!p2 $0x0  }
0x1d: {  	s5 =	simm.s32 @p1 $0x1;
	p0 =	seq.s32 s7, s2  }
0x1e: {  	s7 =	smul.u32 @!p0 $0xF7A, s2;
	p2 =	seq.s32 @!p0 s5, $0x0  }
0x1f: {  	s9 =	smul.u32 $0xF7A, s1;
	s8 =	simm.s32 @!p0 $0x1BF5;
	p2 =	por !p2, p0  }
0x20: {  	[sflag:s8] =	ssyncset.s32 @!p0 $0xFFFFF086;
	s6 =	sadd.s32 @!p0 s3, s7;
	s7 =	simm.s32 @!p0 $0x108  }
0x21: {  	s3 =	sadd.s32 s3, s9;
	s6 =	sadd.s32 @!p0 $0x88, s6;
	s7 =	simm.s32 @p2 $0x1082  }
0x22: {  	[simem:s7], [sflag:s8] =	dma.local @!p0 [hbm:s6], $0xF7A  }
0x23: {  	s9 =	sor.u32 $0xD0000000, s2;
	s6 =	simm.s32 $0x108;
	_ =	swait.ge @!p0 [sflag:s8], $0x0  }
0x24: {  	s3 =	sadd.s32 $0x88, s3;
	s6 =	simm.s32 @!p1 $0x1082;
	[sflag:s4] =	ssyncset.s32 $0xFFFFF086  }
0x25: {  	[simem:s6], [sflag:s4] =	dma.local [hbm:s3], $0xF7A  }
0x26: {  	[smem:$0x3F9F] =	sst s1;
	(tag) =	ssettag s2;
	_ =	strace s9  }
0x27: {  	s1 =	sld [smem:$0x3FAF]  }
0x28: {  	s2 =	sld [smem:$0x3FB0]  }
0x29: {  	s4 =	sld [smem:$0x3FB2]  }
0x2a: {  	p0 =	seq.s32 s5, $0x0;
	s5 =	sld [smem:$0x3FB3]  }
0x2b: {  	s6 =	sld [smem:$0x3FB4]  }
0x2c: {  	s7 =	sld [smem:$0x3FB5]  }
0x2d: {  	s3 =	simm.s32 $0x108;
	s8 =	sld [smem:$0x3FB6]  }
0x2e: {  	s3 =	simm.s32 @!p0 $0x1082;
	s9 =	sld [smem:$0x3FB7]  }
0x2f: {  	lr =	sadd.s32 s0, s3;
	s0 =	sld [smem:$0x3FAE]  }
0x30: {  	s3 =	sld [smem:$0x3FB1]  }
0x31: {  	[smem:$0x3FBA] =	sst s10  }
0x32: {  	s10 =	sld [smem:$0x3FB8];
	_ =	sdelay $0x3  }
0x33: {  	p0 =	seq.s32 s10, $0x1;
	s10 =	sld [smem:$0x3FBA];
	_ =	sdelay $0x3  }
0x34: {  	[smem:$0x3FBA] =	sst s10  }
0x35: {  	s10 =	sld [smem:$0x3FB9];
	_ =	sdelay $0x3  }
0x36: {  	p1 =	seq.s32 s10, $0x1;
	s10 =	sld [smem:$0x3FBA];
	_ =	sdelay $0x3  }
0x37: {  	[smem:$0x3FBA] =	sst s10  }
0x38: {  	s10 =	sld [smem:$0x3FBB]  }
0x39: {  	_ = 	snop;
	(pc) =	sbr.ind lr, $3  }
0x3a: {  	_ = 	snop  }
0x3b: {  	_ = 	snop  }
0x3c: {  	p2 =	seq.s32 s10, $0x1;
	s10 =	sld [smem:$0x3FBA]  }
0x3d: {  	_ =	shalt  }
0x3e: {  	_ =	shalt  }
0x3f: {  	_ =	shalt  }
0x40: {  	_ =	shalt  }
0x41: {  	_ =	shalt  }
0x42: {  	_ =	shalt  }
0x43: {  	_ =	shalt  }
0x44: {  	_ =	shalt  }
0x45: {  	_ =	shalt  }
0x46: {  	_ =	shalt  }
0x47: {  	_ =	shalt  }
0x48: {  	_ =	shalt  }
0x49: {  	_ =	shalt  }
0x4a: {  	_ =	shalt  }
0x4b: {  	_ =	shalt  }
0x4c: {  	_ =	shalt  }
0x4d: {  	_ =	shalt  }
0x4e: {  	_ =	shalt  }
0x4f: {  	_ =	shalt  }
0x50: {  	_ =	shalt  }
0x51: {  	_ =	shalt  }
0x52: {  	_ =	shalt  }
0x53: {  	_ =	shalt  }
0x54: {  	_ =	shalt  }
0x55: {  	_ =	shalt  }
0x56: {  	_ =	shalt  }
0x57: {  	_ =	shalt  }
0x58: {  	_ =	shalt  }
0x59: {  	_ =	shalt  }
0x5a: {  	_ =	shalt  }
0x5b: {  	_ =	shalt  }
0x5c: {  	_ =	shalt  }
0x5d: {  	_ =	shalt  }
0x5e: {  	_ =	shalt  }
0x5f: {  	_ =	shalt  }
0x60: {  	_ =	shalt  }
0x61: {  	_ =	shalt  }
0x62: {  	_ =	shalt  }
0x63: {  	_ =	shalt  }
0x64: {  	_ =	shalt  }
0x65: {  	_ =	shalt  }
0x66: {  	_ =	shalt  }
0x67: {  	_ =	shalt  }
0x68: {  	_ =	shalt  }
0x69: {  	_ =	shalt  }
0x6a: {  	_ =	shalt  }
0x6b: {  	_ =	shalt  }
0x6c: {  	_ =	shalt  }
0x6d: {  	_ =	shalt  }
0x6e: {  	_ =	shalt  }
0x6f: {  	_ =	shalt  }
0x70: {  	_ =	shalt  }
0x71: {  	_ =	shalt  }
0x72: {  	_ =	shalt  }
0x73: {  	_ =	shalt  }
0x74: {  	_ =	shalt  }
0x75: {  	_ =	shalt  }
0x76: {  	_ =	shalt  }
0x77: {  	_ =	shalt  }
0x78: {  	_ =	shalt  }
0x79: {  	_ =	shalt  }
0x7a: {  	_ =	shalt  }
0x7b: {  	_ =	shalt  }
0x7c: {  	_ =	shalt  }
0x7d: {  	_ =	shalt  }
0x7e: {  	_ =	shalt  }
0x7f: {  	_ =	shalt  }
0x80: {  	_ =	shalt  }
0x81: {  	_ =	shalt  }
0x82: {  	_ =	shalt  }
0x83: {  	_ =	shalt  }
0x84: {  	_ =	shalt  }
0x85: {  	_ =	shalt  }
0x86: {  	_ =	shalt  }
0x87: {  	_ =	shalt  }
.Lfunc_end0:
.L_simem_size_0:
called_computation_lowered:
.L_overlay_start_0:
0x88: {  	s2 =	sld [smem:$0x3FD9]  }
0x89: {  	s3 =	sld [smem:$0x3FFE];
	_ =	sdelay $0x1  }
0x8a: {  	s1 =	srdreg.scid  }
0x8b: {  	s0 =	sand.u32 $0x1, s1  }
0x8c: {  	s14 =	sshll.u32 s0, $0xA;
	s2 =	sadd.s32 s3, s2  }
0x8d: {  	s2 =	sadd.s32 s2, s14  }
0x8e: {  	[smem:$0x3FC6] =	sst s2  }
0x8f: {  	_ = 	snop  }
0x90: {  	s2 =	sld [smem:$0x3FD0];
	_ =	sdelay $0x2  }
0x91: {  	s15 =	simm.s32 $0xA;
	s4 =	simm.s32 $0x10  }
0x92: {  	[smem:s4], [sflag:s15] =	dma.local [hbm:s2], $0x1  }
0x93: {  	_ =	swait.eq [sflag:s15], $0x1  }
0x94: {  	[sflag:s15] =	ssyncset.done $0x0  }
0x95: {  	s16 =	sld [smem:$0x10];
	[sflag:s15] =	ssyncadd.s32 $0xFFFFFFFF  }
0x96: {  	s17 =	sld [smem:$0x11];
	(tm) =	ssettm $0x1  }
0x97: {  	s18 =	sld [smem:$0x3FFB];
	_ =	sdelay $0x3  }
0x98: {  	_ =	strace s18  }
0x99: {  	s4 =	sld [smem:$0x3FFC];
	_ =	sdelay $0x3  }
0x9a: {  	_ =	strace s4  }
0x9b: {  	s4 =	sld [smem:$0x3FFD];
	_ =	sdelay $0x3  }
0x9c: {  	_ =	strace s4  }
0x9d: {  	_ =	strace $0x8FFFFFFF  }
0x9e: {  	s19 =	sld [smem:$0x3FDB];
	_ =	sdelay $0x1  }
0x9f: {  	s5 =	simm.s32 $_scs_section_size  }
0xa0: {  	s6 =	simm.s32 $_size__tile_overlayer_lowered;
	s7 =	simm.s32 $_tile_overlayer_lowered  }
0xa1: {  	s22 =	simm.s32 $0x1BFF;
	s21 =	sshll.u32 s7, $0x1;
	s4 =	sadd.s32 s5, s19  }
0xa2: {  	s8 =	simm.s32 $0x0;
	s20 =	sshll.u32 s6, $0x1;
	s6 =	sadd.s32 s21, s4  }
0xa3: {  	[timem:s8], [sflag:s22] =	dma.local [hbm:s6], s20  }
0xa4: {  	_ =	swait.ge [sflag:s22], s20  }
0xa5: {  	s5 =	ssub.s32 $0x0, s20;
	[sflag:s22] =	ssyncset.done $0x0  }
0xa6: {  	[sflag:s22] =	ssyncadd.s32 s5;
	_ =	sdelay $0x1  }
0xa7: {  	s23 =	simm.s32 $0x1B8B  }
0xa8: {  	_ =	swait.ge [sflag:s23], $0x1  }
0xa9: {  	[sflag:s23] =	ssyncset.done $0x0  }
0xaa: {  	s25 =	simm.s32 $0x1B8E;
	s24 =	sld [smem:$0x3FFE];
	[sflag:s23] =	ssyncadd.s32 $0xFFFFFFFF  }
0xab: {  	s26 =	simm.s32 $execute0_lowered;
	[smem:$0x3FD2] =	sst s25  }
0xac: {  	s6 =	sshll.u32 s26, $0x1;
	_ =	strace $0x80000046;
	[dreg:$0x1] =	wrdreg $0xFFFFFFFF  }
0xad: {  	s28 =	simm.s32 $_size_execute0_lowered;
	s4 =	sadd.s32 s4, s6;
	[dreg:$0x0] =	wrdreg $0x0  }
0xae: {  	s6 =	sshll.u32 s28, $0x1;
	[dreg:$0x2] =	wrdreg s4  }
0xaf: {  	[dreg:$0x3] =	wrdreg s6  }
0xb0: {  	[dreg:$0x4] =	wrdreg $0xC0  }
0xb1: {  	_ =	task [dreg:s8], $0x5FFFF  }
0xb2: {  	[dreg:$0x1] =	wrdreg $0xFFFFFFFF  }
0xb3: {  	[dreg:$0x0] =	wrdreg $0x60  }
0xb4: {  	[dreg:$0x2] =	wrdreg s24  }
0xb5: {  	[dreg:$0x3] =	wrdreg s16  }
0xb6: {  	[dreg:$0x4] =	wrdreg s17  }
0xb7: {  	[dreg:$0x5] =	wrdreg $0x9  }
0xb8: {  	_ =	task.clear_ibuf [dreg:s8], $0x6FFFF;
	_ =	strace $0x90000046  }
0xb9: {  	s29 =	simm.s32 $0x9;
	_ =	strace $0x80000048  }
0xba: {  	_ =	swait.ge [sflag:s29], $0x1  }
0xbb: {  	[sflag:s29] =	ssyncadd.s32 $0xFFFFFFFF  }
0xbc: {  	_ =	strace $0x90000048  }
0xbd: {  	_ =	sfence  }
0xbe: {  	s30 =	sld [smem:$0x0];
	_ =	sdelay $0x2  }
0xbf: {  	s31 =	sshll.u32 s1, $0xD;
	s1 =	sshrl.u32 s1, $0x2  }
0xc0: {  	s3 =	sand.u32 $0x4000, s31;
	s1 =	sadd.s32 s1, s30  }
0xc1: {  	s0 =	sor.u32 s3, s0;
	s1 =	sshll.u32 s1, $0x11  }
0xc2: {  	s0 =	sor.u32 s1, s0  }
0xc3: {  	s0 =	sadd.s32 $0x8F2B, s0  }
0xc4: {  	[sflag:s0] =	ssyncadd.remote.s32 $0x1  }
0xc5: {  	_ =	sfence.sel $0xFFFF  }
0xc6: {  	[dreg:$0x0] =	wrdreg $0xFFFFFFFF;
	(pc) =	sbr.abs _section_cstart, $3  }
0xc7: {  	[dreg:$0x1] =	wrdreg $0xFFFFFFFF  }
0xc8: {  	_ =	task.clear_ibuf [dreg:s8], $0x2FFFF;
	_ =	strace $0x9FFFFFFF  }
0xc9: {  	(tm) =	ssettm $0x7FFFFFFF  }
tec
execute0_lowered:
.L_overlay_start_1:
0x0: {  	(tag) =	ssettag $0x1  }
0x1: {  	s3 =	rddreg [dreg:$0x0]  }
0x2: {  	s4 =	rddreg [dreg:$0x1];
	s0 =	srdreg.scid  }
0x3: {  	s5 =	rddreg [dreg:$0x2];
	s1 =	stileid.u32;
	s2 =	simm.s32 $0x0  }
0x4: {  	s9 =	simm.s32 $0x1;
	s10 =	simm.s32 $0x10000;
	s11 =	simm.s32 $0x12000  }
0x5: {  	s12 =	simm.s32 $0x0;
	s6 =	sand.u32 $0x1, s0;
	s0 =	rddreg [dreg:$0x3]  }
0x6: {  	s8 =	sshll.u32 s1, $0xA;
	[smem:$0x7FF] =	sst s2;
	s7 =	sshll.u32 s6, $0xE  }
0x7: {  	s6 =	ssub.s32 $0x2, s6;
	_ =	strace $0x80000047;
	s7 =	sor.u32 s8, s7  }
0x8: {  	s31 =	sshrl.u32 s6, $0x1;
	s8 =	simm.s32 $0x40000;
	s3 =	sadd.s32 s7, s3  }
0x9: {  	v33 =	vimm.s32 $0x0;
	s6 =	ssub.s32 s6, s31;
	s4 =	sadd.s32 s4, s7;
	s5 =	sadd.s32 s5, s7  }
0xa: {  	v23 =	vimm.s32 $0x2;
	v24 =	vimm.s32 $0x3;
	v25 =	vimm.s32 $0x4;
	s7 =	simm.s32 $0x2000;
	s3 =	sadd.s32 $0xC00, s3;
	s6 =	smax.u32 s6, $0x1  }
.LBB2_1:
0xb: {  	[tilespmem:s2], [sflag:$0x1] =	stream.strided.gather [hbm4b:s3+s7], $0x10000, s8, s7, $0x38;
	[tilespmem:$0x14000] =	vst v63  }
0xc: {  	_ =	swait.ge [sflag:s9], $0x10000  }
0xd: {  	[sflag:s9] =	ssyncset.done $0x0  }
0xe: {  	s13 =	simm.s32 $0x0;
	s14 =	simm.s32 $0x0;
	[sflag:s9] =	ssyncadd.s32 $0xFFFF0000  }
.LBB2_2:
0xf: {  	s15 =	sand.u32 $0x70, s14;
	s16 =	sand.u32 $0x1C00, s13  }
0x10: {  	s15 =	sor.u32 s15, s16  }
0x11: {  	v4 =	vld [tilespmem:s15+$0x0]  }
0x12: {  	v5 =	vld [tilespmem:s15+$0x80]  }
0x13: {  	v6 =	vld [tilespmem:s15+$0x100]  }
0x14: {  	v7 =	vld [tilespmem:s15+$0x180]  }
0x15: {  	v8 =	vld [tilespmem:s15+$0x200]  }
0x16: {  	s31 =	sor.u32 s13, s14;
	v9 =	vld [tilespmem:s15+$0x280]  }
0x17: {  	s16 =	sor.u32 $0x380, s31;
	v10 =	vld [tilespmem:s15+$0x300]  }
0x18: {  	v11 =	vld [tilespmem:s16+$0x0]  }
0x19: {  	v12 =	vld [tilespmem:s15+$0x2000]  }
0x1a: {  	v13 =	vld [tilespmem:s15+$0x2080]  }
0x1b: {  	v14 =	vld [tilespmem:s15+$0x2100]  }
0x1c: {  	v15 =	vld [tilespmem:s15+$0x2180]  }
0x1d: {  	v16 =	vld [tilespmem:s15+$0x2200]  }
0x1e: {  	v17 =	vld [tilespmem:s15+$0x2280]  }
0x1f: {  	v18 =	vld [tilespmem:s15+$0x2300]  }
0x20: {  	v19 =	vld [tilespmem:s15+$0x2380]  }
0x21: {  	v20 =	vld [tilespmem:s15+$0x4000]  }
0x22: {  	v21 =	vld [tilespmem:s15+$0x4080]  }
0x23: {  	v22 =	vld [tilespmem:s15+$0x4100]  }
0x24: {  	v27 =	vld [tilespmem:s15+$0x4200]  }
0x25: {  	v36 =	vld [tilespmem:s15+$0x6200]  }
0x26: {  	v37 =	vld [tilespmem:s15+$0x6280]  }
0x27: {  	v44 =	vld [tilespmem:s15+$0x8200]  }
0x28: {  	v45 =	vld [tilespmem:s15+$0x8280];
	v0 =	vmax.f32 v4, v5;
	v1 =	vmax.f32 v6, v7;
	v2 =	vmax.f32 v8, v9  }
0x29: {  	v28 =	vld [tilespmem:s15+$0x4280];
	[tilespmem:$0x1FFC0] =	vst v4;
	v3 =	vmax.f32 v10, v11;
	v4 =	vmin.f32 v4, v5;
	v47 =	vmin.f32 v6, v7  }
0x2a: {  	v29 =	vld [tilespmem:s15+$0x4300];
	v48 =	vmin.f32 v8, v9;
	v49 =	vmin.f32 v10, v11;
	v57 =	vmax.f32 v12, v13  }
0x2b: {  	v30 =	vld [tilespmem:s15+$0x4380];
	v58 =	vmax.f32 v14, v15;
	v59 =	vmax.f32 v16, v17;
	v61 =	vmax.f32 v18, v19  }
0x2c: {  	v34 =	vld [tilespmem:s15+$0x6100];
	[tilespmem:$0x1FEF0] =	vst v17;
	v62 =	vmin.f32 v12, v13;
	v63 =	vmin.f32 v14, v15;
	v17 =	vmin.f32 v16, v17  }
0x2d: {  	v35 =	vld [tilespmem:s15+$0x6180];
	[tilespmem:$0x1FF40] =	vst v12;
	v32 =	vmin.f32 v36, v37;
	v12 =	vmax.f32 v44, v45;
	v50 =	vmax.f32 v0, v1  }
0x2e: {  	v26 =	vld [tilespmem:s15+$0x4180];
	v60 =	vmovc v18;
	v0 =	vmin.f32 v0, v1;
	v51 =	vmax.f32 v4, v47;
	v52 =	vmax.f32 v2, v3  }
0x2f: {  	v38 =	vld [tilespmem:s15+$0x6300];
	[tilespmem:$0x1FF60] =	vst v10;
	v2 =	vmin.f32 v2, v3;
	v53 =	vmax.f32 v48, v49;
	v10 =	vmin.f32 v60, v19  }
0x30: {  	v39 =	vld [tilespmem:s15+$0x6380];
	v46 =	vmax.f32 v57, v58;
	v1 =	vmin.f32 v57, v58;
	v47 =	vmax.f32 v62, v63  }
0x31: {  	v48 =	vmin.f32 v59, v61;
	v57 =	vmax.f32 v29, v30;
	v58 =	vmin.f32 v20, v21  }
0x32: {  	[tilespmem:$0x1FED0] =	vst v19;
	v60 =	vmin.f32 v27, v28;
	v19 =	vmax.f32 v34, v35;
	v0 =	vmax.f32 v0, v51  }
0x33: {  	v54 =	vmax.f32 v2, v53;
	v55 =	vmax.f32 v50, v52;
	v56 =	vmin.f32 v50, v52  }
0x34: {  	v49 =	vmax.f32 v17, v10;
	v1 =	vmax.f32 v1, v47;
	v50 =	vmax.f32 v59, v61  }
0x35: {  	v31 =	vld [tilespmem:s15+$0x6080];
	[tilespmem:$0x1FE60] =	vst v29;
	v59 =	vmin.f32 v22, v26;
	v61 =	vmin.f32 v29, v30;
	v29 =	vmax.f32 v38, v39  }
0x36: {  	[tilespmem:$0x1FEE0] =	vst v18;
	v18 =	vld [tilespmem:s15+$0x6000];
	v0 =	vmax.f32 v0, v54;
	v51 =	vmax.f32 v48, v49;
	v52 =	vmin.f32 v46, v50  }
0x37: {  	[tilespmem:$0x1FF80] =	vst v8;
	v53 =	vmax.f32 v46, v50;
	v54 =	vmax.f32 v20, v21;
	v63 =	vmax.f32 v58, v59  }
0x38: {  	[tilespmem:$0x1FF30] =	vst v13;
	v13 =	vmax.f32 v60, v61;
	v49 =	vmin.f32 v38, v39;
	v0 =	vmax.f32 v56, v0  }
0x39: {  	v40 =	vld [tilespmem:s15+$0x8000];
	[tilespmem:$0x1FE70] =	vst v28;
	v1 =	vmax.f32 v1, v51;
	v56 =	vmax.f32 v27, v28;
	v28 =	vmax.f32 v36, v37  }
0x3a: {  	v41 =	vld [tilespmem:s15+$0x8080];
	[tilespmem:$0x1FF50] =	vst v11;
	v8 =	vadd.f32 v0, v55;
	v1 =	vmax.f32 v52, v1;
	v55 =	vmax.f32 v22, v26  }
0x3b: {  	v42 =	vld [tilespmem:s15+$0x8100];
	[tilespmem:$0x1FE50] =	vst v30;
	v11 =	vmax.f32 v56, v57;
	v2 =	vmin.f32 v56, v57;
	v17 =	vmax.f32 v18, v31  }
0x3c: {  	v43 =	vld [tilespmem:s15+$0x8180];
	[tilespmem:$0x1FE30] =	vst v31;
	v30 =	vmin.f32 v18, v31;
	v31 =	vmin.f32 v34, v35;
	v56 =	vmin.f32 v28, v29  }
0x3d: {  	[tilespmem:$0x1FF90] =	vst v7;
	v47 =	vld [tilespmem:s15+$0x8380];
	v57 =	vmax.f32 v32, v49;
	v58 =	vmax.f32 v28, v29;
	v7 =	vadd.f32 v1, v53  }
0x3e: {  	[tilespmem:$0x1FF20] =	vst v14;
	v46 =	vld [tilespmem:s15+$0x8300];
	v62 =	vmax.f32 v54, v55;
	v0 =	vmin.f32 v54, v55;
	v14 =	vmax.f32 v2, v13  }
0x3f: {  	v52 =	vmax.f32 v17, v19;
	v1 =	vmin.f32 v17, v19;
	v55 =	vmax.f32 v30, v31  }
0x40: {  	[tilespmem:$0x1FF10] =	vst v15;
	v48 =	vld [tilespmem:s15+$0xA000];
	v59 =	vmax.f32 v56, v57;
	v0 =	vmax.f32 v0, v63;
	v15 =	vmax.f32 v62, v11  }
0x41: {  	[tilespmem:$0x1FF00] =	vst v16;
	v50 =	vld [tilespmem:s15+$0xA100];
	v16 =	vmin.f32 v62, v11;
	v1 =	vmax.f32 v1, v55;
	v60 =	vmin.f32 v52, v58  }
0x42: {  	v51 =	vld [tilespmem:s15+$0xA180];
	v61 =	vmax.f32 v52, v58;
	v62 =	vmax.f32 v40, v41;
	v63 =	vmax.f32 v42, v43  }
0x43: {  	v49 =	vld [tilespmem:s15+$0xA080];
	v0 =	vmax.f32 v0, v14;
	v1 =	vmax.f32 v1, v59;
	v13 =	vmax.f32 v46, v47  }
0x44: {  	v53 =	vld [tilespmem:s15+$0xA280];
	v14 =	vmin.f32 v40, v41;
	v17 =	vmin.f32 v46, v47;
	v58 =	vmax.f32 v62, v63  }
0x45: {  	v54 =	vld [tilespmem:s15+$0xA300];
	vm4 =	vgt.f32 v7, v8;
	v0 =	vmax.f32 v16, v0;
	v1 =	vmax.f32 v60, v1  }
0x46: {  	v52 =	vld [tilespmem:s15+$0xA200];
	v16 =	vmin.f32 v44, v45;
	v19 =	vmax.f32 v12, v13;
	v2 =	vmin.f32 v12, v13  }
0x47: {  	v55 =	vld [tilespmem:s15+$0xA380];
	v31 =	vmax.f32 v50, v51;
	v11 =	vadd.f32 v0, v15;
	v10 =	vadd.f32 v1, v61  }
0x48: {  	v15 =	vmin.f32 v42, v43;
	v0 =	vmin.f32 v62, v63;
	v28 =	vmax.f32 v16, v17  }
0x49: {  	v3 =	vmin.f32 v58, v19;
	v30 =	vmax.f32 v48, v49;
	v62 =	vmin.f32 v50, v51  }
0x4a: {  	[tilespmem:$0x1FE40] =	vst v18;
	v56 =	vld [tilespmem:s15+$0xC000];
	v18 =	vmax.f32 v14, v15;
	v29 =	vmax.f32 v2, v28;
	v2 =	vmax.f32 v58, v19  }
0x4b: {  	v57 =	vld [tilespmem:s15+$0xC080];
	v17 =	vmax.f32 v30, v31;
	v1 =	vmin.f32 v30, v31;
	v0 =	vmax.f32 v0, v18  }
0x4c: {  	v59 =	vld [tilespmem:s15+$0xC180];
	v32 =	vmax.f32 v52, v53;
	v16 =	vmax.f32 v54, v55;
	v18 =	vmin.f32 v48, v49  }
0x4d: {  	v60 =	vld [tilespmem:s15+$0xC200];
	v63 =	vmin.f32 v52, v53;
	v19 =	vmin.f32 v54, v55;
	vm6 =	vgt.f32 v11, v8  }
0x4e: {  	v61 =	vld [tilespmem:s15+$0xC280];
	vm7 =	vgt.f32 v10, v8;
	vm12 =	vgt.f32 v10, v7;
	v0 =	vmax.f32 v0, v29  }
0x4f: {  	v58 =	vld [tilespmem:s15+$0xC100];
	v4 =	vmax.f32 v18, v62;
	v12 =	vmax.f32 v63, v19;
	v28 =	vmin.f32 v32, v16  }
0x50: {  	v29 =	vmax.f32 v32, v16;
	v19 =	vmin.f32 v56, v57;
	v1 =	vmax.f32 v1, v4  }
0x51: {  	v62 =	vld [tilespmem:s15+$0xC300];
	v30 =	vmax.f32 v28, v12;
	v0 =	vmax.f32 v3, v0;
	v32 =	vmin.f32 v17, v29  }
0x52: {  	v63 =	vld [tilespmem:s15+$0xC380];
	v16 =	vmax.f32 v17, v29;
	v17 =	vmax.f32 v56, v57;
	v31 =	vmax.f32 v1, v30  }
0x53: {  	v12 =	vadd.f32 v0, v2;
	v29 =	vmax.f32 v60, v61;
	v3 =	vmax.f32 v32, v31  }
0x54: {  	[tilespmem:$0x1FFB0] =	vst v5;
	v5 =	vld [tilespmem:s15+$0xE200];
	v18 =	vmax.f32 v58, v59;
	v28 =	vmin.f32 v58, v59;
	v31 =	vmin.f32 v60, v61  }
0x55: {  	[tilespmem:$0x1FFA0] =	vst v6;
	v6 =	vld [tilespmem:s15+$0xE280];
	v13 =	vadd.f32 v3, v16;
	v14 =	vmax.f32 v17, v18;
	v15 =	vmin.f32 v17, v18  }
0x56: {  	[tilespmem:$0x1FF70] =	vst v9;
	v1 =	vld [tilespmem:s15+$0xE000];
	v9 =	vmax.f32 v19, v28;
	vm9 =	vgt.f32 v12, v8;
	vm13 =	vgt.f32 v12, v7  }
0x57: {  	v2 =	vld [tilespmem:s15+$0xE080];
	vm2 =	vgt.f32 v12, v11;
	v30 =	vmax.f32 v62, v63;
	v32 =	vmin.f32 v62, v63  }
0x58: {  	v4 =	vld [tilespmem:s15+$0xE180];
	v15 =	vmax.f32 v15, v9;
	v19 =	vsel vm9, $0x3, v25;
	v28 =	vmax.f32 v29, v30  }
0x59: {  	v3 =	vld [tilespmem:s15+$0xE100];
	v16 =	vmin.f32 v29, v30;
	v17 =	vmax.f32 v31, v32;
	vm0 =	vgt.f32 v13, v8  }
0x5a: {  	v0 =	vld [tilespmem:s15+$0xE300];
	vm1 =	vgt.f32 v13, v7;
	vm3 =	vgt.f32 v13, v11;
	vm14 =	vgt.f32 v13, v10  }
0x5b: {  	v9 =	vld [tilespmem:s15+$0xE380];
	vm15 =	vgt.f32 v13, v12;
	v16 =	vmax.f32 v16, v17;
	v17 =	vmax.f32 v14, v28  }
0x5c: {  	v14 =	vmin.f32 v14, v28;
	v29 =	vmax.f32 v1, v2;
	v31 =	vmin.f32 v1, v2  }
0x5d: {  	[tilespmem:$0x1FE90] =	vst v26;
	v25 =	vsel vm1, $0xFFFFFFFF, v33;
	v26 =	vsel vm1, $0x1, v33;
	v15 =	vmax.f32 v15, v16  }
0x5e: {  	[tilespmem:$0x1FEC0] =	vst v20;
	v30 =	vmax.f32 v3, v4;
	v20 =	vmin.f32 v3, v4;
	v14 =	vmax.f32 v14, v15  }
0x5f: {  	v32 =	vmax.f32 v31, v20;
	v28 =	vmin.f32 v29, v30;
	v16 =	vmax.f32 v29, v30  }
0x60: {  	v29 =	vmax.f32 v5, v6;
	v30 =	vmax.f32 v0, v9;
	v20 =	vmin.f32 v5, v6  }
0x61: {  	[tilespmem:$0x1FEB0] =	vst v21;
	v21 =	vmin.f32 v0, v9;
	v14 =	vadd.f32 v14, v17;
	v15 =	vmax.f32 v28, v32  }
0x62: {  	[tilespmem:$0x1FEA0] =	vst v22;
	v22 =	vmax.f32 v29, v30;
	v18 =	vmin.f32 v29, v30;
	v31 =	vmax.f32 v20, v21  }
0x63: {  	v28 =	vsel vm4, $0x1, v33;
	v29 =	vsel vm6, $0x1, v33;
	v30 =	vimm.s32 $0x0  }
0x64: {  	vm4 =	vmneg vm4;
	v18 =	vmax.f32 v18, v31;
	v32 =	vmax.f32 v16, v22  }
0x65: {  	v16 =	vmin.f32 v16, v22;
	v17 =	vsel vm0, $0xFFFFFFFF, v30;
	vm8 =	vgt.f32 v14, v8  }
0x66: {  	v31 =	vimm.s32 $0x0;
	vm5 =	vgt.f32 v14, v7;
	vm0 =	vgt.f32 v10, v11  }
0x67: {  	v22 =	vsel vm12, $0xFFFFFFFF, v33;
	v30 =	vsel vm3, $0xFFFFFFFF, v33;
	v15 =	vmax.f32 v15, v18  }
0x68: {  	[tilespmem:$0x1FDF0] =	vst v17;
	v17 =	vsel vm8, $0xFFFFFFFF, v31;
	vm8 =	vgt.f32 v14, v11;
	v18 =	vsel vm9, $0x1, v33  }
0x69: {  	[tilespmem:$0x1FE80] =	vst v27;
	v27 =	vsel vm0, $0xFFFFFFFF, v33;
	v31 =	vsel vm3, $0x1, v33;
	v15 =	vmax.f32 v16, v15  }
0x6a: {  	v16 =	vadd.s32 v28, v29;
	[tilespmem:$0x1FE00] =	vst v17;
	v17 =	vimm.s32 $0x0;
	v15 =	vadd.f32 v15, v32  }
0x6b: {  	v28 =	vsel vm0, $0x1, v33;
	v29 =	vsel vm2, $0x1, v33;
	v32 =	vimm.s32 $0x0  }
0x6c: {  	vm10 =	vgt.f32 v15, v8;
	vm11 =	vgt.f32 v15, v7;
	vm0 =	vgt.f32 v15, v13  }
0x6d: {  	vm9 =	vgt.f32 v15, v14;
	v8 =	vsel vm10, $0xFFFFFFFF, v32;
	vm10 =	vgt.f32 v11, v7  }
0x6e: {  	v7 =	vsel vm11, $0xFFFFFFFF, v17;
	v17 =	vsel vm7, $0x2, v24;
	vm11 =	vgt.f32 v14, v10;
	[tilespmem:$0x1FE10] =	vst v8  }
0x6f: {  	v24 =	vsel vm13, $0x1, v33;
	[tilespmem:$0x1FE20] =	vst v7;
	v7 =	vsel vm4, $0x1, v33;
	v8 =	vsel vm6, $0x1, v23  }
0x70: {  	vm4 =	vgt.f32 v15, v11;
	v11 =	vsel vm7, $0x1, v33;
	vm7 =	vgt.f32 v12, v10  }
0x71: {  	v20 =	vsel vm10, $0xFFFFFFFF, v33;
	v21 =	vsel vm10, $0x1, v33;
	v23 =	vsel vm12, $0x1, v33  }
0x72: {  	vm6 =	vgt.f32 v15, v10;
	v10 =	vsel vm13, $0xFFFFFFFF, v33;
	vm12 =	vgt.f32 v14, v12  }
0x73: {  	vm10 =	vgt.f32 v15, v12;
	v12 =	vsel vm2, $0xFFFFFFFF, v33;
	v11 =	vadd.s32 v11, v16  }
0x74: {  	vm13 =	vgt.f32 v14, v13;
	v13 =	vsel vm7, $0xFFFFFFFF, v33;
	v11 =	vadd.s32 v18, v11;
	v18 =	vld [tilespmem:$0x1FDF0]  }
0x75: {  	v32 =	vsel vm7, $0x1, v33;
	v7 =	vadd.s32 v7, v21;
	v8 =	vadd.s32 v20, v8  }
0x76: {  	v10 =	vadd.s32 v12, v10;
	v7 =	vadd.s32 v23, v7;
	v8 =	vadd.s32 v28, v8  }
0x77: {  	v16 =	vld [tilespmem:$0x1FE00];
	v28 =	vsel vm5, $0x1, v33;
	v10 =	vadd.s32 v13, v10;
	v7 =	vadd.s32 v24, v7  }
0x78: {  	v8 =	vadd.s32 v29, v8;
	v29 =	vadd.s32 v27, v22;
	v10 =	vadd.s32 v19, v10  }
0x79: {  	v19 =	vsel vm15, $0x1, v33;
	v7 =	vadd.s32 v26, v7;
	vm7 =	vnez.u8 v18;
	v18 =	vld [tilespmem:$0x1FE10]  }
0x7a: {  	v8 =	vadd.s32 v31, v8;
	v31 =	vsel vm8, $0x1, v33;
	v10 =	vadd.s32 v19, v10  }
0x7b: {  	v7 =	vadd.s32 v28, v7;
	v8 =	vadd.s32 v31, v8;
	v28 =	vsel vm4, $0x1, v33  }
0x7c: {  	v31 =	vsel vm11, $0x1, v33;
	vm2 =	vnez.u8 v16;
	v8 =	vadd.s32 v28, v8  }
0x7d: {  	v16 =	vadd.s32 v30, v25;
	v28 =	vimm.s32 $0x5;
	v14 =	vsel vm7, $0x1, v33  }
0x7e: {  	v11 =	vadd.s32 v14, v11;
	v14 =	vsel vm2, $0x1, v33;
	vm1 =	vnez.u8 v18;
	v18 =	vld [tilespmem:$0x1FE20]  }
0x7f: {  	v30 =	vsel vm8, $0xFFFFFFFF, v33;
	v11 =	vadd.s32 v14, v11;
	v14 =	vsel vm1, $0x1, v33  }
0x80: {  	v11 =	vadd.s32 v14, v11;
	v14 =	vadd.s32 v17, v29;
	v29 =	vsel vm14, $0x1, v33  }
0x81: {  	v17 =	vsel vm14, $0xFFFFFFFF, v33;
	v14 =	vadd.s32 v32, v14;
	v32 =	vsel vm6, $0x1, v33  }
0x82: {  	v13 =	vadd.s32 v17, v16;
	v12 =	vadd.s32 v29, v14;
	v14 =	vsel vm7, $0x4, v28  }
0x83: {  	v29 =	vsel vm5, $0xFFFFFFFF, v33;
	v28 =	vsel vm11, $0xFFFFFFFF, v33;
	vm3 =	vnez.u8 v18  }
0x84: {  	v12 =	vadd.s32 v31, v12;
	v18 =	vsel vm15, $0xFFFFFFFF, v33;
	v31 =	vsel vm12, $0x1, v33  }
0x85: {  	v15 =	vsel vm3, $0x1, v33;
	v12 =	vadd.s32 v32, v12;
	v13 =	vadd.s32 v18, v13  }
0x86: {  	v10 =	vadd.s32 v31, v10;
	v32 =	vadd.s32 v30, v29;
	v29 =	vsel vm10, $0x1, v33  }
0x87: {  	v30 =	vsel vm13, $0x1, v33;
	v31 =	vsel vm3, $0xFFFFFFFF, v33;
	v7 =	vadd.s32 v15, v7  }
0x88: {  	v13 =	vadd.s32 v14, v13;
	v10 =	vadd.s32 v29, v10;
	v14 =	vadd.s32 v28, v32  }
0x89: {  	v32 =	vsel vm4, $0xFFFFFFFF, v33;
	v28 =	vsel vm12, $0xFFFFFFFF, v33;
	v29 =	vsel vm6, $0xFFFFFFFF, v33  }
0x8a: {  	vm3 =	vlt.u32 v12, $0x4;
	v13 =	vadd.s32 v30, v13;
	v14 =	vadd.s32 v28, v14  }
0x8b: {  	v15 =	vadd.s32 v32, v31;
	v30 =	vsel vm10, $0xFFFFFFFF, v33;
	v31 =	vsel vm13, $0xFFFFFFFF, v33  }
0x8c: {  	v32 =	vsel vm0, $0xFFFFFFFF, v33;
	v28 =	vimm.s32 $0x6;
	vm10 =	vlt.u32 v11, $0x4  }
0x8d: {  	vm4 =	vlt.u32 v10, $0x4;
	v37 =	vnsel vm3, $0x0, v37;
	v15 =	vadd.s32 v29, v15  }
0x8e: {  	v14 =	vadd.s32 v31, v14;
	v16 =	vsel vm2, $0x5, v28;
	v29 =	vsel vm9, $0xFFFFFFFF, v33  }
0x8f: {  	v31 =	vsel vm0, $0x1, v33;
	vm2 =	vlt.u32 v8, $0x4;
	v15 =	vadd.s32 v30, v15  }
0x90: {  	v28 =	vimm.s32 $0x3F;
	v30 =	vimm.s32 $0x7;
	v15 =	vadd.s32 v32, v15  }
0x91: {  	v14 =	vadd.s32 v16, v14;
	v16 =	vsel vm1, $0x6, v30;
	v15 =	vadd.s32 v29, v15  }
0x92: {  	v13 =	vadd.s32 v31, v13;
	v32 =	vsel vm9, $0x1, v33;
	v15 =	vadd.s32 v16, v15  }
0x93: {  	vm1 =	vlt.u32 v7, $0x4;
	vm5 =	vlt.u32 v13, $0x4;
	vm7 =	vlt.u32 v15, $0x4  }
0x94: {  	v14 =	vadd.s32 v32, v14;
	v18 =	vnsel vm7, $0x0, v9;
	v0 =	vnsel vm7, $0x0, v0  }
0x95: {  	v6 =	vnsel vm7, $0x0, v6;
	v5 =	vnsel vm7, $0x0, v5;
	v4 =	vnsel vm7, $0x0, v4  }
0x96: {  	v3 =	vnsel vm7, $0x0, v3;
	v2 =	vnsel vm7, $0x0, v2;
	v1 =	vnsel vm7, $0x0, v1  }
0x97: {  	v19 =	vmin.f32 v18, $-Inf;
	vm13 =	vne.f32 v18, v18;
	vm15 =	vge.f32 v0, v18  }
0x98: {  	v29 =	vmin.f32 v0, v18;
	v0 =	vmax.f32 v0, v18;
	vm14 =	veq.f32 v19, v19  }
0x99: {  	v9 =	vsel vm13, $0x0, v28;
	vm12 =	vge.f32 v29, v19;
	v16 =	vmax.f32 v29, v19  }
0x9a: {  	v10 =	vmin.f32 v29, v19;
	v17 =	vmin.f32 v6, v0;
	vm6 =	vmand vm14, vm13  }
0x9b: {  	v31 =	vnsel vm15, $0x3E, v9;
	vm13 =	vge.f32 v10, v19;
	v8 =	vmax.f32 v10, v19  }
0x9c: {  	v9 =	vsel vm15, $0x3E, v9;
	vm14 =	vge.f32 v6, v0;
	v0 =	vmax.f32 v6, v0  }
0x9d: {  	vm15 =	vge.f32 v17, v16;
	v19 =	vmax.f32 v17, v16;
	v10 =	vmin.f32 v17, v16  }
0x9e: {  	v30 =	vsel vm6, $0x3F, v33;
	vm6 =	vlt.u32 v14, $0x4;
	v18 =	vnsel vm14, $0x3D, v9  }
0x9f: {  	vm11 =	vge.f32 v10, v8;
	v32 =	vsel vm12, v31, v30;
	v11 =	vsel vm12, v30, v31  }
0xa0: {  	v30 =	vmin.f32 v10, v8;
	v10 =	vmax.f32 v10, v8;
	v31 =	vmin.f32 v5, v0  }
0xa1: {  	v28 =	vsel vm15, v18, v32;
	v6 =	vsel vm15, v32, v18;
	v29 =	vnsel vm13, $0x0, v11  }
0xa2: {  	vm12 =	vge.f32 v30, v8;
	v7 =	vmax.f32 v30, v8;
	vm13 =	vge.f32 v5, v0  }
0xa3: {  	v0 =	vmax.f32 v5, v0;
	v32 =	vsel vm14, $0x3D, v9;
	vm14 =	vge.f32 v31, v19  }
0xa4: {  	v16 =	vmax.f32 v31, v19;
	v8 =	vmin.f32 v31, v19;
	v11 =	vsel vm11, v6, v29  }
0xa5: {  	v6 =	vsel vm11, v29, v6;
	v17 =	vnsel vm13, $0x3C, v32;
	vm15 =	vge.f32 v8, v10  }
0xa6: {  	vm8 =	vge.f32 v4, v0;
	v31 =	vmin.f32 v4, v0;
	v0 =	vmax.f32 v4, v0  }
0xa7: {  	v32 =	vsel vm13, $0x3C, v32;
	v18 =	vsel vm14, v17, v28;
	v12 =	vsel vm14, v28, v17  }
0xa8: {  	v28 =	vmax.f32 v8, v10;
	v8 =	vmin.f32 v8, v10;
	v6 =	vnsel vm12, $0x0, v6  }
0xa9: {  	vm13 =	vge.f32 v31, v16;
	v5 =	vmax.f32 v31, v16;
	v9 =	vmin.f32 v31, v16  }
0xaa: {  	v19 =	vnsel vm8, $0x3B, v32;
	v4 =	vsel vm8, $0x3B, v32;
	vm0 =	vge.f32 v3, v0  }
0xab: {  	v29 =	vsel vm15, v12, v11;
	v11 =	vsel vm15, v11, v12;
	vm11 =	vge.f32 v8, v7  }
0xac: {  	v30 =	vmin.f32 v8, v7;
	v8 =	vmax.f32 v8, v7;
	v15 =	vsel vm13, v19, v18  }
0xad: {  	vm14 =	vge.f32 v9, v28;
	v14 =	vmax.f32 v9, v28;
	v9 =	vmin.f32 v9, v28  }
0xae: {  	v31 =	vnsel vm0, $0x3A, v4;
	v12 =	vsel vm11, v11, v6;
	v6 =	vsel vm11, v6, v11  }
0xaf: {  	vm12 =	vge.f32 v30, v7;
	v7 =	vmax.f32 v30, v7;
	v11 =	vsel vm13, v18, v19  }
0xb0: {  	vm15 =	vge.f32 v9, v8;
	v28 =	vmin.f32 v9, v8;
	v8 =	vmax.f32 v9, v8  }
0xb1: {  	v30 =	vmin.f32 v3, v0;
	v0 =	vmax.f32 v3, v0;
	v13 =	vsel vm14, v11, v29  }
0xb2: {  	v10 =	vsel vm14, v29, v11;
	v6 =	vnsel vm12, $0x0, v6;
	vm12 =	vge.f32 v28, v7  }
0xb3: {  	v11 =	vmin.f32 v28, v7;
	vm13 =	vge.f32 v30, v5;
	v32 =	vmax.f32 v30, v5  }
0xb4: {  	v5 =	vmin.f32 v30, v5;
	vm8 =	vge.f32 v2, v0;
	v29 =	vsel vm15, v12, v10  }
0xb5: {  	v9 =	vsel vm15, v10, v12;
	v12 =	vmax.f32 v28, v7;
	vm9 =	vge.f32 v11, v7  }
0xb6: {  	v7 =	vmax.f32 v11, v7;
	v11 =	vsel vm13, v31, v15;
	v3 =	vsel vm13, v15, v31  }
0xb7: {  	vm14 =	vge.f32 v5, v14;
	v28 =	vmax.f32 v5, v14;
	v5 =	vmin.f32 v5, v14  }
0xb8: {  	v31 =	vmin.f32 v2, v0;
	v0 =	vmax.f32 v2, v0;
	v2 =	vsel vm0, $0x3A, v4  }
0xb9: {  	v10 =	vsel vm12, v29, v6;
	v6 =	vsel vm12, v6, v29;
	v29 =	vsel vm14, v3, v13  }
0xba: {  	v3 =	vsel vm14, v13, v3;
	vm15 =	vge.f32 v5, v8;
	v13 =	vmax.f32 v5, v8  }
0xbb: {  	v5 =	vmin.f32 v5, v8;
	vm14 =	vge.f32 v31, v32;
	v4 =	vmax.f32 v31, v32  }
0xbc: {  	vm0 =	vge.f32 v1, v0;
	v8 =	vsel vm15, v3, v9;
	v3 =	vsel vm15, v9, v3  }
0xbd: {  	vm12 =	vge.f32 v5, v12;
	v9 =	vmax.f32 v5, v12;
	v5 =	vmin.f32 v5, v12  }
0xbe: {  	v6 =	vnsel vm9, $0x0, v6;
	v12 =	vsel vm12, v3, v10;
	v3 =	vsel vm12, v10, v3  }
0xbf: {  	vm13 =	vge.f32 v5, v7;
	v30 =	vmin.f32 v5, v7;
	v5 =	vmax.f32 v5, v7  }
0xc0: {  	v10 =	vsel vm13, v3, v6;
	v3 =	vsel vm13, v6, v3;
	vm9 =	vge.f32 v30, v7  }
0xc1: {  	v6 =	vmax.f32 v30, v7;
	v7 =	vmin.f32 v31, v32;
	v32 =	vnsel vm8, $0x39, v2  }
0xc2: {  	v31 =	vmin.f32 v1, v0;
	v0 =	vmax.f32 v1, v0;
	v1 =	vsel vm8, $0x39, v2  }
0xc3: {  	v17 =	vsel vm14, v32, v11;
	v11 =	vsel vm14, v11, v32;
	vm15 =	vge.f32 v7, v28  }
0xc4: {  	v16 =	vmax.f32 v7, v28;
	v7 =	vmin.f32 v7, v28;
	v3 =	vnsel vm9, $0x0, v3  }
0xc5: {  	v2 =	vmax.f32 v31, v4;
	v32 =	vnsel vm0, $0x38, v1;
	v1 =	vsel vm0, $0x38, v1  }
0xc6: {  	v28 =	vsel vm15, v11, v29;
	v11 =	vsel vm15, v29, v11;
	vm11 =	vge.f32 v7, v13  }
0xc7: {  	v29 =	vmax.f32 v7, v13;
	v7 =	vmin.f32 v7, v13;
	vm15 =	vge.f32 v31, v4  }
0xc8: {  	v4 =	vmin.f32 v31, v4;
	v13 =	vsel vm11, v11, v8;
	v8 =	vsel vm11, v8, v11  }
0xc9: {  	vm12 =	vge.f32 v7, v9;
	v11 =	vmax.f32 v7, v9;
	v7 =	vmin.f32 v7, v9  }
0xca: {  	v18 =	vsel vm15, v32, v17;
	vm11 =	vge.f32 v4, v16;
	v9 =	vsel vm12, v8, v12  }
0xcb: {  	v8 =	vsel vm12, v12, v8;
	vm13 =	vge.f32 v7, v5;
	v12 =	vmax.f32 v7, v5  }
0xcc: {  	v5 =	vmin.f32 v7, v5;
	v7 =	vsel vm13, v8, v10;
	v8 =	vsel vm13, v10, v8  }
0xcd: {  	vm14 =	vge.f32 v5, v6;
	v30 =	vmin.f32 v5, v6;
	v5 =	vmax.f32 v5, v6  }
0xce: {  	v10 =	vsel vm14, v8, v3;
	v3 =	vsel vm14, v3, v8;
	vm9 =	vge.f32 v30, v6  }
0xcf: {  	v6 =	vmax.f32 v30, v6;
	v8 =	vsel vm15, v17, v32;
	v17 =	vmax.f32 v4, v16  }
0xd0: {  	v4 =	vmin.f32 v4, v16;
	v30 =	vnsel vm6, $0x0, v63;
	v16 =	vsel vm11, v8, v28  }
0xd1: {  	v8 =	vsel vm11, v28, v8;
	vm12 =	vge.f32 v4, v29;
	v28 =	vmax.f32 v4, v29  }
0xd2: {  	v4 =	vmin.f32 v4, v29;
	v3 =	vnsel vm9, $0x0, v3;
	vm7 =	vge.f32 v30, v0  }
0xd3: {  	v31 =	vmax.f32 v30, v0;
	v0 =	vmin.f32 v30, v0;
	v30 =	vnsel vm6, $0x0, v62  }
0xd4: {  	v29 =	vsel vm12, v8, v13;
	v8 =	vsel vm12, v13, v8;
	vm13 =	vge.f32 v4, v11  }
0xd5: {  	v13 =	vmax.f32 v4, v11;
	v4 =	vmin.f32 v4, v11;
	vm12 =	vge.f32 v0, v2  }
0xd6: {  	v32 =	vnsel vm7, $0x37, v1;
	vm0 =	vge.f32 v30, v31;
	v1 =	vsel vm7, $0x37, v1  }
0xd7: {  	v11 =	vsel vm13, v8, v9;
	v8 =	vsel vm13, v9, v8;
	vm14 =	vge.f32 v4, v12  }
0xd8: {  	v9 =	vmax.f32 v4, v12;
	v4 =	vmin.f32 v4, v12;
	v12 =	vsel vm14, v8, v7  }
0xd9: {  	v7 =	vsel vm14, v7, v8;
	vm15 =	vge.f32 v4, v5;
	v8 =	vmax.f32 v4, v5  }
0xda: {  	v4 =	vmin.f32 v4, v5;
	v5 =	vsel vm15, v7, v10;
	v7 =	vsel vm15, v10, v7  }
0xdb: {  	vm11 =	vge.f32 v4, v6;
	v4 =	vmax.f32 v4, v6;
	v10 =	vmax.f32 v0, v2  }
0xdc: {  	v0 =	vmin.f32 v0, v2;
	v2 =	vsel vm12, v32, v18;
	v3 =	vsel vm11, v7, v3  }
0xdd: {  	v7 =	vsel vm12, v18, v32;
	vm13 =	vge.f32 v0, v17;
	v18 =	vmax.f32 v0, v17  }
0xde: {  	v0 =	vmin.f32 v0, v17;
	v32 =	vnsel vm0, $0x36, v1;
	v1 =	vsel vm0, $0x36, v1  }
0xdf: {  	v17 =	vsel vm13, v7, v16;
	v7 =	vsel vm13, v16, v7;
	vm14 =	vge.f32 v0, v28  }
0xe0: {  	v63 =	vmax.f32 v0, v28;
	v0 =	vmin.f32 v0, v28;
	v28 =	vsel vm14, v7, v29  }
0xe1: {  	v7 =	vsel vm14, v29, v7;
	vm15 =	vge.f32 v0, v13;
	v29 =	vmax.f32 v0, v13  }
0xe2: {  	v0 =	vmin.f32 v0, v13;
	v13 =	vsel vm15, v7, v11;
	v7 =	vsel vm15, v11, v7  }
0xe3: {  	vm8 =	vge.f32 v0, v9;
	v11 =	vmax.f32 v0, v9;
	v0 =	vmin.f32 v0, v9  }
0xe4: {  	v9 =	vsel vm8, v7, v12;
	v7 =	vsel vm8, v12, v7;
	vm9 =	vge.f32 v0, v8  }
0xe5: {  	v12 =	vmax.f32 v0, v8;
	v0 =	vmin.f32 v0, v8;
	v8 =	vsel vm9, v7, v5  }
0xe6: {  	v5 =	vsel vm9, v5, v7;
	vm11 =	vge.f32 v0, v4;
	v0 =	vmax.f32 v0, v4  }
0xe7: {  	v4 =	vmax.f32 v30, v31;
	v31 =	vmin.f32 v30, v31;
	v3 =	vsel vm11, v5, v3  }
0xe8: {  	vm12 =	vge.f32 v31, v10;
	v7 =	vmax.f32 v31, v10;
	v5 =	vmin.f32 v31, v10  }
0xe9: {  	v31 =	vnsel vm6, $0x0, v61;
	v10 =	vsel vm12, v32, v2;
	v2 =	vsel vm12, v2, v32  }
0xea: {  	vm13 =	vge.f32 v5, v18;
	v6 =	vmax.f32 v5, v18;
	v5 =	vmin.f32 v5, v18  }
0xeb: {  	vm7 =	vge.f32 v31, v4;
	v18 =	vsel vm13, v2, v17;
	v2 =	vsel vm13, v17, v2  }
0xec: {  	vm14 =	vge.f32 v5, v63;
	v62 =	vmax.f32 v5, v63;
	v5 =	vmin.f32 v5, v63  }
0xed: {  	v32 =	vnsel vm7, $0x35, v1;
	v1 =	vsel vm7, $0x35, v1;
	v63 =	vsel vm14, v2, v28  }
0xee: {  	v2 =	vsel vm14, v28, v2;
	vm15 =	vge.f32 v5, v29;
	v28 =	vmax.f32 v5, v29  }
0xef: {  	v5 =	vmin.f32 v5, v29;
	v29 =	vsel vm15, v2, v13;
	v2 =	vsel vm15, v13, v2  }
0xf0: {  	vm9 =	vge.f32 v5, v11;
	v30 =	vmax.f32 v5, v11;
	v5 =	vmin.f32 v5, v11  }
0xf1: {  	v11 =	vsel vm9, v2, v9;
	v2 =	vsel vm9, v9, v2;
	vm11 =	vge.f32 v5, v12  }
0xf2: {  	v9 =	vmax.f32 v5, v12;
	v5 =	vmin.f32 v5, v12;
	v12 =	vsel vm11, v2, v8  }
0xf3: {  	v2 =	vsel vm11, v8, v2;
	vm12 =	vge.f32 v5, v0;
	v0 =	vmax.f32 v5, v0  }
0xf4: {  	v2 =	vsel vm12, v2, v3;
	v3 =	vmax.f32 v31, v4;
	v4 =	vmin.f32 v31, v4  }
0xf5: {  	v31 =	vnsel vm6, $0x0, v60;
	vm13 =	vge.f32 v4, v7;
	v8 =	vmax.f32 v4, v7  }
0xf6: {  	v4 =	vmin.f32 v4, v7;
	vm0 =	vge.f32 v31, v3;
	v7 =	vsel vm13, v32, v10  }
0xf7: {  	v5 =	vsel vm13, v10, v32;
	vm14 =	vge.f32 v4, v6;
	v10 =	vmax.f32 v4, v6  }
0xf8: {  	v4 =	vmin.f32 v4, v6;
	v32 =	vnsel vm0, $0x34, v1;
	v1 =	vsel vm0, $0x34, v1  }
0xf9: {  	v6 =	vsel vm14, v5, v18;
	v5 =	vsel vm14, v18, v5;
	vm15 =	vge.f32 v4, v62  }
0xfa: {  	v61 =	vmax.f32 v4, v62;
	v4 =	vmin.f32 v4, v62;
	v62 =	vsel vm15, v5, v63  }
0xfb: {  	v5 =	vsel vm15, v63, v5;
	vm8 =	vge.f32 v4, v28;
	v63 =	vmax.f32 v4, v28  }
0xfc: {  	v4 =	vmin.f32 v4, v28;
	v28 =	vsel vm8, v5, v29;
	v5 =	vsel vm8, v29, v5  }
0xfd: {  	vm9 =	vge.f32 v4, v30;
	v29 =	vmax.f32 v4, v30;
	v4 =	vmin.f32 v4, v30  }
0xfe: {  	v30 =	vsel vm9, v5, v11;
	v5 =	vsel vm9, v11, v5;
	vm11 =	vge.f32 v4, v9  }
0xff: {  	v11 =	vmax.f32 v4, v9;
	v4 =	vmin.f32 v4, v9;
	v9 =	vsel vm11, v5, v12  }
0x100: {  	v5 =	vsel vm11, v12, v5;
	vm12 =	vge.f32 v4, v0;
	v0 =	vmax.f32 v4, v0  }
0x101: {  	v4 =	vmax.f32 v31, v3;
	v3 =	vmin.f32 v31, v3;
	v31 =	vnsel vm6, $0x0, v59  }
0x102: {  	v2 =	vsel vm12, v5, v2;
	vm13 =	vge.f32 v3, v8;
	v12 =	vmax.f32 v3, v8  }
0x103: {  	v3 =	vmin.f32 v3, v8;
	vm7 =	vge.f32 v31, v4;
	v8 =	vsel vm13, v32, v7  }
0x104: {  	v5 =	vsel vm13, v7, v32;
	vm14 =	vge.f32 v3, v10;
	v7 =	vmax.f32 v3, v10  }
0x105: {  	v3 =	vmin.f32 v3, v10;
	v32 =	vnsel vm7, $0x33, v1;
	v1 =	vsel vm7, $0x33, v1  }
0x106: {  	v10 =	vsel vm14, v5, v6;
	v5 =	vsel vm14, v6, v5;
	vm15 =	vge.f32 v3, v61  }
0x107: {  	v60 =	vmax.f32 v3, v61;
	v3 =	vmin.f32 v3, v61;
	v61 =	vsel vm15, v5, v62  }
0x108: {  	v5 =	vsel vm15, v62, v5;
	vm9 =	vge.f32 v3, v63;
	v62 =	vmax.f32 v3, v63  }
0x109: {  	v3 =	vmin.f32 v3, v63;
	v63 =	vsel vm9, v5, v28;
	v5 =	vsel vm9, v28, v5  }
0x10a: {  	vm11 =	vge.f32 v3, v29;
	v28 =	vmax.f32 v3, v29;
	v3 =	vmin.f32 v3, v29  }
0x10b: {  	v29 =	vsel vm11, v5, v30;
	v5 =	vsel vm11, v30, v5;
	vm12 =	vge.f32 v3, v11  }
0x10c: {  	v30 =	vmax.f32 v3, v11;
	v3 =	vmin.f32 v3, v11;
	v11 =	vsel vm12, v5, v9  }
0x10d: {  	v5 =	vsel vm12, v9, v5;
	vm13 =	vge.f32 v3, v0;
	v0 =	vmax.f32 v3, v0  }
0x10e: {  	v3 =	vmax.f32 v31, v4;
	v4 =	vmin.f32 v31, v4;
	v31 =	vnsel vm6, $0x0, v58  }
0x10f: {  	v2 =	vsel vm13, v5, v2;
	vm14 =	vge.f32 v4, v12;
	v9 =	vmax.f32 v4, v12  }
0x110: {  	v4 =	vmin.f32 v4, v12;
	vm0 =	vge.f32 v31, v3;
	v12 =	vsel vm14, v32, v8  }
0x111: {  	v5 =	vsel vm14, v8, v32;
	vm15 =	vge.f32 v4, v7;
	v8 =	vmax.f32 v4, v7  }
0x112: {  	v4 =	vmin.f32 v4, v7;
	v32 =	vnsel vm0, $0x32, v1;
	v1 =	vsel vm0, $0x32, v1  }
0x113: {  	v7 =	vsel vm15, v5, v10;
	v5 =	vsel vm15, v10, v5;
	vm8 =	vge.f32 v4, v60  }
0x114: {  	v59 =	vmax.f32 v4, v60;
	v4 =	vmin.f32 v4, v60;
	v60 =	vsel vm8, v5, v61  }
0x115: {  	v5 =	vsel vm8, v61, v5;
	vm9 =	vge.f32 v4, v62;
	v61 =	vmax.f32 v4, v62  }
0x116: {  	v4 =	vmin.f32 v4, v62;
	v62 =	vsel vm9, v5, v63;
	v5 =	vsel vm9, v63, v5  }
0x117: {  	vm11 =	vge.f32 v4, v28;
	v63 =	vmax.f32 v4, v28;
	v4 =	vmin.f32 v4, v28  }
0x118: {  	v28 =	vsel vm11, v5, v29;
	v5 =	vsel vm11, v29, v5;
	vm12 =	vge.f32 v4, v30  }
0x119: {  	v29 =	vmax.f32 v4, v30;
	v4 =	vmin.f32 v4, v30;
	v30 =	vsel vm12, v5, v11  }
0x11a: {  	v5 =	vsel vm12, v11, v5;
	vm13 =	vge.f32 v4, v0;
	v0 =	vmax.f32 v4, v0  }
0x11b: {  	v4 =	vmax.f32 v31, v3;
	v3 =	vmin.f32 v31, v3;
	v2 =	vsel vm13, v5, v2  }
0x11c: {  	vm14 =	vge.f32 v3, v9;
	v11 =	vmax.f32 v3, v9;
	v3 =	vmin.f32 v3, v9  }
0x11d: {  	v9 =	vsel vm14, v32, v12;
	v5 =	vsel vm14, v12, v32;
	vm15 =	vge.f32 v3, v8  }
0x11e: {  	v12 =	vmax.f32 v3, v8;
	v3 =	vmin.f32 v3, v8;
	v8 =	vsel vm15, v5, v7  }
0x11f: {  	v5 =	vsel vm15, v7, v5;
	vm9 =	vge.f32 v3, v59;
	v58 =	vmax.f32 v3, v59  }
0x120: {  	v3 =	vmin.f32 v3, v59;
	v59 =	vsel vm9, v5, v60;
	v5 =	vsel vm9, v60, v5  }
0x121: {  	vm11 =	vge.f32 v3, v61;
	v60 =	vmax.f32 v3, v61;
	v3 =	vmin.f32 v3, v61  }
0x122: {  	v61 =	vsel vm11, v5, v62;
	v5 =	vsel vm11, v62, v5;
	vm12 =	vge.f32 v3, v63  }
0x123: {  	v62 =	vmax.f32 v3, v63;
	v3 =	vmin.f32 v3, v63;
	v63 =	vsel vm12, v5, v28  }
0x124: {  	v5 =	vsel vm12, v28, v5;
	vm13 =	vge.f32 v3, v29;
	v28 =	vmax.f32 v3, v29  }
0x125: {  	v3 =	vmin.f32 v3, v29;
	v29 =	vsel vm13, v5, v30;
	v5 =	vsel vm13, v30, v5  }
0x126: {  	vm14 =	vge.f32 v3, v0;
	v30 =	vnsel vm6, $0x0, v57;
	v0 =	vmax.f32 v3, v0  }
0x127: {  	vm7 =	vge.f32 v30, v4;
	v31 =	vmax.f32 v30, v4;
	v4 =	vmin.f32 v30, v4  }
0x128: {  	v2 =	vsel vm14, v5, v2;
	vm15 =	vge.f32 v4, v11;
	v32 =	vnsel vm7, $0x31, v1  }
0x129: {  	v13 =	vmax.f32 v4, v11;
	v4 =	vmin.f32 v4, v11;
	v1 =	vsel vm7, $0x31, v1  }
0x12a: {  	v11 =	vsel vm15, v32, v9;
	v5 =	vsel vm15, v9, v32;
	vm8 =	vge.f32 v4, v12  }
0x12b: {  	v9 =	vmax.f32 v4, v12;
	v4 =	vmin.f32 v4, v12;
	v12 =	vsel vm8, v5, v8  }
0x12c: {  	v5 =	vsel vm8, v8, v5;
	vm9 =	vge.f32 v4, v58;
	v57 =	vmax.f32 v4, v58  }
0x12d: {  	v4 =	vmin.f32 v4, v58;
	v58 =	vsel vm9, v5, v59;
	v5 =	vsel vm9, v59, v5  }
0x12e: {  	vm11 =	vge.f32 v4, v60;
	v59 =	vmax.f32 v4, v60;
	v4 =	vmin.f32 v4, v60  }
0x12f: {  	v60 =	vsel vm11, v5, v61;
	v5 =	vsel vm11, v61, v5;
	vm12 =	vge.f32 v4, v62  }
0x130: {  	v61 =	vmax.f32 v4, v62;
	v4 =	vmin.f32 v4, v62;
	v62 =	vsel vm12, v5, v63  }
0x131: {  	v5 =	vsel vm12, v63, v5;
	vm13 =	vge.f32 v4, v28;
	v63 =	vmax.f32 v4, v28  }
0x132: {  	v4 =	vmin.f32 v4, v28;
	v28 =	vsel vm13, v5, v29;
	v5 =	vsel vm13, v29, v5  }
0x133: {  	vm14 =	vge.f32 v4, v0;
	v29 =	vnsel vm6, $0x0, v56;
	v0 =	vmax.f32 v4, v0  }
0x134: {  	v2 =	vsel vm14, v5, v2;
	vm0 =	vge.f32 v29, v31;
	v3 =	vmin.f32 v29, v31  }
0x135: {  	v30 =	vmax.f32 v29, v31;
	vm15 =	vge.f32 v3, v13;
	v31 =	vnsel vm0, $0x30, v1  }
0x136: {  	v14 =	vmax.f32 v3, v13;
	v3 =	vmin.f32 v3, v13;
	v1 =	vsel vm0, $0x30, v1  }
0x137: {  	v32 =	vsel vm15, v31, v11;
	v5 =	vsel vm15, v11, v31;
	vm9 =	vge.f32 v3, v9  }
0x138: {  	v11 =	vmax.f32 v3, v9;
	v3 =	vmin.f32 v3, v9;
	v9 =	vsel vm9, v5, v12  }
0x139: {  	v5 =	vsel vm9, v12, v5;
	vm11 =	vge.f32 v3, v57;
	v56 =	vmax.f32 v3, v57  }
0x13a: {  	v3 =	vmin.f32 v3, v57;
	v57 =	vsel vm11, v5, v58;
	v5 =	vsel vm11, v58, v5  }
0x13b: {  	vm12 =	vge.f32 v3, v59;
	v58 =	vmax.f32 v3, v59;
	v3 =	vmin.f32 v3, v59  }
0x13c: {  	v59 =	vsel vm12, v5, v60;
	v5 =	vsel vm12, v60, v5;
	vm13 =	vge.f32 v3, v61  }
0x13d: {  	v60 =	vmax.f32 v3, v61;
	v3 =	vmin.f32 v3, v61;
	v61 =	vsel vm13, v5, v62  }
0x13e: {  	v5 =	vsel vm13, v62, v5;
	vm14 =	vge.f32 v3, v63;
	v62 =	vmax.f32 v3, v63  }
0x13f: {  	v3 =	vmin.f32 v3, v63;
	v63 =	vsel vm14, v5, v28;
	v5 =	vsel vm14, v28, v5  }
0x140: {  	vm15 =	vge.f32 v3, v0;
	v28 =	vnsel vm5, $0x0, v55;
	v0 =	vmax.f32 v3, v0  }
0x141: {  	v2 =	vsel vm15, v5, v2;
	vm9 =	vge.f32 v28, v30;
	v4 =	vmin.f32 v28, v30  }
0x142: {  	v29 =	vmax.f32 v28, v30;
	vm11 =	vge.f32 v4, v14;
	v30 =	vnsel vm9, $0x2F, v1  }
0x143: {  	v15 =	vmax.f32 v4, v14;
	v4 =	vmin.f32 v4, v14;
	v1 =	vsel vm9, $0x2F, v1  }
0x144: {  	v31 =	vsel vm11, v30, v32;
	v5 =	vsel vm11, v32, v30;
	vm12 =	vge.f32 v4, v11  }
0x145: {  	v32 =	vmax.f32 v4, v11;
	v4 =	vmin.f32 v4, v11;
	v11 =	vsel vm12, v5, v9  }
0x146: {  	v5 =	vsel vm12, v9, v5;
	vm13 =	vge.f32 v4, v56;
	v9 =	vmax.f32 v4, v56  }
0x147: {  	v4 =	vmin.f32 v4, v56;
	v55 =	vsel vm13, v5, v57;
	v5 =	vsel vm13, v57, v5  }
0x148: {  	vm14 =	vge.f32 v4, v58;
	v56 =	vmax.f32 v4, v58;
	v4 =	vmin.f32 v4, v58  }
0x149: {  	v57 =	vsel vm14, v5, v59;
	v5 =	vsel vm14, v59, v5;
	vm15 =	vge.f32 v4, v60  }
0x14a: {  	v58 =	vmax.f32 v4, v60;
	v4 =	vmin.f32 v4, v60;
	v59 =	vsel vm15, v5, v61  }
0x14b: {  	v5 =	vsel vm15, v61, v5;
	vm7 =	vge.f32 v4, v62;
	v60 =	vmax.f32 v4, v62  }
0x14c: {  	v4 =	vmin.f32 v4, v62;
	v62 =	vnsel vm5, $0x0, v54;
	v61 =	vsel vm7, v5, v63  }
0x14d: {  	v5 =	vsel vm7, v63, v5;
	vm8 =	vge.f32 v4, v0;
	v0 =	vmax.f32 v4, v0  }
0x14e: {  	vm0 =	vge.f32 v62, v29;
	v63 =	vmax.f32 v62, v29;
	v3 =	vmin.f32 v62, v29  }
0x14f: {  	v2 =	vsel vm8, v5, v2;
	v28 =	vnsel vm0, $0x2E, v1;
	vm9 =	vge.f32 v3, v15  }
0x150: {  	v29 =	vmax.f32 v3, v15;
	v3 =	vmin.f32 v3, v15;
	v1 =	vsel vm0, $0x2E, v1  }
0x151: {  	v30 =	vsel vm9, v28, v31;
	v4 =	vsel vm9, v31, v28;
	vm11 =	vge.f32 v3, v32  }
0x152: {  	v31 =	vmax.f32 v3, v32;
	v3 =	vmin.f32 v3, v32;
	v32 =	vsel vm11, v4, v11  }
0x153: {  	v4 =	vsel vm11, v11, v4;
	vm12 =	vge.f32 v3, v9;
	v11 =	vmax.f32 v3, v9  }
0x154: {  	v3 =	vmin.f32 v3, v9;
	v54 =	vsel vm12, v4, v55;
	v4 =	vsel vm12, v55, v4  }
0x155: {  	vm13 =	vge.f32 v3, v56;
	v55 =	vmax.f32 v3, v56;
	v3 =	vmin.f32 v3, v56  }
0x156: {  	v56 =	vsel vm13, v4, v57;
	v4 =	vsel vm13, v57, v4;
	vm14 =	vge.f32 v3, v58  }
0x157: {  	v57 =	vmax.f32 v3, v58;
	v3 =	vmin.f32 v3, v58;
	v58 =	vsel vm14, v4, v59  }
0x158: {  	v4 =	vsel vm14, v59, v4;
	vm15 =	vge.f32 v3, v60;
	v59 =	vmax.f32 v3, v60  }
0x159: {  	v3 =	vmin.f32 v3, v60;
	v60 =	vsel vm15, v4, v61;
	v4 =	vsel vm15, v61, v4  }
0x15a: {  	vm8 =	vge.f32 v3, v0;
	v0 =	vmax.f32 v3, v0;
	v61 =	vnsel vm5, $0x0, v53  }
0x15b: {  	v2 =	vsel vm8, v4, v2;
	vm0 =	vge.f32 v61, v63;
	v3 =	vmin.f32 v61, v63  }
0x15c: {  	v62 =	vmax.f32 v61, v63;
	v63 =	vnsel vm0, $0x2D, v1;
	vm9 =	vge.f32 v3, v29  }
0x15d: {  	v28 =	vmax.f32 v3, v29;
	v3 =	vmin.f32 v3, v29;
	v1 =	vsel vm0, $0x2D, v1  }
0x15e: {  	v29 =	vsel vm9, v63, v30;
	v5 =	vsel vm9, v30, v63;
	vm11 =	vge.f32 v3, v31  }
0x15f: {  	v30 =	vmax.f32 v3, v31;
	v3 =	vmin.f32 v3, v31;
	v31 =	vsel vm11, v5, v32  }
0x160: {  	v5 =	vsel vm11, v32, v5;
	vm12 =	vge.f32 v3, v11;
	v32 =	vmax.f32 v3, v11  }
0x161: {  	v3 =	vmin.f32 v3, v11;
	v53 =	vsel vm12, v5, v54;
	v5 =	vsel vm12, v54, v5  }
0x162: {  	vm13 =	vge.f32 v3, v55;
	v54 =	vmax.f32 v3, v55;
	v3 =	vmin.f32 v3, v55  }
0x163: {  	v55 =	vsel vm13, v5, v56;
	v5 =	vsel vm13, v56, v5;
	vm14 =	vge.f32 v3, v57  }
0x164: {  	v56 =	vmax.f32 v3, v57;
	v3 =	vmin.f32 v3, v57;
	v57 =	vsel vm14, v5, v58  }
0x165: {  	v5 =	vsel vm14, v58, v5;
	vm15 =	vge.f32 v3, v59;
	v58 =	vmax.f32 v3, v59  }
0x166: {  	v3 =	vmin.f32 v3, v59;
	v59 =	vsel vm15, v5, v60;
	v5 =	vsel vm15, v60, v5  }
0x167: {  	vm8 =	vge.f32 v3, v0;
	v0 =	vmax.f32 v3, v0;
	v60 =	vnsel vm5, $0x0, v52  }
0x168: {  	v2 =	vsel vm8, v5, v2;
	vm0 =	vge.f32 v60, v62;
	v3 =	vmin.f32 v60, v62  }
0x169: {  	v61 =	vmax.f32 v60, v62;
	v62 =	vnsel vm0, $0x2C, v1;
	vm9 =	vge.f32 v3, v28  }
0x16a: {  	v63 =	vmax.f32 v3, v28;
	v3 =	vmin.f32 v3, v28;
	v1 =	vsel vm0, $0x2C, v1  }
0x16b: {  	v28 =	vsel vm9, v62, v29;
	v4 =	vsel vm9, v29, v62;
	vm11 =	vge.f32 v3, v30  }
0x16c: {  	v29 =	vmax.f32 v3, v30;
	v3 =	vmin.f32 v3, v30;
	v30 =	vsel vm11, v4, v31  }
0x16d: {  	v4 =	vsel vm11, v31, v4;
	vm12 =	vge.f32 v3, v32;
	v31 =	vmax.f32 v3, v32  }
0x16e: {  	v3 =	vmin.f32 v3, v32;
	v32 =	vsel vm12, v4, v53;
	v4 =	vsel vm12, v53, v4  }
0x16f: {  	vm13 =	vge.f32 v3, v54;
	v52 =	vmax.f32 v3, v54;
	v3 =	vmin.f32 v3, v54  }
0x170: {  	v53 =	vsel vm13, v4, v55;
	v4 =	vsel vm13, v55, v4;
	vm14 =	vge.f32 v3, v56  }
0x171: {  	v54 =	vmax.f32 v3, v56;
	v3 =	vmin.f32 v3, v56;
	v55 =	vsel vm14, v4, v57  }
0x172: {  	v4 =	vsel vm14, v57, v4;
	vm15 =	vge.f32 v3, v58;
	v56 =	vmax.f32 v3, v58  }
0x173: {  	v3 =	vmin.f32 v3, v58;
	v58 =	vnsel vm5, $0x0, v51;
	v57 =	vsel vm15, v4, v59  }
0x174: {  	v4 =	vsel vm15, v59, v4;
	vm8 =	vge.f32 v3, v0;
	v0 =	vmax.f32 v3, v0  }
0x175: {  	vm0 =	vge.f32 v58, v61;
	v59 =	vmax.f32 v58, v61;
	v3 =	vmin.f32 v58, v61  }
0x176: {  	v2 =	vsel vm8, v4, v2;
	v60 =	vnsel vm0, $0x2B, v1;
	vm9 =	vge.f32 v3, v63  }
0x177: {  	v61 =	vmax.f32 v3, v63;
	v3 =	vmin.f32 v3, v63;
	v1 =	vsel vm0, $0x2B, v1  }
0x178: {  	v62 =	vsel vm9, v60, v28;
	v5 =	vsel vm9, v28, v60;
	vm11 =	vge.f32 v3, v29  }
0x179: {  	v63 =	vmax.f32 v3, v29;
	v3 =	vmin.f32 v3, v29;
	v28 =	vsel vm11, v5, v30  }
0x17a: {  	v5 =	vsel vm11, v30, v5;
	vm12 =	vge.f32 v3, v31;
	v29 =	vmax.f32 v3, v31  }
0x17b: {  	v3 =	vmin.f32 v3, v31;
	v30 =	vsel vm12, v5, v32;
	v5 =	vsel vm12, v32, v5  }
0x17c: {  	vm13 =	vge.f32 v3, v52;
	v31 =	vmax.f32 v3, v52;
	v3 =	vmin.f32 v3, v52  }
0x17d: {  	v32 =	vsel vm13, v5, v53;
	v5 =	vsel vm13, v53, v5;
	vm14 =	vge.f32 v3, v54  }
0x17e: {  	v51 =	vmax.f32 v3, v54;
	v3 =	vmin.f32 v3, v54;
	v52 =	vsel vm14, v5, v55  }
0x17f: {  	v5 =	vsel vm14, v55, v5;
	vm15 =	vge.f32 v3, v56;
	v53 =	vmax.f32 v3, v56  }
0x180: {  	v3 =	vmin.f32 v3, v56;
	v55 =	vnsel vm5, $0x0, v50;
	v54 =	vsel vm15, v5, v57  }
0x181: {  	v5 =	vsel vm15, v57, v5;
	vm8 =	vge.f32 v3, v0;
	v0 =	vmax.f32 v3, v0  }
0x182: {  	vm0 =	vge.f32 v55, v59;
	v56 =	vmax.f32 v55, v59;
	v3 =	vmin.f32 v55, v59  }
0x183: {  	v2 =	vsel vm8, v5, v2;
	v57 =	vnsel vm0, $0x2A, v1;
	vm9 =	vge.f32 v3, v61  }
0x184: {  	v58 =	vmax.f32 v3, v61;
	v3 =	vmin.f32 v3, v61;
	v1 =	vsel vm0, $0x2A, v1  }
0x185: {  	v59 =	vsel vm9, v57, v62;
	v4 =	vsel vm9, v62, v57;
	vm11 =	vge.f32 v3, v63  }
0x186: {  	v60 =	vmax.f32 v3, v63;
	v3 =	vmin.f32 v3, v63;
	v61 =	vsel vm11, v4, v28  }
0x187: {  	v4 =	vsel vm11, v28, v4;
	vm12 =	vge.f32 v3, v29;
	v62 =	vmax.f32 v3, v29  }
0x188: {  	v3 =	vmin.f32 v3, v29;
	v63 =	vsel vm12, v4, v30;
	v4 =	vsel vm12, v30, v4  }
0x189: {  	vm13 =	vge.f32 v3, v31;
	v28 =	vmax.f32 v3, v31;
	v3 =	vmin.f32 v3, v31  }
0x18a: {  	v29 =	vsel vm13, v4, v32;
	v4 =	vsel vm13, v32, v4;
	vm14 =	vge.f32 v3, v51  }
0x18b: {  	v30 =	vmax.f32 v3, v51;
	v3 =	vmin.f32 v3, v51;
	v51 =	vnsel vm5, $0x0, v49  }
0x18c: {  	v31 =	vsel vm14, v4, v52;
	v4 =	vsel vm14, v52, v4;
	vm15 =	vge.f32 v3, v53  }
0x18d: {  	v32 =	vmax.f32 v3, v53;
	v3 =	vmin.f32 v3, v53;
	vm0 =	vge.f32 v51, v56  }
0x18e: {  	v52 =	vmax.f32 v51, v56;
	v50 =	vsel vm15, v4, v54;
	v4 =	vsel vm15, v54, v4  }
0x18f: {  	vm9 =	vge.f32 v3, v0;
	v0 =	vmax.f32 v3, v0;
	v3 =	vmin.f32 v51, v56  }
0x190: {  	v53 =	vnsel vm0, $0x29, v1;
	v1 =	vsel vm0, $0x29, v1;
	v2 =	vsel vm9, v4, v2  }
0x191: {  	vm11 =	vge.f32 v3, v58;
	v54 =	vmax.f32 v3, v58;
	v3 =	vmin.f32 v3, v58  }
0x192: {  	v55 =	vsel vm11, v53, v59;
	v5 =	vsel vm11, v59, v53;
	vm12 =	vge.f32 v3, v60  }
0x193: {  	v56 =	vmax.f32 v3, v60;
	v3 =	vmin.f32 v3, v60;
	v57 =	vsel vm12, v5, v61  }
0x194: {  	v5 =	vsel vm12, v61, v5;
	vm13 =	vge.f32 v3, v62;
	v58 =	vmax.f32 v3, v62  }
0x195: {  	v3 =	vmin.f32 v3, v62;
	v59 =	vsel vm13, v5, v63;
	v5 =	vsel vm13, v63, v5  }
0x196: {  	vm14 =	vge.f32 v3, v28;
	v60 =	vmax.f32 v3, v28;
	v3 =	vmin.f32 v3, v28  }
0x197: {  	v61 =	vsel vm14, v5, v29;
	v5 =	vsel vm14, v29, v5;
	vm15 =	vge.f32 v3, v30  }
0x198: {  	v62 =	vmax.f32 v3, v30;
	v3 =	vmin.f32 v3, v30;
	v30 =	vnsel vm5, $0x0, v48  }
0x199: {  	v63 =	vsel vm15, v5, v31;
	v5 =	vsel vm15, v31, v5;
	vm9 =	vge.f32 v3, v32  }
0x19a: {  	v28 =	vmax.f32 v3, v32;
	v3 =	vmin.f32 v3, v32;
	vm12 =	vge.f32 v30, v52  }
0x19b: {  	v31 =	vmax.f32 v30, v52;
	v29 =	vsel vm9, v5, v50;
	v5 =	vsel vm9, v50, v5  }
0x19c: {  	vm11 =	vge.f32 v3, v0;
	v0 =	vmax.f32 v3, v0;
	v3 =	vmin.f32 v30, v52  }
0x19d: {  	v32 =	vnsel vm12, $0x28, v1;
	v1 =	vsel vm12, $0x28, v1;
	v2 =	vsel vm11, v5, v2  }
0x19e: {  	vm13 =	vge.f32 v3, v54;
	v48 =	vmax.f32 v3, v54;
	v3 =	vmin.f32 v3, v54  }
0x19f: {  	v49 =	vsel vm13, v32, v55;
	v4 =	vsel vm13, v55, v32;
	vm14 =	vge.f32 v3, v56  }
0x1a0: {  	v50 =	vmax.f32 v3, v56;
	v3 =	vmin.f32 v3, v56;
	v51 =	vsel vm14, v4, v57  }
0x1a1: {  	v4 =	vsel vm14, v57, v4;
	vm15 =	vge.f32 v3, v58;
	v52 =	vmax.f32 v3, v58  }
0x1a2: {  	v3 =	vmin.f32 v3, v58;
	v53 =	vsel vm15, v4, v59;
	v4 =	vsel vm15, v59, v4  }
0x1a3: {  	vm8 =	vge.f32 v3, v60;
	v54 =	vmax.f32 v3, v60;
	v3 =	vmin.f32 v3, v60  }
0x1a4: {  	v60 =	vnsel vm4, $0x0, v47;
	v55 =	vsel vm8, v4, v61;
	v4 =	vsel vm8, v61, v4  }
0x1a5: {  	vm9 =	vge.f32 v3, v62;
	v56 =	vmax.f32 v3, v62;
	v3 =	vmin.f32 v3, v62  }
0x1a6: {  	vm13 =	vge.f32 v60, v31;
	v61 =	vmax.f32 v60, v31;
	v57 =	vsel vm9, v4, v63  }
0x1a7: {  	v4 =	vsel vm9, v63, v4;
	vm11 =	vge.f32 v3, v28;
	v58 =	vmax.f32 v3, v28  }
0x1a8: {  	v3 =	vmin.f32 v3, v28;
	v62 =	vnsel vm13, $0x27, v1;
	v1 =	vsel vm13, $0x27, v1  }
0x1a9: {  	v59 =	vsel vm11, v4, v29;
	v4 =	vsel vm11, v29, v4;
	vm12 =	vge.f32 v3, v0  }
0x1aa: {  	v0 =	vmax.f32 v3, v0;
	v3 =	vmin.f32 v60, v31;
	v2 =	vsel vm12, v4, v2  }
0x1ab: {  	vm14 =	vge.f32 v3, v48;
	v63 =	vmax.f32 v3, v48;
	v3 =	vmin.f32 v3, v48  }
0x1ac: {  	v28 =	vsel vm14, v62, v49;
	v5 =	vsel vm14, v49, v62;
	vm15 =	vge.f32 v3, v50  }
0x1ad: {  	v29 =	vmax.f32 v3, v50;
	v3 =	vmin.f32 v3, v50;
	v30 =	vsel vm15, v5, v51  }
0x1ae: {  	v5 =	vsel vm15, v51, v5;
	vm8 =	vge.f32 v3, v52;
	v31 =	vmax.f32 v3, v52  }
0x1af: {  	v3 =	vmin.f32 v3, v52;
	v32 =	vsel vm8, v5, v53;
	v5 =	vsel vm8, v53, v5  }
0x1b0: {  	vm9 =	vge.f32 v3, v54;
	v47 =	vmax.f32 v3, v54;
	v3 =	vmin.f32 v3, v54  }
0x1b1: {  	v53 =	vnsel vm4, $0x0, v46;
	v48 =	vsel vm9, v5, v55;
	v5 =	vsel vm9, v55, v5  }
0x1b2: {  	vm11 =	vge.f32 v3, v56;
	v49 =	vmax.f32 v3, v56;
	v3 =	vmin.f32 v3, v56  }
0x1b3: {  	vm14 =	vge.f32 v53, v61;
	v54 =	vmax.f32 v53, v61;
	v50 =	vsel vm11, v5, v57  }
0x1b4: {  	v5 =	vsel vm11, v57, v5;
	vm12 =	vge.f32 v3, v58;
	v51 =	vmax.f32 v3, v58  }
0x1b5: {  	v3 =	vmin.f32 v3, v58;
	v55 =	vnsel vm14, $0x26, v1;
	v1 =	vsel vm14, $0x26, v1  }
0x1b6: {  	v52 =	vsel vm12, v5, v59;
	v5 =	vsel vm12, v59, v5;
	vm13 =	vge.f32 v3, v0  }
0x1b7: {  	v0 =	vmax.f32 v3, v0;
	v3 =	vmin.f32 v53, v61;
	v2 =	vsel vm13, v5, v2  }
0x1b8: {  	vm15 =	vge.f32 v3, v63;
	v56 =	vmax.f32 v3, v63;
	v3 =	vmin.f32 v3, v63  }
0x1b9: {  	v57 =	vsel vm15, v55, v28;
	v4 =	vsel vm15, v28, v55;
	vm8 =	vge.f32 v3, v29  }
0x1ba: {  	v58 =	vmax.f32 v3, v29;
	v3 =	vmin.f32 v3, v29;
	v59 =	vsel vm8, v4, v30  }
0x1bb: {  	v4 =	vsel vm8, v30, v4;
	vm9 =	vge.f32 v3, v31;
	v60 =	vmax.f32 v3, v31  }
0x1bc: {  	v3 =	vmin.f32 v3, v31;
	v61 =	vsel vm9, v4, v32;
	v4 =	vsel vm9, v32, v4  }
0x1bd: {  	vm11 =	vge.f32 v3, v47;
	v62 =	vmax.f32 v3, v47;
	v3 =	vmin.f32 v3, v47  }
0x1be: {  	v32 =	vnsel vm4, $0x0, v45;
	v63 =	vsel vm11, v4, v48;
	v4 =	vsel vm11, v48, v4  }
0x1bf: {  	vm12 =	vge.f32 v3, v49;
	v28 =	vmax.f32 v3, v49;
	v3 =	vmin.f32 v3, v49  }
0x1c0: {  	vm15 =	vge.f32 v32, v54;
	v45 =	vmax.f32 v32, v54;
	v29 =	vsel vm12, v4, v50  }
0x1c1: {  	v4 =	vsel vm12, v50, v4;
	vm13 =	vge.f32 v3, v51;
	v30 =	vmax.f32 v3, v51  }
0x1c2: {  	v3 =	vmin.f32 v3, v51;
	v46 =	vsel vm15, $0x25, v1;
	v1 =	vnsel vm15, $0x25, v1  }
0x1c3: {  	v31 =	vsel vm13, v4, v52;
	v4 =	vsel vm13, v52, v4;
	vm14 =	vge.f32 v3, v0  }
0x1c4: {  	v0 =	vmax.f32 v3, v0;
	v3 =	vmin.f32 v32, v54;
	v2 =	vsel vm14, v4, v2  }
0x1c5: {  	vm5 =	vge.f32 v3, v56;
	v47 =	vmax.f32 v3, v56;
	v3 =	vmin.f32 v3, v56  }
0x1c6: {  	v48 =	vsel vm5, v1, v57;
	v1 =	vsel vm5, v57, v1;
	vm6 =	vge.f32 v3, v58  }
0x1c7: {  	v49 =	vmax.f32 v3, v58;
	v3 =	vmin.f32 v3, v58;
	v50 =	vsel vm6, v1, v59  }
0x1c8: {  	v1 =	vsel vm6, v59, v1;
	vm7 =	vge.f32 v3, v60;
	v51 =	vmax.f32 v3, v60  }
0x1c9: {  	v3 =	vmin.f32 v3, v60;
	v59 =	vnsel vm4, $0x0, v44;
	v52 =	vsel vm7, v1, v61  }
0x1ca: {  	v1 =	vsel vm7, v61, v1;
	vm8 =	vge.f32 v3, v62;
	v53 =	vmax.f32 v3, v62  }
0x1cb: {  	v3 =	vmin.f32 v3, v62;
	vm13 =	vge.f32 v59, v45;
	v60 =	vmax.f32 v59, v45  }
0x1cc: {  	v54 =	vsel vm8, v1, v63;
	v1 =	vsel vm8, v63, v1;
	vm9 =	vge.f32 v3, v28  }
0x1cd: {  	v55 =	vmax.f32 v3, v28;
	v3 =	vmin.f32 v3, v28;
	v61 =	vsel vm13, $0x24, v46  }
0x1ce: {  	v5 =	vnsel vm13, $0x24, v46;
	v56 =	vsel vm9, v1, v29;
	v1 =	vsel vm9, v29, v1  }
0x1cf: {  	vm11 =	vge.f32 v3, v30;
	v57 =	vmax.f32 v3, v30;
	v3 =	vmin.f32 v3, v30  }
0x1d0: {  	v58 =	vsel vm11, v1, v31;
	v1 =	vsel vm11, v31, v1;
	vm12 =	vge.f32 v3, v0  }
0x1d1: {  	v0 =	vmax.f32 v3, v0;
	v1 =	vsel vm12, v1, v2;
	v2 =	vmin.f32 v59, v45  }
0x1d2: {  	vm14 =	vge.f32 v2, v47;
	v62 =	vmax.f32 v2, v47;
	v2 =	vmin.f32 v2, v47  }
0x1d3: {  	v47 =	vnsel vm4, $0x0, v43;
	v63 =	vsel vm14, v5, v48;
	v5 =	vsel vm14, v48, v5  }
0x1d4: {  	vm15 =	vge.f32 v2, v49;
	v28 =	vmax.f32 v2, v49;
	v2 =	vmin.f32 v2, v49  }
0x1d5: {  	vm11 =	vge.f32 v47, v60;
	v48 =	vmax.f32 v47, v60;
	v29 =	vsel vm15, v5, v50  }
0x1d6: {  	v5 =	vsel vm15, v50, v5;
	vm5 =	vge.f32 v2, v51;
	v30 =	vmax.f32 v2, v51  }
0x1d7: {  	v2 =	vmin.f32 v2, v51;
	v49 =	vsel vm11, $0x23, v61;
	v4 =	vnsel vm11, $0x23, v61  }
0x1d8: {  	v31 =	vsel vm5, v5, v52;
	v5 =	vsel vm5, v52, v5;
	vm6 =	vge.f32 v2, v53  }
0x1d9: {  	v32 =	vmax.f32 v2, v53;
	v2 =	vmin.f32 v2, v53;
	v44 =	vsel vm6, v5, v54  }
0x1da: {  	v5 =	vsel vm6, v54, v5;
	vm7 =	vge.f32 v2, v55;
	v6 =	vmax.f32 v2, v55  }
0x1db: {  	v2 =	vmin.f32 v2, v55;
	v18 =	vsel vm7, v5, v56;
	v5 =	vsel vm7, v56, v5  }
0x1dc: {  	vm8 =	vge.f32 v2, v57;
	v45 =	vmax.f32 v2, v57;
	v2 =	vmin.f32 v2, v57  }
0x1dd: {  	v56 =	vnsel vm4, $0x0, v42;
	v46 =	vsel vm8, v5, v58;
	v5 =	vsel vm8, v58, v5  }
0x1de: {  	vm9 =	vge.f32 v2, v0;
	v0 =	vmax.f32 v2, v0;
	v2 =	vmin.f32 v47, v60  }
0x1df: {  	vm8 =	vge.f32 v56, v48;
	v57 =	vmax.f32 v56, v48;
	v1 =	vsel vm9, v5, v1  }
0x1e0: {  	vm12 =	vge.f32 v2, v62;
	v50 =	vmax.f32 v2, v62;
	v2 =	vmin.f32 v2, v62  }
0x1e1: {  	v58 =	vsel vm8, $0x22, v49;
	v3 =	vnsel vm8, $0x22, v49;
	v51 =	vsel vm12, v4, v63  }
0x1e2: {  	v4 =	vsel vm12, v63, v4;
	vm13 =	vge.f32 v2, v28;
	v13 =	vmax.f32 v2, v28  }
0x1e3: {  	v2 =	vmin.f32 v2, v28;
	v19 =	vsel vm13, v4, v29;
	v4 =	vsel vm13, v29, v4  }
0x1e4: {  	vm14 =	vge.f32 v2, v30;
	v9 =	vmax.f32 v2, v30;
	v2 =	vmin.f32 v2, v30  }
0x1e5: {  	v29 =	vnsel vm4, $0x0, v41;
	v52 =	vsel vm14, v4, v31;
	v4 =	vsel vm14, v31, v4  }
0x1e6: {  	vm15 =	vge.f32 v2, v32;
	v53 =	vmax.f32 v2, v32;
	v2 =	vmin.f32 v2, v32  }
0x1e7: {  	v30 =	vmax.f32 v29, v57;
	v54 =	vsel vm15, v4, v44;
	v4 =	vsel vm15, v44, v4  }
0x1e8: {  	vm5 =	vge.f32 v2, v6;
	v10 =	vmax.f32 v2, v6;
	v2 =	vmin.f32 v2, v6  }
0x1e9: {  	v12 =	vsel vm5, v4, v18;
	v4 =	vsel vm5, v18, v4;
	vm6 =	vge.f32 v2, v45  }
0x1ea: {  	v6 =	vmax.f32 v2, v45;
	v2 =	vmin.f32 v2, v45;
	v55 =	vsel vm6, v4, v46  }
0x1eb: {  	v4 =	vsel vm6, v46, v4;
	vm7 =	vge.f32 v2, v0;
	v0 =	vmax.f32 v2, v0  }
0x1ec: {  	v2 =	vmin.f32 v56, v48;
	vm6 =	vge.f32 v29, v57;
	v46 =	vnsel vm4, $0x0, v40  }
0x1ed: {  	v1 =	vsel vm7, v4, v1;
	vm9 =	vge.f32 v2, v50;
	v59 =	vmax.f32 v2, v50  }
0x1ee: {  	v2 =	vmin.f32 v2, v50;
	v31 =	vsel vm6, $0x21, v58;
	v5 =	vnsel vm6, $0x21, v58  }
0x1ef: {  	v47 =	vmax.f32 v46, v30;
	v60 =	vsel vm9, v3, v51;
	v3 =	vsel vm9, v51, v3  }
0x1f0: {  	vm11 =	vge.f32 v2, v13;
	v14 =	vmax.f32 v2, v13;
	v2 =	vmin.f32 v2, v13  }
0x1f1: {  	v17 =	vsel vm11, v3, v19;
	v3 =	vsel vm11, v19, v3;
	vm12 =	vge.f32 v2, v9  }
0x1f2: {  	v13 =	vmax.f32 v2, v9;
	v2 =	vmin.f32 v2, v9;
	v61 =	vsel vm12, v3, v52  }
0x1f3: {  	v3 =	vsel vm12, v52, v3;
	vm13 =	vge.f32 v2, v53;
	v62 =	vmax.f32 v2, v53  }
0x1f4: {  	v2 =	vmin.f32 v2, v53;
	v63 =	vsel vm13, v3, v54;
	v3 =	vsel vm13, v54, v3  }
0x1f5: {  	vm14 =	vge.f32 v2, v10;
	v7 =	vmax.f32 v2, v10;
	v2 =	vmin.f32 v2, v10  }
0x1f6: {  	v11 =	vsel vm14, v3, v12;
	v3 =	vsel vm14, v12, v3;
	vm15 =	vge.f32 v2, v6  }
0x1f7: {  	v10 =	vmax.f32 v2, v6;
	v2 =	vmin.f32 v2, v6;
	v28 =	vsel vm15, v3, v55  }
0x1f8: {  	v3 =	vsel vm15, v55, v3;
	vm5 =	vge.f32 v2, v0;
	v0 =	vmax.f32 v2, v0  }
0x1f9: {  	v2 =	vmin.f32 v29, v57;
	vm15 =	vge.f32 v46, v30;
	v55 =	vnsel vm3, $0x0, v39  }
0x1fa: {  	v1 =	vsel vm5, v3, v1;
	vm7 =	vge.f32 v2, v59;
	v32 =	vmax.f32 v2, v59  }
0x1fb: {  	v2 =	vmin.f32 v2, v59;
	v48 =	vsel vm15, $0x20, v31;
	v4 =	vnsel vm15, $0x20, v31  }
0x1fc: {  	v56 =	vmax.f32 v55, v47;
	v41 =	vsel vm7, v5, v60;
	v5 =	vsel vm7, v60, v5  }
0x1fd: {  	vm8 =	vge.f32 v2, v14;
	v15 =	vmax.f32 v2, v14;
	v2 =	vmin.f32 v2, v14  }
0x1fe: {  	v18 =	vsel vm8, v5, v17;
	v5 =	vsel vm8, v17, v5;
	vm9 =	vge.f32 v2, v13  }
0x1ff: {  	v14 =	vmax.f32 v2, v13;
	v2 =	vmin.f32 v2, v13;
	v42 =	vsel vm9, v5, v61  }
0x200: {  	v5 =	vsel vm9, v61, v5;
	vm11 =	vge.f32 v2, v62;
	v43 =	vmax.f32 v2, v62  }
0x201: {  	v2 =	vmin.f32 v2, v62;
	v44 =	vsel vm11, v5, v63;
	v5 =	vsel vm11, v63, v5  }
0x202: {  	vm12 =	vge.f32 v2, v7;
	v8 =	vmax.f32 v2, v7;
	v2 =	vmin.f32 v2, v7  }
0x203: {  	v19 =	vsel vm12, v5, v11;
	v5 =	vsel vm12, v11, v5;
	vm13 =	vge.f32 v2, v10  }
0x204: {  	v7 =	vmax.f32 v2, v10;
	v2 =	vmin.f32 v2, v10;
	vm12 =	vge.f32 v55, v47  }
0x205: {  	v45 =	vsel vm13, v5, v28;
	v5 =	vsel vm13, v28, v5;
	vm14 =	vge.f32 v2, v0  }
0x206: {  	v0 =	vmax.f32 v2, v0;
	v2 =	vmin.f32 v46, v30;
	v57 =	vsel vm12, $0x1F, v48  }
0x207: {  	v3 =	vnsel vm12, $0x1F, v48;
	v46 =	vnsel vm3, $0x0, v36;
	v1 =	vsel vm14, v5, v1  }
0x208: {  	vm4 =	vge.f32 v2, v32;
	v49 =	vmax.f32 v2, v32;
	v2 =	vmin.f32 v2, v32  }
0x209: {  	v50 =	vsel vm4, v4, v41;
	v4 =	vsel vm4, v41, v4;
	vm5 =	vge.f32 v2, v15  }
0x20a: {  	v12 =	vmax.f32 v2, v15;
	v2 =	vmin.f32 v2, v15;
	v16 =	vsel vm5, v4, v18  }
0x20b: {  	v4 =	vsel vm5, v18, v4;
	vm6 =	vge.f32 v2, v14;
	v15 =	vmax.f32 v2, v14  }
0x20c: {  	v2 =	vmin.f32 v2, v14;
	v51 =	vsel vm6, v4, v42;
	v4 =	vsel vm6, v42, v4  }
0x20d: {  	vm7 =	vge.f32 v2, v43;
	v52 =	vmax.f32 v2, v43;
	v2 =	vmin.f32 v2, v43  }
0x20e: {  	v53 =	vsel vm7, v4, v44;
	v4 =	vsel vm7, v44, v4;
	vm8 =	vge.f32 v2, v8  }
0x20f: {  	v9 =	vmax.f32 v2, v8;
	v2 =	vmin.f32 v2, v8;
	v17 =	vsel vm8, v4, v19  }
0x210: {  	v4 =	vsel vm8, v19, v4;
	vm9 =	vge.f32 v2, v7;
	v8 =	vmax.f32 v2, v7  }
0x211: {  	v2 =	vmin.f32 v2, v7;
	v54 =	vsel vm9, v4, v45;
	v4 =	vsel vm9, v45, v4  }
0x212: {  	vm11 =	vge.f32 v2, v0;
	v0 =	vmax.f32 v2, v0;
	v2 =	vmin.f32 v55, v47  }
0x213: {  	v55 =	vnsel vm3, $0x0, v35;
	v1 =	vsel vm11, v4, v1;
	vm13 =	vge.f32 v2, v49  }
0x214: {  	v58 =	vmax.f32 v2, v49;
	v2 =	vmin.f32 v2, v49;
	v59 =	vsel vm13, v3, v50  }
0x215: {  	v3 =	vsel vm13, v50, v3;
	vm14 =	vge.f32 v2, v12;
	v6 =	vmax.f32 v2, v12  }
0x216: {  	v2 =	vmin.f32 v2, v12;
	v11 =	vsel vm14, v3, v16;
	v3 =	vsel vm14, v16, v3  }
0x217: {  	vm15 =	vge.f32 v2, v15;
	v12 =	vmax.f32 v2, v15;
	v2 =	vmin.f32 v2, v15  }
0x218: {  	v60 =	vsel vm15, v3, v51;
	v3 =	vsel vm15, v51, v3;
	vm4 =	vge.f32 v2, v52  }
0x219: {  	v61 =	vmax.f32 v2, v52;
	v2 =	vmin.f32 v2, v52;
	v62 =	vsel vm4, v3, v53  }
0x21a: {  	v3 =	vsel vm4, v53, v3;
	vm5 =	vge.f32 v2, v9;
	v13 =	vmax.f32 v2, v9  }
0x21b: {  	v2 =	vmin.f32 v2, v9;
	v18 =	vsel vm5, v3, v17;
	v3 =	vsel vm5, v17, v3  }
0x21c: {  	vm6 =	vge.f32 v2, v8;
	v9 =	vmax.f32 v2, v8;
	v2 =	vmin.f32 v2, v8  }
0x21d: {  	v17 =	vnsel vm3, $0x0, v38;
	v63 =	vsel vm6, v3, v54;
	v3 =	vsel vm6, v54, v3  }
0x21e: {  	vm7 =	vge.f32 v2, v0;
	v0 =	vmax.f32 v2, v0;
	vm8 =	vge.f32 v17, v56  }
0x21f: {  	v28 =	vmax.f32 v17, v56;
	v2 =	vmin.f32 v17, v56;
	v1 =	vsel vm7, v3, v1  }
0x220: {  	v29 =	vsel vm8, $0x1E, v57;
	v5 =	vnsel vm8, $0x1E, v57;
	vm9 =	vge.f32 v2, v58  }
0x221: {  	v30 =	vmax.f32 v2, v58;
	v2 =	vmin.f32 v2, v58;
	vm5 =	vge.f32 v37, v28  }
0x222: {  	v38 =	vmax.f32 v37, v28;
	v31 =	vsel vm9, v5, v59;
	v5 =	vsel vm9, v59, v5  }
0x223: {  	vm11 =	vge.f32 v2, v6;
	v10 =	vmax.f32 v2, v6;
	v2 =	vmin.f32 v2, v6  }
0x224: {  	v39 =	vsel vm5, $0x1D, v29;
	v4 =	vnsel vm5, $0x1D, v29;
	v47 =	vmax.f32 v46, v38  }
0x225: {  	v19 =	vsel vm11, v5, v11;
	v5 =	vsel vm11, v11, v5;
	vm12 =	vge.f32 v2, v12  }
0x226: {  	v6 =	vmax.f32 v2, v12;
	v2 =	vmin.f32 v2, v12;
	v56 =	vmax.f32 v55, v47  }
0x227: {  	v11 =	vsel vm12, v5, v60;
	v5 =	vsel vm12, v60, v5;
	vm13 =	vge.f32 v2, v61  }
0x228: {  	v12 =	vmax.f32 v2, v61;
	v2 =	vmin.f32 v2, v61;
	v15 =	vsel vm13, v5, v62  }
0x229: {  	v5 =	vsel vm13, v62, v5;
	vm14 =	vge.f32 v2, v13;
	v14 =	vmax.f32 v2, v13  }
0x22a: {  	v2 =	vmin.f32 v2, v13;
	v16 =	vsel vm14, v5, v18;
	v5 =	vsel vm14, v18, v5  }
0x22b: {  	vm15 =	vge.f32 v2, v9;
	v13 =	vmax.f32 v2, v9;
	v2 =	vmin.f32 v2, v9  }
0x22c: {  	vm14 =	vge.f32 v46, v38;
	v32 =	vsel vm15, v5, v63;
	v5 =	vsel vm15, v63, v5  }
0x22d: {  	vm4 =	vge.f32 v2, v0;
	v0 =	vmax.f32 v2, v0;
	v2 =	vmin.f32 v37, v28  }
0x22e: {  	v48 =	vsel vm14, $0x1C, v39;
	v3 =	vnsel vm14, $0x1C, v39;
	v28 =	vnsel vm3, $0x0, v34  }
0x22f: {  	v1 =	vsel vm4, v5, v1;
	vm6 =	vge.f32 v2, v30;
	v40 =	vmax.f32 v2, v30  }
0x230: {  	v2 =	vmin.f32 v2, v30;
	v29 =	vmax.f32 v28, v56;
	v41 =	vsel vm6, v4, v31  }
0x231: {  	v4 =	vsel vm6, v31, v4;
	vm7 =	vge.f32 v2, v10;
	v7 =	vmax.f32 v2, v10  }
0x232: {  	v2 =	vmin.f32 v2, v10;
	v17 =	vsel vm7, v4, v19;
	v4 =	vsel vm7, v19, v4  }
0x233: {  	vm8 =	vge.f32 v2, v6;
	v10 =	vmax.f32 v2, v6;
	v2 =	vmin.f32 v2, v6  }
0x234: {  	v42 =	vsel vm8, v4, v11;
	v4 =	vsel vm8, v11, v4;
	vm9 =	vge.f32 v2, v12  }
0x235: {  	v43 =	vmax.f32 v2, v12;
	v2 =	vmin.f32 v2, v12;
	v44 =	vsel vm9, v4, v15  }
0x236: {  	v4 =	vsel vm9, v15, v4;
	vm11 =	vge.f32 v2, v14;
	v12 =	vmax.f32 v2, v14  }
0x237: {  	v2 =	vmin.f32 v2, v14;
	v15 =	vsel vm11, v4, v16;
	v4 =	vsel vm11, v16, v4  }
0x238: {  	vm12 =	vge.f32 v2, v13;
	v14 =	vmax.f32 v2, v13;
	v2 =	vmin.f32 v2, v13  }
0x239: {  	vm11 =	vge.f32 v55, v47;
	v45 =	vsel vm12, v4, v32;
	v4 =	vsel vm12, v32, v4  }
0x23a: {  	vm13 =	vge.f32 v2, v0;
	v0 =	vmax.f32 v2, v0;
	v2 =	vmin.f32 v46, v38  }
0x23b: {  	v57 =	vsel vm11, $0x1B, v48;
	v5 =	vnsel vm11, $0x1B, v48;
	v1 =	vsel vm13, v4, v1  }
0x23c: {  	vm15 =	vge.f32 v2, v40;
	v49 =	vmax.f32 v2, v40;
	v2 =	vmin.f32 v2, v40  }
0x23d: {  	v50 =	vsel vm15, v3, v41;
	v3 =	vsel vm15, v41, v3;
	vm4 =	vge.f32 v2, v7  }
0x23e: {  	v8 =	vmax.f32 v2, v7;
	v2 =	vmin.f32 v2, v7;
	v18 =	vsel vm4, v3, v17  }
0x23f: {  	v3 =	vsel vm4, v17, v3;
	vm5 =	vge.f32 v2, v10;
	v7 =	vmax.f32 v2, v10  }
0x240: {  	v2 =	vmin.f32 v2, v10;
	v51 =	vsel vm5, v3, v42;
	v3 =	vsel vm5, v42, v3  }
0x241: {  	vm6 =	vge.f32 v2, v43;
	v52 =	vmax.f32 v2, v43;
	v2 =	vmin.f32 v2, v43  }
0x242: {  	v53 =	vsel vm6, v3, v44;
	v3 =	vsel vm6, v44, v3;
	vm7 =	vge.f32 v2, v12  }
0x243: {  	v11 =	vmax.f32 v2, v12;
	v2 =	vmin.f32 v2, v12;
	v19 =	vsel vm7, v3, v15  }
0x244: {  	v3 =	vsel vm7, v15, v3;
	vm8 =	vge.f32 v2, v14;
	v12 =	vmax.f32 v2, v14  }
0x245: {  	v2 =	vmin.f32 v2, v14;
	vm7 =	vge.f32 v28, v56;
	v54 =	vsel vm8, v3, v45  }
0x246: {  	v3 =	vsel vm8, v45, v3;
	vm9 =	vge.f32 v2, v0;
	v0 =	vmax.f32 v2, v0  }
0x247: {  	v2 =	vmin.f32 v55, v47;
	v30 =	vsel vm7, $0x1A, v57;
	v1 =	vsel vm9, v3, v1  }
0x248: {  	vm12 =	vge.f32 v2, v49;
	v58 =	vmax.f32 v2, v49;
	v2 =	vmin.f32 v2, v49  }
0x249: {  	v59 =	vsel vm12, v5, v50;
	v5 =	vsel vm12, v50, v5;
	vm13 =	vge.f32 v2, v8  }
0x24a: {  	v9 =	vmax.f32 v2, v8;
	v2 =	vmin.f32 v2, v8;
	v16 =	vsel vm13, v5, v18  }
0x24b: {  	v5 =	vsel vm13, v18, v5;
	vm14 =	vge.f32 v2, v7;
	v8 =	vmax.f32 v2, v7  }
0x24c: {  	v2 =	vmin.f32 v2, v7;
	v60 =	vsel vm14, v5, v51;
	v5 =	vsel vm14, v51, v5  }
0x24d: {  	vm15 =	vge.f32 v2, v52;
	v61 =	vmax.f32 v2, v52;
	v2 =	vmin.f32 v2, v52  }
0x24e: {  	v62 =	vsel vm15, v5, v53;
	v5 =	vsel vm15, v53, v5;
	vm4 =	vge.f32 v2, v11  }
0x24f: {  	v6 =	vmax.f32 v2, v11;
	v2 =	vmin.f32 v2, v11;
	v17 =	vsel vm4, v5, v19  }
0x250: {  	v5 =	vsel vm4, v19, v5;
	vm5 =	vge.f32 v2, v12;
	v11 =	vmax.f32 v2, v12  }
0x251: {  	v2 =	vmin.f32 v2, v12;
	v63 =	vsel vm5, v5, v54;
	v5 =	vsel vm5, v54, v5  }
0x252: {  	vm6 =	vge.f32 v2, v0;
	v0 =	vmax.f32 v2, v0;
	v2 =	vmin.f32 v28, v56  }
0x253: {  	v4 =	vnsel vm7, $0x1A, v57;
	v1 =	vsel vm6, v5, v1;
	vm8 =	vge.f32 v2, v58  }
0x254: {  	v31 =	vmax.f32 v2, v58;
	v2 =	vmin.f32 v2, v58;
	v32 =	vsel vm8, v4, v59  }
0x255: {  	v4 =	vsel vm8, v59, v4;
	vm9 =	vge.f32 v2, v9;
	v13 =	vmax.f32 v2, v9  }
0x256: {  	v2 =	vmin.f32 v2, v9;
	v15 =	vsel vm9, v4, v16;
	v4 =	vsel vm9, v16, v4  }
0x257: {  	vm11 =	vge.f32 v2, v8;
	v9 =	vmax.f32 v2, v8;
	v2 =	vmin.f32 v2, v8  }
0x258: {  	v34 =	vsel vm11, v4, v60;
	v4 =	vsel vm11, v60, v4;
	vm12 =	vge.f32 v2, v61  }
0x259: {  	v38 =	vld [tilespmem:$0x1FE30];
	v35 =	vmax.f32 v2, v61;
	v2 =	vmin.f32 v2, v61;
	v36 =	vsel vm12, v4, v62  }
0x25a: {  	v4 =	vsel vm12, v62, v4;
	vm13 =	vge.f32 v2, v6;
	v10 =	vmax.f32 v2, v6  }
0x25b: {  	v2 =	vmin.f32 v2, v6;
	v18 =	vsel vm13, v4, v17;
	v4 =	vsel vm13, v17, v4  }
0x25c: {  	vm14 =	vge.f32 v2, v11;
	v6 =	vmax.f32 v2, v11;
	v2 =	vmin.f32 v2, v11  }
0x25d: {  	v37 =	vsel vm14, v4, v63;
	v4 =	vsel vm14, v63, v4;
	vm15 =	vge.f32 v2, v0  }
0x25e: {  	v0 =	vmax.f32 v2, v0;
	v2 =	vnsel vm3, $0x0, v38;
	v1 =	vsel vm15, v4, v1  }
0x25f: {  	vm4 =	vge.f32 v2, v29;
	v39 =	vmax.f32 v2, v29;
	v2 =	vmin.f32 v2, v29  }
0x260: {  	v40 =	vsel vm4, $0x19, v30;
	v3 =	vnsel vm4, $0x19, v30;
	vm5 =	vge.f32 v2, v31  }
0x261: {  	v41 =	vmax.f32 v2, v31;
	v2 =	vmin.f32 v2, v31;
	v42 =	vsel vm5, v3, v32  }
0x262: {  	v3 =	vsel vm5, v32, v3;
	vm6 =	vge.f32 v2, v13;
	v14 =	vmax.f32 v2, v13  }
0x263: {  	v2 =	vmin.f32 v2, v13;
	v19 =	vsel vm6, v3, v15;
	v3 =	vsel vm6, v15, v3  }
0x264: {  	vm7 =	vge.f32 v2, v9;
	v13 =	vmax.f32 v2, v9;
	v2 =	vmin.f32 v2, v9  }
0x265: {  	v43 =	vsel vm7, v3, v34;
	v3 =	vsel vm7, v34, v3;
	vm8 =	vge.f32 v2, v35  }
0x266: {  	v47 =	vld [tilespmem:$0x1FE40];
	v44 =	vmax.f32 v2, v35;
	v2 =	vmin.f32 v2, v35;
	v45 =	vsel vm8, v3, v36  }
0x267: {  	v3 =	vsel vm8, v36, v3;
	vm9 =	vge.f32 v2, v10;
	v7 =	vmax.f32 v2, v10  }
0x268: {  	v2 =	vmin.f32 v2, v10;
	v16 =	vsel vm9, v3, v18;
	v3 =	vsel vm9, v18, v3  }
0x269: {  	vm11 =	vge.f32 v2, v6;
	v10 =	vmax.f32 v2, v6;
	v2 =	vmin.f32 v2, v6  }
0x26a: {  	v46 =	vsel vm11, v3, v37;
	v3 =	vsel vm11, v37, v3;
	vm12 =	vge.f32 v2, v0  }
0x26b: {  	v0 =	vmax.f32 v2, v0;
	v2 =	vnsel vm3, $0x0, v47;
	v1 =	vsel vm12, v3, v1  }
0x26c: {  	vm13 =	vge.f32 v2, v39;
	v48 =	vmax.f32 v2, v39;
	v2 =	vmin.f32 v2, v39  }
0x26d: {  	v49 =	vsel vm13, $0x18, v40;
	v5 =	vnsel vm13, $0x18, v40;
	vm14 =	vge.f32 v2, v41  }
0x26e: {  	v50 =	vmax.f32 v2, v41;
	v2 =	vmin.f32 v2, v41;
	v51 =	vsel vm14, v5, v42  }
0x26f: {  	v5 =	vsel vm14, v42, v5;
	vm15 =	vge.f32 v2, v14;
	v12 =	vmax.f32 v2, v14  }
0x270: {  	v2 =	vmin.f32 v2, v14;
	v17 =	vsel vm15, v5, v19;
	v5 =	vsel vm15, v19, v5  }
0x271: {  	vm4 =	vge.f32 v2, v13;
	v14 =	vmax.f32 v2, v13;
	v2 =	vmin.f32 v2, v13  }
0x272: {  	v52 =	vsel vm4, v5, v43;
	v5 =	vsel vm4, v43, v5;
	vm5 =	vge.f32 v2, v44  }
0x273: {  	v56 =	vld [tilespmem:$0x1FE50];
	v53 =	vmax.f32 v2, v44;
	v2 =	vmin.f32 v2, v44;
	v54 =	vsel vm5, v5, v45  }
0x274: {  	v5 =	vsel vm5, v45, v5;
	vm6 =	vge.f32 v2, v7;
	v8 =	vmax.f32 v2, v7  }
0x275: {  	v2 =	vmin.f32 v2, v7;
	v15 =	vsel vm6, v5, v16;
	v5 =	vsel vm6, v16, v5  }
0x276: {  	vm7 =	vge.f32 v2, v10;
	v7 =	vmax.f32 v2, v10;
	v2 =	vmin.f32 v2, v10  }
0x277: {  	v55 =	vsel vm7, v5, v46;
	v5 =	vsel vm7, v46, v5;
	vm8 =	vge.f32 v2, v0  }
0x278: {  	v0 =	vmax.f32 v2, v0;
	v2 =	vnsel vm2, $0x0, v56;
	v1 =	vsel vm8, v5, v1  }
0x279: {  	vm9 =	vge.f32 v2, v48;
	v57 =	vmax.f32 v2, v48;
	v2 =	vmin.f32 v2, v48  }
0x27a: {  	v58 =	vsel vm9, $0x17, v49;
	v4 =	vnsel vm9, $0x17, v49;
	vm11 =	vge.f32 v2, v50  }
0x27b: {  	v59 =	vmax.f32 v2, v50;
	v2 =	vmin.f32 v2, v50;
	v60 =	vsel vm11, v4, v51  }
0x27c: {  	v4 =	vsel vm11, v51, v4;
	vm12 =	vge.f32 v2, v12;
	v11 =	vmax.f32 v2, v12  }
0x27d: {  	v2 =	vmin.f32 v2, v12;
	v18 =	vsel vm12, v4, v17;
	v4 =	vsel vm12, v17, v4  }
0x27e: {  	vm13 =	vge.f32 v2, v14;
	v12 =	vmax.f32 v2, v14;
	v2 =	vmin.f32 v2, v14  }
0x27f: {  	v61 =	vsel vm13, v4, v52;
	v4 =	vsel vm13, v52, v4;
	vm14 =	vge.f32 v2, v53  }
0x280: {  	v29 =	vld [tilespmem:$0x1FE60];
	v62 =	vmax.f32 v2, v53;
	v2 =	vmin.f32 v2, v53;
	v63 =	vsel vm14, v4, v54  }
0x281: {  	v4 =	vsel vm14, v54, v4;
	vm15 =	vge.f32 v2, v8;
	v9 =	vmax.f32 v2, v8  }
0x282: {  	v2 =	vmin.f32 v2, v8;
	v19 =	vsel vm15, v4, v15;
	v4 =	vsel vm15, v15, v4  }
0x283: {  	vm4 =	vge.f32 v2, v7;
	v8 =	vmax.f32 v2, v7;
	v2 =	vmin.f32 v2, v7  }
0x284: {  	v28 =	vsel vm4, v4, v55;
	v4 =	vsel vm4, v55, v4;
	vm5 =	vge.f32 v2, v0  }
0x285: {  	v0 =	vmax.f32 v2, v0;
	v2 =	vnsel vm2, $0x0, v29;
	v1 =	vsel vm5, v4, v1  }
0x286: {  	vm6 =	vge.f32 v2, v57;
	v30 =	vmax.f32 v2, v57;
	v2 =	vmin.f32 v2, v57  }
0x287: {  	v31 =	vsel vm6, $0x16, v58;
	v3 =	vnsel vm6, $0x16, v58;
	vm7 =	vge.f32 v2, v59  }
0x288: {  	v32 =	vmax.f32 v2, v59;
	v2 =	vmin.f32 v2, v59;
	v34 =	vsel vm7, v3, v60  }
0x289: {  	v3 =	vsel vm7, v60, v3;
	vm8 =	vge.f32 v2, v11;
	v6 =	vmax.f32 v2, v11  }
0x28a: {  	v2 =	vmin.f32 v2, v11;
	v16 =	vsel vm8, v3, v18;
	v3 =	vsel vm8, v18, v3  }
0x28b: {  	vm9 =	vge.f32 v2, v12;
	v11 =	vmax.f32 v2, v12;
	v2 =	vmin.f32 v2, v12  }
0x28c: {  	v35 =	vsel vm9, v3, v61;
	v3 =	vsel vm9, v61, v3;
	vm11 =	vge.f32 v2, v62  }
0x28d: {  	v39 =	vld [tilespmem:$0x1FE70];
	v36 =	vmax.f32 v2, v62;
	v2 =	vmin.f32 v2, v62;
	v37 =	vsel vm11, v3, v63  }
0x28e: {  	v3 =	vsel vm11, v63, v3;
	vm12 =	vge.f32 v2, v9;
	v13 =	vmax.f32 v2, v9  }
0x28f: {  	v2 =	vmin.f32 v2, v9;
	v17 =	vsel vm12, v3, v19;
	v3 =	vsel vm12, v19, v3  }
0x290: {  	vm13 =	vge.f32 v2, v8;
	v9 =	vmax.f32 v2, v8;
	v2 =	vmin.f32 v2, v8  }
0x291: {  	v38 =	vsel vm13, v3, v28;
	v3 =	vsel vm13, v28, v3;
	vm14 =	vge.f32 v2, v0  }
0x292: {  	v0 =	vmax.f32 v2, v0;
	v2 =	vnsel vm2, $0x0, v39;
	v1 =	vsel vm14, v3, v1  }
0x293: {  	vm15 =	vge.f32 v2, v30;
	v40 =	vmax.f32 v2, v30;
	v2 =	vmin.f32 v2, v30  }
0x294: {  	v41 =	vsel vm15, $0x15, v31;
	v5 =	vnsel vm15, $0x15, v31;
	vm4 =	vge.f32 v2, v32  }
0x295: {  	v42 =	vmax.f32 v2, v32;
	v2 =	vmin.f32 v2, v32;
	v43 =	vsel vm4, v5, v34  }
0x296: {  	v5 =	vsel vm4, v34, v5;
	vm5 =	vge.f32 v2, v6;
	v10 =	vmax.f32 v2, v6  }
0x297: {  	v2 =	vmin.f32 v2, v6;
	v15 =	vsel vm5, v5, v16;
	v5 =	vsel vm5, v16, v5  }
0x298: {  	vm6 =	vge.f32 v2, v11;
	v6 =	vmax.f32 v2, v11;
	v2 =	vmin.f32 v2, v11  }
0x299: {  	v44 =	vsel vm6, v5, v35;
	v5 =	vsel vm6, v35, v5;
	vm7 =	vge.f32 v2, v36  }
0x29a: {  	v48 =	vld [tilespmem:$0x1FE80];
	v45 =	vmax.f32 v2, v36;
	v2 =	vmin.f32 v2, v36;
	v46 =	vsel vm7, v5, v37  }
0x29b: {  	v5 =	vsel vm7, v37, v5;
	vm8 =	vge.f32 v2, v13;
	v14 =	vmax.f32 v2, v13  }
0x29c: {  	v2 =	vmin.f32 v2, v13;
	v18 =	vsel vm8, v5, v17;
	v5 =	vsel vm8, v17, v5  }
0x29d: {  	vm9 =	vge.f32 v2, v9;
	v13 =	vmax.f32 v2, v9;
	v2 =	vmin.f32 v2, v9  }
0x29e: {  	v47 =	vsel vm9, v5, v38;
	v5 =	vsel vm9, v38, v5;
	vm11 =	vge.f32 v2, v0  }
0x29f: {  	v0 =	vmax.f32 v2, v0;
	v2 =	vnsel vm2, $0x0, v48;
	v1 =	vsel vm11, v5, v1  }
0x2a0: {  	vm12 =	vge.f32 v2, v40;
	v49 =	vmax.f32 v2, v40;
	v2 =	vmin.f32 v2, v40  }
0x2a1: {  	v50 =	vsel vm12, $0x14, v41;
	v4 =	vnsel vm12, $0x14, v41;
	vm13 =	vge.f32 v2, v42  }
0x2a2: {  	v51 =	vmax.f32 v2, v42;
	v2 =	vmin.f32 v2, v42;
	v52 =	vsel vm13, v4, v43  }
0x2a3: {  	v4 =	vsel vm13, v43, v4;
	vm14 =	vge.f32 v2, v10;
	v7 =	vmax.f32 v2, v10  }
0x2a4: {  	v2 =	vmin.f32 v2, v10;
	v19 =	vsel vm14, v4, v15;
	v4 =	vsel vm14, v15, v4  }
0x2a5: {  	vm15 =	vge.f32 v2, v6;
	v10 =	vmax.f32 v2, v6;
	v2 =	vmin.f32 v2, v6  }
0x2a6: {  	v53 =	vsel vm15, v4, v44;
	v4 =	vsel vm15, v44, v4;
	vm4 =	vge.f32 v2, v45  }
0x2a7: {  	v57 =	vld [tilespmem:$0x1FE90];
	v54 =	vmax.f32 v2, v45;
	v2 =	vmin.f32 v2, v45;
	v55 =	vsel vm4, v4, v46  }
0x2a8: {  	v4 =	vsel vm4, v46, v4;
	vm5 =	vge.f32 v2, v14;
	v12 =	vmax.f32 v2, v14  }
0x2a9: {  	v2 =	vmin.f32 v2, v14;
	v16 =	vsel vm5, v4, v18;
	v4 =	vsel vm5, v18, v4  }
0x2aa: {  	vm6 =	vge.f32 v2, v13;
	v14 =	vmax.f32 v2, v13;
	v2 =	vmin.f32 v2, v13  }
0x2ab: {  	v56 =	vsel vm6, v4, v47;
	v4 =	vsel vm6, v47, v4;
	vm7 =	vge.f32 v2, v0  }
0x2ac: {  	v0 =	vmax.f32 v2, v0;
	v2 =	vnsel vm2, $0x0, v57;
	v1 =	vsel vm7, v4, v1  }
0x2ad: {  	vm8 =	vge.f32 v2, v49;
	v58 =	vmax.f32 v2, v49;
	v2 =	vmin.f32 v2, v49  }
0x2ae: {  	v59 =	vsel vm8, $0x13, v50;
	v3 =	vnsel vm8, $0x13, v50;
	vm9 =	vge.f32 v2, v51  }
0x2af: {  	v60 =	vmax.f32 v2, v51;
	v2 =	vmin.f32 v2, v51;
	v61 =	vsel vm9, v3, v52  }
0x2b0: {  	v3 =	vsel vm9, v52, v3;
	vm11 =	vge.f32 v2, v7;
	v8 =	vmax.f32 v2, v7  }
0x2b1: {  	v2 =	vmin.f32 v2, v7;
	v17 =	vsel vm11, v3, v19;
	v3 =	vsel vm11, v19, v3  }
0x2b2: {  	vm12 =	vge.f32 v2, v10;
	v7 =	vmax.f32 v2, v10;
	v2 =	vmin.f32 v2, v10  }
0x2b3: {  	v62 =	vsel vm12, v3, v53;
	v3 =	vsel vm12, v53, v3;
	vm13 =	vge.f32 v2, v54  }
0x2b4: {  	v30 =	vld [tilespmem:$0x1FEA0];
	v63 =	vmax.f32 v2, v54;
	v2 =	vmin.f32 v2, v54;
	v28 =	vsel vm13, v3, v55  }
0x2b5: {  	v3 =	vsel vm13, v55, v3;
	vm14 =	vge.f32 v2, v12;
	v11 =	vmax.f32 v2, v12  }
0x2b6: {  	v2 =	vmin.f32 v2, v12;
	v15 =	vsel vm14, v3, v16;
	v3 =	vsel vm14, v16, v3  }
0x2b7: {  	vm15 =	vge.f32 v2, v14;
	v12 =	vmax.f32 v2, v14;
	v2 =	vmin.f32 v2, v14  }
0x2b8: {  	v29 =	vsel vm15, v3, v56;
	v3 =	vsel vm15, v56, v3;
	vm4 =	vge.f32 v2, v0  }
0x2b9: {  	v0 =	vmax.f32 v2, v0;
	v2 =	vnsel vm2, $0x0, v30;
	v1 =	vsel vm4, v3, v1  }
0x2ba: {  	vm5 =	vge.f32 v2, v58;
	v31 =	vmax.f32 v2, v58;
	v2 =	vmin.f32 v2, v58  }
0x2bb: {  	v32 =	vsel vm5, $0x12, v59;
	v5 =	vnsel vm5, $0x12, v59;
	vm6 =	vge.f32 v2, v60  }
0x2bc: {  	v34 =	vmax.f32 v2, v60;
	v2 =	vmin.f32 v2, v60;
	v35 =	vsel vm6, v5, v61  }
0x2bd: {  	v5 =	vsel vm6, v61, v5;
	vm7 =	vge.f32 v2, v8;
	v9 =	vmax.f32 v2, v8  }
0x2be: {  	v2 =	vmin.f32 v2, v8;
	v18 =	vsel vm7, v5, v17;
	v5 =	vsel vm7, v17, v5  }
0x2bf: {  	vm8 =	vge.f32 v2, v7;
	v8 =	vmax.f32 v2, v7;
	v2 =	vmin.f32 v2, v7  }
0x2c0: {  	v36 =	vsel vm8, v5, v62;
	v5 =	vsel vm8, v62, v5;
	vm9 =	vge.f32 v2, v63  }
0x2c1: {  	v40 =	vld [tilespmem:$0x1FEB0];
	v37 =	vmax.f32 v2, v63;
	v2 =	vmin.f32 v2, v63;
	v38 =	vsel vm9, v5, v28  }
0x2c2: {  	v5 =	vsel vm9, v28, v5;
	vm11 =	vge.f32 v2, v11;
	v6 =	vmax.f32 v2, v11  }
0x2c3: {  	v2 =	vmin.f32 v2, v11;
	v19 =	vsel vm11, v5, v15;
	v5 =	vsel vm11, v15, v5  }
0x2c4: {  	vm12 =	vge.f32 v2, v12;
	v11 =	vmax.f32 v2, v12;
	v2 =	vmin.f32 v2, v12  }
0x2c5: {  	v39 =	vsel vm12, v5, v29;
	v5 =	vsel vm12, v29, v5;
	vm13 =	vge.f32 v2, v0  }
0x2c6: {  	v0 =	vmax.f32 v2, v0;
	v2 =	vnsel vm2, $0x0, v40;
	v1 =	vsel vm13, v5, v1  }
0x2c7: {  	vm14 =	vge.f32 v2, v31;
	v41 =	vmax.f32 v2, v31;
	v2 =	vmin.f32 v2, v31  }
0x2c8: {  	v42 =	vsel vm14, $0x11, v32;
	v4 =	vnsel vm14, $0x11, v32;
	vm15 =	vge.f32 v2, v34  }
0x2c9: {  	v43 =	vmax.f32 v2, v34;
	v2 =	vmin.f32 v2, v34;
	v44 =	vsel vm15, v4, v35  }
0x2ca: {  	v4 =	vsel vm15, v35, v4;
	vm4 =	vge.f32 v2, v9;
	v13 =	vmax.f32 v2, v9  }
0x2cb: {  	v2 =	vmin.f32 v2, v9;
	v16 =	vsel vm4, v4, v18;
	v4 =	vsel vm4, v18, v4  }
0x2cc: {  	vm5 =	vge.f32 v2, v8;
	v9 =	vmax.f32 v2, v8;
	v2 =	vmin.f32 v2, v8  }
0x2cd: {  	v45 =	vsel vm5, v4, v36;
	v4 =	vsel vm5, v36, v4;
	vm6 =	vge.f32 v2, v37  }
0x2ce: {  	v49 =	vld [tilespmem:$0x1FEC0];
	v46 =	vmax.f32 v2, v37;
	v2 =	vmin.f32 v2, v37;
	v47 =	vsel vm6, v4, v38  }
0x2cf: {  	v4 =	vsel vm6, v38, v4;
	vm7 =	vge.f32 v2, v6;
	v10 =	vmax.f32 v2, v6  }
0x2d0: {  	v20 =	vld [tilespmem:$0x1FFC0];
	v2 =	vmin.f32 v2, v6;
	v17 =	vsel vm7, v4, v19;
	v4 =	vsel vm7, v19, v4  }
0x2d1: {  	vm8 =	vge.f32 v2, v11;
	v6 =	vmax.f32 v2, v11;
	v2 =	vmin.f32 v2, v11  }
0x2d2: {  	v48 =	vsel vm8, v4, v39;
	v4 =	vsel vm8, v39, v4;
	vm9 =	vge.f32 v2, v0  }
0x2d3: {  	v0 =	vmax.f32 v2, v0;
	v2 =	vnsel vm2, $0x0, v49;
	vm2 =	vmmov vm10  }
0x2d4: {  	v1 =	vsel vm9, v4, v1;
	vm11 =	vge.f32 v2, v41;
	v50 =	vmax.f32 v2, v41  }
0x2d5: {  	v2 =	vmin.f32 v2, v41;
	v20 =	vnsel vm2, $0x0, v20;
	v3 =	vnsel vm11, $0x10, v42  }
0x2d6: {  	vm12 =	vge.f32 v2, v43;
	v52 =	vmax.f32 v2, v43;
	v2 =	vmin.f32 v2, v43  }
0x2d7: {  	v53 =	vsel vm12, v3, v44;
	v3 =	vsel vm12, v44, v3;
	vm13 =	vge.f32 v2, v13  }
0x2d8: {  	v14 =	vmax.f32 v2, v13;
	v2 =	vmin.f32 v2, v13;
	v15 =	vsel vm13, v3, v16  }
0x2d9: {  	v3 =	vsel vm13, v16, v3;
	vm14 =	vge.f32 v2, v9;
	v13 =	vmax.f32 v2, v9  }
0x2da: {  	v2 =	vmin.f32 v2, v9;
	v54 =	vsel vm14, v3, v45;
	v3 =	vsel vm14, v45, v3  }
0x2db: {  	v58 =	vld [tilespmem:$0x1FED0];
	vm15 =	vge.f32 v2, v46;
	v55 =	vmax.f32 v2, v46;
	v2 =	vmin.f32 v2, v46  }
0x2dc: {  	v56 =	vsel vm15, v3, v47;
	v3 =	vsel vm15, v47, v3;
	vm4 =	vge.f32 v2, v10  }
0x2dd: {  	v7 =	vmax.f32 v2, v10;
	v2 =	vmin.f32 v2, v10;
	v18 =	vsel vm4, v3, v17  }
0x2de: {  	v3 =	vsel vm4, v17, v3;
	vm5 =	vge.f32 v2, v6;
	v10 =	vmax.f32 v2, v6  }
0x2df: {  	v2 =	vmin.f32 v2, v6;
	v57 =	vsel vm5, v3, v48;
	v3 =	vsel vm5, v48, v3  }
0x2e0: {  	vm6 =	vge.f32 v2, v0;
	v0 =	vmax.f32 v2, v0;
	v2 =	vnsel vm1, $0x0, v58  }
0x2e1: {  	v51 =	vsel vm11, $0x10, v42;
	v1 =	vsel vm6, v3, v1;
	vm7 =	vge.f32 v2, v50  }
0x2e2: {  	v59 =	vmax.f32 v2, v50;
	v2 =	vmin.f32 v2, v50;
	v5 =	vnsel vm7, $0xF, v51  }
0x2e3: {  	vm8 =	vge.f32 v2, v52;
	v61 =	vmax.f32 v2, v52;
	v2 =	vmin.f32 v2, v52  }
0x2e4: {  	v62 =	vsel vm8, v5, v53;
	v5 =	vsel vm8, v53, v5;
	vm9 =	vge.f32 v2, v14  }
0x2e5: {  	v12 =	vmax.f32 v2, v14;
	v2 =	vmin.f32 v2, v14;
	v19 =	vsel vm9, v5, v15  }
0x2e6: {  	v5 =	vsel vm9, v15, v5;
	vm11 =	vge.f32 v2, v13;
	v14 =	vmax.f32 v2, v13  }
0x2e7: {  	v2 =	vmin.f32 v2, v13;
	v63 =	vsel vm11, v5, v54;
	v5 =	vsel vm11, v54, v5  }
0x2e8: {  	v31 =	vld [tilespmem:$0x1FEE0];
	vm12 =	vge.f32 v2, v55;
	v28 =	vmax.f32 v2, v55;
	v2 =	vmin.f32 v2, v55  }
0x2e9: {  	v29 =	vsel vm12, v5, v56;
	v5 =	vsel vm12, v56, v5;
	vm13 =	vge.f32 v2, v7  }
0x2ea: {  	v8 =	vmax.f32 v2, v7;
	v2 =	vmin.f32 v2, v7;
	v16 =	vsel vm13, v5, v18  }
0x2eb: {  	v5 =	vsel vm13, v18, v5;
	vm14 =	vge.f32 v2, v10;
	v7 =	vmax.f32 v2, v10  }
0x2ec: {  	v2 =	vmin.f32 v2, v10;
	v30 =	vsel vm14, v5, v57;
	v5 =	vsel vm14, v57, v5  }
0x2ed: {  	vm15 =	vge.f32 v2, v0;
	v0 =	vmax.f32 v2, v0;
	v2 =	vnsel vm1, $0x0, v31  }
0x2ee: {  	v60 =	vsel vm7, $0xF, v51;
	v1 =	vsel vm15, v5, v1;
	vm4 =	vge.f32 v2, v59  }
0x2ef: {  	v32 =	vmax.f32 v2, v59;
	v2 =	vmin.f32 v2, v59;
	v4 =	vnsel vm4, $0xE, v60  }
0x2f0: {  	vm5 =	vge.f32 v2, v61;
	v35 =	vmax.f32 v2, v61;
	v2 =	vmin.f32 v2, v61  }
0x2f1: {  	v36 =	vsel vm5, v4, v62;
	v4 =	vsel vm5, v62, v4;
	vm6 =	vge.f32 v2, v12  }
0x2f2: {  	v11 =	vmax.f32 v2, v12;
	v2 =	vmin.f32 v2, v12;
	v17 =	vsel vm6, v4, v19  }
0x2f3: {  	v4 =	vsel vm6, v19, v4;
	vm7 =	vge.f32 v2, v14;
	v12 =	vmax.f32 v2, v14  }
0x2f4: {  	v2 =	vmin.f32 v2, v14;
	v37 =	vsel vm7, v4, v63;
	v4 =	vsel vm7, v63, v4  }
0x2f5: {  	v41 =	vld [tilespmem:$0x1FEF0];
	vm8 =	vge.f32 v2, v28;
	v38 =	vmax.f32 v2, v28;
	v2 =	vmin.f32 v2, v28  }
0x2f6: {  	v39 =	vsel vm8, v4, v29;
	v4 =	vsel vm8, v29, v4;
	vm9 =	vge.f32 v2, v8  }
0x2f7: {  	v9 =	vmax.f32 v2, v8;
	v2 =	vmin.f32 v2, v8;
	v15 =	vsel vm9, v4, v16  }
0x2f8: {  	v4 =	vsel vm9, v16, v4;
	vm11 =	vge.f32 v2, v7;
	v8 =	vmax.f32 v2, v7  }
0x2f9: {  	v2 =	vmin.f32 v2, v7;
	v40 =	vsel vm11, v4, v30;
	v4 =	vsel vm11, v30, v4  }
0x2fa: {  	vm12 =	vge.f32 v2, v0;
	v0 =	vmax.f32 v2, v0;
	v2 =	vnsel vm1, $0x0, v41  }
0x2fb: {  	v34 =	vsel vm4, $0xE, v60;
	v1 =	vsel vm12, v4, v1;
	vm13 =	vge.f32 v2, v32  }
0x2fc: {  	v42 =	vmax.f32 v2, v32;
	v2 =	vmin.f32 v2, v32;
	v3 =	vnsel vm13, $0xD, v34  }
0x2fd: {  	vm14 =	vge.f32 v2, v35;
	v44 =	vmax.f32 v2, v35;
	v2 =	vmin.f32 v2, v35  }
0x2fe: {  	v45 =	vsel vm14, v3, v36;
	v3 =	vsel vm14, v36, v3;
	vm15 =	vge.f32 v2, v11  }
0x2ff: {  	v6 =	vmax.f32 v2, v11;
	v2 =	vmin.f32 v2, v11;
	v18 =	vsel vm15, v3, v17  }
0x300: {  	v3 =	vsel vm15, v17, v3;
	vm4 =	vge.f32 v2, v12;
	v11 =	vmax.f32 v2, v12  }
0x301: {  	v2 =	vmin.f32 v2, v12;
	v46 =	vsel vm4, v3, v37;
	v3 =	vsel vm4, v37, v3  }
0x302: {  	v50 =	vld [tilespmem:$0x1FF00];
	vm5 =	vge.f32 v2, v38;
	v47 =	vmax.f32 v2, v38;
	v2 =	vmin.f32 v2, v38  }
0x303: {  	v48 =	vsel vm5, v3, v39;
	v3 =	vsel vm5, v39, v3;
	vm6 =	vge.f32 v2, v9  }
0x304: {  	v13 =	vmax.f32 v2, v9;
	v2 =	vmin.f32 v2, v9;
	v19 =	vsel vm6, v3, v15  }
0x305: {  	v3 =	vsel vm6, v15, v3;
	vm7 =	vge.f32 v2, v8;
	v9 =	vmax.f32 v2, v8  }
0x306: {  	v2 =	vmin.f32 v2, v8;
	v49 =	vsel vm7, v3, v40;
	v3 =	vsel vm7, v40, v3  }
0x307: {  	vm8 =	vge.f32 v2, v0;
	v0 =	vmax.f32 v2, v0;
	v2 =	vnsel vm1, $0x0, v50  }
0x308: {  	v43 =	vsel vm13, $0xD, v34;
	v1 =	vsel vm8, v3, v1;
	vm9 =	vge.f32 v2, v42  }
0x309: {  	v51 =	vmax.f32 v2, v42;
	v2 =	vmin.f32 v2, v42;
	v5 =	vnsel vm9, $0xC, v43  }
0x30a: {  	vm11 =	vge.f32 v2, v44;
	v53 =	vmax.f32 v2, v44;
	v2 =	vmin.f32 v2, v44  }
0x30b: {  	v54 =	vsel vm11, v5, v45;
	v5 =	vsel vm11, v45, v5;
	vm12 =	vge.f32 v2, v6  }
0x30c: {  	v10 =	vmax.f32 v2, v6;
	v2 =	vmin.f32 v2, v6;
	v16 =	vsel vm12, v5, v18  }
0x30d: {  	v5 =	vsel vm12, v18, v5;
	vm13 =	vge.f32 v2, v11;
	v6 =	vmax.f32 v2, v11  }
0x30e: {  	v2 =	vmin.f32 v2, v11;
	v55 =	vsel vm13, v5, v46;
	v5 =	vsel vm13, v46, v5  }
0x30f: {  	v59 =	vld [tilespmem:$0x1FF10];
	vm14 =	vge.f32 v2, v47;
	v56 =	vmax.f32 v2, v47;
	v2 =	vmin.f32 v2, v47  }
0x310: {  	v57 =	vsel vm14, v5, v48;
	v5 =	vsel vm14, v48, v5;
	vm15 =	vge.f32 v2, v13  }
0x311: {  	v14 =	vmax.f32 v2, v13;
	v2 =	vmin.f32 v2, v13;
	v17 =	vsel vm15, v5, v19  }
0x312: {  	v5 =	vsel vm15, v19, v5;
	vm4 =	vge.f32 v2, v9;
	v13 =	vmax.f32 v2, v9  }
0x313: {  	v2 =	vmin.f32 v2, v9;
	v58 =	vsel vm4, v5, v49;
	v5 =	vsel vm4, v49, v5  }
0x314: {  	vm5 =	vge.f32 v2, v0;
	v0 =	vmax.f32 v2, v0;
	v2 =	vnsel vm1, $0x0, v59  }
0x315: {  	v52 =	vsel vm9, $0xC, v43;
	v1 =	vsel vm5, v5, v1;
	vm6 =	vge.f32 v2, v51  }
0x316: {  	v60 =	vmax.f32 v2, v51;
	v2 =	vmin.f32 v2, v51;
	v4 =	vnsel vm6, $0xB, v52  }
0x317: {  	vm7 =	vge.f32 v2, v53;
	v62 =	vmax.f32 v2, v53;
	v2 =	vmin.f32 v2, v53  }
0x318: {  	v63 =	vsel vm7, v4, v54;
	v4 =	vsel vm7, v54, v4;
	vm8 =	vge.f32 v2, v10  }
0x319: {  	v7 =	vmax.f32 v2, v10;
	v2 =	vmin.f32 v2, v10;
	v15 =	vsel vm8, v4, v16  }
0x31a: {  	v4 =	vsel vm8, v16, v4;
	vm9 =	vge.f32 v2, v6;
	v10 =	vmax.f32 v2, v6  }
0x31b: {  	v2 =	vmin.f32 v2, v6;
	v28 =	vsel vm9, v4, v55;
	v4 =	vsel vm9, v55, v4  }
0x31c: {  	v32 =	vld [tilespmem:$0x1FF20];
	vm11 =	vge.f32 v2, v56;
	v29 =	vmax.f32 v2, v56;
	v2 =	vmin.f32 v2, v56  }
0x31d: {  	v30 =	vsel vm11, v4, v57;
	v4 =	vsel vm11, v57, v4;
	vm12 =	vge.f32 v2, v14  }
0x31e: {  	v12 =	vmax.f32 v2, v14;
	v2 =	vmin.f32 v2, v14;
	v18 =	vsel vm12, v4, v17  }
0x31f: {  	v4 =	vsel vm12, v17, v4;
	vm13 =	vge.f32 v2, v13;
	v14 =	vmax.f32 v2, v13  }
0x320: {  	v2 =	vmin.f32 v2, v13;
	v31 =	vsel vm13, v4, v58;
	v4 =	vsel vm13, v58, v4  }
0x321: {  	vm14 =	vge.f32 v2, v0;
	v0 =	vmax.f32 v2, v0;
	v2 =	vnsel vm1, $0x0, v32  }
0x322: {  	v61 =	vsel vm6, $0xB, v52;
	v1 =	vsel vm14, v4, v1;
	vm15 =	vge.f32 v2, v60  }
0x323: {  	v34 =	vmax.f32 v2, v60;
	v2 =	vmin.f32 v2, v60;
	v3 =	vnsel vm15, $0xA, v61  }
0x324: {  	vm4 =	vge.f32 v2, v62;
	v36 =	vmax.f32 v2, v62;
	v2 =	vmin.f32 v2, v62  }
0x325: {  	v37 =	vsel vm4, v3, v63;
	v3 =	vsel vm4, v63, v3;
	vm5 =	vge.f32 v2, v7  }
0x326: {  	v8 =	vmax.f32 v2, v7;
	v2 =	vmin.f32 v2, v7;
	v19 =	vsel vm5, v3, v15  }
0x327: {  	v3 =	vsel vm5, v15, v3;
	vm6 =	vge.f32 v2, v10;
	v7 =	vmax.f32 v2, v10  }
0x328: {  	v2 =	vmin.f32 v2, v10;
	v38 =	vsel vm6, v3, v28;
	v3 =	vsel vm6, v28, v3  }
0x329: {  	v42 =	vld [tilespmem:$0x1FF30];
	vm7 =	vge.f32 v2, v29;
	v39 =	vmax.f32 v2, v29;
	v2 =	vmin.f32 v2, v29  }
0x32a: {  	v40 =	vsel vm7, v3, v30;
	v3 =	vsel vm7, v30, v3;
	vm8 =	vge.f32 v2, v12  }
0x32b: {  	v11 =	vmax.f32 v2, v12;
	v2 =	vmin.f32 v2, v12;
	v16 =	vsel vm8, v3, v18  }
0x32c: {  	v3 =	vsel vm8, v18, v3;
	vm9 =	vge.f32 v2, v14;
	v12 =	vmax.f32 v2, v14  }
0x32d: {  	v2 =	vmin.f32 v2, v14;
	v41 =	vsel vm9, v3, v31;
	v3 =	vsel vm9, v31, v3  }
0x32e: {  	vm11 =	vge.f32 v2, v0;
	v0 =	vmax.f32 v2, v0;
	v2 =	vnsel vm1, $0x0, v42  }
0x32f: {  	v35 =	vsel vm15, $0xA, v61;
	v1 =	vsel vm11, v3, v1;
	vm12 =	vge.f32 v2, v34  }
0x330: {  	v43 =	vmax.f32 v2, v34;
	v2 =	vmin.f32 v2, v34;
	v5 =	vnsel vm12, $0x9, v35  }
0x331: {  	vm13 =	vge.f32 v2, v36;
	v45 =	vmax.f32 v2, v36;
	v2 =	vmin.f32 v2, v36  }
0x332: {  	v46 =	vsel vm13, v5, v37;
	v5 =	vsel vm13, v37, v5;
	vm14 =	vge.f32 v2, v8  }
0x333: {  	v9 =	vmax.f32 v2, v8;
	v2 =	vmin.f32 v2, v8;
	v17 =	vsel vm14, v5, v19  }
0x334: {  	v5 =	vsel vm14, v19, v5;
	vm15 =	vge.f32 v2, v7;
	v8 =	vmax.f32 v2, v7  }
0x335: {  	v2 =	vmin.f32 v2, v7;
	v47 =	vsel vm15, v5, v38;
	v5 =	vsel vm15, v38, v5  }
0x336: {  	v51 =	vld [tilespmem:$0x1FF40];
	vm4 =	vge.f32 v2, v39;
	v48 =	vmax.f32 v2, v39;
	v2 =	vmin.f32 v2, v39  }
0x337: {  	v49 =	vsel vm4, v5, v40;
	v5 =	vsel vm4, v40, v5;
	vm5 =	vge.f32 v2, v11  }
0x338: {  	v6 =	vmax.f32 v2, v11;
	v2 =	vmin.f32 v2, v11;
	v15 =	vsel vm5, v5, v16  }
0x339: {  	v5 =	vsel vm5, v16, v5;
	vm6 =	vge.f32 v2, v12;
	v11 =	vmax.f32 v2, v12  }
0x33a: {  	v2 =	vmin.f32 v2, v12;
	v50 =	vsel vm6, v5, v41;
	v5 =	vsel vm6, v41, v5  }
0x33b: {  	vm7 =	vge.f32 v2, v0;
	v0 =	vmax.f32 v2, v0;
	v2 =	vnsel vm1, $0x0, v51  }
0x33c: {  	v44 =	vsel vm12, $0x9, v35;
	v1 =	vsel vm7, v5, v1;
	vm8 =	vge.f32 v2, v43  }
0x33d: {  	v52 =	vmax.f32 v2, v43;
	v2 =	vmin.f32 v2, v43;
	v4 =	vnsel vm8, $0x8, v44  }
0x33e: {  	vm9 =	vge.f32 v2, v45;
	v54 =	vmax.f32 v2, v45;
	v2 =	vmin.f32 v2, v45  }
0x33f: {  	v55 =	vsel vm9, v4, v46;
	v4 =	vsel vm9, v46, v4;
	vm11 =	vge.f32 v2, v9  }
0x340: {  	v13 =	vmax.f32 v2, v9;
	v2 =	vmin.f32 v2, v9;
	v18 =	vsel vm11, v4, v17  }
0x341: {  	v4 =	vsel vm11, v17, v4;
	vm12 =	vge.f32 v2, v8;
	v9 =	vmax.f32 v2, v8  }
0x342: {  	v2 =	vmin.f32 v2, v8;
	v56 =	vsel vm12, v4, v47;
	v4 =	vsel vm12, v47, v4  }
0x343: {  	v60 =	vld [tilespmem:$0x1FF50];
	vm13 =	vge.f32 v2, v48;
	v57 =	vmax.f32 v2, v48;
	v2 =	vmin.f32 v2, v48  }
0x344: {  	v58 =	vsel vm13, v4, v49;
	v4 =	vsel vm13, v49, v4;
	vm14 =	vge.f32 v2, v6  }
0x345: {  	v10 =	vmax.f32 v2, v6;
	v2 =	vmin.f32 v2, v6;
	v19 =	vsel vm14, v4, v15  }
0x346: {  	v4 =	vsel vm14, v15, v4;
	vm15 =	vge.f32 v2, v11;
	v6 =	vmax.f32 v2, v11  }
0x347: {  	v2 =	vmin.f32 v2, v11;
	v59 =	vsel vm15, v4, v50;
	v4 =	vsel vm15, v50, v4  }
0x348: {  	vm4 =	vge.f32 v2, v0;
	v0 =	vmax.f32 v2, v0;
	v2 =	vnsel vm10, $0x0, v60  }
0x349: {  	v53 =	vsel vm8, $0x8, v44;
	v1 =	vsel vm4, v4, v1;
	vm5 =	vge.f32 v2, v52  }
0x34a: {  	v61 =	vmax.f32 v2, v52;
	v2 =	vmin.f32 v2, v52;
	v62 =	vsel vm5, $0x7, v53  }
0x34b: {  	v3 =	vnsel vm5, $0x7, v53;
	vm6 =	vge.f32 v2, v54;
	v63 =	vmax.f32 v2, v54  }
0x34c: {  	v2 =	vmin.f32 v2, v54;
	v28 =	vsel vm6, v3, v55;
	v3 =	vsel vm6, v55, v3  }
0x34d: {  	vm7 =	vge.f32 v2, v13;
	v14 =	vmax.f32 v2, v13;
	v2 =	vmin.f32 v2, v13  }
0x34e: {  	v16 =	vsel vm7, v3, v18;
	v3 =	vsel vm7, v18, v3;
	vm8 =	vge.f32 v2, v9  }
0x34f: {  	v13 =	vmax.f32 v2, v9;
	v2 =	vmin.f32 v2, v9;
	v29 =	vsel vm8, v3, v56  }
0x350: {  	v3 =	vsel vm8, v56, v3;
	vm9 =	vge.f32 v2, v57;
	v30 =	vmax.f32 v2, v57  }
0x351: {  	v34 =	vld [tilespmem:$0x1FF60];
	v2 =	vmin.f32 v2, v57;
	v31 =	vsel vm9, v3, v58;
	v3 =	vsel vm9, v58, v3  }
0x352: {  	vm11 =	vge.f32 v2, v10;
	v7 =	vmax.f32 v2, v10;
	v2 =	vmin.f32 v2, v10  }
0x353: {  	v58 =	vimm.s32 $0x0;
	v17 =	vsel vm11, v3, v19;
	v3 =	vsel vm11, v19, v3  }
0x354: {  	vm12 =	vge.f32 v2, v6;
	v10 =	vmax.f32 v2, v6;
	v2 =	vmin.f32 v2, v6  }
0x355: {  	v32 =	vsel vm12, v3, v59;
	v3 =	vsel vm12, v59, v3;
	vm13 =	vge.f32 v2, v0  }
0x356: {  	v0 =	vmax.f32 v2, v0;
	v2 =	vnsel vm10, $0x0, v34;
	v1 =	vsel vm13, v3, v1  }
0x357: {  	vm14 =	vge.f32 v2, v61;
	v35 =	vmax.f32 v2, v61;
	v2 =	vmin.f32 v2, v61  }
0x358: {  	v36 =	vsel vm14, $0x6, v62;
	v5 =	vnsel vm14, $0x6, v62;
	vm15 =	vge.f32 v2, v63  }
0x359: {  	v37 =	vmax.f32 v2, v63;
	v2 =	vmin.f32 v2, v63;
	v38 =	vsel vm15, v5, v28  }
0x35a: {  	v5 =	vsel vm15, v28, v5;
	vm4 =	vge.f32 v2, v14;
	v12 =	vmax.f32 v2, v14  }
0x35b: {  	v2 =	vmin.f32 v2, v14;
	v15 =	vsel vm4, v5, v16;
	v5 =	vsel vm4, v16, v5  }
0x35c: {  	vm5 =	vge.f32 v2, v13;
	v14 =	vmax.f32 v2, v13;
	v2 =	vmin.f32 v2, v13  }
0x35d: {  	v39 =	vsel vm5, v5, v29;
	v5 =	vsel vm5, v29, v5;
	vm6 =	vge.f32 v2, v30  }
0x35e: {  	v43 =	vld [tilespmem:$0x1FF70];
	v40 =	vmax.f32 v2, v30;
	v2 =	vmin.f32 v2, v30;
	v41 =	vsel vm6, v5, v31  }
0x35f: {  	v5 =	vsel vm6, v31, v5;
	vm7 =	vge.f32 v2, v7;
	v8 =	vmax.f32 v2, v7  }
0x360: {  	v2 =	vmin.f32 v2, v7;
	v18 =	vsel vm7, v5, v17;
	v5 =	vsel vm7, v17, v5  }
0x361: {  	vm8 =	vge.f32 v2, v10;
	v7 =	vmax.f32 v2, v10;
	v2 =	vmin.f32 v2, v10  }
0x362: {  	v42 =	vsel vm8, v5, v32;
	v5 =	vsel vm8, v32, v5;
	vm9 =	vge.f32 v2, v0  }
0x363: {  	v2 =	vmax.f32 v2, v0;
	v0 =	vnsel vm10, $0x0, v43;
	v1 =	vsel vm9, v5, v1  }
0x364: {  	vm11 =	vge.f32 v0, v35;
	v44 =	vmax.f32 v0, v35;
	v3 =	vmin.f32 v0, v35  }
0x365: {  	v0 =	vsel vm11, $0x5, v36;
	v4 =	vnsel vm11, $0x5, v36;
	vm12 =	vge.f32 v3, v37  }
0x366: {  	v45 =	vmax.f32 v3, v37;
	v3 =	vmin.f32 v3, v37;
	v46 =	vsel vm12, v4, v38  }
0x367: {  	v4 =	vsel vm12, v38, v4;
	vm13 =	vge.f32 v3, v12;
	v11 =	vmax.f32 v3, v12  }
0x368: {  	v3 =	vmin.f32 v3, v12;
	v19 =	vsel vm13, v4, v15;
	v4 =	vsel vm13, v15, v4  }
0x369: {  	vm14 =	vge.f32 v3, v14;
	v12 =	vmax.f32 v3, v14;
	v3 =	vmin.f32 v3, v14  }
0x36a: {  	v47 =	vsel vm14, v4, v39;
	v4 =	vsel vm14, v39, v4;
	vm15 =	vge.f32 v3, v40  }
0x36b: {  	v50 =	vld [tilespmem:$0x1FF80];
	v48 =	vmax.f32 v3, v40;
	v3 =	vmin.f32 v3, v40;
	v49 =	vsel vm15, v4, v41  }
0x36c: {  	v4 =	vsel vm15, v41, v4;
	vm4 =	vge.f32 v3, v8;
	v9 =	vmax.f32 v3, v8  }
0x36d: {  	v3 =	vmin.f32 v3, v8;
	v16 =	vsel vm4, v4, v18;
	v4 =	vsel vm4, v18, v4  }
0x36e: {  	vm5 =	vge.f32 v3, v7;
	v8 =	vmax.f32 v3, v7;
	v3 =	vmin.f32 v3, v7  }
0x36f: {  	v7 =	vsel vm5, v4, v42;
	v4 =	vsel vm5, v42, v4;
	vm6 =	vge.f32 v3, v2  }
0x370: {  	v2 =	vmax.f32 v3, v2;
	v3 =	vnsel vm10, $0x0, v50;
	v1 =	vsel vm6, v4, v1  }
0x371: {  	vm5 =	vge.f32 v3, v44;
	v51 =	vmax.f32 v3, v44;
	v3 =	vmin.f32 v3, v44  }
0x372: {  	v52 =	vnsel vm5, $0x4, v0;
	vm7 =	vge.f32 v3, v45;
	v53 =	vmax.f32 v3, v45  }
0x373: {  	v3 =	vmin.f32 v3, v45;
	v0 =	vsel vm5, $0x4, v0;
	v18 =	vsel vm7, v52, v46  }
0x374: {  	v5 =	vsel vm7, v46, v52;
	vm8 =	vge.f32 v3, v11;
	v6 =	vmax.f32 v3, v11  }
0x375: {  	v3 =	vmin.f32 v3, v11;
	v11 =	vsel vm8, v5, v19;
	v5 =	vsel vm8, v19, v5  }
0x376: {  	vm9 =	vge.f32 v3, v12;
	v54 =	vmax.f32 v3, v12;
	v3 =	vmin.f32 v3, v12  }
0x377: {  	v19 =	vsel vm9, v5, v47;
	v5 =	vsel vm9, v47, v5;
	vm11 =	vge.f32 v3, v48  }
0x378: {  	v56 =	vld [tilespmem:$0x1FF90];
	v12 =	vmax.f32 v3, v48;
	v3 =	vmin.f32 v3, v48;
	v14 =	vsel vm11, v5, v49  }
0x379: {  	v5 =	vsel vm11, v49, v5;
	vm12 =	vge.f32 v3, v9;
	v13 =	vmax.f32 v3, v9  }
0x37a: {  	v3 =	vmin.f32 v3, v9;
	v9 =	vsel vm12, v5, v16;
	v5 =	vsel vm12, v16, v5  }
0x37b: {  	vm14 =	vge.f32 v3, v8;
	v55 =	vmax.f32 v3, v8;
	v3 =	vmin.f32 v3, v8  }
0x37c: {  	v47 =	vimm.s32 $0x0;
	v16 =	vsel vm14, v5, v7;
	vm1 =	vge.f32 v3, v2  }
0x37d: {  	v2 =	vmax.f32 v3, v2;
	v3 =	vnsel vm10, $0x0, v56;
	v5 =	vsel vm14, v7, v5  }
0x37e: {  	vm0 =	vge.f32 v3, v51;
	v57 =	vmax.f32 v3, v51;
	v3 =	vmin.f32 v3, v51  }
0x37f: {  	vm15 =	vge.f32 v3, v53;
	v4 =	vmax.f32 v3, v53;
	v3 =	vmin.f32 v3, v53  }
0x380: {  	v59 =	vld [tilespmem:$0x1FFA0];
	vm10 =	vge.f32 v3, v6;
	v10 =	vmax.f32 v3, v6;
	v3 =	vmin.f32 v3, v6  }
0x381: {  	vm6 =	vge.f32 v3, v54;
	v6 =	vmax.f32 v3, v54;
	v3 =	vmin.f32 v3, v54  }
0x382: {  	vm7 =	vge.f32 v3, v12;
	v17 =	vmax.f32 v3, v12;
	v3 =	vmin.f32 v3, v12  }
0x383: {  	vm8 =	vge.f32 v3, v13;
	v12 =	vmax.f32 v3, v13;
	v3 =	vmin.f32 v3, v13  }
0x384: {  	vm9 =	vge.f32 v3, v55;
	v13 =	vmax.f32 v3, v55;
	v3 =	vmin.f32 v3, v55  }
0x385: {  	vm13 =	vge.f32 v3, v2;
	v2 =	vmax.f32 v3, v2;
	v3 =	vnsel vm2, $0x0, v59  }
0x386: {  	v60 =	vld [tilespmem:$0x1FFB0];
	v1 =	vsel vm1, v5, v1;
	v15 =	vsel vm13, $0xFFFFFFFF, v58;
	vm4 =	vge.f32 v3, v57  }
0x387: {  	[tilespmem:$0x1FFD0] =	vst v15;
	v15 =	vmax.f32 v3, v57;
	v3 =	vmin.f32 v3, v57;
	v57 =	vnsel vm0, $0x3, v0  }
0x388: {  	vm11 =	vge.f32 v3, v4;
	v8 =	vmax.f32 v3, v4;
	v3 =	vmin.f32 v3, v4  }
0x389: {  	vm12 =	vge.f32 v3, v10;
	v4 =	vmax.f32 v3, v10;
	v3 =	vmin.f32 v3, v10  }
0x38a: {  	v0 =	vsel vm0, $0x3, v0;
	v58 =	vsel vm15, v57, v18;
	vm13 =	vge.f32 v3, v6  }
0x38b: {  	v10 =	vmax.f32 v3, v6;
	v3 =	vmin.f32 v3, v6;
	v6 =	vnsel vm2, $0x0, v60  }
0x38c: {  	vm3 =	vge.f32 v3, v17;
	v21 =	vmax.f32 v3, v17;
	v23 =	vmin.f32 v6, v15  }
0x38d: {  	v22 =	vmax.f32 v6, v15;
	v3 =	vmin.f32 v3, v17;
	v17 =	vmax.f32 v23, v8  }
0x38e: {  	v24 =	vmin.f32 v20, v22;
	v25 =	vmin.f32 v23, v8;
	v26 =	vmax.f32 v20, v22  }
0x38f: {  	v31 =	vmax.f32 v3, v12;
	v62 =	vmin.f32 v3, v12;
	vm2 =	vge.f32 v3, v12  }
0x390: {  	vm1 =	vge.f32 v23, v8;
	vm0 =	vge.f32 v20, v22;
	v27 =	vmax.f32 v24, v17  }
0x391: {  	v28 =	vmax.f32 v25, v4;
	v29 =	vmin.f32 v24, v17;
	v32 =	vmin.f32 v25, v4  }
0x392: {  	v42 =	vmax.f32 v62, v13;
	v63 =	vmin.f32 v62, v13;
	vm14 =	vge.f32 v62, v13  }
0x393: {  	v61 =	vadd.f32 v27, v26;
	v34 =	vmax.f32 v29, v28;
	v35 =	vmax.f32 v32, v10  }
0x394: {  	v36 =	vmin.f32 v29, v28;
	v38 =	vmin.f32 v32, v10;
	v52 =	vmax.f32 v63, v2  }
0x395: {  	vm5 =	vge.f32 v63, v2;
	v39 =	vmax.f32 v36, v35;
	v40 =	vmax.f32 v38, v21  }
0x396: {  	v41 =	vmin.f32 v36, v35;
	v43 =	vmin.f32 v38, v21;
	v30 =	vadd.f32 v34, v61  }
0x397: {  	v2 =	vsel vm5, $0xFFFFFFFF, v47;
	vm5 =	vge.f32 v6, v15;
	v15 =	vimm.s32 $0x0  }
0x398: {  	v44 =	vmax.f32 v41, v40;
	v45 =	vmax.f32 v43, v31;
	v30 =	vadd.f32 v39, v30  }
0x399: {  	v46 =	vmin.f32 v41, v40;
	v48 =	vmin.f32 v43, v31;
	[tilespmem:$0x1FFE0] =	vst v2;
	v2 =	vsel vm15, v18, v57  }
0x39a: {  	vm15 =	vge.f32 v25, v4;
	v49 =	vmax.f32 v46, v45;
	v30 =	vadd.f32 v44, v30  }
0x39b: {  	v50 =	vmax.f32 v48, v42;
	v51 =	vmin.f32 v46, v45;
	v53 =	vmin.f32 v48, v42  }
0x39c: {  	v13 =	vld [tilespmem:$0x1FFD0];
	v59 =	vsel vm10, v2, v11;
	v2 =	vsel vm10, v11, v2;
	v30 =	vadd.f32 v49, v30  }
0x39d: {  	vm10 =	vge.f32 v32, v10;
	v54 =	vmax.f32 v51, v50;
	v55 =	vmax.f32 v53, v52  }
0x39e: {  	v56 =	vmin.f32 v51, v50;
	v60 =	vsel vm6, v19, v2;
	v30 =	vadd.f32 v54, v30  }
0x39f: {  	v2 =	vsel vm6, v2, v19;
	v3 =	vmax.f32 v56, v55;
	v61 =	vsel vm7, v14, v60  }
0x3a0: {  	vm6 =	vge.f32 v43, v31;
	v62 =	vsel vm8, v9, v61;
	v37 =	vadd.f32 v3, v30  }
0x3a1: {  	v63 =	vsel vm9, v62, v16;
	v8 =	vsel vm9, v16, v62;
	vm9 =	vnez.u8 v13  }
0x3a2: {  	v1 =	vsel vm9, v8, v1;
	vm9 =	vge.f32 v53, v52;
	v7 =	vadd.f32 $9.999999680e-21, v37  }
0x3a3: {  	v4 =	vsel vm8, v61, v9;
	vm8 =	vge.f32 v48, v42;
	v10 =	vsel vm9, $0xFFFFFFFF, v15  }
0x3a4: {  	vm9 =	vge.f32 v41, v40;
	(erf) = vrcp.f32 v7;
	v7 =	vsel vm7, v60, v14  }
0x3a5: {  	vm7 =	vge.f32 v38, v21;
	v14 =	vnsel vm4, $0x2, v0;
	v0 =	vsel vm4, $0x2, v0  }
0x3a6: {  	v16 =	vsel vm11, v14, v58;
	v5 =	vsel vm11, v58, v14;
	vm11 =	vge.f32 v36, v35  }
0x3a7: {  	v19 =	vsel vm5, $0x1, v0;
	v0 =	vnsel vm5, $0x1, v0;
	vm5 =	vge.f32 v51, v50  }
0x3a8: {  	v8 =	vsel vm12, v5, v59;
	v5 =	vsel vm12, v59, v5;
	vm12 =	vge.f32 v24, v17  }
0x3a9: {  	v11 =	vnsel vm0, $0x0, v19;
	v30 =	vsel vm1, v0, v16;
	v0 =	vsel vm1, v16, v0  }
0x3aa: {  	v6 =	vsel vm13, v5, v2;
	v2 =	vsel vm13, v2, v5;
	vm13 =	vge.f32 v29, v28  }
0x3ab: {  	v28 =	vsel vm0, $0x0, v19;
	v31 =	vsel vm12, v11, v30;
	v35 =	vsel vm15, v0, v8  }
0x3ac: {  	v0 =	vsel vm15, v8, v0;
	v36 =	vsel vm12, v30, v11;
	v5 =	vsel vm3, v2, v7  }
0x3ad: {  	v2 =	vsel vm3, v7, v2;
	vm3 =	vge.f32 v46, v45;
	v11 =	vsel vm13, v36, v35  }
0x3ae: {  	[tilespmem:$0x1FFF0] =	vst v10;
	v40 =	vsel vm13, v35, v36;
	v41 =	vsel vm10, v0, v6;
	v0 =	vsel vm10, v6, v0  }
0x3af: {  	[tilespmem:s15+$0x10000] =	vst v28;
	v37 =	vsel vm2, v2, v4;
	v2 =	vsel vm2, v4, v2;
	v42 =	vsel vm11, v40, v41  }
0x3b0: {  	[tilespmem:s15+$0x10080] =	vst v31;
	v45 =	vsel vm7, v0, v5;
	v0 =	vsel vm7, v5, v0;
	v4 =	vsel vm11, v41, v40  }
0x3b1: {  	[tilespmem:s15+$0x10100] =	vst v11;
	v46 =	vsel vm14, v2, v63;
	v47 =	vsel vm9, v4, v45;
	v4 =	vsel vm9, v45, v4;
	v18 =	vpop (erf)  }
0x3b2: {  	[tilespmem:s15+$0x10180] =	vst v42;
	v50 =	vsel vm6, v0, v37;
	v0 =	vsel vm6, v37, v0;
	v7 =	vmul.f32 $2.500000000e+00, v18  }
0x3b3: {  	v61 =	vld [tilespmem:$0x1FFF0];
	[tilespmem:s15+$0x10200] =	vst v47;
	v51 =	vsel vm3, v4, v50;
	v57 =	vsel vm3, v50, v4;
	v58 =	vsel vm8, v0, v46  }
0x3b4: {  	v53 =	vld [tilespmem:$0x1FFE0];
	[tilespmem:s15+$0x10280] =	vst v51;
	v59 =	vsel vm5, v57, v58;
	v29 =	vmul.f32 v7, v26  }
0x3b5: {  	[tilespmem:s15+$0x10300] =	vst v59;
	v32 =	vmul.f32 v7, v27  }
0x3b6: {  	v38 =	vmul.f32 v7, v34;
	[tilespmem:s15+$0x12000] =	vst v29  }
0x3b7: {  	v43 =	vmul.f32 v7, v39;
	[tilespmem:s15+$0x12080] =	vst v32  }
0x3b8: {  	vm15 =	vnez.u8 v61;
	v48 =	vmul.f32 v7, v44;
	[tilespmem:s15+$0x12100] =	vst v38  }
0x3b9: {  	p0 =	sne.s32 s14, $0x3F0;
	vm13 =	vnez.u8 v53;
	v2 =	vsel vm14, v63, v2;
	v52 =	vmul.f32 v7, v49;
	[tilespmem:s15+$0x12180] =	vst v43  }
.Ltmp0:
0x3ba: {  	v1 =	vsel vm13, v2, v1;
	v0 =	vsel vm8, v46, v0;
	v60 =	vmul.f32 v7, v54;
	[tilespmem:s15+$0x12200] =	vst v48;
	(pc) =	sbr.rel @p0 .LBB2_2-.Ltmp0, $4  }
0x3bb: {  	vm14 =	vge.f32 v56, v55;
	v0 =	vsel vm15, v0, v1;
	v62 =	vsel vm5, v58, v57;
	[tilespmem:s15+$0x12280] =	vst v52  }
0x3bc: {  	v0 =	vsel vm14, v62, v0;
	v63 =	vmul.f32 v7, v3;
	[tilespmem:s15+$0x12300] =	vst v60  }
0x3bd: {  	[tilespmem:s16+$0x10000] =	vst v0  }
0x3be: {  	s13 =	sadd.s32 $0x80, s13;
	s14 =	sadd.s32 $0x10, s14;
	v23 =	vimm.s32 $0x2;
	v25 =	vimm.s32 $0x4;
	v24 =	vimm.s32 $0x3;
	[tilespmem:s16+$0x12000] =	vst v63  }
0x3bf: {  	[hbm4b:s4+s2] =	stream.linear.scatter [tilespmem:s10], [sflag:$0x1], $0x2000, $0x38;
	[tilespmem:$0x14000] =	vst v63  }
0x3c0: {  	s12 =	sadd.s32 $0x1, s12;
	_ =	swait.ge [sflag:s9], $0x2000  }
0x3c1: {  	p0 =	sne.s32 s12, s6;
	[sflag:s9] =	ssyncset.done $0x0  }
.Ltmp1:
0x3c2: {  	[sflag:s9] =	ssyncadd.s32 $0xFFFFE000;
	(pc) =	sbr.rel @p0 .LBB2_1-.Ltmp1, $4  }
0x3c3: {  	[hbm4b:s5+s2] =	stream.linear.scatter [tilespmem:s11], [sflag:$0x1], $0x2000, $0x38;
	[tilespmem:$0x14000] =	vst v63  }
0x3c4: {  	_ =	swait.ge [sflag:s9], $0x2000  }
0x3c5: {  	[sflag:s9] =	ssyncset.done $0x0  }
0x3c6: {  	[sflag:s9] =	ssyncadd.s32 $0xFFFFE000  }
0x3c7: {  	_ =	sfence.sel $0x180000  }
0x3c8: {  	[bflag:$0x0] =	sbarrier.arrive $0xFFFF  }
0x3c9: {  	p0 =	sne.s32 s1, $0x0;
	_ =	strace $0x90000047  }
0x3ca: {  	s0 =	sadd.s32 @!p0 $0x100000, s0;
	[bflag:$0x2] =	sbarrier.arrive $0xFFFF  }
0x3cb: {  	[sflag:s0] =	ssyncadd.tile.s32 @!p0 $0x1;
	_ =	shalt  }
.Lfunc_end2:
_tile_overlayer_lowered:
.L_overlay_start_2:
0x3cc: {  	(tag) =	ssettag $0x2  }
0x3cd: {  	s0 =	rddreg [dreg:$0x0];
	s2 =	stileid.u32  }
0x3ce: {  	s1 =	rddreg [dreg:$0x1];
	p0 =	sne.s32 s2, $0x0  }
0x3cf: {  	s3 =	rddreg [dreg:$0x2];
	[bflag:$0x3] =	sbarrier.arrive $0xFFFF;
	s2 =	simm.s32 @!p0 $0x1C01  }
0x3d0: {  	[timem:s3], [sflag:s2] =	dma.local @!p0 [hbm:s0], s1  }
0x3d1: {  	s0 =	simm.s32 @!p0 $0x1  }
0x3d2: {  	_ =	swait.ge @!p0 [sflag:s0], s1  }
0x3d3: {  	s1 =	ssub.s32 @!p0 $0x0, s1;
	[sflag:s0] =	ssyncset.done @!p0 $0x0  }
0x3d4: {  	[sflag:s0] =	ssyncadd.s32 @!p0 s1  }
0x3d5: {  	[bflag:$0x3] =	sbarrier.arrive $0xFFFF  }
0x3d6: {  	_ =	shalt  }

</sc_bundles>
